<compile_context>
chip_gen: v7x
topology: tpu7x:2x2x1
jax: 0.10.2.dev20260603
libtpu: 0.0.44.dev20260713+nightly
codegen_flags: <defaults>
</compile_context>

<pallas_src>
import functools

import jax
import jax.numpy as jnp
from jax import lax
from jax.experimental import pallas as pl
from jax.experimental.pallas import tpu as pltpu
from jax.experimental.pallas import tpu_sc as plsc

N = 10000
D = 128
C = 64
E = 320000

NC = 2
NS = 16
NW = NC * NS
L = 16

CHUNK = 128
ITERS = 80
EPT = CHUNK * ITERS
EP = EPT * NW
TOTCH = EP // CHUNK
DOFF = E // CHUNK
IDXROWS = DOFF + TOTCH

CH0 = 80
CH1 = 80
CHMAX = max(CH0, CH1)

SLICE = 632
NACC = NS * SLICE
NTRASH = 128
ACC_ROWS = NACC + NTRASH
DEG_LEN = NACC + NTRASH

_mesh = plsc.VectorSubcoreMesh(core_axis_name="c", subcore_axis_name="s")

_sc_params = pltpu.CompilerParams(needs_layout_passes=False,
                                  use_tc_tiling_on_sc=False)


def _deg_body(idx_hbm, out_hbm, idx_v, deg_v):
    cid = lax.axis_index("c")
    sid = lax.axis_index("s")
    g = cid * NS + sid
    zero = jnp.zeros((L,), jnp.float32)

    @pl.loop(0, DEG_LEN // L)
    def _(i):
        deg_v[pl.ds(i * L, L)] = zero

    pltpu.sync_copy(idx_hbm.at[pl.ds(DOFF + g * ITERS, ITERS)], idx_v)
    ones = jnp.ones((L,), jnp.float32)

    @pl.loop(0, ITERS)
    def _(i):
        for k in range(CHUNK // L):
            idx = idx_v[i, pl.ds(k * L, L)]
            plsc.addupdate_scatter(deg_v, [idx], ones)

    pltpu.sync_copy(deg_v, out_hbm.at[g])


_deg_call = functools.partial(
    pl.kernel,
    out_type=jax.ShapeDtypeStruct((NW, DEG_LEN), jnp.float32),
    mesh=_mesh,
    compiler_params=_sc_params,
    scratch_types=[
        pltpu.VMEM((ITERS, CHUNK), jnp.int32),
        pltpu.VMEM((DEG_LEN,), jnp.float32),
    ],
)(_deg_body)


NBUF = 8


def _round_body(g_hbm, idx_hbm, out_hbm, src_v, dst_v,
                r0, r1, r2, r3, r4, r5, r6, r7, accum,
                gs0, gs1, gs2, gs3, gs4, gs5, gs6, gs7,
                ss0, ss1, ss2, ss3, ss4, ss5, ss6, ss7):
    rows = (r0, r1, r2, r3, r4, r5, r6, r7)
    gsem = (gs0, gs1, gs2, gs3, gs4, gs5, gs6, gs7)
    ssem = (ss0, ss1, ss2, ss3, ss4, ss5, ss6, ss7)
    cid = lax.axis_index("c")
    sid = lax.axis_index("s")
    zero = jnp.zeros((L,), jnp.float32)

    @pl.loop(0, CHUNK)
    def _(r):
        for k in range(C // L):
            r0[r, pl.ds(k * L, L)] = zero

    base = sid * SLICE
    nfull = SLICE // CHUNK
    rem = SLICE - nfull * CHUNK
    for k in range(nfull):
        pltpu.sync_copy(r0, accum.at[pl.ds(base + k * CHUNK, CHUNK)])
    if rem:
        pltpu.sync_copy(r0.at[pl.ds(0, rem)],
                        accum.at[pl.ds(base + nfull * CHUNK, rem)])
    plsc.subcore_barrier()

    def run_edges(start, cnt):
        pltpu.sync_copy(idx_hbm.at[pl.ds(start, cnt)],
                        src_v.at[pl.ds(0, cnt)])
        pltpu.sync_copy(idx_hbm.at[pl.ds(DOFF + start, cnt)],
                        dst_v.at[pl.ds(0, cnt)])

        for b in range(NBUF):
            pltpu.async_copy(g_hbm.at[src_v.at[b]], rows[b], gsem[b])

        @pl.loop(0, cnt, step=NBUF)
        def _(i0):
            for b in range(NBUF):
                i = i0 + b
                pltpu.make_async_copy(g_hbm.at[src_v.at[i]], rows[b],
                                      gsem[b]).wait()
                pltpu.async_copy(rows[b], accum.at[dst_v.at[i]], ssem[b],
                                 add=True)

                @pl.when(i0 + NBUF < cnt)
                def _():
                    pltpu.make_async_copy(rows[b], accum.at[dst_v.at[i]],
                                          ssem[b]).wait()
                    pltpu.async_copy(g_hbm.at[src_v.at[i + NBUF]], rows[b],
                                     gsem[b])

        for b in range(NBUF):
            i_last = cnt - NBUF + b
            pltpu.make_async_copy(rows[b], accum.at[dst_v.at[i_last]],
                                  ssem[b]).wait()

    if CH0:
        @pl.when(cid == 0)
        def _():
            run_edges(sid * CH0, CH0)

    if CH1:
        @pl.when(cid == 1)
        def _():
            run_edges(NS * CH0 + sid * CH1, CH1)

    plsc.subcore_barrier()
    pltpu.sync_copy(accum.at[pl.ds(sid * SLICE, SLICE)],
                    out_hbm.at[cid].at[pl.ds(sid * SLICE, SLICE)])


_round_call = functools.partial(
    pl.kernel,
    out_type=jax.ShapeDtypeStruct((NC, NACC, C), jnp.float32),
    mesh=_mesh,
    compiler_params=_sc_params,
    scratch_types=[
        pltpu.VMEM((CHMAX, CHUNK), jnp.int32),
        pltpu.VMEM((CHMAX, CHUNK), jnp.int32),
        pltpu.VMEM((CHUNK, C), jnp.float32),
        pltpu.VMEM((CHUNK, C), jnp.float32),
        pltpu.VMEM((CHUNK, C), jnp.float32),
        pltpu.VMEM((CHUNK, C), jnp.float32),
        pltpu.VMEM((CHUNK, C), jnp.float32),
        pltpu.VMEM((CHUNK, C), jnp.float32),
        pltpu.VMEM((CHUNK, C), jnp.float32),
        pltpu.VMEM((CHUNK, C), jnp.float32),
        pltpu.VMEM_SHARED((ACC_ROWS, C), jnp.float32),
        pltpu.SemaphoreType.DMA,
        pltpu.SemaphoreType.DMA,
        pltpu.SemaphoreType.DMA,
        pltpu.SemaphoreType.DMA,
        pltpu.SemaphoreType.DMA,
        pltpu.SemaphoreType.DMA,
        pltpu.SemaphoreType.DMA,
        pltpu.SemaphoreType.DMA,
        pltpu.SemaphoreType.DMA,
        pltpu.SemaphoreType.DMA,
        pltpu.SemaphoreType.DMA,
        pltpu.SemaphoreType.DMA,
        pltpu.SemaphoreType.DMA,
        pltpu.SemaphoreType.DMA,
        pltpu.SemaphoreType.DMA,
        pltpu.SemaphoreType.DMA,
    ],
)(_round_body)


def _matmul_body(x_ref, w_ref, y_ref):
    y_ref[...] = jnp.dot(x_ref[...], w_ref[...],
                         preferred_element_type=jnp.float32)


def _prep_body(degp_ref, y_ref, g0_ref, dinv_ref):
    deg = jnp.sum(degp_ref[...], axis=0)[:N] + 1.0
    dinv = lax.rsqrt(deg).reshape(N, 1)
    dinv_ref[...] = dinv
    g0_ref[...] = y_ref[...] * dinv


def _mid_body(p_ref, g0_ref, dinv_ref, g1_ref):
    a = p_ref[0, :N, :] + p_ref[1, :N, :] + g0_ref[...]
    di = dinv_ref[...]
    g1_ref[...] = a * (di * di)


def _final_body(q_ref, g1_ref, dinv_ref, b_ref, o_ref):
    h = (q_ref[0, :N, :] + q_ref[1, :N, :] + g1_ref[...]) * dinv_ref[...]
    h = h + b_ref[...]
    m = jnp.max(h, axis=1, keepdims=True)
    z = h - m
    o_ref[...] = z - jnp.log(jnp.sum(jnp.exp(z), axis=1, keepdims=True))


def kernel(x, edge_index, W, b):
    padk = jnp.arange(EP - E, dtype=jnp.int32)
    idx2 = jnp.concatenate(
        [edge_index.reshape(2 * E), NACC + (padk % NTRASH)]
    ).reshape(IDXROWS, CHUNK)

    y = pl.pallas_call(
        _matmul_body,
        out_shape=jax.ShapeDtypeStruct((N, C), jnp.float32),
    )(x, W)

    degp = _deg_call(idx2)

    g0, dinv = pl.pallas_call(
        _prep_body,
        out_shape=(jax.ShapeDtypeStruct((N, C), jnp.float32),
                   jax.ShapeDtypeStruct((N, 1), jnp.float32)),
    )(degp, y)

    p = _round_call(g0, idx2)

    g1 = pl.pallas_call(
        _mid_body,
        out_shape=jax.ShapeDtypeStruct((N, C), jnp.float32),
    )(p, g0, dinv)

    q = _round_call(g1, idx2)

    out = pl.pallas_call(
        _final_body,
        out_shape=jax.ShapeDtypeStruct((N, C), jnp.float32),
    )(q, g1, dinv, b)

    return out

# --- scband reference (transcript-rebuilt; emitter-appended) ---
"""Pipeline reference for scband-sgc-8409545965932 (READ-ONLY COPY).

The authoritative reference and input builder live on the scoring server;
editing this copy changes nothing except your own understanding.
"""

import jax, jax.numpy as jnp
import numpy as np

N = 10000
E = 320000
D = 128
C = 64
K = 2

def setup_inputs(seed: int = 0) -> dict:
    key = jax.random.key(seed)
    k1, k2, k3 = jax.random.split(key, 3)
    x = jax.random.normal(k1, (N, D), dtype=jnp.float32)
    edge_index = jax.random.randint(k2, (2, E), 0, N, dtype=jnp.int32)
    # Linear layer params (dataset.num_features -> dataset.num_classes)
    W = jax.random.normal(k3, (D, C), dtype=jnp.float32) * 0.05
    b = jnp.zeros((C,), dtype=jnp.float32)
    return {"x": x, "edge_index": edge_index, "W": W, "b": b}

def reference(x, edge_index, W, b):
    # eval mode: dropout is identity
    n = x.shape[0]
    src = edge_index[0]
    dst = edge_index[1]
    # gcn_norm with self-loops (PyG default): add self loops, edge_weight = 1
    loop = jnp.arange(n, dtype=src.dtype)
    src_f = jnp.concatenate([src, loop])
    dst_f = jnp.concatenate([dst, loop])
    w = jnp.ones(src_f.shape[0], dtype=x.dtype)
    deg = jax.ops.segment_sum(w, dst_f, num_segments=n)
    deg_inv_sqrt = jnp.where(deg > 0, deg ** -0.5, 0.0)
    norm = deg_inv_sqrt[src_f] * w * deg_inv_sqrt[dst_f]
    # K propagation steps: out[dst] += norm * x[src]
    h = x
    for _ in range(K):
        msg = norm[:, None] * h[src_f]
        h = jax.ops.segment_sum(msg, dst_f, num_segments=n)
    out = h @ W + b
    return jax.nn.log_softmax(out, axis=1)

if __name__ == "__main__":
    import jax
    _d = setup_inputs()
    print(jax.jit(kernel)(*tuple(_d.values())))

</pallas_src>

<mosaic_0001>
#map = affine_map<(d0, d1) -> (0, 0)>
module attributes {stable_mosaic.version = 14 : i64} {
  func.func @_deg_body(%arg0: i32, %arg1: i32, %arg2: memref<5060x128xi32, #tpu.memory_space<hbm>>, %arg3: memref<32x10240xf32, #tpu.memory_space<hbm>>, %arg4: memref<80x128xi32, #tpu.memory_space<vmem>>, %arg5: memref<10240xf32, #tpu.memory_space<vmem>>) attributes {dimension_semantics = [#tpu.dimension_semantics<core_parallel>, #tpu.dimension_semantics<subcore_parallel>], iteration_bounds = array<i64: 2, 16>, scalar_prefetch = 0 : i64, scratch_operands = 2 : i64, tpu.core_type = #tpu.core_type<sc_vector_subcore>, window_params = [{transform_indices = #map}, {transform_indices = #map}]} {
    %mul3A = arith.constant 16 : i32
    %mul3A_0 = arith.muli %arg0, %mul3A : i32
    %add3A = arith.addi %mul3A_0, %arg1 : i32
    %broadcast_in_dim3A = arith.constant 0.000000e+00 : f32
    %broadcast_in_dim3A_1 = vector.broadcast %broadcast_in_dim3A : f32 to vector<16xf32>
    %scan3A = arith.constant 0 : i32
    %scan3A_2 = arith.constant 640 : i32
    %scan3A_3 = arith.addi %scan3A, %scan3A_2 : i32
    %scan3A_4 = arith.constant 1 : i32
    scf.for %scan3A_17 = %scan3A to %scan3A_3 step %scan3A_4  : i32 {
      %mul3A_18 = arith.constant 1 : i32
      %mul3A_19 = arith.muli %scan3A_17, %mul3A_18 : i32
      %add3A_20 = arith.constant 0 : i32
      %add3A_21 = arith.addi %add3A_20, %mul3A_19 : i32
      %mul3A_22 = arith.constant 16 : i32
      %mul3A_23 = arith.muli %add3A_21, %mul3A_22 : i32
      %swap3A = arith.index_cast %mul3A_23 : i32 to index
      %swap3A_24 = tpu.vector_load %arg5[%swap3A] {strides = array<i32>} : memref<10240xf32, #tpu.memory_space<vmem>>, vector<16xf32>,
      tpu.vector_store %arg5[%swap3A], %broadcast_in_dim3A_1 {strides = array<i32>} : memref<10240xf32, #tpu.memory_space<vmem>>, vector<16xf32>,
    }
    %scan3A_5 = arith.constant 640 : i32
    %mul3A_6 = arith.constant 80 : i32
    %mul3A_7 = arith.muli %add3A, %mul3A_6 : i32
    %add3A_8 = arith.constant 2500 : i32
    %add3A_9 = arith.addi %add3A_8, %mul3A_7 : i32
    "tpu.region"() ({
      %run_scoped3A = tpu.sem_alloc : memref<!tpu.dma_semaphore, #tpu.memory_space<semaphore_mem>>
      %dma_start3A = arith.constant 0 : i32
      %dma_start3A_17 = tpu.memref_slice %arg2[%add3A_9, %dma_start3A] : memref<5060x128xi32, #tpu.memory_space<hbm>> -> memref<80x128xi32, #tpu.memory_space<hbm>>
      %dma_start3A_18 = arith.constant 0 : i32
      %dma_start3A_19 = tpu.memref_slice %arg2[%add3A_9, %dma_start3A_18] : memref<5060x128xi32, #tpu.memory_space<hbm>> -> memref<80x128xi32, #tpu.memory_space<hbm>>
      tpu.enqueue_dma source(%dma_start3A_19 : memref<80x128xi32, #tpu.memory_space<hbm>>) target(%arg4 : memref<80x128xi32, #tpu.memory_space<vmem>>) target_semaphore(%run_scoped3A : memref<!tpu.dma_semaphore, #tpu.memory_space<semaphore_mem>>)
      %dma_wait3A = arith.constant 0 : i32
      %dma_wait3A_20 = tpu.memref_slice %arg2[%add3A_9, %dma_wait3A] : memref<5060x128xi32, #tpu.memory_space<hbm>> -> memref<80x128xi32, #tpu.memory_space<hbm>>
      %dma_wait3A_21 = arith.constant 0 : i32
      %dma_wait3A_22 = tpu.memref_slice %arg2[%add3A_9, %dma_wait3A_21] : memref<5060x128xi32, #tpu.memory_space<hbm>> -> memref<80x128xi32, #tpu.memory_space<hbm>>
      tpu.wait_dma2 semaphore(%run_scoped3A : memref<!tpu.dma_semaphore, #tpu.memory_space<semaphore_mem>>) src(%dma_wait3A_22 : memref<80x128xi32, #tpu.memory_space<hbm>>) dst(%arg4 : memref<80x128xi32, #tpu.memory_space<vmem>>)
      tpu.yield
    }) : () -> ()
    %broadcast_in_dim3A_10 = arith.constant 1.000000e+00 : f32
    %broadcast_in_dim3A_11 = vector.broadcast %broadcast_in_dim3A_10 : f32 to vector<16xf32>
    %scan3A_12 = arith.constant 0 : i32
    %scan3A_13 = arith.constant 80 : i32
    %scan3A_14 = arith.addi %scan3A_12, %scan3A_13 : i32
    %scan3A_15 = arith.constant 1 : i32
    scf.for %scan3A_17 = %scan3A_12 to %scan3A_14 step %scan3A_15  : i32 {
      %mul3A_18 = arith.constant 1 : i32
      %mul3A_19 = arith.muli %scan3A_17, %mul3A_18 : i32
      %add3A_20 = arith.constant 0 : i32
      %add3A_21 = arith.addi %add3A_20, %mul3A_19 : i32
      %get3A = arith.index_cast %add3A_21 : i32 to index
      %get3A_22 = arith.constant 0 : index
      %get3A_23 = tpu.vector_load %arg4[%get3A, %get3A_22] {strides = array<i32>} : memref<80x128xi32, #tpu.memory_space<vmem>>, vector<16xi32>,
      tpu.vector_store_idx %arg5[%get3A_23], %broadcast_in_dim3A_11 {add = true} : memref<10240xf32, #tpu.memory_space<vmem>>[vector<16xi32>], vector<16xf32>,
      %get3A_24 = arith.index_cast %add3A_21 : i32 to index
      %get3A_25 = arith.constant 16 : index
      %get3A_26 = tpu.vector_load %arg4[%get3A_24, %get3A_25] {strides = array<i32>} : memref<80x128xi32, #tpu.memory_space<vmem>>, vector<16xi32>,
      tpu.vector_store_idx %arg5[%get3A_26], %broadcast_in_dim3A_11 {add = true} : memref<10240xf32, #tpu.memory_space<vmem>>[vector<16xi32>], vector<16xf32>,
      %get3A_27 = arith.index_cast %add3A_21 : i32 to index
      %get3A_28 = arith.constant 32 : index
      %get3A_29 = tpu.vector_load %arg4[%get3A_27, %get3A_28] {strides = array<i32>} : memref<80x128xi32, #tpu.memory_space<vmem>>, vector<16xi32>,
      tpu.vector_store_idx %arg5[%get3A_29], %broadcast_in_dim3A_11 {add = true} : memref<10240xf32, #tpu.memory_space<vmem>>[vector<16xi32>], vector<16xf32>,
      %get3A_30 = arith.index_cast %add3A_21 : i32 to index
      %get3A_31 = arith.constant 48 : index
      %get3A_32 = tpu.vector_load %arg4[%get3A_30, %get3A_31] {strides = array<i32>} : memref<80x128xi32, #tpu.memory_space<vmem>>, vector<16xi32>,
      tpu.vector_store_idx %arg5[%get3A_32], %broadcast_in_dim3A_11 {add = true} : memref<10240xf32, #tpu.memory_space<vmem>>[vector<16xi32>], vector<16xf32>,
      %get3A_33 = arith.index_cast %add3A_21 : i32 to index
      %get3A_34 = arith.constant 64 : index
      %get3A_35 = tpu.vector_load %arg4[%get3A_33, %get3A_34] {strides = array<i32>} : memref<80x128xi32, #tpu.memory_space<vmem>>, vector<16xi32>,
      tpu.vector_store_idx %arg5[%get3A_35], %broadcast_in_dim3A_11 {add = true} : memref<10240xf32, #tpu.memory_space<vmem>>[vector<16xi32>], vector<16xf32>,
      %get3A_36 = arith.index_cast %add3A_21 : i32 to index
      %get3A_37 = arith.constant 80 : index
      %get3A_38 = tpu.vector_load %arg4[%get3A_36, %get3A_37] {strides = array<i32>} : memref<80x128xi32, #tpu.memory_space<vmem>>, vector<16xi32>,
      tpu.vector_store_idx %arg5[%get3A_38], %broadcast_in_dim3A_11 {add = true} : memref<10240xf32, #tpu.memory_space<vmem>>[vector<16xi32>], vector<16xf32>,
      %get3A_39 = arith.index_cast %add3A_21 : i32 to index
      %get3A_40 = arith.constant 96 : index
      %get3A_41 = tpu.vector_load %arg4[%get3A_39, %get3A_40] {strides = array<i32>} : memref<80x128xi32, #tpu.memory_space<vmem>>, vector<16xi32>,
      tpu.vector_store_idx %arg5[%get3A_41], %broadcast_in_dim3A_11 {add = true} : memref<10240xf32, #tpu.memory_space<vmem>>[vector<16xi32>], vector<16xf32>,
      %get3A_42 = arith.index_cast %add3A_21 : i32 to index
      %get3A_43 = arith.constant 112 : index
      %get3A_44 = tpu.vector_load %arg4[%get3A_42, %get3A_43] {strides = array<i32>} : memref<80x128xi32, #tpu.memory_space<vmem>>, vector<16xi32>,
      tpu.vector_store_idx %arg5[%get3A_44], %broadcast_in_dim3A_11 {add = true} : memref<10240xf32, #tpu.memory_space<vmem>>[vector<16xi32>], vector<16xf32>,
    }
    %scan3A_16 = arith.constant 80 : i32
    "tpu.region"() ({
      %run_scoped3A = tpu.sem_alloc : memref<!tpu.dma_semaphore, #tpu.memory_space<semaphore_mem>>
      %dma_start3A = arith.constant 0 : i32
      %dma_start3A_17 = tpu.memref_slice %arg3[%add3A, %dma_start3A] : memref<32x10240xf32, #tpu.memory_space<hbm>> -> memref<1x10240xf32, #tpu.memory_space<hbm>>
      %dma_start3A_18 = tpu.memref_squeeze %dma_start3A_17 : memref<1x10240xf32, #tpu.memory_space<hbm>> -> memref<10240xf32, #tpu.memory_space<hbm>>
      %dma_start3A_19 = arith.constant 0 : i32
      %dma_start3A_20 = tpu.memref_slice %arg3[%add3A, %dma_start3A_19] : memref<32x10240xf32, #tpu.memory_space<hbm>> -> memref<1x10240xf32, #tpu.memory_space<hbm>>
      %dma_start3A_21 = tpu.memref_squeeze %dma_start3A_20 : memref<1x10240xf32, #tpu.memory_space<hbm>> -> memref<10240xf32, #tpu.memory_space<hbm>>
      tpu.enqueue_dma source(%arg5 : memref<10240xf32, #tpu.memory_space<vmem>>) target(%dma_start3A_21 : memref<10240xf32, #tpu.memory_space<hbm>>) target_semaphore(%run_scoped3A : memref<!tpu.dma_semaphore, #tpu.memory_space<semaphore_mem>>)
      %dma_wait3A = arith.constant 0 : i32
      %dma_wait3A_22 = tpu.memref_slice %arg3[%add3A, %dma_wait3A] : memref<32x10240xf32, #tpu.memory_space<hbm>> -> memref<1x10240xf32, #tpu.memory_space<hbm>>
      %dma_wait3A_23 = tpu.memref_squeeze %dma_wait3A_22 : memref<1x10240xf32, #tpu.memory_space<hbm>> -> memref<10240xf32, #tpu.memory_space<hbm>>
      %dma_wait3A_24 = arith.constant 0 : i32
      %dma_wait3A_25 = tpu.memref_slice %arg3[%add3A, %dma_wait3A_24] : memref<32x10240xf32, #tpu.memory_space<hbm>> -> memref<1x10240xf32, #tpu.memory_space<hbm>>
      %dma_wait3A_26 = tpu.memref_squeeze %dma_wait3A_25 : memref<1x10240xf32, #tpu.memory_space<hbm>> -> memref<10240xf32, #tpu.memory_space<hbm>>
      tpu.wait_dma2 semaphore(%run_scoped3A : memref<!tpu.dma_semaphore, #tpu.memory_space<semaphore_mem>>) src(%arg5 : memref<10240xf32, #tpu.memory_space<vmem>>) dst(%dma_wait3A_26 : memref<10240xf32, #tpu.memory_space<hbm>>)
      tpu.yield
    }) : () -> ()
    return
  }
}

#map = affine_map<(d0, d1) -> (0, 0)>
#map1 = affine_map<(d0, d1) -> (0, 0, 0)>
module attributes {stable_mosaic.version = 14 : i64} {
  func.func @_round_body(%arg0: i32, %arg1: i32, %arg2: memref<10000x64xf32, #tpu.memory_space<hbm>>, %arg3: memref<5060x128xi32, #tpu.memory_space<hbm>>, %arg4: memref<2x10112x64xf32, #tpu.memory_space<hbm>>, %arg5: memref<80x128xi32, #tpu.memory_space<vmem>>, %arg6: memref<80x128xi32, #tpu.memory_space<vmem>>, %arg7: memref<128x64xf32, #tpu.memory_space<vmem>>, %arg8: memref<128x64xf32, #tpu.memory_space<vmem>>, %arg9: memref<128x64xf32, #tpu.memory_space<vmem>>, %arg10: memref<128x64xf32, #tpu.memory_space<vmem>>, %arg11: memref<128x64xf32, #tpu.memory_space<vmem>>, %arg12: memref<128x64xf32, #tpu.memory_space<vmem>>, %arg13: memref<128x64xf32, #tpu.memory_space<vmem>>, %arg14: memref<128x64xf32, #tpu.memory_space<vmem>>, %arg15: memref<10240x64xf32, #tpu.memory_space<vmem_shared>>, %arg16: memref<!tpu.dma_semaphore, #tpu.memory_space<semaphore_mem>>, %arg17: memref<!tpu.dma_semaphore, #tpu.memory_space<semaphore_mem>>, %arg18: memref<!tpu.dma_semaphore, #tpu.memory_space<semaphore_mem>>, %arg19: memref<!tpu.dma_semaphore, #tpu.memory_space<semaphore_mem>>, %arg20: memref<!tpu.dma_semaphore, #tpu.memory_space<semaphore_mem>>, %arg21: memref<!tpu.dma_semaphore, #tpu.memory_space<semaphore_mem>>, %arg22: memref<!tpu.dma_semaphore, #tpu.memory_space<semaphore_mem>>, %arg23: memref<!tpu.dma_semaphore, #tpu.memory_space<semaphore_mem>>, %arg24: memref<!tpu.dma_semaphore, #tpu.memory_space<semaphore_mem>>, %arg25: memref<!tpu.dma_semaphore, #tpu.memory_space<semaphore_mem>>, %arg26: memref<!tpu.dma_semaphore, #tpu.memory_space<semaphore_mem>>, %arg27: memref<!tpu.dma_semaphore, #tpu.memory_space<semaphore_mem>>, %arg28: memref<!tpu.dma_semaphore, #tpu.memory_space<semaphore_mem>>, %arg29: memref<!tpu.dma_semaphore, #tpu.memory_space<semaphore_mem>>, %arg30: memref<!tpu.dma_semaphore, #tpu.memory_space<semaphore_mem>>, %arg31: memref<!tpu.dma_semaphore, #tpu.memory_space<semaphore_mem>>) attributes {dimension_semantics = [#tpu.dimension_semantics<core_parallel>, #tpu.dimension_semantics<subcore_parallel>], iteration_bounds = array<i64: 2, 16>, scalar_prefetch = 0 : i64, scratch_operands = 27 : i64, tpu.core_type = #tpu.core_type<sc_vector_subcore>, window_params = [{transform_indices = #map}, {transform_indices = #map}, {transform_indices = #map1}]} {
    %broadcast_in_dim3A = arith.constant 0.000000e+00 : f32
    %broadcast_in_dim3A_0 = vector.broadcast %broadcast_in_dim3A : f32 to vector<16xf32>
    %scan3A = arith.constant 0 : i32
    %scan3A_1 = arith.constant 128 : i32
    %scan3A_2 = arith.addi %scan3A, %scan3A_1 : i32
    %scan3A_3 = arith.constant 1 : i32
    scf.for %scan3A_27 = %scan3A to %scan3A_2 step %scan3A_3  : i32 {
      %mul3A_28 = arith.constant 1 : i32
      %mul3A_29 = arith.muli %scan3A_27, %mul3A_28 : i32
      %add3A_30 = arith.constant 0 : i32
      %add3A_31 = arith.addi %add3A_30, %mul3A_29 : i32
      %swap3A = arith.index_cast %add3A_31 : i32 to index
      %swap3A_32 = arith.constant 0 : index
      %swap3A_33 = tpu.vector_load %arg7[%swap3A, %swap3A_32] {strides = array<i32>} : memref<128x64xf32, #tpu.memory_space<vmem>>, vector<16xf32>,
      tpu.vector_store %arg7[%swap3A, %swap3A_32], %broadcast_in_dim3A_0 {strides = array<i32>} : memref<128x64xf32, #tpu.memory_space<vmem>>, vector<16xf32>,
      %swap3A_34 = arith.index_cast %add3A_31 : i32 to index
      %swap3A_35 = arith.constant 16 : index
      %swap3A_36 = tpu.vector_load %arg7[%swap3A_34, %swap3A_35] {strides = array<i32>} : memref<128x64xf32, #tpu.memory_space<vmem>>, vector<16xf32>,
      tpu.vector_store %arg7[%swap3A_34, %swap3A_35], %broadcast_in_dim3A_0 {strides = array<i32>} : memref<128x64xf32, #tpu.memory_space<vmem>>, vector<16xf32>,
      %swap3A_37 = arith.index_cast %add3A_31 : i32 to index
      %swap3A_38 = arith.constant 32 : index
      %swap3A_39 = tpu.vector_load %arg7[%swap3A_37, %swap3A_38] {strides = array<i32>} : memref<128x64xf32, #tpu.memory_space<vmem>>, vector<16xf32>,
      tpu.vector_store %arg7[%swap3A_37, %swap3A_38], %broadcast_in_dim3A_0 {strides = array<i32>} : memref<128x64xf32, #tpu.memory_space<vmem>>, vector<16xf32>,
      %swap3A_40 = arith.index_cast %add3A_31 : i32 to index
      %swap3A_41 = arith.constant 48 : index
      %swap3A_42 = tpu.vector_load %arg7[%swap3A_40, %swap3A_41] {strides = array<i32>} : memref<128x64xf32, #tpu.memory_space<vmem>>, vector<16xf32>,
      tpu.vector_store %arg7[%swap3A_40, %swap3A_41], %broadcast_in_dim3A_0 {strides = array<i32>} : memref<128x64xf32, #tpu.memory_space<vmem>>, vector<16xf32>,
    }
    %scan3A_4 = arith.constant 128 : i32
    %mul3A = arith.constant 632 : i32
    %mul3A_5 = arith.muli %arg1, %mul3A : i32
    %add3A = arith.constant 0 : i32
    %add3A_6 = arith.addi %mul3A_5, %add3A : i32
    "tpu.region"() ({
      %run_scoped3A = tpu.sem_alloc : memref<!tpu.dma_semaphore, #tpu.memory_space<semaphore_mem>>
      %dma_start3A = arith.constant 0 : i32
      %dma_start3A_27 = tpu.memref_slice %arg15[%add3A_6, %dma_start3A] : memref<10240x64xf32, #tpu.memory_space<vmem_shared>> -> memref<128x64xf32, #tpu.memory_space<vmem_shared>>
      %dma_start3A_28 = arith.constant 0 : i32
      %dma_start3A_29 = tpu.memref_slice %arg15[%add3A_6, %dma_start3A_28] : memref<10240x64xf32, #tpu.memory_space<vmem_shared>> -> memref<128x64xf32, #tpu.memory_space<vmem_shared>>
      tpu.enqueue_dma source(%arg7 : memref<128x64xf32, #tpu.memory_space<vmem>>) target(%dma_start3A_29 : memref<128x64xf32, #tpu.memory_space<vmem_shared>>) target_semaphore(%run_scoped3A : memref<!tpu.dma_semaphore, #tpu.memory_space<semaphore_mem>>)
      %dma_wait3A = arith.constant 0 : i32
      %dma_wait3A_30 = tpu.memref_slice %arg15[%add3A_6, %dma_wait3A] : memref<10240x64xf32, #tpu.memory_space<vmem_shared>> -> memref<128x64xf32, #tpu.memory_space<vmem_shared>>
      %dma_wait3A_31 = arith.constant 0 : i32
      %dma_wait3A_32 = tpu.memref_slice %arg15[%add3A_6, %dma_wait3A_31] : memref<10240x64xf32, #tpu.memory_space<vmem_shared>> -> memref<128x64xf32, #tpu.memory_space<vmem_shared>>
      tpu.wait_dma2 semaphore(%run_scoped3A : memref<!tpu.dma_semaphore, #tpu.memory_space<semaphore_mem>>) src(%arg7 : memref<128x64xf32, #tpu.memory_space<vmem>>) dst(%dma_wait3A_32 : memref<128x64xf32, #tpu.memory_space<vmem_shared>>)
      tpu.yield
    }) : () -> ()
    %add3A_7 = arith.constant 128 : i32
    %add3A_8 = arith.addi %mul3A_5, %add3A_7 : i32
    "tpu.region"() ({
      %run_scoped3A = tpu.sem_alloc : memref<!tpu.dma_semaphore, #tpu.memory_space<semaphore_mem>>
      %dma_start3A = arith.constant 0 : i32
      %dma_start3A_27 = tpu.memref_slice %arg15[%add3A_8, %dma_start3A] : memref<10240x64xf32, #tpu.memory_space<vmem_shared>> -> memref<128x64xf32, #tpu.memory_space<vmem_shared>>
      %dma_start3A_28 = arith.constant 0 : i32
      %dma_start3A_29 = tpu.memref_slice %arg15[%add3A_8, %dma_start3A_28] : memref<10240x64xf32, #tpu.memory_space<vmem_shared>> -> memref<128x64xf32, #tpu.memory_space<vmem_shared>>
      tpu.enqueue_dma source(%arg7 : memref<128x64xf32, #tpu.memory_space<vmem>>) target(%dma_start3A_29 : memref<128x64xf32, #tpu.memory_space<vmem_shared>>) target_semaphore(%run_scoped3A : memref<!tpu.dma_semaphore, #tpu.memory_space<semaphore_mem>>)
      %dma_wait3A = arith.constant 0 : i32
      %dma_wait3A_30 = tpu.memref_slice %arg15[%add3A_8, %dma_wait3A] : memref<10240x64xf32, #tpu.memory_space<vmem_shared>> -> memref<128x64xf32, #tpu.memory_space<vmem_shared>>
      %dma_wait3A_31 = arith.constant 0 : i32
      %dma_wait3A_32 = tpu.memref_slice %arg15[%add3A_8, %dma_wait3A_31] : memref<10240x64xf32, #tpu.memory_space<vmem_shared>> -> memref<128x64xf32, #tpu.memory_space<vmem_shared>>
      tpu.wait_dma2 semaphore(%run_scoped3A : memref<!tpu.dma_semaphore, #tpu.memory_space<semaphore_mem>>) src(%arg7 : memref<128x64xf32, #tpu.memory_space<vmem>>) dst(%dma_wait3A_32 : memref<128x64xf32, #tpu.memory_space<vmem_shared>>)
      tpu.yield
    }) : () -> ()
    %add3A_9 = arith.constant 256 : i32
    %add3A_10 = arith.addi %mul3A_5, %add3A_9 : i32
    "tpu.region"() ({
      %run_scoped3A = tpu.sem_alloc : memref<!tpu.dma_semaphore, #tpu.memory_space<semaphore_mem>>
      %dma_start3A = arith.constant 0 : i32
      %dma_start3A_27 = tpu.memref_slice %arg15[%add3A_10, %dma_start3A] : memref<10240x64xf32, #tpu.memory_space<vmem_shared>> -> memref<128x64xf32, #tpu.memory_space<vmem_shared>>
      %dma_start3A_28 = arith.constant 0 : i32
      %dma_start3A_29 = tpu.memref_slice %arg15[%add3A_10, %dma_start3A_28] : memref<10240x64xf32, #tpu.memory_space<vmem_shared>> -> memref<128x64xf32, #tpu.memory_space<vmem_shared>>
      tpu.enqueue_dma source(%arg7 : memref<128x64xf32, #tpu.memory_space<vmem>>) target(%dma_start3A_29 : memref<128x64xf32, #tpu.memory_space<vmem_shared>>) target_semaphore(%run_scoped3A : memref<!tpu.dma_semaphore, #tpu.memory_space<semaphore_mem>>)
      %dma_wait3A = arith.constant 0 : i32
      %dma_wait3A_30 = tpu.memref_slice %arg15[%add3A_10, %dma_wait3A] : memref<10240x64xf32, #tpu.memory_space<vmem_shared>> -> memref<128x64xf32, #tpu.memory_space<vmem_shared>>
      %dma_wait3A_31 = arith.constant 0 : i32
      %dma_wait3A_32 = tpu.memref_slice %arg15[%add3A_10, %dma_wait3A_31] : memref<10240x64xf32, #tpu.memory_space<vmem_shared>> -> memref<128x64xf32, #tpu.memory_space<vmem_shared>>
      tpu.wait_dma2 semaphore(%run_scoped3A : memref<!tpu.dma_semaphore, #tpu.memory_space<semaphore_mem>>) src(%arg7 : memref<128x64xf32, #tpu.memory_space<vmem>>) dst(%dma_wait3A_32 : memref<128x64xf32, #tpu.memory_space<vmem_shared>>)
      tpu.yield
    }) : () -> ()
    %add3A_11 = arith.constant 384 : i32
    %add3A_12 = arith.addi %mul3A_5, %add3A_11 : i32
    "tpu.region"() ({
      %run_scoped3A = tpu.sem_alloc : memref<!tpu.dma_semaphore, #tpu.memory_space<semaphore_mem>>
      %dma_start3A = arith.constant 0 : i32
      %dma_start3A_27 = tpu.memref_slice %arg15[%add3A_12, %dma_start3A] : memref<10240x64xf32, #tpu.memory_space<vmem_shared>> -> memref<128x64xf32, #tpu.memory_space<vmem_shared>>
      %dma_start3A_28 = arith.constant 0 : i32
      %dma_start3A_29 = tpu.memref_slice %arg15[%add3A_12, %dma_start3A_28] : memref<10240x64xf32, #tpu.memory_space<vmem_shared>> -> memref<128x64xf32, #tpu.memory_space<vmem_shared>>
      tpu.enqueue_dma source(%arg7 : memref<128x64xf32, #tpu.memory_space<vmem>>) target(%dma_start3A_29 : memref<128x64xf32, #tpu.memory_space<vmem_shared>>) target_semaphore(%run_scoped3A : memref<!tpu.dma_semaphore, #tpu.memory_space<semaphore_mem>>)
      %dma_wait3A = arith.constant 0 : i32
      %dma_wait3A_30 = tpu.memref_slice %arg15[%add3A_12, %dma_wait3A] : memref<10240x64xf32, #tpu.memory_space<vmem_shared>> -> memref<128x64xf32, #tpu.memory_space<vmem_shared>>
      %dma_wait3A_31 = arith.constant 0 : i32
      %dma_wait3A_32 = tpu.memref_slice %arg15[%add3A_12, %dma_wait3A_31] : memref<10240x64xf32, #tpu.memory_space<vmem_shared>> -> memref<128x64xf32, #tpu.memory_space<vmem_shared>>
      tpu.wait_dma2 semaphore(%run_scoped3A : memref<!tpu.dma_semaphore, #tpu.memory_space<semaphore_mem>>) src(%arg7 : memref<128x64xf32, #tpu.memory_space<vmem>>) dst(%dma_wait3A_32 : memref<128x64xf32, #tpu.memory_space<vmem_shared>>)
      tpu.yield
    }) : () -> ()
    %add3A_13 = arith.constant 512 : i32
    %add3A_14 = arith.addi %mul3A_5, %add3A_13 : i32
    "tpu.region"() ({
      %run_scoped3A = tpu.sem_alloc : memref<!tpu.dma_semaphore, #tpu.memory_space<semaphore_mem>>
      %dma_start3A = arith.constant 0 : i32
      %dma_start3A_27 = arith.constant 0 : i32
      %dma_start3A_28 = tpu.memref_slice %arg7[%dma_start3A, %dma_start3A_27] : memref<128x64xf32, #tpu.memory_space<vmem>> -> memref<120x64xf32, #tpu.memory_space<vmem>>
      %dma_start3A_29 = arith.constant 0 : i32
      %dma_start3A_30 = tpu.memref_slice %arg15[%add3A_14, %dma_start3A_29] : memref<10240x64xf32, #tpu.memory_space<vmem_shared>> -> memref<120x64xf32, #tpu.memory_space<vmem_shared>>
      %dma_start3A_31 = arith.constant 0 : i32
      %dma_start3A_32 = tpu.memref_slice %arg15[%add3A_14, %dma_start3A_31] : memref<10240x64xf32, #tpu.memory_space<vmem_shared>> -> memref<120x64xf32, #tpu.memory_space<vmem_shared>>
      %dma_start3A_33 = arith.constant 0 : i32
      %dma_start3A_34 = arith.constant 0 : i32
      %dma_start3A_35 = tpu.memref_slice %arg7[%dma_start3A_33, %dma_start3A_34] : memref<128x64xf32, #tpu.memory_space<vmem>> -> memref<120x64xf32, #tpu.memory_space<vmem>>
      tpu.enqueue_dma source(%dma_start3A_35 : memref<120x64xf32, #tpu.memory_space<vmem>>) target(%dma_start3A_32 : memref<120x64xf32, #tpu.memory_space<vmem_shared>>) target_semaphore(%run_scoped3A : memref<!tpu.dma_semaphore, #tpu.memory_space<semaphore_mem>>)
      %dma_wait3A = arith.constant 0 : i32
      %dma_wait3A_36 = arith.constant 0 : i32
      %dma_wait3A_37 = tpu.memref_slice %arg7[%dma_wait3A, %dma_wait3A_36] : memref<128x64xf32, #tpu.memory_space<vmem>> -> memref<120x64xf32, #tpu.memory_space<vmem>>
      %dma_wait3A_38 = arith.constant 0 : i32
      %dma_wait3A_39 = tpu.memref_slice %arg15[%add3A_14, %dma_wait3A_38] : memref<10240x64xf32, #tpu.memory_space<vmem_shared>> -> memref<120x64xf32, #tpu.memory_space<vmem_shared>>
      %dma_wait3A_40 = arith.constant 0 : i32
      %dma_wait3A_41 = tpu.memref_slice %arg15[%add3A_14, %dma_wait3A_40] : memref<10240x64xf32, #tpu.memory_space<vmem_shared>> -> memref<120x64xf32, #tpu.memory_space<vmem_shared>>
      %dma_wait3A_42 = arith.constant 0 : i32
      %dma_wait3A_43 = arith.constant 0 : i32
      %dma_wait3A_44 = tpu.memref_slice %arg7[%dma_wait3A_42, %dma_wait3A_43] : memref<128x64xf32, #tpu.memory_space<vmem>> -> memref<120x64xf32, #tpu.memory_space<vmem>>
      tpu.wait_dma2 semaphore(%run_scoped3A : memref<!tpu.dma_semaphore, #tpu.memory_space<semaphore_mem>>) src(%dma_wait3A_44 : memref<120x64xf32, #tpu.memory_space<vmem>>) dst(%dma_wait3A_41 : memref<120x64xf32, #tpu.memory_space<vmem_shared>>)
      tpu.yield
    }) : () -> ()
    %barrier3A = arith.constant 0 : index
    tpu.barrier barrier_id(%barrier3A)
    %eq3A = arith.constant 0 : i32
    %eq3A_15 = arith.cmpi eq, %arg0, %eq3A : i32
    %convert_element_type3A = arith.extui %eq3A_15 : i1 to i32
    %cond3A = arith.constant 0 : i32
    %cond3A_16 = arith.cmpi ne, %convert_element_type3A, %cond3A : i32
    scf.if %cond3A_16 {
      %mul3A_27 = arith.constant 80 : i32
      %mul3A_28 = arith.muli %arg1, %mul3A_27 : i32
      "tpu.region"() ({
        %run_scoped3A = tpu.sem_alloc : memref<!tpu.dma_semaphore, #tpu.memory_space<semaphore_mem>>
        %dma_start3A_146 = arith.constant 0 : i32
        %dma_start3A_147 = arith.constant 0 : i32
        %dma_start3A_148 = tpu.memref_slice %arg5[%dma_start3A_146, %dma_start3A_147] : memref<80x128xi32, #tpu.memory_space<vmem>> -> memref<80x128xi32, #tpu.memory_space<vmem>>
        %dma_start3A_149 = arith.constant 0 : i32
        %dma_start3A_150 = tpu.memref_slice %arg3[%mul3A_28, %dma_start3A_149] : memref<5060x128xi32, #tpu.memory_space<hbm>> -> memref<80x128xi32, #tpu.memory_space<hbm>>
        %dma_start3A_151 = arith.constant 0 : i32
        %dma_start3A_152 = arith.constant 0 : i32
        %dma_start3A_153 = tpu.memref_slice %arg5[%dma_start3A_151, %dma_start3A_152] : memref<80x128xi32, #tpu.memory_space<vmem>> -> memref<80x128xi32, #tpu.memory_space<vmem>>
        %dma_start3A_154 = arith.constant 0 : i32
        %dma_start3A_155 = tpu.memref_slice %arg3[%mul3A_28, %dma_start3A_154] : memref<5060x128xi32, #tpu.memory_space<hbm>> -> memref<80x128xi32, #tpu.memory_space<hbm>>
        tpu.enqueue_dma source(%dma_start3A_155 : memref<80x128xi32, #tpu.memory_space<hbm>>) target(%dma_start3A_153 : memref<80x128xi32, #tpu.memory_space<vmem>>) target_semaphore(%run_scoped3A : memref<!tpu.dma_semaphore, #tpu.memory_space<semaphore_mem>>)
        %dma_wait3A_156 = arith.constant 0 : i32
        %dma_wait3A_157 = arith.constant 0 : i32
        %dma_wait3A_158 = tpu.memref_slice %arg5[%dma_wait3A_156, %dma_wait3A_157] : memref<80x128xi32, #tpu.memory_space<vmem>> -> memref<80x128xi32, #tpu.memory_space<vmem>>
        %dma_wait3A_159 = arith.constant 0 : i32
        %dma_wait3A_160 = tpu.memref_slice %arg3[%mul3A_28, %dma_wait3A_159] : memref<5060x128xi32, #tpu.memory_space<hbm>> -> memref<80x128xi32, #tpu.memory_space<hbm>>
        %dma_wait3A_161 = arith.constant 0 : i32
        %dma_wait3A_162 = arith.constant 0 : i32
        %dma_wait3A_163 = tpu.memref_slice %arg5[%dma_wait3A_161, %dma_wait3A_162] : memref<80x128xi32, #tpu.memory_space<vmem>> -> memref<80x128xi32, #tpu.memory_space<vmem>>
        %dma_wait3A_164 = arith.constant 0 : i32
        %dma_wait3A_165 = tpu.memref_slice %arg3[%mul3A_28, %dma_wait3A_164] : memref<5060x128xi32, #tpu.memory_space<hbm>> -> memref<80x128xi32, #tpu.memory_space<hbm>>
        tpu.wait_dma2 semaphore(%run_scoped3A : memref<!tpu.dma_semaphore, #tpu.memory_space<semaphore_mem>>) src(%dma_wait3A_165 : memref<80x128xi32, #tpu.memory_space<hbm>>) dst(%dma_wait3A_163 : memref<80x128xi32, #tpu.memory_space<vmem>>)
        tpu.yield
      }) : () -> ()
      %add3A_29 = arith.constant 2500 : i32
      %add3A_30 = arith.addi %add3A_29, %mul3A_28 : i32
      "tpu.region"() ({
        %run_scoped3A = tpu.sem_alloc : memref<!tpu.dma_semaphore, #tpu.memory_space<semaphore_mem>>
        %dma_start3A_146 = arith.constant 0 : i32
        %dma_start3A_147 = arith.constant 0 : i32
        %dma_start3A_148 = tpu.memref_slice %arg6[%dma_start3A_146, %dma_start3A_147] : memref<80x128xi32, #tpu.memory_space<vmem>> -> memref<80x128xi32, #tpu.memory_space<vmem>>
        %dma_start3A_149 = arith.constant 0 : i32
        %dma_start3A_150 = tpu.memref_slice %arg3[%add3A_30, %dma_start3A_149] : memref<5060x128xi32, #tpu.memory_space<hbm>> -> memref<80x128xi32, #tpu.memory_space<hbm>>
        %dma_start3A_151 = arith.constant 0 : i32
        %dma_start3A_152 = arith.constant 0 : i32
        %dma_start3A_153 = tpu.memref_slice %arg6[%dma_start3A_151, %dma_start3A_152] : memref<80x128xi32, #tpu.memory_space<vmem>> -> memref<80x128xi32, #tpu.memory_space<vmem>>
        %dma_start3A_154 = arith.constant 0 : i32
        %dma_start3A_155 = tpu.memref_slice %arg3[%add3A_30, %dma_start3A_154] : memref<5060x128xi32, #tpu.memory_space<hbm>> -> memref<80x128xi32, #tpu.memory_space<hbm>>
        tpu.enqueue_dma source(%dma_start3A_155 : memref<80x128xi32, #tpu.memory_space<hbm>>) target(%dma_start3A_153 : memref<80x128xi32, #tpu.memory_space<vmem>>) target_semaphore(%run_scoped3A : memref<!tpu.dma_semaphore, #tpu.memory_space<semaphore_mem>>)
        %dma_wait3A_156 = arith.constant 0 : i32
        %dma_wait3A_157 = arith.constant 0 : i32
        %dma_wait3A_158 = tpu.memref_slice %arg6[%dma_wait3A_156, %dma_wait3A_157] : memref<80x128xi32, #tpu.memory_space<vmem>> -> memref<80x128xi32, #tpu.memory_space<vmem>>
        %dma_wait3A_159 = arith.constant 0 : i32
        %dma_wait3A_160 = tpu.memref_slice %arg3[%add3A_30, %dma_wait3A_159] : memref<5060x128xi32, #tpu.memory_space<hbm>> -> memref<80x128xi32, #tpu.memory_space<hbm>>
        %dma_wait3A_161 = arith.constant 0 : i32
        %dma_wait3A_162 = arith.constant 0 : i32
        %dma_wait3A_163 = tpu.memref_slice %arg6[%dma_wait3A_161, %dma_wait3A_162] : memref<80x128xi32, #tpu.memory_space<vmem>> -> memref<80x128xi32, #tpu.memory_space<vmem>>
        %dma_wait3A_164 = arith.constant 0 : i32
        %dma_wait3A_165 = tpu.memref_slice %arg3[%add3A_30, %dma_wait3A_164] : memref<5060x128xi32, #tpu.memory_space<hbm>> -> memref<80x128xi32, #tpu.memory_space<hbm>>
        tpu.wait_dma2 semaphore(%run_scoped3A : memref<!tpu.dma_semaphore, #tpu.memory_space<semaphore_mem>>) src(%dma_wait3A_165 : memref<80x128xi32, #tpu.memory_space<hbm>>) dst(%dma_wait3A_163 : memref<80x128xi32, #tpu.memory_space<vmem>>)
        tpu.yield
      }) : () -> ()
      %dma_start3A = arith.constant 0 : i32
      %dma_start3A_31 = arith.constant 0 : i32
      %dma_start3A_32 = tpu.memref_slice %arg5[%dma_start3A, %dma_start3A_31] : memref<80x128xi32, #tpu.memory_space<vmem>> -> memref<1x128xi32, #tpu.memory_space<vmem>>
      %dma_start3A_33 = tpu.memref_squeeze %dma_start3A_32 : memref<1x128xi32, #tpu.memory_space<vmem>> -> memref<128xi32, #tpu.memory_space<vmem>>
      %dma_start3A_34 = arith.constant 0 : i32
      %dma_start3A_35 = arith.constant 0 : i32
      %dma_start3A_36 = tpu.memref_slice %arg2[%dma_start3A_34, %dma_start3A_35] : memref<10000x64xf32, #tpu.memory_space<hbm>> -> memref<10000x64xf32, #tpu.memory_space<hbm>>
      tpu.enqueue_indirect_dma source(%dma_start3A_36 : memref<10000x64xf32, #tpu.memory_space<hbm>>) target(%arg7 : memref<128x64xf32, #tpu.memory_space<vmem>>) offsets(%dma_start3A_33 : memref<128xi32, #tpu.memory_space<vmem>>) semaphore(%arg16 : memref<!tpu.dma_semaphore, #tpu.memory_space<semaphore_mem>>)
      %dma_start3A_37 = arith.constant 1 : i32
      %dma_start3A_38 = arith.constant 0 : i32
      %dma_start3A_39 = tpu.memref_slice %arg5[%dma_start3A_37, %dma_start3A_38] : memref<80x128xi32, #tpu.memory_space<vmem>> -> memref<1x128xi32, #tpu.memory_space<vmem>>
      %dma_start3A_40 = tpu.memref_squeeze %dma_start3A_39 : memref<1x128xi32, #tpu.memory_space<vmem>> -> memref<128xi32, #tpu.memory_space<vmem>>
      %dma_start3A_41 = arith.constant 0 : i32
      %dma_start3A_42 = arith.constant 0 : i32
      %dma_start3A_43 = tpu.memref_slice %arg2[%dma_start3A_41, %dma_start3A_42] : memref<10000x64xf32, #tpu.memory_space<hbm>> -> memref<10000x64xf32, #tpu.memory_space<hbm>>
      tpu.enqueue_indirect_dma source(%dma_start3A_43 : memref<10000x64xf32, #tpu.memory_space<hbm>>) target(%arg8 : memref<128x64xf32, #tpu.memory_space<vmem>>) offsets(%dma_start3A_40 : memref<128xi32, #tpu.memory_space<vmem>>) semaphore(%arg17 : memref<!tpu.dma_semaphore, #tpu.memory_space<semaphore_mem>>)
      %dma_start3A_44 = arith.constant 2 : i32
      %dma_start3A_45 = arith.constant 0 : i32
      %dma_start3A_46 = tpu.memref_slice %arg5[%dma_start3A_44, %dma_start3A_45] : memref<80x128xi32, #tpu.memory_space<vmem>> -> memref<1x128xi32, #tpu.memory_space<vmem>>
      %dma_start3A_47 = tpu.memref_squeeze %dma_start3A_46 : memref<1x128xi32, #tpu.memory_space<vmem>> -> memref<128xi32, #tpu.memory_space<vmem>>
      %dma_start3A_48 = arith.constant 0 : i32
      %dma_start3A_49 = arith.constant 0 : i32
      %dma_start3A_50 = tpu.memref_slice %arg2[%dma_start3A_48, %dma_start3A_49] : memref<10000x64xf32, #tpu.memory_space<hbm>> -> memref<10000x64xf32, #tpu.memory_space<hbm>>
      tpu.enqueue_indirect_dma source(%dma_start3A_50 : memref<10000x64xf32, #tpu.memory_space<hbm>>) target(%arg9 : memref<128x64xf32, #tpu.memory_space<vmem>>) offsets(%dma_start3A_47 : memref<128xi32, #tpu.memory_space<vmem>>) semaphore(%arg18 : memref<!tpu.dma_semaphore, #tpu.memory_space<semaphore_mem>>)
      %dma_start3A_51 = arith.constant 3 : i32
      %dma_start3A_52 = arith.constant 0 : i32
      %dma_start3A_53 = tpu.memref_slice %arg5[%dma_start3A_51, %dma_start3A_52] : memref<80x128xi32, #tpu.memory_space<vmem>> -> memref<1x128xi32, #tpu.memory_space<vmem>>
      %dma_start3A_54 = tpu.memref_squeeze %dma_start3A_53 : memref<1x128xi32, #tpu.memory_space<vmem>> -> memref<128xi32, #tpu.memory_space<vmem>>
      %dma_start3A_55 = arith.constant 0 : i32
      %dma_start3A_56 = arith.constant 0 : i32
      %dma_start3A_57 = tpu.memref_slice %arg2[%dma_start3A_55, %dma_start3A_56] : memref<10000x64xf32, #tpu.memory_space<hbm>> -> memref<10000x64xf32, #tpu.memory_space<hbm>>
      tpu.enqueue_indirect_dma source(%dma_start3A_57 : memref<10000x64xf32, #tpu.memory_space<hbm>>) target(%arg10 : memref<128x64xf32, #tpu.memory_space<vmem>>) offsets(%dma_start3A_54 : memref<128xi32, #tpu.memory_space<vmem>>) semaphore(%arg19 : memref<!tpu.dma_semaphore, #tpu.memory_space<semaphore_mem>>)
      %dma_start3A_58 = arith.constant 4 : i32
      %dma_start3A_59 = arith.constant 0 : i32
      %dma_start3A_60 = tpu.memref_slice %arg5[%dma_start3A_58, %dma_start3A_59] : memref<80x128xi32, #tpu.memory_space<vmem>> -> memref<1x128xi32, #tpu.memory_space<vmem>>
      %dma_start3A_61 = tpu.memref_squeeze %dma_start3A_60 : memref<1x128xi32, #tpu.memory_space<vmem>> -> memref<128xi32, #tpu.memory_space<vmem>>
      %dma_start3A_62 = arith.constant 0 : i32
      %dma_start3A_63 = arith.constant 0 : i32
      %dma_start3A_64 = tpu.memref_slice %arg2[%dma_start3A_62, %dma_start3A_63] : memref<10000x64xf32, #tpu.memory_space<hbm>> -> memref<10000x64xf32, #tpu.memory_space<hbm>>
      tpu.enqueue_indirect_dma source(%dma_start3A_64 : memref<10000x64xf32, #tpu.memory_space<hbm>>) target(%arg11 : memref<128x64xf32, #tpu.memory_space<vmem>>) offsets(%dma_start3A_61 : memref<128xi32, #tpu.memory_space<vmem>>) semaphore(%arg20 : memref<!tpu.dma_semaphore, #tpu.memory_space<semaphore_mem>>)
      %dma_start3A_65 = arith.constant 5 : i32
      %dma_start3A_66 = arith.constant 0 : i32
      %dma_start3A_67 = tpu.memref_slice %arg5[%dma_start3A_65, %dma_start3A_66] : memref<80x128xi32, #tpu.memory_space<vmem>> -> memref<1x128xi32, #tpu.memory_space<vmem>>
      %dma_start3A_68 = tpu.memref_squeeze %dma_start3A_67 : memref<1x128xi32, #tpu.memory_space<vmem>> -> memref<128xi32, #tpu.memory_space<vmem>>
      %dma_start3A_69 = arith.constant 0 : i32
      %dma_start3A_70 = arith.constant 0 : i32
      %dma_start3A_71 = tpu.memref_slice %arg2[%dma_start3A_69, %dma_start3A_70] : memref<10000x64xf32, #tpu.memory_space<hbm>> -> memref<10000x64xf32, #tpu.memory_space<hbm>>
      tpu.enqueue_indirect_dma source(%dma_start3A_71 : memref<10000x64xf32, #tpu.memory_space<hbm>>) target(%arg12 : memref<128x64xf32, #tpu.memory_space<vmem>>) offsets(%dma_start3A_68 : memref<128xi32, #tpu.memory_space<vmem>>) semaphore(%arg21 : memref<!tpu.dma_semaphore, #tpu.memory_space<semaphore_mem>>)
      %dma_start3A_72 = arith.constant 6 : i32
      %dma_start3A_73 = arith.constant 0 : i32
      %dma_start3A_74 = tpu.memref_slice %arg5[%dma_start3A_72, %dma_start3A_73] : memref<80x128xi32, #tpu.memory_space<vmem>> -> memref<1x128xi32, #tpu.memory_space<vmem>>
      %dma_start3A_75 = tpu.memref_squeeze %dma_start3A_74 : memref<1x128xi32, #tpu.memory_space<vmem>> -> memref<128xi32, #tpu.memory_space<vmem>>
      %dma_start3A_76 = arith.constant 0 : i32
      %dma_start3A_77 = arith.constant 0 : i32
      %dma_start3A_78 = tpu.memref_slice %arg2[%dma_start3A_76, %dma_start3A_77] : memref<10000x64xf32, #tpu.memory_space<hbm>> -> memref<10000x64xf32, #tpu.memory_space<hbm>>
      tpu.enqueue_indirect_dma source(%dma_start3A_78 : memref<10000x64xf32, #tpu.memory_space<hbm>>) target(%arg13 : memref<128x64xf32, #tpu.memory_space<vmem>>) offsets(%dma_start3A_75 : memref<128xi32, #tpu.memory_space<vmem>>) semaphore(%arg22 : memref<!tpu.dma_semaphore, #tpu.memory_space<semaphore_mem>>)
      %dma_start3A_79 = arith.constant 7 : i32
      %dma_start3A_80 = arith.constant 0 : i32
      %dma_start3A_81 = tpu.memref_slice %arg5[%dma_start3A_79, %dma_start3A_80] : memref<80x128xi32, #tpu.memory_space<vmem>> -> memref<1x128xi32, #tpu.memory_space<vmem>>
      %dma_start3A_82 = tpu.memref_squeeze %dma_start3A_81 : memref<1x128xi32, #tpu.memory_space<vmem>> -> memref<128xi32, #tpu.memory_space<vmem>>
      %dma_start3A_83 = arith.constant 0 : i32
      %dma_start3A_84 = arith.constant 0 : i32
      %dma_start3A_85 = tpu.memref_slice %arg2[%dma_start3A_83, %dma_start3A_84] : memref<10000x64xf32, #tpu.memory_space<hbm>> -> memref<10000x64xf32, #tpu.memory_space<hbm>>
      tpu.enqueue_indirect_dma source(%dma_start3A_85 : memref<10000x64xf32, #tpu.memory_space<hbm>>) target(%arg14 : memref<128x64xf32, #tpu.memory_space<vmem>>) offsets(%dma_start3A_82 : memref<128xi32, #tpu.memory_space<vmem>>) semaphore(%arg23 : memref<!tpu.dma_semaphore, #tpu.memory_space<semaphore_mem>>)
      %scan3A_86 = arith.constant 0 : i32
      %scan3A_87 = arith.constant 10 : i32
      %scan3A_88 = arith.addi %scan3A_86, %scan3A_87 : i32
      %scan3A_89 = arith.constant 1 : i32
      scf.for %scan3A_146 = %scan3A_86 to %scan3A_88 step %scan3A_89  : i32 {
        %mul3A_147 = arith.constant 8 : i32
        %mul3A_148 = arith.muli %scan3A_146, %mul3A_147 : i32
        %add3A_149 = arith.constant 0 : i32
        %add3A_150 = arith.addi %add3A_149, %mul3A_148 : i32
        %add3A_151 = arith.constant 0 : i32
        %add3A_152 = arith.addi %add3A_150, %add3A_151 : i32
        %dma_wait3A_153 = arith.constant 0 : i32
        %dma_wait3A_154 = tpu.memref_slice %arg5[%add3A_152, %dma_wait3A_153] : memref<80x128xi32, #tpu.memory_space<vmem>> -> memref<1x128xi32, #tpu.memory_space<vmem>>
        %dma_wait3A_155 = tpu.memref_squeeze %dma_wait3A_154 : memref<1x128xi32, #tpu.memory_space<vmem>> -> memref<128xi32, #tpu.memory_space<vmem>>
        %dma_wait3A_156 = arith.constant 0 : i32
        %dma_wait3A_157 = arith.constant 0 : i32
        %dma_wait3A_158 = tpu.memref_slice %arg2[%dma_wait3A_156, %dma_wait3A_157] : memref<10000x64xf32, #tpu.memory_space<hbm>> -> memref<10000x64xf32, #tpu.memory_space<hbm>>
        tpu.wait_indirect_dma semaphore(%arg16 : memref<!tpu.dma_semaphore, #tpu.memory_space<semaphore_mem>>) src(%dma_wait3A_158 : memref<10000x64xf32, #tpu.memory_space<hbm>>) dst(%arg7 : memref<128x64xf32, #tpu.memory_space<vmem>>)
        %dma_start3A_159 = arith.constant 0 : i32
        %dma_start3A_160 = tpu.memref_slice %arg6[%add3A_152, %dma_start3A_159] : memref<80x128xi32, #tpu.memory_space<vmem>> -> memref<1x128xi32, #tpu.memory_space<vmem>>
        %dma_start3A_161 = tpu.memref_squeeze %dma_start3A_160 : memref<1x128xi32, #tpu.memory_space<vmem>> -> memref<128xi32, #tpu.memory_space<vmem>>
        %dma_start3A_162 = arith.constant 0 : i32
        %dma_start3A_163 = arith.constant 0 : i32
        %dma_start3A_164 = tpu.memref_slice %arg15[%dma_start3A_162, %dma_start3A_163] : memref<10240x64xf32, #tpu.memory_space<vmem_shared>> -> memref<10240x64xf32, #tpu.memory_space<vmem_shared>>
        tpu.enqueue_indirect_dma source(%arg7 : memref<128x64xf32, #tpu.memory_space<vmem>>) target(%dma_start3A_164 : memref<10240x64xf32, #tpu.memory_space<vmem_shared>>) offsets(%dma_start3A_161 : memref<128xi32, #tpu.memory_space<vmem>>) semaphore(%arg24 : memref<!tpu.dma_semaphore, #tpu.memory_space<semaphore_mem>>) {add = true}
        %add3A_165 = arith.constant 8 : i32
        %add3A_166 = arith.addi %add3A_150, %add3A_165 : i32
        %lt3A = arith.constant 80 : i32
        %lt3A_167 = arith.cmpi slt, %add3A_166, %lt3A : i32
        %convert_element_type3A_168 = arith.extui %lt3A_167 : i1 to i32
        %cond3A_169 = arith.constant 0 : i32
        %cond3A_170 = arith.cmpi ne, %convert_element_type3A_168, %cond3A_169 : i32
        scf.if %cond3A_170 {
          %dma_wait3A_318 = arith.constant 0 : i32
          %dma_wait3A_319 = tpu.memref_slice %arg6[%add3A_152, %dma_wait3A_318] : memref<80x128xi32, #tpu.memory_space<vmem>> -> memref<1x128xi32, #tpu.memory_space<vmem>>
          %dma_wait3A_320 = tpu.memref_squeeze %dma_wait3A_319 : memref<1x128xi32, #tpu.memory_space<vmem>> -> memref<128xi32, #tpu.memory_space<vmem>>
          %dma_wait3A_321 = arith.constant 0 : i32
          %dma_wait3A_322 = arith.constant 0 : i32
          %dma_wait3A_323 = tpu.memref_slice %arg15[%dma_wait3A_321, %dma_wait3A_322] : memref<10240x64xf32, #tpu.memory_space<vmem_shared>> -> memref<10240x64xf32, #tpu.memory_space<vmem_shared>>
          tpu.wait_indirect_dma semaphore(%arg24 : memref<!tpu.dma_semaphore, #tpu.memory_space<semaphore_mem>>) src(%arg7 : memref<128x64xf32, #tpu.memory_space<vmem>>) dst(%dma_wait3A_323 : memref<10240x64xf32, #tpu.memory_space<vmem_shared>>)
          %add3A_324 = arith.constant 8 : i32
          %add3A_325 = arith.addi %add3A_152, %add3A_324 : i32
          %dma_start3A_326 = arith.constant 0 : i32
          %dma_start3A_327 = tpu.memref_slice %arg5[%add3A_325, %dma_start3A_326] : memref<80x128xi32, #tpu.memory_space<vmem>> -> memref<1x128xi32, #tpu.memory_space<vmem>>
          %dma_start3A_328 = tpu.memref_squeeze %dma_start3A_327 : memref<1x128xi32, #tpu.memory_space<vmem>> -> memref<128xi32, #tpu.memory_space<vmem>>
          %dma_start3A_329 = arith.constant 0 : i32
          %dma_start3A_330 = arith.constant 0 : i32
          %dma_start3A_331 = tpu.memref_slice %arg2[%dma_start3A_329, %dma_start3A_330] : memref<10000x64xf32, #tpu.memory_space<hbm>> -> memref<10000x64xf32, #tpu.memory_space<hbm>>
          tpu.enqueue_indirect_dma source(%dma_start3A_331 : memref<10000x64xf32, #tpu.memory_space<hbm>>) target(%arg7 : memref<128x64xf32, #tpu.memory_space<vmem>>) offsets(%dma_start3A_328 : memref<128xi32, #tpu.memory_space<vmem>>) semaphore(%arg16 : memref<!tpu.dma_semaphore, #tpu.memory_space<semaphore_mem>>)
        } else {
        }
        %add3A_171 = arith.constant 1 : i32
        %add3A_172 = arith.addi %add3A_150, %add3A_171 : i32
        %dma_wait3A_173 = arith.constant 0 : i32
        %dma_wait3A_174 = tpu.memref_slice %arg5[%add3A_172, %dma_wait3A_173] : memref<80x128xi32, #tpu.memory_space<vmem>> -> memref<1x128xi32, #tpu.memory_space<vmem>>
        %dma_wait3A_175 = tpu.memref_squeeze %dma_wait3A_174 : memref<1x128xi32, #tpu.memory_space<vmem>> -> memref<128xi32, #tpu.memory_space<vmem>>
        %dma_wait3A_176 = arith.constant 0 : i32
        %dma_wait3A_177 = arith.constant 0 : i32
        %dma_wait3A_178 = tpu.memref_slice %arg2[%dma_wait3A_176, %dma_wait3A_177] : memref<10000x64xf32, #tpu.memory_space<hbm>> -> memref<10000x64xf32, #tpu.memory_space<hbm>>
        tpu.wait_indirect_dma semaphore(%arg17 : memref<!tpu.dma_semaphore, #tpu.memory_space<semaphore_mem>>) src(%dma_wait3A_178 : memref<10000x64xf32, #tpu.memory_space<hbm>>) dst(%arg8 : memref<128x64xf32, #tpu.memory_space<vmem>>)
        %dma_start3A_179 = arith.constant 0 : i32
        %dma_start3A_180 = tpu.memref_slice %arg6[%add3A_172, %dma_start3A_179] : memref<80x128xi32, #tpu.memory_space<vmem>> -> memref<1x128xi32, #tpu.memory_space<vmem>>
        %dma_start3A_181 = tpu.memref_squeeze %dma_start3A_180 : memref<1x128xi32, #tpu.memory_space<vmem>> -> memref<128xi32, #tpu.memory_space<vmem>>
        %dma_start3A_182 = arith.constant 0 : i32
        %dma_start3A_183 = arith.constant 0 : i32
        %dma_start3A_184 = tpu.memref_slice %arg15[%dma_start3A_182, %dma_start3A_183] : memref<10240x64xf32, #tpu.memory_space<vmem_shared>> -> memref<10240x64xf32, #tpu.memory_space<vmem_shared>>
        tpu.enqueue_indirect_dma source(%arg8 : memref<128x64xf32, #tpu.memory_space<vmem>>) target(%dma_start3A_184 : memref<10240x64xf32, #tpu.memory_space<vmem_shared>>) offsets(%dma_start3A_181 : memref<128xi32, #tpu.memory_space<vmem>>) semaphore(%arg25 : memref<!tpu.dma_semaphore, #tpu.memory_space<semaphore_mem>>) {add = true}
        %add3A_185 = arith.constant 8 : i32
        %add3A_186 = arith.addi %add3A_150, %add3A_185 : i32
        %lt3A_187 = arith.constant 80 : i32
        %lt3A_188 = arith.cmpi slt, %add3A_186, %lt3A_187 : i32
        %convert_element_type3A_189 = arith.extui %lt3A_188 : i1 to i32
        %cond3A_190 = arith.constant 0 : i32
        %cond3A_191 = arith.cmpi ne, %convert_element_type3A_189, %cond3A_190 : i32
        scf.if %cond3A_191 {
          %dma_wait3A_318 = arith.constant 0 : i32
          %dma_wait3A_319 = tpu.memref_slice %arg6[%add3A_172, %dma_wait3A_318] : memref<80x128xi32, #tpu.memory_space<vmem>> -> memref<1x128xi32, #tpu.memory_space<vmem>>
          %dma_wait3A_320 = tpu.memref_squeeze %dma_wait3A_319 : memref<1x128xi32, #tpu.memory_space<vmem>> -> memref<128xi32, #tpu.memory_space<vmem>>
          %dma_wait3A_321 = arith.constant 0 : i32
          %dma_wait3A_322 = arith.constant 0 : i32
          %dma_wait3A_323 = tpu.memref_slice %arg15[%dma_wait3A_321, %dma_wait3A_322] : memref<10240x64xf32, #tpu.memory_space<vmem_shared>> -> memref<10240x64xf32, #tpu.memory_space<vmem_shared>>
          tpu.wait_indirect_dma semaphore(%arg25 : memref<!tpu.dma_semaphore, #tpu.memory_space<semaphore_mem>>) src(%arg8 : memref<128x64xf32, #tpu.memory_space<vmem>>) dst(%dma_wait3A_323 : memref<10240x64xf32, #tpu.memory_space<vmem_shared>>)
          %add3A_324 = arith.constant 8 : i32
          %add3A_325 = arith.addi %add3A_172, %add3A_324 : i32
          %dma_start3A_326 = arith.constant 0 : i32
          %dma_start3A_327 = tpu.memref_slice %arg5[%add3A_325, %dma_start3A_326] : memref<80x128xi32, #tpu.memory_space<vmem>> -> memref<1x128xi32, #tpu.memory_space<vmem>>
          %dma_start3A_328 = tpu.memref_squeeze %dma_start3A_327 : memref<1x128xi32, #tpu.memory_space<vmem>> -> memref<128xi32, #tpu.memory_space<vmem>>
          %dma_start3A_329 = arith.constant 0 : i32
          %dma_start3A_330 = arith.constant 0 : i32
          %dma_start3A_331 = tpu.memref_slice %arg2[%dma_start3A_329, %dma_start3A_330] : memref<10000x64xf32, #tpu.memory_space<hbm>> -> memref<10000x64xf32, #tpu.memory_space<hbm>>
          tpu.enqueue_indirect_dma source(%dma_start3A_331 : memref<10000x64xf32, #tpu.memory_space<hbm>>) target(%arg8 : memref<128x64xf32, #tpu.memory_space<vmem>>) offsets(%dma_start3A_328 : memref<128xi32, #tpu.memory_space<vmem>>) semaphore(%arg17 : memref<!tpu.dma_semaphore, #tpu.memory_space<semaphore_mem>>)
        } else {
        }
        %add3A_192 = arith.constant 2 : i32
        %add3A_193 = arith.addi %add3A_150, %add3A_192 : i32
        %dma_wait3A_194 = arith.constant 0 : i32
        %dma_wait3A_195 = tpu.memref_slice %arg5[%add3A_193, %dma_wait3A_194] : memref<80x128xi32, #tpu.memory_space<vmem>> -> memref<1x128xi32, #tpu.memory_space<vmem>>
        %dma_wait3A_196 = tpu.memref_squeeze %dma_wait3A_195 : memref<1x128xi32, #tpu.memory_space<vmem>> -> memref<128xi32, #tpu.memory_space<vmem>>
        %dma_wait3A_197 = arith.constant 0 : i32
        %dma_wait3A_198 = arith.constant 0 : i32
        %dma_wait3A_199 = tpu.memref_slice %arg2[%dma_wait3A_197, %dma_wait3A_198] : memref<10000x64xf32, #tpu.memory_space<hbm>> -> memref<10000x64xf32, #tpu.memory_space<hbm>>
        tpu.wait_indirect_dma semaphore(%arg18 : memref<!tpu.dma_semaphore, #tpu.memory_space<semaphore_mem>>) src(%dma_wait3A_199 : memref<10000x64xf32, #tpu.memory_space<hbm>>) dst(%arg9 : memref<128x64xf32, #tpu.memory_space<vmem>>)
        %dma_start3A_200 = arith.constant 0 : i32
        %dma_start3A_201 = tpu.memref_slice %arg6[%add3A_193, %dma_start3A_200] : memref<80x128xi32, #tpu.memory_space<vmem>> -> memref<1x128xi32, #tpu.memory_space<vmem>>
        %dma_start3A_202 = tpu.memref_squeeze %dma_start3A_201 : memref<1x128xi32, #tpu.memory_space<vmem>> -> memref<128xi32, #tpu.memory_space<vmem>>
        %dma_start3A_203 = arith.constant 0 : i32
        %dma_start3A_204 = arith.constant 0 : i32
        %dma_start3A_205 = tpu.memref_slice %arg15[%dma_start3A_203, %dma_start3A_204] : memref<10240x64xf32, #tpu.memory_space<vmem_shared>> -> memref<10240x64xf32, #tpu.memory_space<vmem_shared>>
        tpu.enqueue_indirect_dma source(%arg9 : memref<128x64xf32, #tpu.memory_space<vmem>>) target(%dma_start3A_205 : memref<10240x64xf32, #tpu.memory_space<vmem_shared>>) offsets(%dma_start3A_202 : memref<128xi32, #tpu.memory_space<vmem>>) semaphore(%arg26 : memref<!tpu.dma_semaphore, #tpu.memory_space<semaphore_mem>>) {add = true}
        %add3A_206 = arith.constant 8 : i32
        %add3A_207 = arith.addi %add3A_150, %add3A_206 : i32
        %lt3A_208 = arith.constant 80 : i32
        %lt3A_209 = arith.cmpi slt, %add3A_207, %lt3A_208 : i32
        %convert_element_type3A_210 = arith.extui %lt3A_209 : i1 to i32
        %cond3A_211 = arith.constant 0 : i32
        %cond3A_212 = arith.cmpi ne, %convert_element_type3A_210, %cond3A_211 : i32
        scf.if %cond3A_212 {
          %dma_wait3A_318 = arith.constant 0 : i32
          %dma_wait3A_319 = tpu.memref_slice %arg6[%add3A_193, %dma_wait3A_318] : memref<80x128xi32, #tpu.memory_space<vmem>> -> memref<1x128xi32, #tpu.memory_space<vmem>>
          %dma_wait3A_320 = tpu.memref_squeeze %dma_wait3A_319 : memref<1x128xi32, #tpu.memory_space<vmem>> -> memref<128xi32, #tpu.memory_space<vmem>>
          %dma_wait3A_321 = arith.constant 0 : i32
          %dma_wait3A_322 = arith.constant 0 : i32
          %dma_wait3A_323 = tpu.memref_slice %arg15[%dma_wait3A_321, %dma_wait3A_322] : memref<10240x64xf32, #tpu.memory_space<vmem_shared>> -> memref<10240x64xf32, #tpu.memory_space<vmem_shared>>
          tpu.wait_indirect_dma semaphore(%arg26 : memref<!tpu.dma_semaphore, #tpu.memory_space<semaphore_mem>>) src(%arg9 : memref<128x64xf32, #tpu.memory_space<vmem>>) dst(%dma_wait3A_323 : memref<10240x64xf32, #tpu.memory_space<vmem_shared>>)
          %add3A_324 = arith.constant 8 : i32
          %add3A_325 = arith.addi %add3A_193, %add3A_324 : i32
          %dma_start3A_326 = arith.constant 0 : i32
          %dma_start3A_327 = tpu.memref_slice %arg5[%add3A_325, %dma_start3A_326] : memref<80x128xi32, #tpu.memory_space<vmem>> -> memref<1x128xi32, #tpu.memory_space<vmem>>
          %dma_start3A_328 = tpu.memref_squeeze %dma_start3A_327 : memref<1x128xi32, #tpu.memory_space<vmem>> -> memref<128xi32, #tpu.memory_space<vmem>>
          %dma_start3A_329 = arith.constant 0 : i32
          %dma_start3A_330 = arith.constant 0 : i32
          %dma_start3A_331 = tpu.memref_slice %arg2[%dma_start3A_329, %dma_start3A_330] : memref<10000x64xf32, #tpu.memory_space<hbm>> -> memref<10000x64xf32, #tpu.memory_space<hbm>>
          tpu.enqueue_indirect_dma source(%dma_start3A_331 : memref<10000x64xf32, #tpu.memory_space<hbm>>) target(%arg9 : memref<128x64xf32, #tpu.memory_space<vmem>>) offsets(%dma_start3A_328 : memref<128xi32, #tpu.memory_space<vmem>>) semaphore(%arg18 : memref<!tpu.dma_semaphore, #tpu.memory_space<semaphore_mem>>)
        } else {
        }
        %add3A_213 = arith.constant 3 : i32
        %add3A_214 = arith.addi %add3A_150, %add3A_213 : i32
        %dma_wait3A_215 = arith.constant 0 : i32
        %dma_wait3A_216 = tpu.memref_slice %arg5[%add3A_214, %dma_wait3A_215] : memref<80x128xi32, #tpu.memory_space<vmem>> -> memref<1x128xi32, #tpu.memory_space<vmem>>
        %dma_wait3A_217 = tpu.memref_squeeze %dma_wait3A_216 : memref<1x128xi32, #tpu.memory_space<vmem>> -> memref<128xi32, #tpu.memory_space<vmem>>
        %dma_wait3A_218 = arith.constant 0 : i32
        %dma_wait3A_219 = arith.constant 0 : i32
        %dma_wait3A_220 = tpu.memref_slice %arg2[%dma_wait3A_218, %dma_wait3A_219] : memref<10000x64xf32, #tpu.memory_space<hbm>> -> memref<10000x64xf32, #tpu.memory_space<hbm>>
        tpu.wait_indirect_dma semaphore(%arg19 : memref<!tpu.dma_semaphore, #tpu.memory_space<semaphore_mem>>) src(%dma_wait3A_220 : memref<10000x64xf32, #tpu.memory_space<hbm>>) dst(%arg10 : memref<128x64xf32, #tpu.memory_space<vmem>>)
        %dma_start3A_221 = arith.constant 0 : i32
        %dma_start3A_222 = tpu.memref_slice %arg6[%add3A_214, %dma_start3A_221] : memref<80x128xi32, #tpu.memory_space<vmem>> -> memref<1x128xi32, #tpu.memory_space<vmem>>
        %dma_start3A_223 = tpu.memref_squeeze %dma_start3A_222 : memref<1x128xi32, #tpu.memory_space<vmem>> -> memref<128xi32, #tpu.memory_space<vmem>>
        %dma_start3A_224 = arith.constant 0 : i32
        %dma_start3A_225 = arith.constant 0 : i32
        %dma_start3A_226 = tpu.memref_slice %arg15[%dma_start3A_224, %dma_start3A_225] : memref<10240x64xf32, #tpu.memory_space<vmem_shared>> -> memref<10240x64xf32, #tpu.memory_space<vmem_shared>>
        tpu.enqueue_indirect_dma source(%arg10 : memref<128x64xf32, #tpu.memory_space<vmem>>) target(%dma_start3A_226 : memref<10240x64xf32, #tpu.memory_space<vmem_shared>>) offsets(%dma_start3A_223 : memref<128xi32, #tpu.memory_space<vmem>>) semaphore(%arg27 : memref<!tpu.dma_semaphore, #tpu.memory_space<semaphore_mem>>) {add = true}
        %add3A_227 = arith.constant 8 : i32
        %add3A_228 = arith.addi %add3A_150, %add3A_227 : i32
        %lt3A_229 = arith.constant 80 : i32
        %lt3A_230 = arith.cmpi slt, %add3A_228, %lt3A_229 : i32
        %convert_element_type3A_231 = arith.extui %lt3A_230 : i1 to i32
        %cond3A_232 = arith.constant 0 : i32
        %cond3A_233 = arith.cmpi ne, %convert_element_type3A_231, %cond3A_232 : i32
        scf.if %cond3A_233 {
          %dma_wait3A_318 = arith.constant 0 : i32
          %dma_wait3A_319 = tpu.memref_slice %arg6[%add3A_214, %dma_wait3A_318] : memref<80x128xi32, #tpu.memory_space<vmem>> -> memref<1x128xi32, #tpu.memory_space<vmem>>
          %dma_wait3A_320 = tpu.memref_squeeze %dma_wait3A_319 : memref<1x128xi32, #tpu.memory_space<vmem>> -> memref<128xi32, #tpu.memory_space<vmem>>
          %dma_wait3A_321 = arith.constant 0 : i32
          %dma_wait3A_322 = arith.constant 0 : i32
          %dma_wait3A_323 = tpu.memref_slice %arg15[%dma_wait3A_321, %dma_wait3A_322] : memref<10240x64xf32, #tpu.memory_space<vmem_shared>> -> memref<10240x64xf32, #tpu.memory_space<vmem_shared>>
          tpu.wait_indirect_dma semaphore(%arg27 : memref<!tpu.dma_semaphore, #tpu.memory_space<semaphore_mem>>) src(%arg10 : memref<128x64xf32, #tpu.memory_space<vmem>>) dst(%dma_wait3A_323 : memref<10240x64xf32, #tpu.memory_space<vmem_shared>>)
          %add3A_324 = arith.constant 8 : i32
          %add3A_325 = arith.addi %add3A_214, %add3A_324 : i32
          %dma_start3A_326 = arith.constant 0 : i32
          %dma_start3A_327 = tpu.memref_slice %arg5[%add3A_325, %dma_start3A_326] : memref<80x128xi32, #tpu.memory_space<vmem>> -> memref<1x128xi32, #tpu.memory_space<vmem>>
          %dma_start3A_328 = tpu.memref_squeeze %dma_start3A_327 : memref<1x128xi32, #tpu.memory_space<vmem>> -> memref<128xi32, #tpu.memory_space<vmem>>
          %dma_start3A_329 = arith.constant 0 : i32
          %dma_start3A_330 = arith.constant 0 : i32
          %dma_start3A_331 = tpu.memref_slice %arg2[%dma_start3A_329, %dma_start3A_330] : memref<10000x64xf32, #tpu.memory_space<hbm>> -> memref<10000x64xf32, #tpu.memory_space<hbm>>
          tpu.enqueue_indirect_dma source(%dma_start3A_331 : memref<10000x64xf32, #tpu.memory_space<hbm>>) target(%arg10 : memref<128x64xf32, #tpu.memory_space<vmem>>) offsets(%dma_start3A_328 : memref<128xi32, #tpu.memory_space<vmem>>) semaphore(%arg19 : memref<!tpu.dma_semaphore, #tpu.memory_space<semaphore_mem>>)
        } else {
        }
        %add3A_234 = arith.constant 4 : i32
        %add3A_235 = arith.addi %add3A_150, %add3A_234 : i32
        %dma_wait3A_236 = arith.constant 0 : i32
        %dma_wait3A_237 = tpu.memref_slice %arg5[%add3A_235, %dma_wait3A_236] : memref<80x128xi32, #tpu.memory_space<vmem>> -> memref<1x128xi32, #tpu.memory_space<vmem>>
        %dma_wait3A_238 = tpu.memref_squeeze %dma_wait3A_237 : memref<1x128xi32, #tpu.memory_space<vmem>> -> memref<128xi32, #tpu.memory_space<vmem>>
        %dma_wait3A_239 = arith.constant 0 : i32
        %dma_wait3A_240 = arith.constant 0 : i32
        %dma_wait3A_241 = tpu.memref_slice %arg2[%dma_wait3A_239, %dma_wait3A_240] : memref<10000x64xf32, #tpu.memory_space<hbm>> -> memref<10000x64xf32, #tpu.memory_space<hbm>>
        tpu.wait_indirect_dma semaphore(%arg20 : memref<!tpu.dma_semaphore, #tpu.memory_space<semaphore_mem>>) src(%dma_wait3A_241 : memref<10000x64xf32, #tpu.memory_space<hbm>>) dst(%arg11 : memref<128x64xf32, #tpu.memory_space<vmem>>)
        %dma_start3A_242 = arith.constant 0 : i32
        %dma_start3A_243 = tpu.memref_slice %arg6[%add3A_235, %dma_start3A_242] : memref<80x128xi32, #tpu.memory_space<vmem>> -> memref<1x128xi32, #tpu.memory_space<vmem>>
        %dma_start3A_244 = tpu.memref_squeeze %dma_start3A_243 : memref<1x128xi32, #tpu.memory_space<vmem>> -> memref<128xi32, #tpu.memory_space<vmem>>
        %dma_start3A_245 = arith.constant 0 : i32
        %dma_start3A_246 = arith.constant 0 : i32
        %dma_start3A_247 = tpu.memref_slice %arg15[%dma_start3A_245, %dma_start3A_246] : memref<10240x64xf32, #tpu.memory_space<vmem_shared>> -> memref<10240x64xf32, #tpu.memory_space<vmem_shared>>
        tpu.enqueue_indirect_dma source(%arg11 : memref<128x64xf32, #tpu.memory_space<vmem>>) target(%dma_start3A_247 : memref<10240x64xf32, #tpu.memory_space<vmem_shared>>) offsets(%dma_start3A_244 : memref<128xi32, #tpu.memory_space<vmem>>) semaphore(%arg28 : memref<!tpu.dma_semaphore, #tpu.memory_space<semaphore_mem>>) {add = true}
        %add3A_248 = arith.constant 8 : i32
        %add3A_249 = arith.addi %add3A_150, %add3A_248 : i32
        %lt3A_250 = arith.constant 80 : i32
        %lt3A_251 = arith.cmpi slt, %add3A_249, %lt3A_250 : i32
        %convert_element_type3A_252 = arith.extui %lt3A_251 : i1 to i32
        %cond3A_253 = arith.constant 0 : i32
        %cond3A_254 = arith.cmpi ne, %convert_element_type3A_252, %cond3A_253 : i32
        scf.if %cond3A_254 {
          %dma_wait3A_318 = arith.constant 0 : i32
          %dma_wait3A_319 = tpu.memref_slice %arg6[%add3A_235, %dma_wait3A_318] : memref<80x128xi32, #tpu.memory_space<vmem>> -> memref<1x128xi32, #tpu.memory_space<vmem>>
          %dma_wait3A_320 = tpu.memref_squeeze %dma_wait3A_319 : memref<1x128xi32, #tpu.memory_space<vmem>> -> memref<128xi32, #tpu.memory_space<vmem>>
          %dma_wait3A_321 = arith.constant 0 : i32
          %dma_wait3A_322 = arith.constant 0 : i32
          %dma_wait3A_323 = tpu.memref_slice %arg15[%dma_wait3A_321, %dma_wait3A_322] : memref<10240x64xf32, #tpu.memory_space<vmem_shared>> -> memref<10240x64xf32, #tpu.memory_space<vmem_shared>>
          tpu.wait_indirect_dma semaphore(%arg28 : memref<!tpu.dma_semaphore, #tpu.memory_space<semaphore_mem>>) src(%arg11 : memref<128x64xf32, #tpu.memory_space<vmem>>) dst(%dma_wait3A_323 : memref<10240x64xf32, #tpu.memory_space<vmem_shared>>)
          %add3A_324 = arith.constant 8 : i32
          %add3A_325 = arith.addi %add3A_235, %add3A_324 : i32
          %dma_start3A_326 = arith.constant 0 : i32
          %dma_start3A_327 = tpu.memref_slice %arg5[%add3A_325, %dma_start3A_326] : memref<80x128xi32, #tpu.memory_space<vmem>> -> memref<1x128xi32, #tpu.memory_space<vmem>>
          %dma_start3A_328 = tpu.memref_squeeze %dma_start3A_327 : memref<1x128xi32, #tpu.memory_space<vmem>> -> memref<128xi32, #tpu.memory_space<vmem>>
          %dma_start3A_329 = arith.constant 0 : i32
          %dma_start3A_330 = arith.constant 0 : i32
          %dma_start3A_331 = tpu.memref_slice %arg2[%dma_start3A_329, %dma_start3A_330] : memref<10000x64xf32, #tpu.memory_space<hbm>> -> memref<10000x64xf32, #tpu.memory_space<hbm>>
          tpu.enqueue_indirect_dma source(%dma_start3A_331 : memref<10000x64xf32, #tpu.memory_space<hbm>>) target(%arg11 : memref<128x64xf32, #tpu.memory_space<vmem>>) offsets(%dma_start3A_328 : memref<128xi32, #tpu.memory_space<vmem>>) semaphore(%arg20 : memref<!tpu.dma_semaphore, #tpu.memory_space<semaphore_mem>>)
        } else {
        }
        %add3A_255 = arith.constant 5 : i32
        %add3A_256 = arith.addi %add3A_150, %add3A_255 : i32
        %dma_wait3A_257 = arith.constant 0 : i32
        %dma_wait3A_258 = tpu.memref_slice %arg5[%add3A_256, %dma_wait3A_257] : memref<80x128xi32, #tpu.memory_space<vmem>> -> memref<1x128xi32, #tpu.memory_space<vmem>>
        %dma_wait3A_259 = tpu.memref_squeeze %dma_wait3A_258 : memref<1x128xi32, #tpu.memory_space<vmem>> -> memref<128xi32, #tpu.memory_space<vmem>>
        %dma_wait3A_260 = arith.constant 0 : i32
        %dma_wait3A_261 = arith.constant 0 : i32
        %dma_wait3A_262 = tpu.memref_slice %arg2[%dma_wait3A_260, %dma_wait3A_261] : memref<10000x64xf32, #tpu.memory_space<hbm>> -> memref<10000x64xf32, #tpu.memory_space<hbm>>
        tpu.wait_indirect_dma semaphore(%arg21 : memref<!tpu.dma_semaphore, #tpu.memory_space<semaphore_mem>>) src(%dma_wait3A_262 : memref<10000x64xf32, #tpu.memory_space<hbm>>) dst(%arg12 : memref<128x64xf32, #tpu.memory_space<vmem>>)
        %dma_start3A_263 = arith.constant 0 : i32
        %dma_start3A_264 = tpu.memref_slice %arg6[%add3A_256, %dma_start3A_263] : memref<80x128xi32, #tpu.memory_space<vmem>> -> memref<1x128xi32, #tpu.memory_space<vmem>>
        %dma_start3A_265 = tpu.memref_squeeze %dma_start3A_264 : memref<1x128xi32, #tpu.memory_space<vmem>> -> memref<128xi32, #tpu.memory_space<vmem>>
        %dma_start3A_266 = arith.constant 0 : i32
        %dma_start3A_267 = arith.constant 0 : i32
        %dma_start3A_268 = tpu.memref_slice %arg15[%dma_start3A_266, %dma_start3A_267] : memref<10240x64xf32, #tpu.memory_space<vmem_shared>> -> memref<10240x64xf32, #tpu.memory_space<vmem_shared>>
        tpu.enqueue_indirect_dma source(%arg12 : memref<128x64xf32, #tpu.memory_space<vmem>>) target(%dma_start3A_268 : memref<10240x64xf32, #tpu.memory_space<vmem_shared>>) offsets(%dma_start3A_265 : memref<128xi32, #tpu.memory_space<vmem>>) semaphore(%arg29 : memref<!tpu.dma_semaphore, #tpu.memory_space<semaphore_mem>>) {add = true}
        %add3A_269 = arith.constant 8 : i32
        %add3A_270 = arith.addi %add3A_150, %add3A_269 : i32
        %lt3A_271 = arith.constant 80 : i32
        %lt3A_272 = arith.cmpi slt, %add3A_270, %lt3A_271 : i32
        %convert_element_type3A_273 = arith.extui %lt3A_272 : i1 to i32
        %cond3A_274 = arith.constant 0 : i32
        %cond3A_275 = arith.cmpi ne, %convert_element_type3A_273, %cond3A_274 : i32
        scf.if %cond3A_275 {
          %dma_wait3A_318 = arith.constant 0 : i32
          %dma_wait3A_319 = tpu.memref_slice %arg6[%add3A_256, %dma_wait3A_318] : memref<80x128xi32, #tpu.memory_space<vmem>> -> memref<1x128xi32, #tpu.memory_space<vmem>>
          %dma_wait3A_320 = tpu.memref_squeeze %dma_wait3A_319 : memref<1x128xi32, #tpu.memory_space<vmem>> -> memref<128xi32, #tpu.memory_space<vmem>>
          %dma_wait3A_321 = arith.constant 0 : i32
          %dma_wait3A_322 = arith.constant 0 : i32
          %dma_wait3A_323 = tpu.memref_slice %arg15[%dma_wait3A_321, %dma_wait3A_322] : memref<10240x64xf32, #tpu.memory_space<vmem_shared>> -> memref<10240x64xf32, #tpu.memory_space<vmem_shared>>
          tpu.wait_indirect_dma semaphore(%arg29 : memref<!tpu.dma_semaphore, #tpu.memory_space<semaphore_mem>>) src(%arg12 : memref<128x64xf32, #tpu.memory_space<vmem>>) dst(%dma_wait3A_323 : memref<10240x64xf32, #tpu.memory_space<vmem_shared>>)
          %add3A_324 = arith.constant 8 : i32
          %add3A_325 = arith.addi %add3A_256, %add3A_324 : i32
          %dma_start3A_326 = arith.constant 0 : i32
          %dma_start3A_327 = tpu.memref_slice %arg5[%add3A_325, %dma_start3A_326] : memref<80x128xi32, #tpu.memory_space<vmem>> -> memref<1x128xi32, #tpu.memory_space<vmem>>
          %dma_start3A_328 = tpu.memref_squeeze %dma_start3A_327 : memref<1x128xi32, #tpu.memory_space<vmem>> -> memref<128xi32, #tpu.memory_space<vmem>>
          %dma_start3A_329 = arith.constant 0 : i32
          %dma_start3A_330 = arith.constant 0 : i32
          %dma_start3A_331 = tpu.memref_slice %arg2[%dma_start3A_329, %dma_start3A_330] : memref<10000x64xf32, #tpu.memory_space<hbm>> -> memref<10000x64xf32, #tpu.memory_space<hbm>>
          tpu.enqueue_indirect_dma source(%dma_start3A_331 : memref<10000x64xf32, #tpu.memory_space<hbm>>) target(%arg12 : memref<128x64xf32, #tpu.memory_space<vmem>>) offsets(%dma_start3A_328 : memref<128xi32, #tpu.memory_space<vmem>>) semaphore(%arg21 : memref<!tpu.dma_semaphore, #tpu.memory_space<semaphore_mem>>)
        } else {
        }
        %add3A_276 = arith.constant 6 : i32
        %add3A_277 = arith.addi %add3A_150, %add3A_276 : i32
        %dma_wait3A_278 = arith.constant 0 : i32
        %dma_wait3A_279 = tpu.memref_slice %arg5[%add3A_277, %dma_wait3A_278] : memref<80x128xi32, #tpu.memory_space<vmem>> -> memref<1x128xi32, #tpu.memory_space<vmem>>
        %dma_wait3A_280 = tpu.memref_squeeze %dma_wait3A_279 : memref<1x128xi32, #tpu.memory_space<vmem>> -> memref<128xi32, #tpu.memory_space<vmem>>
        %dma_wait3A_281 = arith.constant 0 : i32
        %dma_wait3A_282 = arith.constant 0 : i32
        %dma_wait3A_283 = tpu.memref_slice %arg2[%dma_wait3A_281, %dma_wait3A_282] : memref<10000x64xf32, #tpu.memory_space<hbm>> -> memref<10000x64xf32, #tpu.memory_space<hbm>>
        tpu.wait_indirect_dma semaphore(%arg22 : memref<!tpu.dma_semaphore, #tpu.memory_space<semaphore_mem>>) src(%dma_wait3A_283 : memref<10000x64xf32, #tpu.memory_space<hbm>>) dst(%arg13 : memref<128x64xf32, #tpu.memory_space<vmem>>)
        %dma_start3A_284 = arith.constant 0 : i32
        %dma_start3A_285 = tpu.memref_slice %arg6[%add3A_277, %dma_start3A_284] : memref<80x128xi32, #tpu.memory_space<vmem>> -> memref<1x128xi32, #tpu.memory_space<vmem>>
        %dma_start3A_286 = tpu.memref_squeeze %dma_start3A_285 : memref<1x128xi32, #tpu.memory_space<vmem>> -> memref<128xi32, #tpu.memory_space<vmem>>
        %dma_start3A_287 = arith.constant 0 : i32
        %dma_start3A_288 = arith.constant 0 : i32
        %dma_start3A_289 = tpu.memref_slice %arg15[%dma_start3A_287, %dma_start3A_288] : memref<10240x64xf32, #tpu.memory_space<vmem_shared>> -> memref<10240x64xf32, #tpu.memory_space<vmem_shared>>
        tpu.enqueue_indirect_dma source(%arg13 : memref<128x64xf32, #tpu.memory_space<vmem>>) target(%dma_start3A_289 : memref<10240x64xf32, #tpu.memory_space<vmem_shared>>) offsets(%dma_start3A_286 : memref<128xi32, #tpu.memory_space<vmem>>) semaphore(%arg30 : memref<!tpu.dma_semaphore, #tpu.memory_space<semaphore_mem>>) {add = true}
        %add3A_290 = arith.constant 8 : i32
        %add3A_291 = arith.addi %add3A_150, %add3A_290 : i32
        %lt3A_292 = arith.constant 80 : i32
        %lt3A_293 = arith.cmpi slt, %add3A_291, %lt3A_292 : i32
        %convert_element_type3A_294 = arith.extui %lt3A_293 : i1 to i32
        %cond3A_295 = arith.constant 0 : i32
        %cond3A_296 = arith.cmpi ne, %convert_element_type3A_294, %cond3A_295 : i32
        scf.if %cond3A_296 {
          %dma_wait3A_318 = arith.constant 0 : i32
          %dma_wait3A_319 = tpu.memref_slice %arg6[%add3A_277, %dma_wait3A_318] : memref<80x128xi32, #tpu.memory_space<vmem>> -> memref<1x128xi32, #tpu.memory_space<vmem>>
          %dma_wait3A_320 = tpu.memref_squeeze %dma_wait3A_319 : memref<1x128xi32, #tpu.memory_space<vmem>> -> memref<128xi32, #tpu.memory_space<vmem>>
          %dma_wait3A_321 = arith.constant 0 : i32
          %dma_wait3A_322 = arith.constant 0 : i32
          %dma_wait3A_323 = tpu.memref_slice %arg15[%dma_wait3A_321, %dma_wait3A_322] : memref<10240x64xf32, #tpu.memory_space<vmem_shared>> -> memref<10240x64xf32, #tpu.memory_space<vmem_shared>>
          tpu.wait_indirect_dma semaphore(%arg30 : memref<!tpu.dma_semaphore, #tpu.memory_space<semaphore_mem>>) src(%arg13 : memref<128x64xf32, #tpu.memory_space<vmem>>) dst(%dma_wait3A_323 : memref<10240x64xf32, #tpu.memory_space<vmem_shared>>)
          %add3A_324 = arith.constant 8 : i32
          %add3A_325 = arith.addi %add3A_277, %add3A_324 : i32
          %dma_start3A_326 = arith.constant 0 : i32
          %dma_start3A_327 = tpu.memref_slice %arg5[%add3A_325, %dma_start3A_326] : memref<80x128xi32, #tpu.memory_space<vmem>> -> memref<1x128xi32, #tpu.memory_space<vmem>>
          %dma_start3A_328 = tpu.memref_squeeze %dma_start3A_327 : memref<1x128xi32, #tpu.memory_space<vmem>> -> memref<128xi32, #tpu.memory_space<vmem>>
          %dma_start3A_329 = arith.constant 0 : i32
          %dma_start3A_330 = arith.constant 0 : i32
          %dma_start3A_331 = tpu.memref_slice %arg2[%dma_start3A_329, %dma_start3A_330] : memref<10000x64xf32, #tpu.memory_space<hbm>> -> memref<10000x64xf32, #tpu.memory_space<hbm>>
          tpu.enqueue_indirect_dma source(%dma_start3A_331 : memref<10000x64xf32, #tpu.memory_space<hbm>>) target(%arg13 : memref<128x64xf32, #tpu.memory_space<vmem>>) offsets(%dma_start3A_328 : memref<128xi32, #tpu.memory_space<vmem>>) semaphore(%arg22 : memref<!tpu.dma_semaphore, #tpu.memory_space<semaphore_mem>>)
        } else {
        }
        %add3A_297 = arith.constant 7 : i32
        %add3A_298 = arith.addi %add3A_150, %add3A_297 : i32
        %dma_wait3A_299 = arith.constant 0 : i32
        %dma_wait3A_300 = tpu.memref_slice %arg5[%add3A_298, %dma_wait3A_299] : memref<80x128xi32, #tpu.memory_space<vmem>> -> memref<1x128xi32, #tpu.memory_space<vmem>>
        %dma_wait3A_301 = tpu.memref_squeeze %dma_wait3A_300 : memref<1x128xi32, #tpu.memory_space<vmem>> -> memref<128xi32, #tpu.memory_space<vmem>>
        %dma_wait3A_302 = arith.constant 0 : i32
        %dma_wait3A_303 = arith.constant 0 : i32
        %dma_wait3A_304 = tpu.memref_slice %arg2[%dma_wait3A_302, %dma_wait3A_303] : memref<10000x64xf32, #tpu.memory_space<hbm>> -> memref<10000x64xf32, #tpu.memory_space<hbm>>
        tpu.wait_indirect_dma semaphore(%arg23 : memref<!tpu.dma_semaphore, #tpu.memory_space<semaphore_mem>>) src(%dma_wait3A_304 : memref<10000x64xf32, #tpu.memory_space<hbm>>) dst(%arg14 : memref<128x64xf32, #tpu.memory_space<vmem>>)
        %dma_start3A_305 = arith.constant 0 : i32
        %dma_start3A_306 = tpu.memref_slice %arg6[%add3A_298, %dma_start3A_305] : memref<80x128xi32, #tpu.memory_space<vmem>> -> memref<1x128xi32, #tpu.memory_space<vmem>>
        %dma_start3A_307 = tpu.memref_squeeze %dma_start3A_306 : memref<1x128xi32, #tpu.memory_space<vmem>> -> memref<128xi32, #tpu.memory_space<vmem>>
        %dma_start3A_308 = arith.constant 0 : i32
        %dma_start3A_309 = arith.constant 0 : i32
        %dma_start3A_310 = tpu.memref_slice %arg15[%dma_start3A_308, %dma_start3A_309] : memref<10240x64xf32, #tpu.memory_space<vmem_shared>> -> memref<10240x64xf32, #tpu.memory_space<vmem_shared>>
        tpu.enqueue_indirect_dma source(%arg14 : memref<128x64xf32, #tpu.memory_space<vmem>>) target(%dma_start3A_310 : memref<10240x64xf32, #tpu.memory_space<vmem_shared>>) offsets(%dma_start3A_307 : memref<128xi32, #tpu.memory_space<vmem>>) semaphore(%arg31 : memref<!tpu.dma_semaphore, #tpu.memory_space<semaphore_mem>>) {add = true}
        %add3A_311 = arith.constant 8 : i32
        %add3A_312 = arith.addi %add3A_150, %add3A_311 : i32
        %lt3A_313 = arith.constant 80 : i32
        %lt3A_314 = arith.cmpi slt, %add3A_312, %lt3A_313 : i32
        %convert_element_type3A_315 = arith.extui %lt3A_314 : i1 to i32
        %cond3A_316 = arith.constant 0 : i32
        %cond3A_317 = arith.cmpi ne, %convert_element_type3A_315, %cond3A_316 : i32
        scf.if %cond3A_317 {
          %dma_wait3A_318 = arith.constant 0 : i32
          %dma_wait3A_319 = tpu.memref_slice %arg6[%add3A_298, %dma_wait3A_318] : memref<80x128xi32, #tpu.memory_space<vmem>> -> memref<1x128xi32, #tpu.memory_space<vmem>>
          %dma_wait3A_320 = tpu.memref_squeeze %dma_wait3A_319 : memref<1x128xi32, #tpu.memory_space<vmem>> -> memref<128xi32, #tpu.memory_space<vmem>>
          %dma_wait3A_321 = arith.constant 0 : i32
          %dma_wait3A_322 = arith.constant 0 : i32
          %dma_wait3A_323 = tpu.memref_slice %arg15[%dma_wait3A_321, %dma_wait3A_322] : memref<10240x64xf32, #tpu.memory_space<vmem_shared>> -> memref<10240x64xf32, #tpu.memory_space<vmem_shared>>
          tpu.wait_indirect_dma semaphore(%arg31 : memref<!tpu.dma_semaphore, #tpu.memory_space<semaphore_mem>>) src(%arg14 : memref<128x64xf32, #tpu.memory_space<vmem>>) dst(%dma_wait3A_323 : memref<10240x64xf32, #tpu.memory_space<vmem_shared>>)
          %add3A_324 = arith.constant 8 : i32
          %add3A_325 = arith.addi %add3A_298, %add3A_324 : i32
          %dma_start3A_326 = arith.constant 0 : i32
          %dma_start3A_327 = tpu.memref_slice %arg5[%add3A_325, %dma_start3A_326] : memref<80x128xi32, #tpu.memory_space<vmem>> -> memref<1x128xi32, #tpu.memory_space<vmem>>
          %dma_start3A_328 = tpu.memref_squeeze %dma_start3A_327 : memref<1x128xi32, #tpu.memory_space<vmem>> -> memref<128xi32, #tpu.memory_space<vmem>>
          %dma_start3A_329 = arith.constant 0 : i32
          %dma_start3A_330 = arith.constant 0 : i32
          %dma_start3A_331 = tpu.memref_slice %arg2[%dma_start3A_329, %dma_start3A_330] : memref<10000x64xf32, #tpu.memory_space<hbm>> -> memref<10000x64xf32, #tpu.memory_space<hbm>>
          tpu.enqueue_indirect_dma source(%dma_start3A_331 : memref<10000x64xf32, #tpu.memory_space<hbm>>) target(%arg14 : memref<128x64xf32, #tpu.memory_space<vmem>>) offsets(%dma_start3A_328 : memref<128xi32, #tpu.memory_space<vmem>>) semaphore(%arg23 : memref<!tpu.dma_semaphore, #tpu.memory_space<semaphore_mem>>)
        } else {
        }
      }
      %scan3A_90 = arith.constant 10 : i32
      %dma_wait3A = arith.constant 72 : i32
      %dma_wait3A_91 = arith.constant 0 : i32
      %dma_wait3A_92 = tpu.memref_slice %arg6[%dma_wait3A, %dma_wait3A_91] : memref<80x128xi32, #tpu.memory_space<vmem>> -> memref<1x128xi32, #tpu.memory_space<vmem>>
      %dma_wait3A_93 = tpu.memref_squeeze %dma_wait3A_92 : memref<1x128xi32, #tpu.memory_space<vmem>> -> memref<128xi32, #tpu.memory_space<vmem>>
      %dma_wait3A_94 = arith.constant 0 : i32
      %dma_wait3A_95 = arith.constant 0 : i32
      %dma_wait3A_96 = tpu.memref_slice %arg15[%dma_wait3A_94, %dma_wait3A_95] : memref<10240x64xf32, #tpu.memory_space<vmem_shared>> -> memref<10240x64xf32, #tpu.memory_space<vmem_shared>>
      tpu.wait_indirect_dma semaphore(%arg24 : memref<!tpu.dma_semaphore, #tpu.memory_space<semaphore_mem>>) src(%arg7 : memref<128x64xf32, #tpu.memory_space<vmem>>) dst(%dma_wait3A_96 : memref<10240x64xf32, #tpu.memory_space<vmem_shared>>)
      %dma_wait3A_97 = arith.constant 73 : i32
      %dma_wait3A_98 = arith.constant 0 : i32
      %dma_wait3A_99 = tpu.memref_slice %arg6[%dma_wait3A_97, %dma_wait3A_98] : memref<80x128xi32, #tpu.memory_space<vmem>> -> memref<1x128xi32, #tpu.memory_space<vmem>>
      %dma_wait3A_100 = tpu.memref_squeeze %dma_wait3A_99 : memref<1x128xi32, #tpu.memory_space<vmem>> -> memref<128xi32, #tpu.memory_space<vmem>>
      %dma_wait3A_101 = arith.constant 0 : i32
      %dma_wait3A_102 = arith.constant 0 : i32
      %dma_wait3A_103 = tpu.memref_slice %arg15[%dma_wait3A_101, %dma_wait3A_102] : memref<10240x64xf32, #tpu.memory_space<vmem_shared>> -> memref<10240x64xf32, #tpu.memory_space<vmem_shared>>
      tpu.wait_indirect_dma semaphore(%arg25 : memref<!tpu.dma_semaphore, #tpu.memory_space<semaphore_mem>>) src(%arg8 : memref<128x64xf32, #tpu.memory_space<vmem>>) dst(%dma_wait3A_103 : memref<10240x64xf32, #tpu.memory_space<vmem_shared>>)
      %dma_wait3A_104 = arith.constant 74 : i32
      %dma_wait3A_105 = arith.constant 0 : i32
      %dma_wait3A_106 = tpu.memref_slice %arg6[%dma_wait3A_104, %dma_wait3A_105] : memref<80x128xi32, #tpu.memory_space<vmem>> -> memref<1x128xi32, #tpu.memory_space<vmem>>
      %dma_wait3A_107 = tpu.memref_squeeze %dma_wait3A_106 : memref<1x128xi32, #tpu.memory_space<vmem>> -> memref<128xi32, #tpu.memory_space<vmem>>
      %dma_wait3A_108 = arith.constant 0 : i32
      %dma_wait3A_109 = arith.constant 0 : i32
      %dma_wait3A_110 = tpu.memref_slice %arg15[%dma_wait3A_108, %dma_wait3A_109] : memref<10240x64xf32, #tpu.memory_space<vmem_shared>> -> memref<10240x64xf32, #tpu.memory_space<vmem_shared>>
      tpu.wait_indirect_dma semaphore(%arg26 : memref<!tpu.dma_semaphore, #tpu.memory_space<semaphore_mem>>) src(%arg9 : memref<128x64xf32, #tpu.memory_space<vmem>>) dst(%dma_wait3A_110 : memref<10240x64xf32, #tpu.memory_space<vmem_shared>>)
      %dma_wait3A_111 = arith.constant 75 : i32
      %dma_wait3A_112 = arith.constant 0 : i32
      %dma_wait3A_113 = tpu.memref_slice %arg6[%dma_wait3A_111, %dma_wait3A_112] : memref<80x128xi32, #tpu.memory_space<vmem>> -> memref<1x128xi32, #tpu.memory_space<vmem>>
      %dma_wait3A_114 = tpu.memref_squeeze %dma_wait3A_113 : memref<1x128xi32, #tpu.memory_space<vmem>> -> memref<128xi32, #tpu.memory_space<vmem>>
      %dma_wait3A_115 = arith.constant 0 : i32
      %dma_wait3A_116 = arith.constant 0 : i32
      %dma_wait3A_117 = tpu.memref_slice %arg15[%dma_wait3A_115, %dma_wait3A_116] : memref<10240x64xf32, #tpu.memory_space<vmem_shared>> -> memref<10240x64xf32, #tpu.memory_space<vmem_shared>>
      tpu.wait_indirect_dma semaphore(%arg27 : memref<!tpu.dma_semaphore, #tpu.memory_space<semaphore_mem>>) src(%arg10 : memref<128x64xf32, #tpu.memory_space<vmem>>) dst(%dma_wait3A_117 : memref<10240x64xf32, #tpu.memory_space<vmem_shared>>)
      %dma_wait3A_118 = arith.constant 76 : i32
      %dma_wait3A_119 = arith.constant 0 : i32
      %dma_wait3A_120 = tpu.memref_slice %arg6[%dma_wait3A_118, %dma_wait3A_119] : memref<80x128xi32, #tpu.memory_space<vmem>> -> memref<1x128xi32, #tpu.memory_space<vmem>>
      %dma_wait3A_121 = tpu.memref_squeeze %dma_wait3A_120 : memref<1x128xi32, #tpu.memory_space<vmem>> -> memref<128xi32, #tpu.memory_space<vmem>>
      %dma_wait3A_122 = arith.constant 0 : i32
      %dma_wait3A_123 = arith.constant 0 : i32
      %dma_wait3A_124 = tpu.memref_slice %arg15[%dma_wait3A_122, %dma_wait3A_123] : memref<10240x64xf32, #tpu.memory_space<vmem_shared>> -> memref<10240x64xf32, #tpu.memory_space<vmem_shared>>
      tpu.wait_indirect_dma semaphore(%arg28 : memref<!tpu.dma_semaphore, #tpu.memory_space<semaphore_mem>>) src(%arg11 : memref<128x64xf32, #tpu.memory_space<vmem>>) dst(%dma_wait3A_124 : memref<10240x64xf32, #tpu.memory_space<vmem_shared>>)
      %dma_wait3A_125 = arith.constant 77 : i32
      %dma_wait3A_126 = arith.constant 0 : i32
      %dma_wait3A_127 = tpu.memref_slice %arg6[%dma_wait3A_125, %dma_wait3A_126] : memref<80x128xi32, #tpu.memory_space<vmem>> -> memref<1x128xi32, #tpu.memory_space<vmem>>
      %dma_wait3A_128 = tpu.memref_squeeze %dma_wait3A_127 : memref<1x128xi32, #tpu.memory_space<vmem>> -> memref<128xi32, #tpu.memory_space<vmem>>
      %dma_wait3A_129 = arith.constant 0 : i32
      %dma_wait3A_130 = arith.constant 0 : i32
      %dma_wait3A_131 = tpu.memref_slice %arg15[%dma_wait3A_129, %dma_wait3A_130] : memref<10240x64xf32, #tpu.memory_space<vmem_shared>> -> memref<10240x64xf32, #tpu.memory_space<vmem_shared>>
      tpu.wait_indirect_dma semaphore(%arg29 : memref<!tpu.dma_semaphore, #tpu.memory_space<semaphore_mem>>) src(%arg12 : memref<128x64xf32, #tpu.memory_space<vmem>>) dst(%dma_wait3A_131 : memref<10240x64xf32, #tpu.memory_space<vmem_shared>>)
      %dma_wait3A_132 = arith.constant 78 : i32
      %dma_wait3A_133 = arith.constant 0 : i32
      %dma_wait3A_134 = tpu.memref_slice %arg6[%dma_wait3A_132, %dma_wait3A_133] : memref<80x128xi32, #tpu.memory_space<vmem>> -> memref<1x128xi32, #tpu.memory_space<vmem>>
      %dma_wait3A_135 = tpu.memref_squeeze %dma_wait3A_134 : memref<1x128xi32, #tpu.memory_space<vmem>> -> memref<128xi32, #tpu.memory_space<vmem>>
      %dma_wait3A_136 = arith.constant 0 : i32
      %dma_wait3A_137 = arith.constant 0 : i32
      %dma_wait3A_138 = tpu.memref_slice %arg15[%dma_wait3A_136, %dma_wait3A_137] : memref<10240x64xf32, #tpu.memory_space<vmem_shared>> -> memref<10240x64xf32, #tpu.memory_space<vmem_shared>>
      tpu.wait_indirect_dma semaphore(%arg30 : memref<!tpu.dma_semaphore, #tpu.memory_space<semaphore_mem>>) src(%arg13 : memref<128x64xf32, #tpu.memory_space<vmem>>) dst(%dma_wait3A_138 : memref<10240x64xf32, #tpu.memory_space<vmem_shared>>)
      %dma_wait3A_139 = arith.constant 79 : i32
      %dma_wait3A_140 = arith.constant 0 : i32
      %dma_wait3A_141 = tpu.memref_slice %arg6[%dma_wait3A_139, %dma_wait3A_140] : memref<80x128xi32, #tpu.memory_space<vmem>> -> memref<1x128xi32, #tpu.memory_space<vmem>>
      %dma_wait3A_142 = tpu.memref_squeeze %dma_wait3A_141 : memref<1x128xi32, #tpu.memory_space<vmem>> -> memref<128xi32, #tpu.memory_space<vmem>>
      %dma_wait3A_143 = arith.constant 0 : i32
      %dma_wait3A_144 = arith.constant 0 : i32
      %dma_wait3A_145 = tpu.memref_slice %arg15[%dma_wait3A_143, %dma_wait3A_144] : memref<10240x64xf32, #tpu.memory_space<vmem_shared>> -> memref<10240x64xf32, #tpu.memory_space<vmem_shared>>
      tpu.wait_indirect_dma semaphore(%arg31 : memref<!tpu.dma_semaphore, #tpu.memory_space<semaphore_mem>>) src(%arg14 : memref<128x64xf32, #tpu.memory_space<vmem>>) dst(%dma_wait3A_145 : memref<10240x64xf32, #tpu.memory_space<vmem_shared>>)
    } else {
    }
    %eq3A_17 = arith.constant 1 : i32
    %eq3A_18 = arith.cmpi eq, %arg0, %eq3A_17 : i32
    %convert_element_type3A_19 = arith.extui %eq3A_18 : i1 to i32
    %cond3A_20 = arith.constant 0 : i32
    %cond3A_21 = arith.cmpi ne, %convert_element_type3A_19, %cond3A_20 : i32
    scf.if %cond3A_21 {
      %mul3A_27 = arith.constant 80 : i32
      %mul3A_28 = arith.muli %arg1, %mul3A_27 : i32
      %add3A_29 = arith.constant 1280 : i32
      %add3A_30 = arith.addi %add3A_29, %mul3A_28 : i32
      "tpu.region"() ({
        %run_scoped3A = tpu.sem_alloc : memref<!tpu.dma_semaphore, #tpu.memory_space<semaphore_mem>>
        %dma_start3A_148 = arith.constant 0 : i32
        %dma_start3A_149 = arith.constant 0 : i32
        %dma_start3A_150 = tpu.memref_slice %arg5[%dma_start3A_148, %dma_start3A_149] : memref<80x128xi32, #tpu.memory_space<vmem>> -> memref<80x128xi32, #tpu.memory_space<vmem>>
        %dma_start3A_151 = arith.constant 0 : i32
        %dma_start3A_152 = tpu.memref_slice %arg3[%add3A_30, %dma_start3A_151] : memref<5060x128xi32, #tpu.memory_space<hbm>> -> memref<80x128xi32, #tpu.memory_space<hbm>>
        %dma_start3A_153 = arith.constant 0 : i32
        %dma_start3A_154 = arith.constant 0 : i32
        %dma_start3A_155 = tpu.memref_slice %arg5[%dma_start3A_153, %dma_start3A_154] : memref<80x128xi32, #tpu.memory_space<vmem>> -> memref<80x128xi32, #tpu.memory_space<vmem>>
        %dma_start3A_156 = arith.constant 0 : i32
        %dma_start3A_157 = tpu.memref_slice %arg3[%add3A_30, %dma_start3A_156] : memref<5060x128xi32, #tpu.memory_space<hbm>> -> memref<80x128xi32, #tpu.memory_space<hbm>>
        tpu.enqueue_dma source(%dma_start3A_157 : memref<80x128xi32, #tpu.memory_space<hbm>>) target(%dma_start3A_155 : memref<80x128xi32, #tpu.memory_space<vmem>>) target_semaphore(%run_scoped3A : memref<!tpu.dma_semaphore, #tpu.memory_space<semaphore_mem>>)
        %dma_wait3A_158 = arith.constant 0 : i32
        %dma_wait3A_159 = arith.constant 0 : i32
        %dma_wait3A_160 = tpu.memref_slice %arg5[%dma_wait3A_158, %dma_wait3A_159] : memref<80x128xi32, #tpu.memory_space<vmem>> -> memref<80x128xi32, #tpu.memory_space<vmem>>
        %dma_wait3A_161 = arith.constant 0 : i32
        %dma_wait3A_162 = tpu.memref_slice %arg3[%add3A_30, %dma_wait3A_161] : memref<5060x128xi32, #tpu.memory_space<hbm>> -> memref<80x128xi32, #tpu.memory_space<hbm>>
        %dma_wait3A_163 = arith.constant 0 : i32
        %dma_wait3A_164 = arith.constant 0 : i32
        %dma_wait3A_165 = tpu.memref_slice %arg5[%dma_wait3A_163, %dma_wait3A_164] : memref<80x128xi32, #tpu.memory_space<vmem>> -> memref<80x128xi32, #tpu.memory_space<vmem>>
        %dma_wait3A_166 = arith.constant 0 : i32
        %dma_wait3A_167 = tpu.memref_slice %arg3[%add3A_30, %dma_wait3A_166] : memref<5060x128xi32, #tpu.memory_space<hbm>> -> memref<80x128xi32, #tpu.memory_space<hbm>>
        tpu.wait_dma2 semaphore(%run_scoped3A : memref<!tpu.dma_semaphore, #tpu.memory_space<semaphore_mem>>) src(%dma_wait3A_167 : memref<80x128xi32, #tpu.memory_space<hbm>>) dst(%dma_wait3A_165 : memref<80x128xi32, #tpu.memory_space<vmem>>)
        tpu.yield
      }) : () -> ()
      %add3A_31 = arith.constant 2500 : i32
      %add3A_32 = arith.addi %add3A_31, %add3A_30 : i32
      "tpu.region"() ({
        %run_scoped3A = tpu.sem_alloc : memref<!tpu.dma_semaphore, #tpu.memory_space<semaphore_mem>>
        %dma_start3A_148 = arith.constant 0 : i32
        %dma_start3A_149 = arith.constant 0 : i32
        %dma_start3A_150 = tpu.memref_slice %arg6[%dma_start3A_148, %dma_start3A_149] : memref<80x128xi32, #tpu.memory_space<vmem>> -> memref<80x128xi32, #tpu.memory_space<vmem>>
        %dma_start3A_151 = arith.constant 0 : i32
        %dma_start3A_152 = tpu.memref_slice %arg3[%add3A_32, %dma_start3A_151] : memref<5060x128xi32, #tpu.memory_space<hbm>> -> memref<80x128xi32, #tpu.memory_space<hbm>>
        %dma_start3A_153 = arith.constant 0 : i32
        %dma_start3A_154 = arith.constant 0 : i32
        %dma_start3A_155 = tpu.memref_slice %arg6[%dma_start3A_153, %dma_start3A_154] : memref<80x128xi32, #tpu.memory_space<vmem>> -> memref<80x128xi32, #tpu.memory_space<vmem>>
        %dma_start3A_156 = arith.constant 0 : i32
        %dma_start3A_157 = tpu.memref_slice %arg3[%add3A_32, %dma_start3A_156] : memref<5060x128xi32, #tpu.memory_space<hbm>> -> memref<80x128xi32, #tpu.memory_space<hbm>>
        tpu.enqueue_dma source(%dma_start3A_157 : memref<80x128xi32, #tpu.memory_space<hbm>>) target(%dma_start3A_155 : memref<80x128xi32, #tpu.memory_space<vmem>>) target_semaphore(%run_scoped3A : memref<!tpu.dma_semaphore, #tpu.memory_space<semaphore_mem>>)
        %dma_wait3A_158 = arith.constant 0 : i32
        %dma_wait3A_159 = arith.constant 0 : i32
        %dma_wait3A_160 = tpu.memref_slice %arg6[%dma_wait3A_158, %dma_wait3A_159] : memref<80x128xi32, #tpu.memory_space<vmem>> -> memref<80x128xi32, #tpu.memory_space<vmem>>
        %dma_wait3A_161 = arith.constant 0 : i32
        %dma_wait3A_162 = tpu.memref_slice %arg3[%add3A_32, %dma_wait3A_161] : memref<5060x128xi32, #tpu.memory_space<hbm>> -> memref<80x128xi32, #tpu.memory_space<hbm>>
        %dma_wait3A_163 = arith.constant 0 : i32
        %dma_wait3A_164 = arith.constant 0 : i32
        %dma_wait3A_165 = tpu.memref_slice %arg6[%dma_wait3A_163, %dma_wait3A_164] : memref<80x128xi32, #tpu.memory_space<vmem>> -> memref<80x128xi32, #tpu.memory_space<vmem>>
        %dma_wait3A_166 = arith.constant 0 : i32
        %dma_wait3A_167 = tpu.memref_slice %arg3[%add3A_32, %dma_wait3A_166] : memref<5060x128xi32, #tpu.memory_space<hbm>> -> memref<80x128xi32, #tpu.memory_space<hbm>>
        tpu.wait_dma2 semaphore(%run_scoped3A : memref<!tpu.dma_semaphore, #tpu.memory_space<semaphore_mem>>) src(%dma_wait3A_167 : memref<80x128xi32, #tpu.memory_space<hbm>>) dst(%dma_wait3A_165 : memref<80x128xi32, #tpu.memory_space<vmem>>)
        tpu.yield
      }) : () -> ()
      %dma_start3A = arith.constant 0 : i32
      %dma_start3A_33 = arith.constant 0 : i32
      %dma_start3A_34 = tpu.memref_slice %arg5[%dma_start3A, %dma_start3A_33] : memref<80x128xi32, #tpu.memory_space<vmem>> -> memref<1x128xi32, #tpu.memory_space<vmem>>
      %dma_start3A_35 = tpu.memref_squeeze %dma_start3A_34 : memref<1x128xi32, #tpu.memory_space<vmem>> -> memref<128xi32, #tpu.memory_space<vmem>>
      %dma_start3A_36 = arith.constant 0 : i32
      %dma_start3A_37 = arith.constant 0 : i32
      %dma_start3A_38 = tpu.memref_slice %arg2[%dma_start3A_36, %dma_start3A_37] : memref<10000x64xf32, #tpu.memory_space<hbm>> -> memref<10000x64xf32, #tpu.memory_space<hbm>>
      tpu.enqueue_indirect_dma source(%dma_start3A_38 : memref<10000x64xf32, #tpu.memory_space<hbm>>) target(%arg7 : memref<128x64xf32, #tpu.memory_space<vmem>>) offsets(%dma_start3A_35 : memref<128xi32, #tpu.memory_space<vmem>>) semaphore(%arg16 : memref<!tpu.dma_semaphore, #tpu.memory_space<semaphore_mem>>)
      %dma_start3A_39 = arith.constant 1 : i32
      %dma_start3A_40 = arith.constant 0 : i32
      %dma_start3A_41 = tpu.memref_slice %arg5[%dma_start3A_39, %dma_start3A_40] : memref<80x128xi32, #tpu.memory_space<vmem>> -> memref<1x128xi32, #tpu.memory_space<vmem>>
      %dma_start3A_42 = tpu.memref_squeeze %dma_start3A_41 : memref<1x128xi32, #tpu.memory_space<vmem>> -> memref<128xi32, #tpu.memory_space<vmem>>
      %dma_start3A_43 = arith.constant 0 : i32
      %dma_start3A_44 = arith.constant 0 : i32
      %dma_start3A_45 = tpu.memref_slice %arg2[%dma_start3A_43, %dma_start3A_44] : memref<10000x64xf32, #tpu.memory_space<hbm>> -> memref<10000x64xf32, #tpu.memory_space<hbm>>
      tpu.enqueue_indirect_dma source(%dma_start3A_45 : memref<10000x64xf32, #tpu.memory_space<hbm>>) target(%arg8 : memref<128x64xf32, #tpu.memory_space<vmem>>) offsets(%dma_start3A_42 : memref<128xi32, #tpu.memory_space<vmem>>) semaphore(%arg17 : memref<!tpu.dma_semaphore, #tpu.memory_space<semaphore_mem>>)
      %dma_start3A_46 = arith.constant 2 : i32
      %dma_start3A_47 = arith.constant 0 : i32
      %dma_start3A_48 = tpu.memref_slice %arg5[%dma_start3A_46, %dma_start3A_47] : memref<80x128xi32, #tpu.memory_space<vmem>> -> memref<1x128xi32, #tpu.memory_space<vmem>>
      %dma_start3A_49 = tpu.memref_squeeze %dma_start3A_48 : memref<1x128xi32, #tpu.memory_space<vmem>> -> memref<128xi32, #tpu.memory_space<vmem>>
      %dma_start3A_50 = arith.constant 0 : i32
      %dma_start3A_51 = arith.constant 0 : i32
      %dma_start3A_52 = tpu.memref_slice %arg2[%dma_start3A_50, %dma_start3A_51] : memref<10000x64xf32, #tpu.memory_space<hbm>> -> memref<10000x64xf32, #tpu.memory_space<hbm>>
      tpu.enqueue_indirect_dma source(%dma_start3A_52 : memref<10000x64xf32, #tpu.memory_space<hbm>>) target(%arg9 : memref<128x64xf32, #tpu.memory_space<vmem>>) offsets(%dma_start3A_49 : memref<128xi32, #tpu.memory_space<vmem>>) semaphore(%arg18 : memref<!tpu.dma_semaphore, #tpu.memory_space<semaphore_mem>>)
      %dma_start3A_53 = arith.constant 3 : i32
      %dma_start3A_54 = arith.constant 0 : i32
      %dma_start3A_55 = tpu.memref_slice %arg5[%dma_start3A_53, %dma_start3A_54] : memref<80x128xi32, #tpu.memory_space<vmem>> -> memref<1x128xi32, #tpu.memory_space<vmem>>
      %dma_start3A_56 = tpu.memref_squeeze %dma_start3A_55 : memref<1x128xi32, #tpu.memory_space<vmem>> -> memref<128xi32, #tpu.memory_space<vmem>>
      %dma_start3A_57 = arith.constant 0 : i32
      %dma_start3A_58 = arith.constant 0 : i32
      %dma_start3A_59 = tpu.memref_slice %arg2[%dma_start3A_57, %dma_start3A_58] : memref<10000x64xf32, #tpu.memory_space<hbm>> -> memref<10000x64xf32, #tpu.memory_space<hbm>>
      tpu.enqueue_indirect_dma source(%dma_start3A_59 : memref<10000x64xf32, #tpu.memory_space<hbm>>) target(%arg10 : memref<128x64xf32, #tpu.memory_space<vmem>>) offsets(%dma_start3A_56 : memref<128xi32, #tpu.memory_space<vmem>>) semaphore(%arg19 : memref<!tpu.dma_semaphore, #tpu.memory_space<semaphore_mem>>)
      %dma_start3A_60 = arith.constant 4 : i32
      %dma_start3A_61 = arith.constant 0 : i32
      %dma_start3A_62 = tpu.memref_slice %arg5[%dma_start3A_60, %dma_start3A_61] : memref<80x128xi32, #tpu.memory_space<vmem>> -> memref<1x128xi32, #tpu.memory_space<vmem>>
      %dma_start3A_63 = tpu.memref_squeeze %dma_start3A_62 : memref<1x128xi32, #tpu.memory_space<vmem>> -> memref<128xi32, #tpu.memory_space<vmem>>
      %dma_start3A_64 = arith.constant 0 : i32
      %dma_start3A_65 = arith.constant 0 : i32
      %dma_start3A_66 = tpu.memref_slice %arg2[%dma_start3A_64, %dma_start3A_65] : memref<10000x64xf32, #tpu.memory_space<hbm>> -> memref<10000x64xf32, #tpu.memory_space<hbm>>
      tpu.enqueue_indirect_dma source(%dma_start3A_66 : memref<10000x64xf32, #tpu.memory_space<hbm>>) target(%arg11 : memref<128x64xf32, #tpu.memory_space<vmem>>) offsets(%dma_start3A_63 : memref<128xi32, #tpu.memory_space<vmem>>) semaphore(%arg20 : memref<!tpu.dma_semaphore, #tpu.memory_space<semaphore_mem>>)
      %dma_start3A_67 = arith.constant 5 : i32
      %dma_start3A_68 = arith.constant 0 : i32
      %dma_start3A_69 = tpu.memref_slice %arg5[%dma_start3A_67, %dma_start3A_68] : memref<80x128xi32, #tpu.memory_space<vmem>> -> memref<1x128xi32, #tpu.memory_space<vmem>>
      %dma_start3A_70 = tpu.memref_squeeze %dma_start3A_69 : memref<1x128xi32, #tpu.memory_space<vmem>> -> memref<128xi32, #tpu.memory_space<vmem>>
      %dma_start3A_71 = arith.constant 0 : i32
      %dma_start3A_72 = arith.constant 0 : i32
      %dma_start3A_73 = tpu.memref_slice %arg2[%dma_start3A_71, %dma_start3A_72] : memref<10000x64xf32, #tpu.memory_space<hbm>> -> memref<10000x64xf32, #tpu.memory_space<hbm>>
      tpu.enqueue_indirect_dma source(%dma_start3A_73 : memref<10000x64xf32, #tpu.memory_space<hbm>>) target(%arg12 : memref<128x64xf32, #tpu.memory_space<vmem>>) offsets(%dma_start3A_70 : memref<128xi32, #tpu.memory_space<vmem>>) semaphore(%arg21 : memref<!tpu.dma_semaphore, #tpu.memory_space<semaphore_mem>>)
      %dma_start3A_74 = arith.constant 6 : i32
      %dma_start3A_75 = arith.constant 0 : i32
      %dma_start3A_76 = tpu.memref_slice %arg5[%dma_start3A_74, %dma_start3A_75] : memref<80x128xi32, #tpu.memory_space<vmem>> -> memref<1x128xi32, #tpu.memory_space<vmem>>
      %dma_start3A_77 = tpu.memref_squeeze %dma_start3A_76 : memref<1x128xi32, #tpu.memory_space<vmem>> -> memref<128xi32, #tpu.memory_space<vmem>>
      %dma_start3A_78 = arith.constant 0 : i32
      %dma_start3A_79 = arith.constant 0 : i32
      %dma_start3A_80 = tpu.memref_slice %arg2[%dma_start3A_78, %dma_start3A_79] : memref<10000x64xf32, #tpu.memory_space<hbm>> -> memref<10000x64xf32, #tpu.memory_space<hbm>>
      tpu.enqueue_indirect_dma source(%dma_start3A_80 : memref<10000x64xf32, #tpu.memory_space<hbm>>) target(%arg13 : memref<128x64xf32, #tpu.memory_space<vmem>>) offsets(%dma_start3A_77 : memref<128xi32, #tpu.memory_space<vmem>>) semaphore(%arg22 : memref<!tpu.dma_semaphore, #tpu.memory_space<semaphore_mem>>)
      %dma_start3A_81 = arith.constant 7 : i32
      %dma_start3A_82 = arith.constant 0 : i32
      %dma_start3A_83 = tpu.memref_slice %arg5[%dma_start3A_81, %dma_start3A_82] : memref<80x128xi32, #tpu.memory_space<vmem>> -> memref<1x128xi32, #tpu.memory_space<vmem>>
      %dma_start3A_84 = tpu.memref_squeeze %dma_start3A_83 : memref<1x128xi32, #tpu.memory_space<vmem>> -> memref<128xi32, #tpu.memory_space<vmem>>
      %dma_start3A_85 = arith.constant 0 : i32
      %dma_start3A_86 = arith.constant 0 : i32
      %dma_start3A_87 = tpu.memref_slice %arg2[%dma_start3A_85, %dma_start3A_86] : memref<10000x64xf32, #tpu.memory_space<hbm>> -> memref<10000x64xf32, #tpu.memory_space<hbm>>
      tpu.enqueue_indirect_dma source(%dma_start3A_87 : memref<10000x64xf32, #tpu.memory_space<hbm>>) target(%arg14 : memref<128x64xf32, #tpu.memory_space<vmem>>) offsets(%dma_start3A_84 : memref<128xi32, #tpu.memory_space<vmem>>) semaphore(%arg23 : memref<!tpu.dma_semaphore, #tpu.memory_space<semaphore_mem>>)
      %scan3A_88 = arith.constant 0 : i32
      %scan3A_89 = arith.constant 10 : i32
      %scan3A_90 = arith.addi %scan3A_88, %scan3A_89 : i32
      %scan3A_91 = arith.constant 1 : i32
      scf.for %scan3A_148 = %scan3A_88 to %scan3A_90 step %scan3A_91  : i32 {
        %mul3A_149 = arith.constant 8 : i32
        %mul3A_150 = arith.muli %scan3A_148, %mul3A_149 : i32
        %add3A_151 = arith.constant 0 : i32
        %add3A_152 = arith.addi %add3A_151, %mul3A_150 : i32
        %add3A_153 = arith.constant 0 : i32
        %add3A_154 = arith.addi %add3A_152, %add3A_153 : i32
        %dma_wait3A_155 = arith.constant 0 : i32
        %dma_wait3A_156 = tpu.memref_slice %arg5[%add3A_154, %dma_wait3A_155] : memref<80x128xi32, #tpu.memory_space<vmem>> -> memref<1x128xi32, #tpu.memory_space<vmem>>
        %dma_wait3A_157 = tpu.memref_squeeze %dma_wait3A_156 : memref<1x128xi32, #tpu.memory_space<vmem>> -> memref<128xi32, #tpu.memory_space<vmem>>
        %dma_wait3A_158 = arith.constant 0 : i32
        %dma_wait3A_159 = arith.constant 0 : i32
        %dma_wait3A_160 = tpu.memref_slice %arg2[%dma_wait3A_158, %dma_wait3A_159] : memref<10000x64xf32, #tpu.memory_space<hbm>> -> memref<10000x64xf32, #tpu.memory_space<hbm>>
        tpu.wait_indirect_dma semaphore(%arg16 : memref<!tpu.dma_semaphore, #tpu.memory_space<semaphore_mem>>) src(%dma_wait3A_160 : memref<10000x64xf32, #tpu.memory_space<hbm>>) dst(%arg7 : memref<128x64xf32, #tpu.memory_space<vmem>>)
        %dma_start3A_161 = arith.constant 0 : i32
        %dma_start3A_162 = tpu.memref_slice %arg6[%add3A_154, %dma_start3A_161] : memref<80x128xi32, #tpu.memory_space<vmem>> -> memref<1x128xi32, #tpu.memory_space<vmem>>
        %dma_start3A_163 = tpu.memref_squeeze %dma_start3A_162 : memref<1x128xi32, #tpu.memory_space<vmem>> -> memref<128xi32, #tpu.memory_space<vmem>>
        %dma_start3A_164 = arith.constant 0 : i32
        %dma_start3A_165 = arith.constant 0 : i32
        %dma_start3A_166 = tpu.memref_slice %arg15[%dma_start3A_164, %dma_start3A_165] : memref<10240x64xf32, #tpu.memory_space<vmem_shared>> -> memref<10240x64xf32, #tpu.memory_space<vmem_shared>>
        tpu.enqueue_indirect_dma source(%arg7 : memref<128x64xf32, #tpu.memory_space<vmem>>) target(%dma_start3A_166 : memref<10240x64xf32, #tpu.memory_space<vmem_shared>>) offsets(%dma_start3A_163 : memref<128xi32, #tpu.memory_space<vmem>>) semaphore(%arg24 : memref<!tpu.dma_semaphore, #tpu.memory_space<semaphore_mem>>) {add = true}
        %add3A_167 = arith.constant 8 : i32
        %add3A_168 = arith.addi %add3A_152, %add3A_167 : i32
        %lt3A = arith.constant 80 : i32
        %lt3A_169 = arith.cmpi slt, %add3A_168, %lt3A : i32
        %convert_element_type3A_170 = arith.extui %lt3A_169 : i1 to i32
        %cond3A_171 = arith.constant 0 : i32
        %cond3A_172 = arith.cmpi ne, %convert_element_type3A_170, %cond3A_171 : i32
        scf.if %cond3A_172 {
          %dma_wait3A_320 = arith.constant 0 : i32
          %dma_wait3A_321 = tpu.memref_slice %arg6[%add3A_154, %dma_wait3A_320] : memref<80x128xi32, #tpu.memory_space<vmem>> -> memref<1x128xi32, #tpu.memory_space<vmem>>
          %dma_wait3A_322 = tpu.memref_squeeze %dma_wait3A_321 : memref<1x128xi32, #tpu.memory_space<vmem>> -> memref<128xi32, #tpu.memory_space<vmem>>
          %dma_wait3A_323 = arith.constant 0 : i32
          %dma_wait3A_324 = arith.constant 0 : i32
          %dma_wait3A_325 = tpu.memref_slice %arg15[%dma_wait3A_323, %dma_wait3A_324] : memref<10240x64xf32, #tpu.memory_space<vmem_shared>> -> memref<10240x64xf32, #tpu.memory_space<vmem_shared>>
          tpu.wait_indirect_dma semaphore(%arg24 : memref<!tpu.dma_semaphore, #tpu.memory_space<semaphore_mem>>) src(%arg7 : memref<128x64xf32, #tpu.memory_space<vmem>>) dst(%dma_wait3A_325 : memref<10240x64xf32, #tpu.memory_space<vmem_shared>>)
          %add3A_326 = arith.constant 8 : i32
          %add3A_327 = arith.addi %add3A_154, %add3A_326 : i32
          %dma_start3A_328 = arith.constant 0 : i32
          %dma_start3A_329 = tpu.memref_slice %arg5[%add3A_327, %dma_start3A_328] : memref<80x128xi32, #tpu.memory_space<vmem>> -> memref<1x128xi32, #tpu.memory_space<vmem>>
          %dma_start3A_330 = tpu.memref_squeeze %dma_start3A_329 : memref<1x128xi32, #tpu.memory_space<vmem>> -> memref<128xi32, #tpu.memory_space<vmem>>
          %dma_start3A_331 = arith.constant 0 : i32
          %dma_start3A_332 = arith.constant 0 : i32
          %dma_start3A_333 = tpu.memref_slice %arg2[%dma_start3A_331, %dma_start3A_332] : memref<10000x64xf32, #tpu.memory_space<hbm>> -> memref<10000x64xf32, #tpu.memory_space<hbm>>
          tpu.enqueue_indirect_dma source(%dma_start3A_333 : memref<10000x64xf32, #tpu.memory_space<hbm>>) target(%arg7 : memref<128x64xf32, #tpu.memory_space<vmem>>) offsets(%dma_start3A_330 : memref<128xi32, #tpu.memory_space<vmem>>) semaphore(%arg16 : memref<!tpu.dma_semaphore, #tpu.memory_space<semaphore_mem>>)
        } else {
        }
        %add3A_173 = arith.constant 1 : i32
        %add3A_174 = arith.addi %add3A_152, %add3A_173 : i32
        %dma_wait3A_175 = arith.constant 0 : i32
        %dma_wait3A_176 = tpu.memref_slice %arg5[%add3A_174, %dma_wait3A_175] : memref<80x128xi32, #tpu.memory_space<vmem>> -> memref<1x128xi32, #tpu.memory_space<vmem>>
        %dma_wait3A_177 = tpu.memref_squeeze %dma_wait3A_176 : memref<1x128xi32, #tpu.memory_space<vmem>> -> memref<128xi32, #tpu.memory_space<vmem>>
        %dma_wait3A_178 = arith.constant 0 : i32
        %dma_wait3A_179 = arith.constant 0 : i32
        %dma_wait3A_180 = tpu.memref_slice %arg2[%dma_wait3A_178, %dma_wait3A_179] : memref<10000x64xf32, #tpu.memory_space<hbm>> -> memref<10000x64xf32, #tpu.memory_space<hbm>>
        tpu.wait_indirect_dma semaphore(%arg17 : memref<!tpu.dma_semaphore, #tpu.memory_space<semaphore_mem>>) src(%dma_wait3A_180 : memref<10000x64xf32, #tpu.memory_space<hbm>>) dst(%arg8 : memref<128x64xf32, #tpu.memory_space<vmem>>)
        %dma_start3A_181 = arith.constant 0 : i32
        %dma_start3A_182 = tpu.memref_slice %arg6[%add3A_174, %dma_start3A_181] : memref<80x128xi32, #tpu.memory_space<vmem>> -> memref<1x128xi32, #tpu.memory_space<vmem>>
        %dma_start3A_183 = tpu.memref_squeeze %dma_start3A_182 : memref<1x128xi32, #tpu.memory_space<vmem>> -> memref<128xi32, #tpu.memory_space<vmem>>
        %dma_start3A_184 = arith.constant 0 : i32
        %dma_start3A_185 = arith.constant 0 : i32
        %dma_start3A_186 = tpu.memref_slice %arg15[%dma_start3A_184, %dma_start3A_185] : memref<10240x64xf32, #tpu.memory_space<vmem_shared>> -> memref<10240x64xf32, #tpu.memory_space<vmem_shared>>
        tpu.enqueue_indirect_dma source(%arg8 : memref<128x64xf32, #tpu.memory_space<vmem>>) target(%dma_start3A_186 : memref<10240x64xf32, #tpu.memory_space<vmem_shared>>) offsets(%dma_start3A_183 : memref<128xi32, #tpu.memory_space<vmem>>) semaphore(%arg25 : memref<!tpu.dma_semaphore, #tpu.memory_space<semaphore_mem>>) {add = true}
        %add3A_187 = arith.constant 8 : i32
        %add3A_188 = arith.addi %add3A_152, %add3A_187 : i32
        %lt3A_189 = arith.constant 80 : i32
        %lt3A_190 = arith.cmpi slt, %add3A_188, %lt3A_189 : i32
        %convert_element_type3A_191 = arith.extui %lt3A_190 : i1 to i32
        %cond3A_192 = arith.constant 0 : i32
        %cond3A_193 = arith.cmpi ne, %convert_element_type3A_191, %cond3A_192 : i32
        scf.if %cond3A_193 {
          %dma_wait3A_320 = arith.constant 0 : i32
          %dma_wait3A_321 = tpu.memref_slice %arg6[%add3A_174, %dma_wait3A_320] : memref<80x128xi32, #tpu.memory_space<vmem>> -> memref<1x128xi32, #tpu.memory_space<vmem>>
          %dma_wait3A_322 = tpu.memref_squeeze %dma_wait3A_321 : memref<1x128xi32, #tpu.memory_space<vmem>> -> memref<128xi32, #tpu.memory_space<vmem>>
          %dma_wait3A_323 = arith.constant 0 : i32
          %dma_wait3A_324 = arith.constant 0 : i32
          %dma_wait3A_325 = tpu.memref_slice %arg15[%dma_wait3A_323, %dma_wait3A_324] : memref<10240x64xf32, #tpu.memory_space<vmem_shared>> -> memref<10240x64xf32, #tpu.memory_space<vmem_shared>>
          tpu.wait_indirect_dma semaphore(%arg25 : memref<!tpu.dma_semaphore, #tpu.memory_space<semaphore_mem>>) src(%arg8 : memref<128x64xf32, #tpu.memory_space<vmem>>) dst(%dma_wait3A_325 : memref<10240x64xf32, #tpu.memory_space<vmem_shared>>)
          %add3A_326 = arith.constant 8 : i32
          %add3A_327 = arith.addi %add3A_174, %add3A_326 : i32
          %dma_start3A_328 = arith.constant 0 : i32
          %dma_start3A_329 = tpu.memref_slice %arg5[%add3A_327, %dma_start3A_328] : memref<80x128xi32, #tpu.memory_space<vmem>> -> memref<1x128xi32, #tpu.memory_space<vmem>>
          %dma_start3A_330 = tpu.memref_squeeze %dma_start3A_329 : memref<1x128xi32, #tpu.memory_space<vmem>> -> memref<128xi32, #tpu.memory_space<vmem>>
          %dma_start3A_331 = arith.constant 0 : i32
          %dma_start3A_332 = arith.constant 0 : i32
          %dma_start3A_333 = tpu.memref_slice %arg2[%dma_start3A_331, %dma_start3A_332] : memref<10000x64xf32, #tpu.memory_space<hbm>> -> memref<10000x64xf32, #tpu.memory_space<hbm>>
          tpu.enqueue_indirect_dma source(%dma_start3A_333 : memref<10000x64xf32, #tpu.memory_space<hbm>>) target(%arg8 : memref<128x64xf32, #tpu.memory_space<vmem>>) offsets(%dma_start3A_330 : memref<128xi32, #tpu.memory_space<vmem>>) semaphore(%arg17 : memref<!tpu.dma_semaphore, #tpu.memory_space<semaphore_mem>>)
        } else {
        }
        %add3A_194 = arith.constant 2 : i32
        %add3A_195 = arith.addi %add3A_152, %add3A_194 : i32
        %dma_wait3A_196 = arith.constant 0 : i32
        %dma_wait3A_197 = tpu.memref_slice %arg5[%add3A_195, %dma_wait3A_196] : memref<80x128xi32, #tpu.memory_space<vmem>> -> memref<1x128xi32, #tpu.memory_space<vmem>>
        %dma_wait3A_198 = tpu.memref_squeeze %dma_wait3A_197 : memref<1x128xi32, #tpu.memory_space<vmem>> -> memref<128xi32, #tpu.memory_space<vmem>>
        %dma_wait3A_199 = arith.constant 0 : i32
        %dma_wait3A_200 = arith.constant 0 : i32
        %dma_wait3A_201 = tpu.memref_slice %arg2[%dma_wait3A_199, %dma_wait3A_200] : memref<10000x64xf32, #tpu.memory_space<hbm>> -> memref<10000x64xf32, #tpu.memory_space<hbm>>
        tpu.wait_indirect_dma semaphore(%arg18 : memref<!tpu.dma_semaphore, #tpu.memory_space<semaphore_mem>>) src(%dma_wait3A_201 : memref<10000x64xf32, #tpu.memory_space<hbm>>) dst(%arg9 : memref<128x64xf32, #tpu.memory_space<vmem>>)
        %dma_start3A_202 = arith.constant 0 : i32
        %dma_start3A_203 = tpu.memref_slice %arg6[%add3A_195, %dma_start3A_202] : memref<80x128xi32, #tpu.memory_space<vmem>> -> memref<1x128xi32, #tpu.memory_space<vmem>>
        %dma_start3A_204 = tpu.memref_squeeze %dma_start3A_203 : memref<1x128xi32, #tpu.memory_space<vmem>> -> memref<128xi32, #tpu.memory_space<vmem>>
        %dma_start3A_205 = arith.constant 0 : i32
        %dma_start3A_206 = arith.constant 0 : i32
        %dma_start3A_207 = tpu.memref_slice %arg15[%dma_start3A_205, %dma_start3A_206] : memref<10240x64xf32, #tpu.memory_space<vmem_shared>> -> memref<10240x64xf32, #tpu.memory_space<vmem_shared>>
        tpu.enqueue_indirect_dma source(%arg9 : memref<128x64xf32, #tpu.memory_space<vmem>>) target(%dma_start3A_207 : memref<10240x64xf32, #tpu.memory_space<vmem_shared>>) offsets(%dma_start3A_204 : memref<128xi32, #tpu.memory_space<vmem>>) semaphore(%arg26 : memref<!tpu.dma_semaphore, #tpu.memory_space<semaphore_mem>>) {add = true}
        %add3A_208 = arith.constant 8 : i32
        %add3A_209 = arith.addi %add3A_152, %add3A_208 : i32
        %lt3A_210 = arith.constant 80 : i32
        %lt3A_211 = arith.cmpi slt, %add3A_209, %lt3A_210 : i32
        %convert_element_type3A_212 = arith.extui %lt3A_211 : i1 to i32
        %cond3A_213 = arith.constant 0 : i32
        %cond3A_214 = arith.cmpi ne, %convert_element_type3A_212, %cond3A_213 : i32
        scf.if %cond3A_214 {
          %dma_wait3A_320 = arith.constant 0 : i32
          %dma_wait3A_321 = tpu.memref_slice %arg6[%add3A_195, %dma_wait3A_320] : memref<80x128xi32, #tpu.memory_space<vmem>> -> memref<1x128xi32, #tpu.memory_space<vmem>>
          %dma_wait3A_322 = tpu.memref_squeeze %dma_wait3A_321 : memref<1x128xi32, #tpu.memory_space<vmem>> -> memref<128xi32, #tpu.memory_space<vmem>>
          %dma_wait3A_323 = arith.constant 0 : i32
          %dma_wait3A_324 = arith.constant 0 : i32
          %dma_wait3A_325 = tpu.memref_slice %arg15[%dma_wait3A_323, %dma_wait3A_324] : memref<10240x64xf32, #tpu.memory_space<vmem_shared>> -> memref<10240x64xf32, #tpu.memory_space<vmem_shared>>
          tpu.wait_indirect_dma semaphore(%arg26 : memref<!tpu.dma_semaphore, #tpu.memory_space<semaphore_mem>>) src(%arg9 : memref<128x64xf32, #tpu.memory_space<vmem>>) dst(%dma_wait3A_325 : memref<10240x64xf32, #tpu.memory_space<vmem_shared>>)
          %add3A_326 = arith.constant 8 : i32
          %add3A_327 = arith.addi %add3A_195, %add3A_326 : i32
          %dma_start3A_328 = arith.constant 0 : i32
          %dma_start3A_329 = tpu.memref_slice %arg5[%add3A_327, %dma_start3A_328] : memref<80x128xi32, #tpu.memory_space<vmem>> -> memref<1x128xi32, #tpu.memory_space<vmem>>
          %dma_start3A_330 = tpu.memref_squeeze %dma_start3A_329 : memref<1x128xi32, #tpu.memory_space<vmem>> -> memref<128xi32, #tpu.memory_space<vmem>>
          %dma_start3A_331 = arith.constant 0 : i32
          %dma_start3A_332 = arith.constant 0 : i32
          %dma_start3A_333 = tpu.memref_slice %arg2[%dma_start3A_331, %dma_start3A_332] : memref<10000x64xf32, #tpu.memory_space<hbm>> -> memref<10000x64xf32, #tpu.memory_space<hbm>>
          tpu.enqueue_indirect_dma source(%dma_start3A_333 : memref<10000x64xf32, #tpu.memory_space<hbm>>) target(%arg9 : memref<128x64xf32, #tpu.memory_space<vmem>>) offsets(%dma_start3A_330 : memref<128xi32, #tpu.memory_space<vmem>>) semaphore(%arg18 : memref<!tpu.dma_semaphore, #tpu.memory_space<semaphore_mem>>)
        } else {
        }
        %add3A_215 = arith.constant 3 : i32
        %add3A_216 = arith.addi %add3A_152, %add3A_215 : i32
        %dma_wait3A_217 = arith.constant 0 : i32
        %dma_wait3A_218 = tpu.memref_slice %arg5[%add3A_216, %dma_wait3A_217] : memref<80x128xi32, #tpu.memory_space<vmem>> -> memref<1x128xi32, #tpu.memory_space<vmem>>
        %dma_wait3A_219 = tpu.memref_squeeze %dma_wait3A_218 : memref<1x128xi32, #tpu.memory_space<vmem>> -> memref<128xi32, #tpu.memory_space<vmem>>
        %dma_wait3A_220 = arith.constant 0 : i32
        %dma_wait3A_221 = arith.constant 0 : i32
        %dma_wait3A_222 = tpu.memref_slice %arg2[%dma_wait3A_220, %dma_wait3A_221] : memref<10000x64xf32, #tpu.memory_space<hbm>> -> memref<10000x64xf32, #tpu.memory_space<hbm>>
        tpu.wait_indirect_dma semaphore(%arg19 : memref<!tpu.dma_semaphore, #tpu.memory_space<semaphore_mem>>) src(%dma_wait3A_222 : memref<10000x64xf32, #tpu.memory_space<hbm>>) dst(%arg10 : memref<128x64xf32, #tpu.memory_space<vmem>>)
        %dma_start3A_223 = arith.constant 0 : i32
        %dma_start3A_224 = tpu.memref_slice %arg6[%add3A_216, %dma_start3A_223] : memref<80x128xi32, #tpu.memory_space<vmem>> -> memref<1x128xi32, #tpu.memory_space<vmem>>
        %dma_start3A_225 = tpu.memref_squeeze %dma_start3A_224 : memref<1x128xi32, #tpu.memory_space<vmem>> -> memref<128xi32, #tpu.memory_space<vmem>>
        %dma_start3A_226 = arith.constant 0 : i32
        %dma_start3A_227 = arith.constant 0 : i32
        %dma_start3A_228 = tpu.memref_slice %arg15[%dma_start3A_226, %dma_start3A_227] : memref<10240x64xf32, #tpu.memory_space<vmem_shared>> -> memref<10240x64xf32, #tpu.memory_space<vmem_shared>>
        tpu.enqueue_indirect_dma source(%arg10 : memref<128x64xf32, #tpu.memory_space<vmem>>) target(%dma_start3A_228 : memref<10240x64xf32, #tpu.memory_space<vmem_shared>>) offsets(%dma_start3A_225 : memref<128xi32, #tpu.memory_space<vmem>>) semaphore(%arg27 : memref<!tpu.dma_semaphore, #tpu.memory_space<semaphore_mem>>) {add = true}
        %add3A_229 = arith.constant 8 : i32
        %add3A_230 = arith.addi %add3A_152, %add3A_229 : i32
        %lt3A_231 = arith.constant 80 : i32
        %lt3A_232 = arith.cmpi slt, %add3A_230, %lt3A_231 : i32
        %convert_element_type3A_233 = arith.extui %lt3A_232 : i1 to i32
        %cond3A_234 = arith.constant 0 : i32
        %cond3A_235 = arith.cmpi ne, %convert_element_type3A_233, %cond3A_234 : i32
        scf.if %cond3A_235 {
          %dma_wait3A_320 = arith.constant 0 : i32
          %dma_wait3A_321 = tpu.memref_slice %arg6[%add3A_216, %dma_wait3A_320] : memref<80x128xi32, #tpu.memory_space<vmem>> -> memref<1x128xi32, #tpu.memory_space<vmem>>
          %dma_wait3A_322 = tpu.memref_squeeze %dma_wait3A_321 : memref<1x128xi32, #tpu.memory_space<vmem>> -> memref<128xi32, #tpu.memory_space<vmem>>
          %dma_wait3A_323 = arith.constant 0 : i32
          %dma_wait3A_324 = arith.constant 0 : i32
          %dma_wait3A_325 = tpu.memref_slice %arg15[%dma_wait3A_323, %dma_wait3A_324] : memref<10240x64xf32, #tpu.memory_space<vmem_shared>> -> memref<10240x64xf32, #tpu.memory_space<vmem_shared>>
          tpu.wait_indirect_dma semaphore(%arg27 : memref<!tpu.dma_semaphore, #tpu.memory_space<semaphore_mem>>) src(%arg10 : memref<128x64xf32, #tpu.memory_space<vmem>>) dst(%dma_wait3A_325 : memref<10240x64xf32, #tpu.memory_space<vmem_shared>>)
          %add3A_326 = arith.constant 8 : i32
          %add3A_327 = arith.addi %add3A_216, %add3A_326 : i32
          %dma_start3A_328 = arith.constant 0 : i32
          %dma_start3A_329 = tpu.memref_slice %arg5[%add3A_327, %dma_start3A_328] : memref<80x128xi32, #tpu.memory_space<vmem>> -> memref<1x128xi32, #tpu.memory_space<vmem>>
          %dma_start3A_330 = tpu.memref_squeeze %dma_start3A_329 : memref<1x128xi32, #tpu.memory_space<vmem>> -> memref<128xi32, #tpu.memory_space<vmem>>
          %dma_start3A_331 = arith.constant 0 : i32
          %dma_start3A_332 = arith.constant 0 : i32
          %dma_start3A_333 = tpu.memref_slice %arg2[%dma_start3A_331, %dma_start3A_332] : memref<10000x64xf32, #tpu.memory_space<hbm>> -> memref<10000x64xf32, #tpu.memory_space<hbm>>
          tpu.enqueue_indirect_dma source(%dma_start3A_333 : memref<10000x64xf32, #tpu.memory_space<hbm>>) target(%arg10 : memref<128x64xf32, #tpu.memory_space<vmem>>) offsets(%dma_start3A_330 : memref<128xi32, #tpu.memory_space<vmem>>) semaphore(%arg19 : memref<!tpu.dma_semaphore, #tpu.memory_space<semaphore_mem>>)
        } else {
        }
        %add3A_236 = arith.constant 4 : i32
        %add3A_237 = arith.addi %add3A_152, %add3A_236 : i32
        %dma_wait3A_238 = arith.constant 0 : i32
        %dma_wait3A_239 = tpu.memref_slice %arg5[%add3A_237, %dma_wait3A_238] : memref<80x128xi32, #tpu.memory_space<vmem>> -> memref<1x128xi32, #tpu.memory_space<vmem>>
        %dma_wait3A_240 = tpu.memref_squeeze %dma_wait3A_239 : memref<1x128xi32, #tpu.memory_space<vmem>> -> memref<128xi32, #tpu.memory_space<vmem>>
        %dma_wait3A_241 = arith.constant 0 : i32
        %dma_wait3A_242 = arith.constant 0 : i32
        %dma_wait3A_243 = tpu.memref_slice %arg2[%dma_wait3A_241, %dma_wait3A_242] : memref<10000x64xf32, #tpu.memory_space<hbm>> -> memref<10000x64xf32, #tpu.memory_space<hbm>>
        tpu.wait_indirect_dma semaphore(%arg20 : memref<!tpu.dma_semaphore, #tpu.memory_space<semaphore_mem>>) src(%dma_wait3A_243 : memref<10000x64xf32, #tpu.memory_space<hbm>>) dst(%arg11 : memref<128x64xf32, #tpu.memory_space<vmem>>)
        %dma_start3A_244 = arith.constant 0 : i32
        %dma_start3A_245 = tpu.memref_slice %arg6[%add3A_237, %dma_start3A_244] : memref<80x128xi32, #tpu.memory_space<vmem>> -> memref<1x128xi32, #tpu.memory_space<vmem>>
        %dma_start3A_246 = tpu.memref_squeeze %dma_start3A_245 : memref<1x128xi32, #tpu.memory_space<vmem>> -> memref<128xi32, #tpu.memory_space<vmem>>
        %dma_start3A_247 = arith.constant 0 : i32
        %dma_start3A_248 = arith.constant 0 : i32
        %dma_start3A_249 = tpu.memref_slice %arg15[%dma_start3A_247, %dma_start3A_248] : memref<10240x64xf32, #tpu.memory_space<vmem_shared>> -> memref<10240x64xf32, #tpu.memory_space<vmem_shared>>
        tpu.enqueue_indirect_dma source(%arg11 : memref<128x64xf32, #tpu.memory_space<vmem>>) target(%dma_start3A_249 : memref<10240x64xf32, #tpu.memory_space<vmem_shared>>) offsets(%dma_start3A_246 : memref<128xi32, #tpu.memory_space<vmem>>) semaphore(%arg28 : memref<!tpu.dma_semaphore, #tpu.memory_space<semaphore_mem>>) {add = true}
        %add3A_250 = arith.constant 8 : i32
        %add3A_251 = arith.addi %add3A_152, %add3A_250 : i32
        %lt3A_252 = arith.constant 80 : i32
        %lt3A_253 = arith.cmpi slt, %add3A_251, %lt3A_252 : i32
        %convert_element_type3A_254 = arith.extui %lt3A_253 : i1 to i32
        %cond3A_255 = arith.constant 0 : i32
        %cond3A_256 = arith.cmpi ne, %convert_element_type3A_254, %cond3A_255 : i32
        scf.if %cond3A_256 {
          %dma_wait3A_320 = arith.constant 0 : i32
          %dma_wait3A_321 = tpu.memref_slice %arg6[%add3A_237, %dma_wait3A_320] : memref<80x128xi32, #tpu.memory_space<vmem>> -> memref<1x128xi32, #tpu.memory_space<vmem>>
          %dma_wait3A_322 = tpu.memref_squeeze %dma_wait3A_321 : memref<1x128xi32, #tpu.memory_space<vmem>> -> memref<128xi32, #tpu.memory_space<vmem>>
          %dma_wait3A_323 = arith.constant 0 : i32
          %dma_wait3A_324 = arith.constant 0 : i32
          %dma_wait3A_325 = tpu.memref_slice %arg15[%dma_wait3A_323, %dma_wait3A_324] : memref<10240x64xf32, #tpu.memory_space<vmem_shared>> -> memref<10240x64xf32, #tpu.memory_space<vmem_shared>>
          tpu.wait_indirect_dma semaphore(%arg28 : memref<!tpu.dma_semaphore, #tpu.memory_space<semaphore_mem>>) src(%arg11 : memref<128x64xf32, #tpu.memory_space<vmem>>) dst(%dma_wait3A_325 : memref<10240x64xf32, #tpu.memory_space<vmem_shared>>)
          %add3A_326 = arith.constant 8 : i32
          %add3A_327 = arith.addi %add3A_237, %add3A_326 : i32
          %dma_start3A_328 = arith.constant 0 : i32
          %dma_start3A_329 = tpu.memref_slice %arg5[%add3A_327, %dma_start3A_328] : memref<80x128xi32, #tpu.memory_space<vmem>> -> memref<1x128xi32, #tpu.memory_space<vmem>>
          %dma_start3A_330 = tpu.memref_squeeze %dma_start3A_329 : memref<1x128xi32, #tpu.memory_space<vmem>> -> memref<128xi32, #tpu.memory_space<vmem>>
          %dma_start3A_331 = arith.constant 0 : i32
          %dma_start3A_332 = arith.constant 0 : i32
          %dma_start3A_333 = tpu.memref_slice %arg2[%dma_start3A_331, %dma_start3A_332] : memref<10000x64xf32, #tpu.memory_space<hbm>> -> memref<10000x64xf32, #tpu.memory_space<hbm>>
          tpu.enqueue_indirect_dma source(%dma_start3A_333 : memref<10000x64xf32, #tpu.memory_space<hbm>>) target(%arg11 : memref<128x64xf32, #tpu.memory_space<vmem>>) offsets(%dma_start3A_330 : memref<128xi32, #tpu.memory_space<vmem>>) semaphore(%arg20 : memref<!tpu.dma_semaphore, #tpu.memory_space<semaphore_mem>>)
        } else {
        }
        %add3A_257 = arith.constant 5 : i32
        %add3A_258 = arith.addi %add3A_152, %add3A_257 : i32
        %dma_wait3A_259 = arith.constant 0 : i32
        %dma_wait3A_260 = tpu.memref_slice %arg5[%add3A_258, %dma_wait3A_259] : memref<80x128xi32, #tpu.memory_space<vmem>> -> memref<1x128xi32, #tpu.memory_space<vmem>>
        %dma_wait3A_261 = tpu.memref_squeeze %dma_wait3A_260 : memref<1x128xi32, #tpu.memory_space<vmem>> -> memref<128xi32, #tpu.memory_space<vmem>>
        %dma_wait3A_262 = arith.constant 0 : i32
        %dma_wait3A_263 = arith.constant 0 : i32
        %dma_wait3A_264 = tpu.memref_slice %arg2[%dma_wait3A_262, %dma_wait3A_263] : memref<10000x64xf32, #tpu.memory_space<hbm>> -> memref<10000x64xf32, #tpu.memory_space<hbm>>
        tpu.wait_indirect_dma semaphore(%arg21 : memref<!tpu.dma_semaphore, #tpu.memory_space<semaphore_mem>>) src(%dma_wait3A_264 : memref<10000x64xf32, #tpu.memory_space<hbm>>) dst(%arg12 : memref<128x64xf32, #tpu.memory_space<vmem>>)
        %dma_start3A_265 = arith.constant 0 : i32
        %dma_start3A_266 = tpu.memref_slice %arg6[%add3A_258, %dma_start3A_265] : memref<80x128xi32, #tpu.memory_space<vmem>> -> memref<1x128xi32, #tpu.memory_space<vmem>>
        %dma_start3A_267 = tpu.memref_squeeze %dma_start3A_266 : memref<1x128xi32, #tpu.memory_space<vmem>> -> memref<128xi32, #tpu.memory_space<vmem>>
        %dma_start3A_268 = arith.constant 0 : i32
        %dma_start3A_269 = arith.constant 0 : i32
        %dma_start3A_270 = tpu.memref_slice %arg15[%dma_start3A_268, %dma_start3A_269] : memref<10240x64xf32, #tpu.memory_space<vmem_shared>> -> memref<10240x64xf32, #tpu.memory_space<vmem_shared>>
        tpu.enqueue_indirect_dma source(%arg12 : memref<128x64xf32, #tpu.memory_space<vmem>>) target(%dma_start3A_270 : memref<10240x64xf32, #tpu.memory_space<vmem_shared>>) offsets(%dma_start3A_267 : memref<128xi32, #tpu.memory_space<vmem>>) semaphore(%arg29 : memref<!tpu.dma_semaphore, #tpu.memory_space<semaphore_mem>>) {add = true}
        %add3A_271 = arith.constant 8 : i32
        %add3A_272 = arith.addi %add3A_152, %add3A_271 : i32
        %lt3A_273 = arith.constant 80 : i32
        %lt3A_274 = arith.cmpi slt, %add3A_272, %lt3A_273 : i32
        %convert_element_type3A_275 = arith.extui %lt3A_274 : i1 to i32
        %cond3A_276 = arith.constant 0 : i32
        %cond3A_277 = arith.cmpi ne, %convert_element_type3A_275, %cond3A_276 : i32
        scf.if %cond3A_277 {
          %dma_wait3A_320 = arith.constant 0 : i32
          %dma_wait3A_321 = tpu.memref_slice %arg6[%add3A_258, %dma_wait3A_320] : memref<80x128xi32, #tpu.memory_space<vmem>> -> memref<1x128xi32, #tpu.memory_space<vmem>>
          %dma_wait3A_322 = tpu.memref_squeeze %dma_wait3A_321 : memref<1x128xi32, #tpu.memory_space<vmem>> -> memref<128xi32, #tpu.memory_space<vmem>>
          %dma_wait3A_323 = arith.constant 0 : i32
          %dma_wait3A_324 = arith.constant 0 : i32
          %dma_wait3A_325 = tpu.memref_slice %arg15[%dma_wait3A_323, %dma_wait3A_324] : memref<10240x64xf32, #tpu.memory_space<vmem_shared>> -> memref<10240x64xf32, #tpu.memory_space<vmem_shared>>
          tpu.wait_indirect_dma semaphore(%arg29 : memref<!tpu.dma_semaphore, #tpu.memory_space<semaphore_mem>>) src(%arg12 : memref<128x64xf32, #tpu.memory_space<vmem>>) dst(%dma_wait3A_325 : memref<10240x64xf32, #tpu.memory_space<vmem_shared>>)
          %add3A_326 = arith.constant 8 : i32
          %add3A_327 = arith.addi %add3A_258, %add3A_326 : i32
          %dma_start3A_328 = arith.constant 0 : i32
          %dma_start3A_329 = tpu.memref_slice %arg5[%add3A_327, %dma_start3A_328] : memref<80x128xi32, #tpu.memory_space<vmem>> -> memref<1x128xi32, #tpu.memory_space<vmem>>
          %dma_start3A_330 = tpu.memref_squeeze %dma_start3A_329 : memref<1x128xi32, #tpu.memory_space<vmem>> -> memref<128xi32, #tpu.memory_space<vmem>>
          %dma_start3A_331 = arith.constant 0 : i32
          %dma_start3A_332 = arith.constant 0 : i32
          %dma_start3A_333 = tpu.memref_slice %arg2[%dma_start3A_331, %dma_start3A_332] : memref<10000x64xf32, #tpu.memory_space<hbm>> -> memref<10000x64xf32, #tpu.memory_space<hbm>>
          tpu.enqueue_indirect_dma source(%dma_start3A_333 : memref<10000x64xf32, #tpu.memory_space<hbm>>) target(%arg12 : memref<128x64xf32, #tpu.memory_space<vmem>>) offsets(%dma_start3A_330 : memref<128xi32, #tpu.memory_space<vmem>>) semaphore(%arg21 : memref<!tpu.dma_semaphore, #tpu.memory_space<semaphore_mem>>)
        } else {
        }
        %add3A_278 = arith.constant 6 : i32
        %add3A_279 = arith.addi %add3A_152, %add3A_278 : i32
        %dma_wait3A_280 = arith.constant 0 : i32
        %dma_wait3A_281 = tpu.memref_slice %arg5[%add3A_279, %dma_wait3A_280] : memref<80x128xi32, #tpu.memory_space<vmem>> -> memref<1x128xi32, #tpu.memory_space<vmem>>
        %dma_wait3A_282 = tpu.memref_squeeze %dma_wait3A_281 : memref<1x128xi32, #tpu.memory_space<vmem>> -> memref<128xi32, #tpu.memory_space<vmem>>
        %dma_wait3A_283 = arith.constant 0 : i32
        %dma_wait3A_284 = arith.constant 0 : i32
        %dma_wait3A_285 = tpu.memref_slice %arg2[%dma_wait3A_283, %dma_wait3A_284] : memref<10000x64xf32, #tpu.memory_space<hbm>> -> memref<10000x64xf32, #tpu.memory_space<hbm>>
        tpu.wait_indirect_dma semaphore(%arg22 : memref<!tpu.dma_semaphore, #tpu.memory_space<semaphore_mem>>) src(%dma_wait3A_285 : memref<10000x64xf32, #tpu.memory_space<hbm>>) dst(%arg13 : memref<128x64xf32, #tpu.memory_space<vmem>>)
        %dma_start3A_286 = arith.constant 0 : i32
        %dma_start3A_287 = tpu.memref_slice %arg6[%add3A_279, %dma_start3A_286] : memref<80x128xi32, #tpu.memory_space<vmem>> -> memref<1x128xi32, #tpu.memory_space<vmem>>
        %dma_start3A_288 = tpu.memref_squeeze %dma_start3A_287 : memref<1x128xi32, #tpu.memory_space<vmem>> -> memref<128xi32, #tpu.memory_space<vmem>>
        %dma_start3A_289 = arith.constant 0 : i32
        %dma_start3A_290 = arith.constant 0 : i32
        %dma_start3A_291 = tpu.memref_slice %arg15[%dma_start3A_289, %dma_start3A_290] : memref<10240x64xf32, #tpu.memory_space<vmem_shared>> -> memref<10240x64xf32, #tpu.memory_space<vmem_shared>>
        tpu.enqueue_indirect_dma source(%arg13 : memref<128x64xf32, #tpu.memory_space<vmem>>) target(%dma_start3A_291 : memref<10240x64xf32, #tpu.memory_space<vmem_shared>>) offsets(%dma_start3A_288 : memref<128xi32, #tpu.memory_space<vmem>>) semaphore(%arg30 : memref<!tpu.dma_semaphore, #tpu.memory_space<semaphore_mem>>) {add = true}
        %add3A_292 = arith.constant 8 : i32
        %add3A_293 = arith.addi %add3A_152, %add3A_292 : i32
        %lt3A_294 = arith.constant 80 : i32
        %lt3A_295 = arith.cmpi slt, %add3A_293, %lt3A_294 : i32
        %convert_element_type3A_296 = arith.extui %lt3A_295 : i1 to i32
        %cond3A_297 = arith.constant 0 : i32
        %cond3A_298 = arith.cmpi ne, %convert_element_type3A_296, %cond3A_297 : i32
        scf.if %cond3A_298 {
          %dma_wait3A_320 = arith.constant 0 : i32
          %dma_wait3A_321 = tpu.memref_slice %arg6[%add3A_279, %dma_wait3A_320] : memref<80x128xi32, #tpu.memory_space<vmem>> -> memref<1x128xi32, #tpu.memory_space<vmem>>
          %dma_wait3A_322 = tpu.memref_squeeze %dma_wait3A_321 : memref<1x128xi32, #tpu.memory_space<vmem>> -> memref<128xi32, #tpu.memory_space<vmem>>
          %dma_wait3A_323 = arith.constant 0 : i32
          %dma_wait3A_324 = arith.constant 0 : i32
          %dma_wait3A_325 = tpu.memref_slice %arg15[%dma_wait3A_323, %dma_wait3A_324] : memref<10240x64xf32, #tpu.memory_space<vmem_shared>> -> memref<10240x64xf32, #tpu.memory_space<vmem_shared>>
          tpu.wait_indirect_dma semaphore(%arg30 : memref<!tpu.dma_semaphore, #tpu.memory_space<semaphore_mem>>) src(%arg13 : memref<128x64xf32, #tpu.memory_space<vmem>>) dst(%dma_wait3A_325 : memref<10240x64xf32, #tpu.memory_space<vmem_shared>>)
          %add3A_326 = arith.constant 8 : i32
          %add3A_327 = arith.addi %add3A_279, %add3A_326 : i32
          %dma_start3A_328 = arith.constant 0 : i32
          %dma_start3A_329 = tpu.memref_slice %arg5[%add3A_327, %dma_start3A_328] : memref<80x128xi32, #tpu.memory_space<vmem>> -> memref<1x128xi32, #tpu.memory_space<vmem>>
          %dma_start3A_330 = tpu.memref_squeeze %dma_start3A_329 : memref<1x128xi32, #tpu.memory_space<vmem>> -> memref<128xi32, #tpu.memory_space<vmem>>
          %dma_start3A_331 = arith.constant 0 : i32
          %dma_start3A_332 = arith.constant 0 : i32
          %dma_start3A_333 = tpu.memref_slice %arg2[%dma_start3A_331, %dma_start3A_332] : memref<10000x64xf32, #tpu.memory_space<hbm>> -> memref<10000x64xf32, #tpu.memory_space<hbm>>
          tpu.enqueue_indirect_dma source(%dma_start3A_333 : memref<10000x64xf32, #tpu.memory_space<hbm>>) target(%arg13 : memref<128x64xf32, #tpu.memory_space<vmem>>) offsets(%dma_start3A_330 : memref<128xi32, #tpu.memory_space<vmem>>) semaphore(%arg22 : memref<!tpu.dma_semaphore, #tpu.memory_space<semaphore_mem>>)
        } else {
        }
        %add3A_299 = arith.constant 7 : i32
        %add3A_300 = arith.addi %add3A_152, %add3A_299 : i32
        %dma_wait3A_301 = arith.constant 0 : i32
        %dma_wait3A_302 = tpu.memref_slice %arg5[%add3A_300, %dma_wait3A_301] : memref<80x128xi32, #tpu.memory_space<vmem>> -> memref<1x128xi32, #tpu.memory_space<vmem>>
        %dma_wait3A_303 = tpu.memref_squeeze %dma_wait3A_302 : memref<1x128xi32, #tpu.memory_space<vmem>> -> memref<128xi32, #tpu.memory_space<vmem>>
        %dma_wait3A_304 = arith.constant 0 : i32
        %dma_wait3A_305 = arith.constant 0 : i32
        %dma_wait3A_306 = tpu.memref_slice %arg2[%dma_wait3A_304, %dma_wait3A_305] : memref<10000x64xf32, #tpu.memory_space<hbm>> -> memref<10000x64xf32, #tpu.memory_space<hbm>>
        tpu.wait_indirect_dma semaphore(%arg23 : memref<!tpu.dma_semaphore, #tpu.memory_space<semaphore_mem>>) src(%dma_wait3A_306 : memref<10000x64xf32, #tpu.memory_space<hbm>>) dst(%arg14 : memref<128x64xf32, #tpu.memory_space<vmem>>)
        %dma_start3A_307 = arith.constant 0 : i32
        %dma_start3A_308 = tpu.memref_slice %arg6[%add3A_300, %dma_start3A_307] : memref<80x128xi32, #tpu.memory_space<vmem>> -> memref<1x128xi32, #tpu.memory_space<vmem>>
        %dma_start3A_309 = tpu.memref_squeeze %dma_start3A_308 : memref<1x128xi32, #tpu.memory_space<vmem>> -> memref<128xi32, #tpu.memory_space<vmem>>
        %dma_start3A_310 = arith.constant 0 : i32
        %dma_start3A_311 = arith.constant 0 : i32
        %dma_start3A_312 = tpu.memref_slice %arg15[%dma_start3A_310, %dma_start3A_311] : memref<10240x64xf32, #tpu.memory_space<vmem_shared>> -> memref<10240x64xf32, #tpu.memory_space<vmem_shared>>
        tpu.enqueue_indirect_dma source(%arg14 : memref<128x64xf32, #tpu.memory_space<vmem>>) target(%dma_start3A_312 : memref<10240x64xf32, #tpu.memory_space<vmem_shared>>) offsets(%dma_start3A_309 : memref<128xi32, #tpu.memory_space<vmem>>) semaphore(%arg31 : memref<!tpu.dma_semaphore, #tpu.memory_space<semaphore_mem>>) {add = true}
        %add3A_313 = arith.constant 8 : i32
        %add3A_314 = arith.addi %add3A_152, %add3A_313 : i32
        %lt3A_315 = arith.constant 80 : i32
        %lt3A_316 = arith.cmpi slt, %add3A_314, %lt3A_315 : i32
        %convert_element_type3A_317 = arith.extui %lt3A_316 : i1 to i32
        %cond3A_318 = arith.constant 0 : i32
        %cond3A_319 = arith.cmpi ne, %convert_element_type3A_317, %cond3A_318 : i32
        scf.if %cond3A_319 {
          %dma_wait3A_320 = arith.constant 0 : i32
          %dma_wait3A_321 = tpu.memref_slice %arg6[%add3A_300, %dma_wait3A_320] : memref<80x128xi32, #tpu.memory_space<vmem>> -> memref<1x128xi32, #tpu.memory_space<vmem>>
          %dma_wait3A_322 = tpu.memref_squeeze %dma_wait3A_321 : memref<1x128xi32, #tpu.memory_space<vmem>> -> memref<128xi32, #tpu.memory_space<vmem>>
          %dma_wait3A_323 = arith.constant 0 : i32
          %dma_wait3A_324 = arith.constant 0 : i32
          %dma_wait3A_325 = tpu.memref_slice %arg15[%dma_wait3A_323, %dma_wait3A_324] : memref<10240x64xf32, #tpu.memory_space<vmem_shared>> -> memref<10240x64xf32, #tpu.memory_space<vmem_shared>>
          tpu.wait_indirect_dma semaphore(%arg31 : memref<!tpu.dma_semaphore, #tpu.memory_space<semaphore_mem>>) src(%arg14 : memref<128x64xf32, #tpu.memory_space<vmem>>) dst(%dma_wait3A_325 : memref<10240x64xf32, #tpu.memory_space<vmem_shared>>)
          %add3A_326 = arith.constant 8 : i32
          %add3A_327 = arith.addi %add3A_300, %add3A_326 : i32
          %dma_start3A_328 = arith.constant 0 : i32
          %dma_start3A_329 = tpu.memref_slice %arg5[%add3A_327, %dma_start3A_328] : memref<80x128xi32, #tpu.memory_space<vmem>> -> memref<1x128xi32, #tpu.memory_space<vmem>>
          %dma_start3A_330 = tpu.memref_squeeze %dma_start3A_329 : memref<1x128xi32, #tpu.memory_space<vmem>> -> memref<128xi32, #tpu.memory_space<vmem>>
          %dma_start3A_331 = arith.constant 0 : i32
          %dma_start3A_332 = arith.constant 0 : i32
          %dma_start3A_333 = tpu.memref_slice %arg2[%dma_start3A_331, %dma_start3A_332] : memref<10000x64xf32, #tpu.memory_space<hbm>> -> memref<10000x64xf32, #tpu.memory_space<hbm>>
          tpu.enqueue_indirect_dma source(%dma_start3A_333 : memref<10000x64xf32, #tpu.memory_space<hbm>>) target(%arg14 : memref<128x64xf32, #tpu.memory_space<vmem>>) offsets(%dma_start3A_330 : memref<128xi32, #tpu.memory_space<vmem>>) semaphore(%arg23 : memref<!tpu.dma_semaphore, #tpu.memory_space<semaphore_mem>>)
        } else {
        }
      }
      %scan3A_92 = arith.constant 10 : i32
      %dma_wait3A = arith.constant 72 : i32
      %dma_wait3A_93 = arith.constant 0 : i32
      %dma_wait3A_94 = tpu.memref_slice %arg6[%dma_wait3A, %dma_wait3A_93] : memref<80x128xi32, #tpu.memory_space<vmem>> -> memref<1x128xi32, #tpu.memory_space<vmem>>
      %dma_wait3A_95 = tpu.memref_squeeze %dma_wait3A_94 : memref<1x128xi32, #tpu.memory_space<vmem>> -> memref<128xi32, #tpu.memory_space<vmem>>
      %dma_wait3A_96 = arith.constant 0 : i32
      %dma_wait3A_97 = arith.constant 0 : i32
      %dma_wait3A_98 = tpu.memref_slice %arg15[%dma_wait3A_96, %dma_wait3A_97] : memref<10240x64xf32, #tpu.memory_space<vmem_shared>> -> memref<10240x64xf32, #tpu.memory_space<vmem_shared>>
      tpu.wait_indirect_dma semaphore(%arg24 : memref<!tpu.dma_semaphore, #tpu.memory_space<semaphore_mem>>) src(%arg7 : memref<128x64xf32, #tpu.memory_space<vmem>>) dst(%dma_wait3A_98 : memref<10240x64xf32, #tpu.memory_space<vmem_shared>>)
      %dma_wait3A_99 = arith.constant 73 : i32
      %dma_wait3A_100 = arith.constant 0 : i32
      %dma_wait3A_101 = tpu.memref_slice %arg6[%dma_wait3A_99, %dma_wait3A_100] : memref<80x128xi32, #tpu.memory_space<vmem>> -> memref<1x128xi32, #tpu.memory_space<vmem>>
      %dma_wait3A_102 = tpu.memref_squeeze %dma_wait3A_101 : memref<1x128xi32, #tpu.memory_space<vmem>> -> memref<128xi32, #tpu.memory_space<vmem>>
      %dma_wait3A_103 = arith.constant 0 : i32
      %dma_wait3A_104 = arith.constant 0 : i32
      %dma_wait3A_105 = tpu.memref_slice %arg15[%dma_wait3A_103, %dma_wait3A_104] : memref<10240x64xf32, #tpu.memory_space<vmem_shared>> -> memref<10240x64xf32, #tpu.memory_space<vmem_shared>>
      tpu.wait_indirect_dma semaphore(%arg25 : memref<!tpu.dma_semaphore, #tpu.memory_space<semaphore_mem>>) src(%arg8 : memref<128x64xf32, #tpu.memory_space<vmem>>) dst(%dma_wait3A_105 : memref<10240x64xf32, #tpu.memory_space<vmem_shared>>)
      %dma_wait3A_106 = arith.constant 74 : i32
      %dma_wait3A_107 = arith.constant 0 : i32
      %dma_wait3A_108 = tpu.memref_slice %arg6[%dma_wait3A_106, %dma_wait3A_107] : memref<80x128xi32, #tpu.memory_space<vmem>> -> memref<1x128xi32, #tpu.memory_space<vmem>>
      %dma_wait3A_109 = tpu.memref_squeeze %dma_wait3A_108 : memref<1x128xi32, #tpu.memory_space<vmem>> -> memref<128xi32, #tpu.memory_space<vmem>>
      %dma_wait3A_110 = arith.constant 0 : i32
      %dma_wait3A_111 = arith.constant 0 : i32
      %dma_wait3A_112 = tpu.memref_slice %arg15[%dma_wait3A_110, %dma_wait3A_111] : memref<10240x64xf32, #tpu.memory_space<vmem_shared>> -> memref<10240x64xf32, #tpu.memory_space<vmem_shared>>
      tpu.wait_indirect_dma semaphore(%arg26 : memref<!tpu.dma_semaphore, #tpu.memory_space<semaphore_mem>>) src(%arg9 : memref<128x64xf32, #tpu.memory_space<vmem>>) dst(%dma_wait3A_112 : memref<10240x64xf32, #tpu.memory_space<vmem_shared>>)
      %dma_wait3A_113 = arith.constant 75 : i32
      %dma_wait3A_114 = arith.constant 0 : i32
      %dma_wait3A_115 = tpu.memref_slice %arg6[%dma_wait3A_113, %dma_wait3A_114] : memref<80x128xi32, #tpu.memory_space<vmem>> -> memref<1x128xi32, #tpu.memory_space<vmem>>
      %dma_wait3A_116 = tpu.memref_squeeze %dma_wait3A_115 : memref<1x128xi32, #tpu.memory_space<vmem>> -> memref<128xi32, #tpu.memory_space<vmem>>
      %dma_wait3A_117 = arith.constant 0 : i32
      %dma_wait3A_118 = arith.constant 0 : i32
      %dma_wait3A_119 = tpu.memref_slice %arg15[%dma_wait3A_117, %dma_wait3A_118] : memref<10240x64xf32, #tpu.memory_space<vmem_shared>> -> memref<10240x64xf32, #tpu.memory_space<vmem_shared>>
      tpu.wait_indirect_dma semaphore(%arg27 : memref<!tpu.dma_semaphore, #tpu.memory_space<semaphore_mem>>) src(%arg10 : memref<128x64xf32, #tpu.memory_space<vmem>>) dst(%dma_wait3A_119 : memref<10240x64xf32, #tpu.memory_space<vmem_shared>>)
      %dma_wait3A_120 = arith.constant 76 : i32
      %dma_wait3A_121 = arith.constant 0 : i32
      %dma_wait3A_122 = tpu.memref_slice %arg6[%dma_wait3A_120, %dma_wait3A_121] : memref<80x128xi32, #tpu.memory_space<vmem>> -> memref<1x128xi32, #tpu.memory_space<vmem>>
      %dma_wait3A_123 = tpu.memref_squeeze %dma_wait3A_122 : memref<1x128xi32, #tpu.memory_space<vmem>> -> memref<128xi32, #tpu.memory_space<vmem>>
      %dma_wait3A_124 = arith.constant 0 : i32
      %dma_wait3A_125 = arith.constant 0 : i32
      %dma_wait3A_126 = tpu.memref_slice %arg15[%dma_wait3A_124, %dma_wait3A_125] : memref<10240x64xf32, #tpu.memory_space<vmem_shared>> -> memref<10240x64xf32, #tpu.memory_space<vmem_shared>>
      tpu.wait_indirect_dma semaphore(%arg28 : memref<!tpu.dma_semaphore, #tpu.memory_space<semaphore_mem>>) src(%arg11 : memref<128x64xf32, #tpu.memory_space<vmem>>) dst(%dma_wait3A_126 : memref<10240x64xf32, #tpu.memory_space<vmem_shared>>)
      %dma_wait3A_127 = arith.constant 77 : i32
      %dma_wait3A_128 = arith.constant 0 : i32
      %dma_wait3A_129 = tpu.memref_slice %arg6[%dma_wait3A_127, %dma_wait3A_128] : memref<80x128xi32, #tpu.memory_space<vmem>> -> memref<1x128xi32, #tpu.memory_space<vmem>>
      %dma_wait3A_130 = tpu.memref_squeeze %dma_wait3A_129 : memref<1x128xi32, #tpu.memory_space<vmem>> -> memref<128xi32, #tpu.memory_space<vmem>>
      %dma_wait3A_131 = arith.constant 0 : i32
      %dma_wait3A_132 = arith.constant 0 : i32
      %dma_wait3A_133 = tpu.memref_slice %arg15[%dma_wait3A_131, %dma_wait3A_132] : memref<10240x64xf32, #tpu.memory_space<vmem_shared>> -> memref<10240x64xf32, #tpu.memory_space<vmem_shared>>
      tpu.wait_indirect_dma semaphore(%arg29 : memref<!tpu.dma_semaphore, #tpu.memory_space<semaphore_mem>>) src(%arg12 : memref<128x64xf32, #tpu.memory_space<vmem>>) dst(%dma_wait3A_133 : memref<10240x64xf32, #tpu.memory_space<vmem_shared>>)
      %dma_wait3A_134 = arith.constant 78 : i32
      %dma_wait3A_135 = arith.constant 0 : i32
      %dma_wait3A_136 = tpu.memref_slice %arg6[%dma_wait3A_134, %dma_wait3A_135] : memref<80x128xi32, #tpu.memory_space<vmem>> -> memref<1x128xi32, #tpu.memory_space<vmem>>
      %dma_wait3A_137 = tpu.memref_squeeze %dma_wait3A_136 : memref<1x128xi32, #tpu.memory_space<vmem>> -> memref<128xi32, #tpu.memory_space<vmem>>
      %dma_wait3A_138 = arith.constant 0 : i32
      %dma_wait3A_139 = arith.constant 0 : i32
      %dma_wait3A_140 = tpu.memref_slice %arg15[%dma_wait3A_138, %dma_wait3A_139] : memref<10240x64xf32, #tpu.memory_space<vmem_shared>> -> memref<10240x64xf32, #tpu.memory_space<vmem_shared>>
      tpu.wait_indirect_dma semaphore(%arg30 : memref<!tpu.dma_semaphore, #tpu.memory_space<semaphore_mem>>) src(%arg13 : memref<128x64xf32, #tpu.memory_space<vmem>>) dst(%dma_wait3A_140 : memref<10240x64xf32, #tpu.memory_space<vmem_shared>>)
      %dma_wait3A_141 = arith.constant 79 : i32
      %dma_wait3A_142 = arith.constant 0 : i32
      %dma_wait3A_143 = tpu.memref_slice %arg6[%dma_wait3A_141, %dma_wait3A_142] : memref<80x128xi32, #tpu.memory_space<vmem>> -> memref<1x128xi32, #tpu.memory_space<vmem>>
      %dma_wait3A_144 = tpu.memref_squeeze %dma_wait3A_143 : memref<1x128xi32, #tpu.memory_space<vmem>> -> memref<128xi32, #tpu.memory_space<vmem>>
      %dma_wait3A_145 = arith.constant 0 : i32
      %dma_wait3A_146 = arith.constant 0 : i32
      %dma_wait3A_147 = tpu.memref_slice %arg15[%dma_wait3A_145, %dma_wait3A_146] : memref<10240x64xf32, #tpu.memory_space<vmem_shared>> -> memref<10240x64xf32, #tpu.memory_space<vmem_shared>>
      tpu.wait_indirect_dma semaphore(%arg31 : memref<!tpu.dma_semaphore, #tpu.memory_space<semaphore_mem>>) src(%arg14 : memref<128x64xf32, #tpu.memory_space<vmem>>) dst(%dma_wait3A_147 : memref<10240x64xf32, #tpu.memory_space<vmem_shared>>)
    } else {
    }
    %barrier3A_22 = arith.constant 0 : index
    tpu.barrier barrier_id(%barrier3A_22)
    %mul3A_23 = arith.constant 632 : i32
    %mul3A_24 = arith.muli %arg1, %mul3A_23 : i32
    %mul3A_25 = arith.constant 632 : i32
    %mul3A_26 = arith.muli %arg1, %mul3A_25 : i32
    "tpu.region"() ({
      %run_scoped3A = tpu.sem_alloc : memref<!tpu.dma_semaphore, #tpu.memory_space<semaphore_mem>>
      %dma_start3A = arith.constant 0 : i32
      %dma_start3A_27 = arith.constant 0 : i32
      %dma_start3A_28 = tpu.memref_slice %arg4[%arg0, %dma_start3A, %dma_start3A_27] : memref<2x10112x64xf32, #tpu.memory_space<hbm>> -> memref<1x10112x64xf32, #tpu.memory_space<hbm>>
      %dma_start3A_29 = tpu.memref_squeeze %dma_start3A_28 : memref<1x10112x64xf32, #tpu.memory_space<hbm>> -> memref<10112x64xf32, #tpu.memory_space<hbm>>
      %dma_start3A_30 = arith.constant 0 : i32
      %dma_start3A_31 = tpu.memref_slice %dma_start3A_29[%mul3A_26, %dma_start3A_30] : memref<10112x64xf32, #tpu.memory_space<hbm>> -> memref<632x64xf32, #tpu.memory_space<hbm>>
      %dma_start3A_32 = arith.constant 0 : i32
      %dma_start3A_33 = tpu.memref_slice %arg15[%mul3A_24, %dma_start3A_32] : memref<10240x64xf32, #tpu.memory_space<vmem_shared>> -> memref<632x64xf32, #tpu.memory_space<vmem_shared>>
      tpu.enqueue_dma source(%dma_start3A_33 : memref<632x64xf32, #tpu.memory_space<vmem_shared>>) target(%dma_start3A_31 : memref<632x64xf32, #tpu.memory_space<hbm>>) target_semaphore(%run_scoped3A : memref<!tpu.dma_semaphore, #tpu.memory_space<semaphore_mem>>)
      %dma_wait3A = arith.constant 0 : i32
      %dma_wait3A_34 = arith.constant 0 : i32
      %dma_wait3A_35 = tpu.memref_slice %arg4[%arg0, %dma_wait3A, %dma_wait3A_34] : memref<2x10112x64xf32, #tpu.memory_space<hbm>> -> memref<1x10112x64xf32, #tpu.memory_space<hbm>>
      %dma_wait3A_36 = tpu.memref_squeeze %dma_wait3A_35 : memref<1x10112x64xf32, #tpu.memory_space<hbm>> -> memref<10112x64xf32, #tpu.memory_space<hbm>>
      %dma_wait3A_37 = arith.constant 0 : i32
      %dma_wait3A_38 = tpu.memref_slice %dma_wait3A_36[%mul3A_26, %dma_wait3A_37] : memref<10112x64xf32, #tpu.memory_space<hbm>> -> memref<632x64xf32, #tpu.memory_space<hbm>>
      %dma_wait3A_39 = arith.constant 0 : i32
      %dma_wait3A_40 = tpu.memref_slice %arg15[%mul3A_24, %dma_wait3A_39] : memref<10240x64xf32, #tpu.memory_space<vmem_shared>> -> memref<632x64xf32, #tpu.memory_space<vmem_shared>>
      tpu.wait_dma2 semaphore(%run_scoped3A : memref<!tpu.dma_semaphore, #tpu.memory_space<semaphore_mem>>) src(%dma_wait3A_40 : memref<632x64xf32, #tpu.memory_space<vmem_shared>>) dst(%dma_wait3A_38 : memref<632x64xf32, #tpu.memory_space<hbm>>)
      tpu.yield
    }) : () -> ()
    return
  }
}

#map = affine_map<(d0, d1) -> (0, 0)>
#map1 = affine_map<(d0, d1) -> (0, 0, 0)>
module attributes {stable_mosaic.version = 14 : i64} {
  func.func @_round_body(%arg0: i32, %arg1: i32, %arg2: memref<10000x64xf32, #tpu.memory_space<hbm>>, %arg3: memref<5060x128xi32, #tpu.memory_space<hbm>>, %arg4: memref<2x10112x64xf32, #tpu.memory_space<hbm>>, %arg5: memref<80x128xi32, #tpu.memory_space<vmem>>, %arg6: memref<80x128xi32, #tpu.memory_space<vmem>>, %arg7: memref<128x64xf32, #tpu.memory_space<vmem>>, %arg8: memref<128x64xf32, #tpu.memory_space<vmem>>, %arg9: memref<128x64xf32, #tpu.memory_space<vmem>>, %arg10: memref<128x64xf32, #tpu.memory_space<vmem>>, %arg11: memref<128x64xf32, #tpu.memory_space<vmem>>, %arg12: memref<128x64xf32, #tpu.memory_space<vmem>>, %arg13: memref<128x64xf32, #tpu.memory_space<vmem>>, %arg14: memref<128x64xf32, #tpu.memory_space<vmem>>, %arg15: memref<10240x64xf32, #tpu.memory_space<vmem_shared>>, %arg16: memref<!tpu.dma_semaphore, #tpu.memory_space<semaphore_mem>>, %arg17: memref<!tpu.dma_semaphore, #tpu.memory_space<semaphore_mem>>, %arg18: memref<!tpu.dma_semaphore, #tpu.memory_space<semaphore_mem>>, %arg19: memref<!tpu.dma_semaphore, #tpu.memory_space<semaphore_mem>>, %arg20: memref<!tpu.dma_semaphore, #tpu.memory_space<semaphore_mem>>, %arg21: memref<!tpu.dma_semaphore, #tpu.memory_space<semaphore_mem>>, %arg22: memref<!tpu.dma_semaphore, #tpu.memory_space<semaphore_mem>>, %arg23: memref<!tpu.dma_semaphore, #tpu.memory_space<semaphore_mem>>, %arg24: memref<!tpu.dma_semaphore, #tpu.memory_space<semaphore_mem>>, %arg25: memref<!tpu.dma_semaphore, #tpu.memory_space<semaphore_mem>>, %arg26: memref<!tpu.dma_semaphore, #tpu.memory_space<semaphore_mem>>, %arg27: memref<!tpu.dma_semaphore, #tpu.memory_space<semaphore_mem>>, %arg28: memref<!tpu.dma_semaphore, #tpu.memory_space<semaphore_mem>>, %arg29: memref<!tpu.dma_semaphore, #tpu.memory_space<semaphore_mem>>, %arg30: memref<!tpu.dma_semaphore, #tpu.memory_space<semaphore_mem>>, %arg31: memref<!tpu.dma_semaphore, #tpu.memory_space<semaphore_mem>>) attributes {dimension_semantics = [#tpu.dimension_semantics<core_parallel>, #tpu.dimension_semantics<subcore_parallel>], iteration_bounds = array<i64: 2, 16>, scalar_prefetch = 0 : i64, scratch_operands = 27 : i64, tpu.core_type = #tpu.core_type<sc_vector_subcore>, window_params = [{transform_indices = #map}, {transform_indices = #map}, {transform_indices = #map1}]} {
    %broadcast_in_dim3A = arith.constant 0.000000e+00 : f32
    %broadcast_in_dim3A_0 = vector.broadcast %broadcast_in_dim3A : f32 to vector<16xf32>
    %scan3A = arith.constant 0 : i32
    %scan3A_1 = arith.constant 128 : i32
    %scan3A_2 = arith.addi %scan3A, %scan3A_1 : i32
    %scan3A_3 = arith.constant 1 : i32
    scf.for %scan3A_27 = %scan3A to %scan3A_2 step %scan3A_3  : i32 {
      %mul3A_28 = arith.constant 1 : i32
      %mul3A_29 = arith.muli %scan3A_27, %mul3A_28 : i32
      %add3A_30 = arith.constant 0 : i32
      %add3A_31 = arith.addi %add3A_30, %mul3A_29 : i32
      %swap3A = arith.index_cast %add3A_31 : i32 to index
      %swap3A_32 = arith.constant 0 : index
      %swap3A_33 = tpu.vector_load %arg7[%swap3A, %swap3A_32] {strides = array<i32>} : memref<128x64xf32, #tpu.memory_space<vmem>>, vector<16xf32>,
      tpu.vector_store %arg7[%swap3A, %swap3A_32], %broadcast_in_dim3A_0 {strides = array<i32>} : memref<128x64xf32, #tpu.memory_space<vmem>>, vector<16xf32>,
      %swap3A_34 = arith.index_cast %add3A_31 : i32 to index
      %swap3A_35 = arith.constant 16 : index
      %swap3A_36 = tpu.vector_load %arg7[%swap3A_34, %swap3A_35] {strides = array<i32>} : memref<128x64xf32, #tpu.memory_space<vmem>>, vector<16xf32>,
      tpu.vector_store %arg7[%swap3A_34, %swap3A_35], %broadcast_in_dim3A_0 {strides = array<i32>} : memref<128x64xf32, #tpu.memory_space<vmem>>, vector<16xf32>,
      %swap3A_37 = arith.index_cast %add3A_31 : i32 to index
      %swap3A_38 = arith.constant 32 : index
      %swap3A_39 = tpu.vector_load %arg7[%swap3A_37, %swap3A_38] {strides = array<i32>} : memref<128x64xf32, #tpu.memory_space<vmem>>, vector<16xf32>,
      tpu.vector_store %arg7[%swap3A_37, %swap3A_38], %broadcast_in_dim3A_0 {strides = array<i32>} : memref<128x64xf32, #tpu.memory_space<vmem>>, vector<16xf32>,
      %swap3A_40 = arith.index_cast %add3A_31 : i32 to index
      %swap3A_41 = arith.constant 48 : index
      %swap3A_42 = tpu.vector_load %arg7[%swap3A_40, %swap3A_41] {strides = array<i32>} : memref<128x64xf32, #tpu.memory_space<vmem>>, vector<16xf32>,
      tpu.vector_store %arg7[%swap3A_40, %swap3A_41], %broadcast_in_dim3A_0 {strides = array<i32>} : memref<128x64xf32, #tpu.memory_space<vmem>>, vector<16xf32>,
    }
    %scan3A_4 = arith.constant 128 : i32
    %mul3A = arith.constant 632 : i32
    %mul3A_5 = arith.muli %arg1, %mul3A : i32
    %add3A = arith.constant 0 : i32
    %add3A_6 = arith.addi %mul3A_5, %add3A : i32
    "tpu.region"() ({
      %run_scoped3A = tpu.sem_alloc : memref<!tpu.dma_semaphore, #tpu.memory_space<semaphore_mem>>
      %dma_start3A = arith.constant 0 : i32
      %dma_start3A_27 = tpu.memref_slice %arg15[%add3A_6, %dma_start3A] : memref<10240x64xf32, #tpu.memory_space<vmem_shared>> -> memref<128x64xf32, #tpu.memory_space<vmem_shared>>
      %dma_start3A_28 = arith.constant 0 : i32
      %dma_start3A_29 = tpu.memref_slice %arg15[%add3A_6, %dma_start3A_28] : memref<10240x64xf32, #tpu.memory_space<vmem_shared>> -> memref<128x64xf32, #tpu.memory_space<vmem_shared>>
      tpu.enqueue_dma source(%arg7 : memref<128x64xf32, #tpu.memory_space<vmem>>) target(%dma_start3A_29 : memref<128x64xf32, #tpu.memory_space<vmem_shared>>) target_semaphore(%run_scoped3A : memref<!tpu.dma_semaphore, #tpu.memory_space<semaphore_mem>>)
      %dma_wait3A = arith.constant 0 : i32
      %dma_wait3A_30 = tpu.memref_slice %arg15[%add3A_6, %dma_wait3A] : memref<10240x64xf32, #tpu.memory_space<vmem_shared>> -> memref<128x64xf32, #tpu.memory_space<vmem_shared>>
      %dma_wait3A_31 = arith.constant 0 : i32
      %dma_wait3A_32 = tpu.memref_slice %arg15[%add3A_6, %dma_wait3A_31] : memref<10240x64xf32, #tpu.memory_space<vmem_shared>> -> memref<128x64xf32, #tpu.memory_space<vmem_shared>>
      tpu.wait_dma2 semaphore(%run_scoped3A : memref<!tpu.dma_semaphore, #tpu.memory_space<semaphore_mem>>) src(%arg7 : memref<128x64xf32, #tpu.memory_space<vmem>>) dst(%dma_wait3A_32 : memref<128x64xf32, #tpu.memory_space<vmem_shared>>)
      tpu.yield
    }) : () -> ()
    %add3A_7 = arith.constant 128 : i32
    %add3A_8 = arith.addi %mul3A_5, %add3A_7 : i32
    "tpu.region"() ({
      %run_scoped3A = tpu.sem_alloc : memref<!tpu.dma_semaphore, #tpu.memory_space<semaphore_mem>>
      %dma_start3A = arith.constant 0 : i32
      %dma_start3A_27 = tpu.memref_slice %arg15[%add3A_8, %dma_start3A] : memref<10240x64xf32, #tpu.memory_space<vmem_shared>> -> memref<128x64xf32, #tpu.memory_space<vmem_shared>>
      %dma_start3A_28 = arith.constant 0 : i32
      %dma_start3A_29 = tpu.memref_slice %arg15[%add3A_8, %dma_start3A_28] : memref<10240x64xf32, #tpu.memory_space<vmem_shared>> -> memref<128x64xf32, #tpu.memory_space<vmem_shared>>
      tpu.enqueue_dma source(%arg7 : memref<128x64xf32, #tpu.memory_space<vmem>>) target(%dma_start3A_29 : memref<128x64xf32, #tpu.memory_space<vmem_shared>>) target_semaphore(%run_scoped3A : memref<!tpu.dma_semaphore, #tpu.memory_space<semaphore_mem>>)
      %dma_wait3A = arith.constant 0 : i32
      %dma_wait3A_30 = tpu.memref_slice %arg15[%add3A_8, %dma_wait3A] : memref<10240x64xf32, #tpu.memory_space<vmem_shared>> -> memref<128x64xf32, #tpu.memory_space<vmem_shared>>
      %dma_wait3A_31 = arith.constant 0 : i32
      %dma_wait3A_32 = tpu.memref_slice %arg15[%add3A_8, %dma_wait3A_31] : memref<10240x64xf32, #tpu.memory_space<vmem_shared>> -> memref<128x64xf32, #tpu.memory_space<vmem_shared>>
      tpu.wait_dma2 semaphore(%run_scoped3A : memref<!tpu.dma_semaphore, #tpu.memory_space<semaphore_mem>>) src(%arg7 : memref<128x64xf32, #tpu.memory_space<vmem>>) dst(%dma_wait3A_32 : memref<128x64xf32, #tpu.memory_space<vmem_shared>>)
      tpu.yield
    }) : () -> ()
    %add3A_9 = arith.constant 256 : i32
    %add3A_10 = arith.addi %mul3A_5, %add3A_9 : i32
    "tpu.region"() ({
      %run_scoped3A = tpu.sem_alloc : memref<!tpu.dma_semaphore, #tpu.memory_space<semaphore_mem>>
      %dma_start3A = arith.constant 0 : i32
      %dma_start3A_27 = tpu.memref_slice %arg15[%add3A_10, %dma_start3A] : memref<10240x64xf32, #tpu.memory_space<vmem_shared>> -> memref<128x64xf32, #tpu.memory_space<vmem_shared>>
      %dma_start3A_28 = arith.constant 0 : i32
      %dma_start3A_29 = tpu.memref_slice %arg15[%add3A_10, %dma_start3A_28] : memref<10240x64xf32, #tpu.memory_space<vmem_shared>> -> memref<128x64xf32, #tpu.memory_space<vmem_shared>>
      tpu.enqueue_dma source(%arg7 : memref<128x64xf32, #tpu.memory_space<vmem>>) target(%dma_start3A_29 : memref<128x64xf32, #tpu.memory_space<vmem_shared>>) target_semaphore(%run_scoped3A : memref<!tpu.dma_semaphore, #tpu.memory_space<semaphore_mem>>)
      %dma_wait3A = arith.constant 0 : i32
      %dma_wait3A_30 = tpu.memref_slice %arg15[%add3A_10, %dma_wait3A] : memref<10240x64xf32, #tpu.memory_space<vmem_shared>> -> memref<128x64xf32, #tpu.memory_space<vmem_shared>>
      %dma_wait3A_31 = arith.constant 0 : i32
      %dma_wait3A_32 = tpu.memref_slice %arg15[%add3A_10, %dma_wait3A_31] : memref<10240x64xf32, #tpu.memory_space<vmem_shared>> -> memref<128x64xf32, #tpu.memory_space<vmem_shared>>
      tpu.wait_dma2 semaphore(%run_scoped3A : memref<!tpu.dma_semaphore, #tpu.memory_space<semaphore_mem>>) src(%arg7 : memref<128x64xf32, #tpu.memory_space<vmem>>) dst(%dma_wait3A_32 : memref<128x64xf32, #tpu.memory_space<vmem_shared>>)
      tpu.yield
    }) : () -> ()
    %add3A_11 = arith.constant 384 : i32
    %add3A_12 = arith.addi %mul3A_5, %add3A_11 : i32
    "tpu.region"() ({
      %run_scoped3A = tpu.sem_alloc : memref<!tpu.dma_semaphore, #tpu.memory_space<semaphore_mem>>
      %dma_start3A = arith.constant 0 : i32
      %dma_start3A_27 = tpu.memref_slice %arg15[%add3A_12, %dma_start3A] : memref<10240x64xf32, #tpu.memory_space<vmem_shared>> -> memref<128x64xf32, #tpu.memory_space<vmem_shared>>
      %dma_start3A_28 = arith.constant 0 : i32
      %dma_start3A_29 = tpu.memref_slice %arg15[%add3A_12, %dma_start3A_28] : memref<10240x64xf32, #tpu.memory_space<vmem_shared>> -> memref<128x64xf32, #tpu.memory_space<vmem_shared>>
      tpu.enqueue_dma source(%arg7 : memref<128x64xf32, #tpu.memory_space<vmem>>) target(%dma_start3A_29 : memref<128x64xf32, #tpu.memory_space<vmem_shared>>) target_semaphore(%run_scoped3A : memref<!tpu.dma_semaphore, #tpu.memory_space<semaphore_mem>>)
      %dma_wait3A = arith.constant 0 : i32
      %dma_wait3A_30 = tpu.memref_slice %arg15[%add3A_12, %dma_wait3A] : memref<10240x64xf32, #tpu.memory_space<vmem_shared>> -> memref<128x64xf32, #tpu.memory_space<vmem_shared>>
      %dma_wait3A_31 = arith.constant 0 : i32
      %dma_wait3A_32 = tpu.memref_slice %arg15[%add3A_12, %dma_wait3A_31] : memref<10240x64xf32, #tpu.memory_space<vmem_shared>> -> memref<128x64xf32, #tpu.memory_space<vmem_shared>>
      tpu.wait_dma2 semaphore(%run_scoped3A : memref<!tpu.dma_semaphore, #tpu.memory_space<semaphore_mem>>) src(%arg7 : memref<128x64xf32, #tpu.memory_space<vmem>>) dst(%dma_wait3A_32 : memref<128x64xf32, #tpu.memory_space<vmem_shared>>)
      tpu.yield
    }) : () -> ()
    %add3A_13 = arith.constant 512 : i32
    %add3A_14 = arith.addi %mul3A_5, %add3A_13 : i32
    "tpu.region"() ({
      %run_scoped3A = tpu.sem_alloc : memref<!tpu.dma_semaphore, #tpu.memory_space<semaphore_mem>>
      %dma_start3A = arith.constant 0 : i32
      %dma_start3A_27 = arith.constant 0 : i32
      %dma_start3A_28 = tpu.memref_slice %arg7[%dma_start3A, %dma_start3A_27] : memref<128x64xf32, #tpu.memory_space<vmem>> -> memref<120x64xf32, #tpu.memory_space<vmem>>
      %dma_start3A_29 = arith.constant 0 : i32
      %dma_start3A_30 = tpu.memref_slice %arg15[%add3A_14, %dma_start3A_29] : memref<10240x64xf32, #tpu.memory_space<vmem_shared>> -> memref<120x64xf32, #tpu.memory_space<vmem_shared>>
      %dma_start3A_31 = arith.constant 0 : i32
      %dma_start3A_32 = tpu.memref_slice %arg15[%add3A_14, %dma_start3A_31] : memref<10240x64xf32, #tpu.memory_space<vmem_shared>> -> memref<120x64xf32, #tpu.memory_space<vmem_shared>>
      %dma_start3A_33 = arith.constant 0 : i32
      %dma_start3A_34 = arith.constant 0 : i32
      %dma_start3A_35 = tpu.memref_slice %arg7[%dma_start3A_33, %dma_start3A_34] : memref<128x64xf32, #tpu.memory_space<vmem>> -> memref<120x64xf32, #tpu.memory_space<vmem>>
      tpu.enqueue_dma source(%dma_start3A_35 : memref<120x64xf32, #tpu.memory_space<vmem>>) target(%dma_start3A_32 : memref<120x64xf32, #tpu.memory_space<vmem_shared>>) target_semaphore(%run_scoped3A : memref<!tpu.dma_semaphore, #tpu.memory_space<semaphore_mem>>)
      %dma_wait3A = arith.constant 0 : i32
      %dma_wait3A_36 = arith.constant 0 : i32
      %dma_wait3A_37 = tpu.memref_slice %arg7[%dma_wait3A, %dma_wait3A_36] : memref<128x64xf32, #tpu.memory_space<vmem>> -> memref<120x64xf32, #tpu.memory_space<vmem>>
      %dma_wait3A_38 = arith.constant 0 : i32
      %dma_wait3A_39 = tpu.memref_slice %arg15[%add3A_14, %dma_wait3A_38] : memref<10240x64xf32, #tpu.memory_space<vmem_shared>> -> memref<120x64xf32, #tpu.memory_space<vmem_shared>>
      %dma_wait3A_40 = arith.constant 0 : i32
      %dma_wait3A_41 = tpu.memref_slice %arg15[%add3A_14, %dma_wait3A_40] : memref<10240x64xf32, #tpu.memory_space<vmem_shared>> -> memref<120x64xf32, #tpu.memory_space<vmem_shared>>
      %dma_wait3A_42 = arith.constant 0 : i32
      %dma_wait3A_43 = arith.constant 0 : i32
      %dma_wait3A_44 = tpu.memref_slice %arg7[%dma_wait3A_42, %dma_wait3A_43] : memref<128x64xf32, #tpu.memory_space<vmem>> -> memref<120x64xf32, #tpu.memory_space<vmem>>
      tpu.wait_dma2 semaphore(%run_scoped3A : memref<!tpu.dma_semaphore, #tpu.memory_space<semaphore_mem>>) src(%dma_wait3A_44 : memref<120x64xf32, #tpu.memory_space<vmem>>) dst(%dma_wait3A_41 : memref<120x64xf32, #tpu.memory_space<vmem_shared>>)
      tpu.yield
    }) : () -> ()
    %barrier3A = arith.constant 0 : index
    tpu.barrier barrier_id(%barrier3A)
    %eq3A = arith.constant 0 : i32
    %eq3A_15 = arith.cmpi eq, %arg0, %eq3A : i32
    %convert_element_type3A = arith.extui %eq3A_15 : i1 to i32
    %cond3A = arith.constant 0 : i32
    %cond3A_16 = arith.cmpi ne, %convert_element_type3A, %cond3A : i32
    scf.if %cond3A_16 {
      %mul3A_27 = arith.constant 80 : i32
      %mul3A_28 = arith.muli %arg1, %mul3A_27 : i32
      "tpu.region"() ({
        %run_scoped3A = tpu.sem_alloc : memref<!tpu.dma_semaphore, #tpu.memory_space<semaphore_mem>>
        %dma_start3A_146 = arith.constant 0 : i32
        %dma_start3A_147 = arith.constant 0 : i32
        %dma_start3A_148 = tpu.memref_slice %arg5[%dma_start3A_146, %dma_start3A_147] : memref<80x128xi32, #tpu.memory_space<vmem>> -> memref<80x128xi32, #tpu.memory_space<vmem>>
        %dma_start3A_149 = arith.constant 0 : i32
        %dma_start3A_150 = tpu.memref_slice %arg3[%mul3A_28, %dma_start3A_149] : memref<5060x128xi32, #tpu.memory_space<hbm>> -> memref<80x128xi32, #tpu.memory_space<hbm>>
        %dma_start3A_151 = arith.constant 0 : i32
        %dma_start3A_152 = arith.constant 0 : i32
        %dma_start3A_153 = tpu.memref_slice %arg5[%dma_start3A_151, %dma_start3A_152] : memref<80x128xi32, #tpu.memory_space<vmem>> -> memref<80x128xi32, #tpu.memory_space<vmem>>
        %dma_start3A_154 = arith.constant 0 : i32
        %dma_start3A_155 = tpu.memref_slice %arg3[%mul3A_28, %dma_start3A_154] : memref<5060x128xi32, #tpu.memory_space<hbm>> -> memref<80x128xi32, #tpu.memory_space<hbm>>
        tpu.enqueue_dma source(%dma_start3A_155 : memref<80x128xi32, #tpu.memory_space<hbm>>) target(%dma_start3A_153 : memref<80x128xi32, #tpu.memory_space<vmem>>) target_semaphore(%run_scoped3A : memref<!tpu.dma_semaphore, #tpu.memory_space<semaphore_mem>>)
        %dma_wait3A_156 = arith.constant 0 : i32
        %dma_wait3A_157 = arith.constant 0 : i32
        %dma_wait3A_158 = tpu.memref_slice %arg5[%dma_wait3A_156, %dma_wait3A_157] : memref<80x128xi32, #tpu.memory_space<vmem>> -> memref<80x128xi32, #tpu.memory_space<vmem>>
        %dma_wait3A_159 = arith.constant 0 : i32
        %dma_wait3A_160 = tpu.memref_slice %arg3[%mul3A_28, %dma_wait3A_159] : memref<5060x128xi32, #tpu.memory_space<hbm>> -> memref<80x128xi32, #tpu.memory_space<hbm>>
        %dma_wait3A_161 = arith.constant 0 : i32
        %dma_wait3A_162 = arith.constant 0 : i32
        %dma_wait3A_163 = tpu.memref_slice %arg5[%dma_wait3A_161, %dma_wait3A_162] : memref<80x128xi32, #tpu.memory_space<vmem>> -> memref<80x128xi32, #tpu.memory_space<vmem>>
        %dma_wait3A_164 = arith.constant 0 : i32
        %dma_wait3A_165 = tpu.memref_slice %arg3[%mul3A_28, %dma_wait3A_164] : memref<5060x128xi32, #tpu.memory_space<hbm>> -> memref<80x128xi32, #tpu.memory_space<hbm>>
        tpu.wait_dma2 semaphore(%run_scoped3A : memref<!tpu.dma_semaphore, #tpu.memory_space<semaphore_mem>>) src(%dma_wait3A_165 : memref<80x128xi32, #tpu.memory_space<hbm>>) dst(%dma_wait3A_163 : memref<80x128xi32, #tpu.memory_space<vmem>>)
        tpu.yield
      }) : () -> ()
      %add3A_29 = arith.constant 2500 : i32
      %add3A_30 = arith.addi %add3A_29, %mul3A_28 : i32
      "tpu.region"() ({
        %run_scoped3A = tpu.sem_alloc : memref<!tpu.dma_semaphore, #tpu.memory_space<semaphore_mem>>
        %dma_start3A_146 = arith.constant 0 : i32
        %dma_start3A_147 = arith.constant 0 : i32
        %dma_start3A_148 = tpu.memref_slice %arg6[%dma_start3A_146, %dma_start3A_147] : memref<80x128xi32, #tpu.memory_space<vmem>> -> memref<80x128xi32, #tpu.memory_space<vmem>>
        %dma_start3A_149 = arith.constant 0 : i32
        %dma_start3A_150 = tpu.memref_slice %arg3[%add3A_30, %dma_start3A_149] : memref<5060x128xi32, #tpu.memory_space<hbm>> -> memref<80x128xi32, #tpu.memory_space<hbm>>
        %dma_start3A_151 = arith.constant 0 : i32
        %dma_start3A_152 = arith.constant 0 : i32
        %dma_start3A_153 = tpu.memref_slice %arg6[%dma_start3A_151, %dma_start3A_152] : memref<80x128xi32, #tpu.memory_space<vmem>> -> memref<80x128xi32, #tpu.memory_space<vmem>>
        %dma_start3A_154 = arith.constant 0 : i32
        %dma_start3A_155 = tpu.memref_slice %arg3[%add3A_30, %dma_start3A_154] : memref<5060x128xi32, #tpu.memory_space<hbm>> -> memref<80x128xi32, #tpu.memory_space<hbm>>
        tpu.enqueue_dma source(%dma_start3A_155 : memref<80x128xi32, #tpu.memory_space<hbm>>) target(%dma_start3A_153 : memref<80x128xi32, #tpu.memory_space<vmem>>) target_semaphore(%run_scoped3A : memref<!tpu.dma_semaphore, #tpu.memory_space<semaphore_mem>>)
        %dma_wait3A_156 = arith.constant 0 : i32
        %dma_wait3A_157 = arith.constant 0 : i32
        %dma_wait3A_158 = tpu.memref_slice %arg6[%dma_wait3A_156, %dma_wait3A_157] : memref<80x128xi32, #tpu.memory_space<vmem>> -> memref<80x128xi32, #tpu.memory_space<vmem>>
        %dma_wait3A_159 = arith.constant 0 : i32
        %dma_wait3A_160 = tpu.memref_slice %arg3[%add3A_30, %dma_wait3A_159] : memref<5060x128xi32, #tpu.memory_space<hbm>> -> memref<80x128xi32, #tpu.memory_space<hbm>>
        %dma_wait3A_161 = arith.constant 0 : i32
        %dma_wait3A_162 = arith.constant 0 : i32
        %dma_wait3A_163 = tpu.memref_slice %arg6[%dma_wait3A_161, %dma_wait3A_162] : memref<80x128xi32, #tpu.memory_space<vmem>> -> memref<80x128xi32, #tpu.memory_space<vmem>>
        %dma_wait3A_164 = arith.constant 0 : i32
        %dma_wait3A_165 = tpu.memref_slice %arg3[%add3A_30, %dma_wait3A_164] : memref<5060x128xi32, #tpu.memory_space<hbm>> -> memref<80x128xi32, #tpu.memory_space<hbm>>
        tpu.wait_dma2 semaphore(%run_scoped3A : memref<!tpu.dma_semaphore, #tpu.memory_space<semaphore_mem>>) src(%dma_wait3A_165 : memref<80x128xi32, #tpu.memory_space<hbm>>) dst(%dma_wait3A_163 : memref<80x128xi32, #tpu.memory_space<vmem>>)
        tpu.yield
      }) : () -> ()
      %dma_start3A = arith.constant 0 : i32
      %dma_start3A_31 = arith.constant 0 : i32
      %dma_start3A_32 = tpu.memref_slice %arg5[%dma_start3A, %dma_start3A_31] : memref<80x128xi32, #tpu.memory_space<vmem>> -> memref<1x128xi32, #tpu.memory_space<vmem>>
      %dma_start3A_33 = tpu.memref_squeeze %dma_start3A_32 : memref<1x128xi32, #tpu.memory_space<vmem>> -> memref<128xi32, #tpu.memory_space<vmem>>
      %dma_start3A_34 = arith.constant 0 : i32
      %dma_start3A_35 = arith.constant 0 : i32
      %dma_start3A_36 = tpu.memref_slice %arg2[%dma_start3A_34, %dma_start3A_35] : memref<10000x64xf32, #tpu.memory_space<hbm>> -> memref<10000x64xf32, #tpu.memory_space<hbm>>
      tpu.enqueue_indirect_dma source(%dma_start3A_36 : memref<10000x64xf32, #tpu.memory_space<hbm>>) target(%arg7 : memref<128x64xf32, #tpu.memory_space<vmem>>) offsets(%dma_start3A_33 : memref<128xi32, #tpu.memory_space<vmem>>) semaphore(%arg16 : memref<!tpu.dma_semaphore, #tpu.memory_space<semaphore_mem>>)
      %dma_start3A_37 = arith.constant 1 : i32
      %dma_start3A_38 = arith.constant 0 : i32
      %dma_start3A_39 = tpu.memref_slice %arg5[%dma_start3A_37, %dma_start3A_38] : memref<80x128xi32, #tpu.memory_space<vmem>> -> memref<1x128xi32, #tpu.memory_space<vmem>>
      %dma_start3A_40 = tpu.memref_squeeze %dma_start3A_39 : memref<1x128xi32, #tpu.memory_space<vmem>> -> memref<128xi32, #tpu.memory_space<vmem>>
      %dma_start3A_41 = arith.constant 0 : i32
      %dma_start3A_42 = arith.constant 0 : i32
      %dma_start3A_43 = tpu.memref_slice %arg2[%dma_start3A_41, %dma_start3A_42] : memref<10000x64xf32, #tpu.memory_space<hbm>> -> memref<10000x64xf32, #tpu.memory_space<hbm>>
      tpu.enqueue_indirect_dma source(%dma_start3A_43 : memref<10000x64xf32, #tpu.memory_space<hbm>>) target(%arg8 : memref<128x64xf32, #tpu.memory_space<vmem>>) offsets(%dma_start3A_40 : memref<128xi32, #tpu.memory_space<vmem>>) semaphore(%arg17 : memref<!tpu.dma_semaphore, #tpu.memory_space<semaphore_mem>>)
      %dma_start3A_44 = arith.constant 2 : i32
      %dma_start3A_45 = arith.constant 0 : i32
      %dma_start3A_46 = tpu.memref_slice %arg5[%dma_start3A_44, %dma_start3A_45] : memref<80x128xi32, #tpu.memory_space<vmem>> -> memref<1x128xi32, #tpu.memory_space<vmem>>
      %dma_start3A_47 = tpu.memref_squeeze %dma_start3A_46 : memref<1x128xi32, #tpu.memory_space<vmem>> -> memref<128xi32, #tpu.memory_space<vmem>>
      %dma_start3A_48 = arith.constant 0 : i32
      %dma_start3A_49 = arith.constant 0 : i32
      %dma_start3A_50 = tpu.memref_slice %arg2[%dma_start3A_48, %dma_start3A_49] : memref<10000x64xf32, #tpu.memory_space<hbm>> -> memref<10000x64xf32, #tpu.memory_space<hbm>>
      tpu.enqueue_indirect_dma source(%dma_start3A_50 : memref<10000x64xf32, #tpu.memory_space<hbm>>) target(%arg9 : memref<128x64xf32, #tpu.memory_space<vmem>>) offsets(%dma_start3A_47 : memref<128xi32, #tpu.memory_space<vmem>>) semaphore(%arg18 : memref<!tpu.dma_semaphore, #tpu.memory_space<semaphore_mem>>)
      %dma_start3A_51 = arith.constant 3 : i32
      %dma_start3A_52 = arith.constant 0 : i32
      %dma_start3A_53 = tpu.memref_slice %arg5[%dma_start3A_51, %dma_start3A_52] : memref<80x128xi32, #tpu.memory_space<vmem>> -> memref<1x128xi32, #tpu.memory_space<vmem>>
      %dma_start3A_54 = tpu.memref_squeeze %dma_start3A_53 : memref<1x128xi32, #tpu.memory_space<vmem>> -> memref<128xi32, #tpu.memory_space<vmem>>
      %dma_start3A_55 = arith.constant 0 : i32
      %dma_start3A_56 = arith.constant 0 : i32
      %dma_start3A_57 = tpu.memref_slice %arg2[%dma_start3A_55, %dma_start3A_56] : memref<10000x64xf32, #tpu.memory_space<hbm>> -> memref<10000x64xf32, #tpu.memory_space<hbm>>
      tpu.enqueue_indirect_dma source(%dma_start3A_57 : memref<10000x64xf32, #tpu.memory_space<hbm>>) target(%arg10 : memref<128x64xf32, #tpu.memory_space<vmem>>) offsets(%dma_start3A_54 : memref<128xi32, #tpu.memory_space<vmem>>) semaphore(%arg19 : memref<!tpu.dma_semaphore, #tpu.memory_space<semaphore_mem>>)
      %dma_start3A_58 = arith.constant 4 : i32
      %dma_start3A_59 = arith.constant 0 : i32
      %dma_start3A_60 = tpu.memref_slice %arg5[%dma_start3A_58, %dma_start3A_59] : memref<80x128xi32, #tpu.memory_space<vmem>> -> memref<1x128xi32, #tpu.memory_space<vmem>>
      %dma_start3A_61 = tpu.memref_squeeze %dma_start3A_60 : memref<1x128xi32, #tpu.memory_space<vmem>> -> memref<128xi32, #tpu.memory_space<vmem>>
      %dma_start3A_62 = arith.constant 0 : i32
      %dma_start3A_63 = arith.constant 0 : i32
      %dma_start3A_64 = tpu.memref_slice %arg2[%dma_start3A_62, %dma_start3A_63] : memref<10000x64xf32, #tpu.memory_space<hbm>> -> memref<10000x64xf32, #tpu.memory_space<hbm>>
      tpu.enqueue_indirect_dma source(%dma_start3A_64 : memref<10000x64xf32, #tpu.memory_space<hbm>>) target(%arg11 : memref<128x64xf32, #tpu.memory_space<vmem>>) offsets(%dma_start3A_61 : memref<128xi32, #tpu.memory_space<vmem>>) semaphore(%arg20 : memref<!tpu.dma_semaphore, #tpu.memory_space<semaphore_mem>>)
      %dma_start3A_65 = arith.constant 5 : i32
      %dma_start3A_66 = arith.constant 0 : i32
      %dma_start3A_67 = tpu.memref_slice %arg5[%dma_start3A_65, %dma_start3A_66] : memref<80x128xi32, #tpu.memory_space<vmem>> -> memref<1x128xi32, #tpu.memory_space<vmem>>
      %dma_start3A_68 = tpu.memref_squeeze %dma_start3A_67 : memref<1x128xi32, #tpu.memory_space<vmem>> -> memref<128xi32, #tpu.memory_space<vmem>>
      %dma_start3A_69 = arith.constant 0 : i32
      %dma_start3A_70 = arith.constant 0 : i32
      %dma_start3A_71 = tpu.memref_slice %arg2[%dma_start3A_69, %dma_start3A_70] : memref<10000x64xf32, #tpu.memory_space<hbm>> -> memref<10000x64xf32, #tpu.memory_space<hbm>>
      tpu.enqueue_indirect_dma source(%dma_start3A_71 : memref<10000x64xf32, #tpu.memory_space<hbm>>) target(%arg12 : memref<128x64xf32, #tpu.memory_space<vmem>>) offsets(%dma_start3A_68 : memref<128xi32, #tpu.memory_space<vmem>>) semaphore(%arg21 : memref<!tpu.dma_semaphore, #tpu.memory_space<semaphore_mem>>)
      %dma_start3A_72 = arith.constant 6 : i32
      %dma_start3A_73 = arith.constant 0 : i32
      %dma_start3A_74 = tpu.memref_slice %arg5[%dma_start3A_72, %dma_start3A_73] : memref<80x128xi32, #tpu.memory_space<vmem>> -> memref<1x128xi32, #tpu.memory_space<vmem>>
      %dma_start3A_75 = tpu.memref_squeeze %dma_start3A_74 : memref<1x128xi32, #tpu.memory_space<vmem>> -> memref<128xi32, #tpu.memory_space<vmem>>
      %dma_start3A_76 = arith.constant 0 : i32
      %dma_start3A_77 = arith.constant 0 : i32
      %dma_start3A_78 = tpu.memref_slice %arg2[%dma_start3A_76, %dma_start3A_77] : memref<10000x64xf32, #tpu.memory_space<hbm>> -> memref<10000x64xf32, #tpu.memory_space<hbm>>
      tpu.enqueue_indirect_dma source(%dma_start3A_78 : memref<10000x64xf32, #tpu.memory_space<hbm>>) target(%arg13 : memref<128x64xf32, #tpu.memory_space<vmem>>) offsets(%dma_start3A_75 : memref<128xi32, #tpu.memory_space<vmem>>) semaphore(%arg22 : memref<!tpu.dma_semaphore, #tpu.memory_space<semaphore_mem>>)
      %dma_start3A_79 = arith.constant 7 : i32
      %dma_start3A_80 = arith.constant 0 : i32
      %dma_start3A_81 = tpu.memref_slice %arg5[%dma_start3A_79, %dma_start3A_80] : memref<80x128xi32, #tpu.memory_space<vmem>> -> memref<1x128xi32, #tpu.memory_space<vmem>>
      %dma_start3A_82 = tpu.memref_squeeze %dma_start3A_81 : memref<1x128xi32, #tpu.memory_space<vmem>> -> memref<128xi32, #tpu.memory_space<vmem>>
      %dma_start3A_83 = arith.constant 0 : i32
      %dma_start3A_84 = arith.constant 0 : i32
      %dma_start3A_85 = tpu.memref_slice %arg2[%dma_start3A_83, %dma_start3A_84] : memref<10000x64xf32, #tpu.memory_space<hbm>> -> memref<10000x64xf32, #tpu.memory_space<hbm>>
      tpu.enqueue_indirect_dma source(%dma_start3A_85 : memref<10000x64xf32, #tpu.memory_space<hbm>>) target(%arg14 : memref<128x64xf32, #tpu.memory_space<vmem>>) offsets(%dma_start3A_82 : memref<128xi32, #tpu.memory_space<vmem>>) semaphore(%arg23 : memref<!tpu.dma_semaphore, #tpu.memory_space<semaphore_mem>>)
      %scan3A_86 = arith.constant 0 : i32
      %scan3A_87 = arith.constant 10 : i32
      %scan3A_88 = arith.addi %scan3A_86, %scan3A_87 : i32
      %scan3A_89 = arith.constant 1 : i32
      scf.for %scan3A_146 = %scan3A_86 to %scan3A_88 step %scan3A_89  : i32 {
        %mul3A_147 = arith.constant 8 : i32
        %mul3A_148 = arith.muli %scan3A_146, %mul3A_147 : i32
        %add3A_149 = arith.constant 0 : i32
        %add3A_150 = arith.addi %add3A_149, %mul3A_148 : i32
        %add3A_151 = arith.constant 0 : i32
        %add3A_152 = arith.addi %add3A_150, %add3A_151 : i32
        %dma_wait3A_153 = arith.constant 0 : i32
        %dma_wait3A_154 = tpu.memref_slice %arg5[%add3A_152, %dma_wait3A_153] : memref<80x128xi32, #tpu.memory_space<vmem>> -> memref<1x128xi32, #tpu.memory_space<vmem>>
        %dma_wait3A_155 = tpu.memref_squeeze %dma_wait3A_154 : memref<1x128xi32, #tpu.memory_space<vmem>> -> memref<128xi32, #tpu.memory_space<vmem>>
        %dma_wait3A_156 = arith.constant 0 : i32
        %dma_wait3A_157 = arith.constant 0 : i32
        %dma_wait3A_158 = tpu.memref_slice %arg2[%dma_wait3A_156, %dma_wait3A_157] : memref<10000x64xf32, #tpu.memory_space<hbm>> -> memref<10000x64xf32, #tpu.memory_space<hbm>>
        tpu.wait_indirect_dma semaphore(%arg16 : memref<!tpu.dma_semaphore, #tpu.memory_space<semaphore_mem>>) src(%dma_wait3A_158 : memref<10000x64xf32, #tpu.memory_space<hbm>>) dst(%arg7 : memref<128x64xf32, #tpu.memory_space<vmem>>)
        %dma_start3A_159 = arith.constant 0 : i32
        %dma_start3A_160 = tpu.memref_slice %arg6[%add3A_152, %dma_start3A_159] : memref<80x128xi32, #tpu.memory_space<vmem>> -> memref<1x128xi32, #tpu.memory_space<vmem>>
        %dma_start3A_161 = tpu.memref_squeeze %dma_start3A_160 : memref<1x128xi32, #tpu.memory_space<vmem>> -> memref<128xi32, #tpu.memory_space<vmem>>
        %dma_start3A_162 = arith.constant 0 : i32
        %dma_start3A_163 = arith.constant 0 : i32
        %dma_start3A_164 = tpu.memref_slice %arg15[%dma_start3A_162, %dma_start3A_163] : memref<10240x64xf32, #tpu.memory_space<vmem_shared>> -> memref<10240x64xf32, #tpu.memory_space<vmem_shared>>
        tpu.enqueue_indirect_dma source(%arg7 : memref<128x64xf32, #tpu.memory_space<vmem>>) target(%dma_start3A_164 : memref<10240x64xf32, #tpu.memory_space<vmem_shared>>) offsets(%dma_start3A_161 : memref<128xi32, #tpu.memory_space<vmem>>) semaphore(%arg24 : memref<!tpu.dma_semaphore, #tpu.memory_space<semaphore_mem>>) {add = true}
        %add3A_165 = arith.constant 8 : i32
        %add3A_166 = arith.addi %add3A_150, %add3A_165 : i32
        %lt3A = arith.constant 80 : i32
        %lt3A_167 = arith.cmpi slt, %add3A_166, %lt3A : i32
        %convert_element_type3A_168 = arith.extui %lt3A_167 : i1 to i32
        %cond3A_169 = arith.constant 0 : i32
        %cond3A_170 = arith.cmpi ne, %convert_element_type3A_168, %cond3A_169 : i32
        scf.if %cond3A_170 {
          %dma_wait3A_318 = arith.constant 0 : i32
          %dma_wait3A_319 = tpu.memref_slice %arg6[%add3A_152, %dma_wait3A_318] : memref<80x128xi32, #tpu.memory_space<vmem>> -> memref<1x128xi32, #tpu.memory_space<vmem>>
          %dma_wait3A_320 = tpu.memref_squeeze %dma_wait3A_319 : memref<1x128xi32, #tpu.memory_space<vmem>> -> memref<128xi32, #tpu.memory_space<vmem>>
          %dma_wait3A_321 = arith.constant 0 : i32
          %dma_wait3A_322 = arith.constant 0 : i32
          %dma_wait3A_323 = tpu.memref_slice %arg15[%dma_wait3A_321, %dma_wait3A_322] : memref<10240x64xf32, #tpu.memory_space<vmem_shared>> -> memref<10240x64xf32, #tpu.memory_space<vmem_shared>>
          tpu.wait_indirect_dma semaphore(%arg24 : memref<!tpu.dma_semaphore, #tpu.memory_space<semaphore_mem>>) src(%arg7 : memref<128x64xf32, #tpu.memory_space<vmem>>) dst(%dma_wait3A_323 : memref<10240x64xf32, #tpu.memory_space<vmem_shared>>)
          %add3A_324 = arith.constant 8 : i32
          %add3A_325 = arith.addi %add3A_152, %add3A_324 : i32
          %dma_start3A_326 = arith.constant 0 : i32
          %dma_start3A_327 = tpu.memref_slice %arg5[%add3A_325, %dma_start3A_326] : memref<80x128xi32, #tpu.memory_space<vmem>> -> memref<1x128xi32, #tpu.memory_space<vmem>>
          %dma_start3A_328 = tpu.memref_squeeze %dma_start3A_327 : memref<1x128xi32, #tpu.memory_space<vmem>> -> memref<128xi32, #tpu.memory_space<vmem>>
          %dma_start3A_329 = arith.constant 0 : i32
          %dma_start3A_330 = arith.constant 0 : i32
          %dma_start3A_331 = tpu.memref_slice %arg2[%dma_start3A_329, %dma_start3A_330] : memref<10000x64xf32, #tpu.memory_space<hbm>> -> memref<10000x64xf32, #tpu.memory_space<hbm>>
          tpu.enqueue_indirect_dma source(%dma_start3A_331 : memref<10000x64xf32, #tpu.memory_space<hbm>>) target(%arg7 : memref<128x64xf32, #tpu.memory_space<vmem>>) offsets(%dma_start3A_328 : memref<128xi32, #tpu.memory_space<vmem>>) semaphore(%arg16 : memref<!tpu.dma_semaphore, #tpu.memory_space<semaphore_mem>>)
        } else {
        }
        %add3A_171 = arith.constant 1 : i32
        %add3A_172 = arith.addi %add3A_150, %add3A_171 : i32
        %dma_wait3A_173 = arith.constant 0 : i32
        %dma_wait3A_174 = tpu.memref_slice %arg5[%add3A_172, %dma_wait3A_173] : memref<80x128xi32, #tpu.memory_space<vmem>> -> memref<1x128xi32, #tpu.memory_space<vmem>>
        %dma_wait3A_175 = tpu.memref_squeeze %dma_wait3A_174 : memref<1x128xi32, #tpu.memory_space<vmem>> -> memref<128xi32, #tpu.memory_space<vmem>>
        %dma_wait3A_176 = arith.constant 0 : i32
        %dma_wait3A_177 = arith.constant 0 : i32
        %dma_wait3A_178 = tpu.memref_slice %arg2[%dma_wait3A_176, %dma_wait3A_177] : memref<10000x64xf32, #tpu.memory_space<hbm>> -> memref<10000x64xf32, #tpu.memory_space<hbm>>
        tpu.wait_indirect_dma semaphore(%arg17 : memref<!tpu.dma_semaphore, #tpu.memory_space<semaphore_mem>>) src(%dma_wait3A_178 : memref<10000x64xf32, #tpu.memory_space<hbm>>) dst(%arg8 : memref<128x64xf32, #tpu.memory_space<vmem>>)
        %dma_start3A_179 = arith.constant 0 : i32
        %dma_start3A_180 = tpu.memref_slice %arg6[%add3A_172, %dma_start3A_179] : memref<80x128xi32, #tpu.memory_space<vmem>> -> memref<1x128xi32, #tpu.memory_space<vmem>>
        %dma_start3A_181 = tpu.memref_squeeze %dma_start3A_180 : memref<1x128xi32, #tpu.memory_space<vmem>> -> memref<128xi32, #tpu.memory_space<vmem>>
        %dma_start3A_182 = arith.constant 0 : i32
        %dma_start3A_183 = arith.constant 0 : i32
        %dma_start3A_184 = tpu.memref_slice %arg15[%dma_start3A_182, %dma_start3A_183] : memref<10240x64xf32, #tpu.memory_space<vmem_shared>> -> memref<10240x64xf32, #tpu.memory_space<vmem_shared>>
        tpu.enqueue_indirect_dma source(%arg8 : memref<128x64xf32, #tpu.memory_space<vmem>>) target(%dma_start3A_184 : memref<10240x64xf32, #tpu.memory_space<vmem_shared>>) offsets(%dma_start3A_181 : memref<128xi32, #tpu.memory_space<vmem>>) semaphore(%arg25 : memref<!tpu.dma_semaphore, #tpu.memory_space<semaphore_mem>>) {add = true}
        %add3A_185 = arith.constant 8 : i32
        %add3A_186 = arith.addi %add3A_150, %add3A_185 : i32
        %lt3A_187 = arith.constant 80 : i32
        %lt3A_188 = arith.cmpi slt, %add3A_186, %lt3A_187 : i32
        %convert_element_type3A_189 = arith.extui %lt3A_188 : i1 to i32
        %cond3A_190 = arith.constant 0 : i32
        %cond3A_191 = arith.cmpi ne, %convert_element_type3A_189, %cond3A_190 : i32
        scf.if %cond3A_191 {
          %dma_wait3A_318 = arith.constant 0 : i32
          %dma_wait3A_319 = tpu.memref_slice %arg6[%add3A_172, %dma_wait3A_318] : memref<80x128xi32, #tpu.memory_space<vmem>> -> memref<1x128xi32, #tpu.memory_space<vmem>>
          %dma_wait3A_320 = tpu.memref_squeeze %dma_wait3A_319 : memref<1x128xi32, #tpu.memory_space<vmem>> -> memref<128xi32, #tpu.memory_space<vmem>>
          %dma_wait3A_321 = arith.constant 0 : i32
          %dma_wait3A_322 = arith.constant 0 : i32
          %dma_wait3A_323 = tpu.memref_slice %arg15[%dma_wait3A_321, %dma_wait3A_322] : memref<10240x64xf32, #tpu.memory_space<vmem_shared>> -> memref<10240x64xf32, #tpu.memory_space<vmem_shared>>
          tpu.wait_indirect_dma semaphore(%arg25 : memref<!tpu.dma_semaphore, #tpu.memory_space<semaphore_mem>>) src(%arg8 : memref<128x64xf32, #tpu.memory_space<vmem>>) dst(%dma_wait3A_323 : memref<10240x64xf32, #tpu.memory_space<vmem_shared>>)
          %add3A_324 = arith.constant 8 : i32
          %add3A_325 = arith.addi %add3A_172, %add3A_324 : i32
          %dma_start3A_326 = arith.constant 0 : i32
          %dma_start3A_327 = tpu.memref_slice %arg5[%add3A_325, %dma_start3A_326] : memref<80x128xi32, #tpu.memory_space<vmem>> -> memref<1x128xi32, #tpu.memory_space<vmem>>
          %dma_start3A_328 = tpu.memref_squeeze %dma_start3A_327 : memref<1x128xi32, #tpu.memory_space<vmem>> -> memref<128xi32, #tpu.memory_space<vmem>>
          %dma_start3A_329 = arith.constant 0 : i32
          %dma_start3A_330 = arith.constant 0 : i32
          %dma_start3A_331 = tpu.memref_slice %arg2[%dma_start3A_329, %dma_start3A_330] : memref<10000x64xf32, #tpu.memory_space<hbm>> -> memref<10000x64xf32, #tpu.memory_space<hbm>>
          tpu.enqueue_indirect_dma source(%dma_start3A_331 : memref<10000x64xf32, #tpu.memory_space<hbm>>) target(%arg8 : memref<128x64xf32, #tpu.memory_space<vmem>>) offsets(%dma_start3A_328 : memref<128xi32, #tpu.memory_space<vmem>>) semaphore(%arg17 : memref<!tpu.dma_semaphore, #tpu.memory_space<semaphore_mem>>)
        } else {
        }
        %add3A_192 = arith.constant 2 : i32
        %add3A_193 = arith.addi %add3A_150, %add3A_192 : i32
        %dma_wait3A_194 = arith.constant 0 : i32
        %dma_wait3A_195 = tpu.memref_slice %arg5[%add3A_193, %dma_wait3A_194] : memref<80x128xi32, #tpu.memory_space<vmem>> -> memref<1x128xi32, #tpu.memory_space<vmem>>
        %dma_wait3A_196 = tpu.memref_squeeze %dma_wait3A_195 : memref<1x128xi32, #tpu.memory_space<vmem>> -> memref<128xi32, #tpu.memory_space<vmem>>
        %dma_wait3A_197 = arith.constant 0 : i32
        %dma_wait3A_198 = arith.constant 0 : i32
        %dma_wait3A_199 = tpu.memref_slice %arg2[%dma_wait3A_197, %dma_wait3A_198] : memref<10000x64xf32, #tpu.memory_space<hbm>> -> memref<10000x64xf32, #tpu.memory_space<hbm>>
        tpu.wait_indirect_dma semaphore(%arg18 : memref<!tpu.dma_semaphore, #tpu.memory_space<semaphore_mem>>) src(%dma_wait3A_199 : memref<10000x64xf32, #tpu.memory_space<hbm>>) dst(%arg9 : memref<128x64xf32, #tpu.memory_space<vmem>>)
        %dma_start3A_200 = arith.constant 0 : i32
        %dma_start3A_201 = tpu.memref_slice %arg6[%add3A_193, %dma_start3A_200] : memref<80x128xi32, #tpu.memory_space<vmem>> -> memref<1x128xi32, #tpu.memory_space<vmem>>
        %dma_start3A_202 = tpu.memref_squeeze %dma_start3A_201 : memref<1x128xi32, #tpu.memory_space<vmem>> -> memref<128xi32, #tpu.memory_space<vmem>>
        %dma_start3A_203 = arith.constant 0 : i32
        %dma_start3A_204 = arith.constant 0 : i32
        %dma_start3A_205 = tpu.memref_slice %arg15[%dma_start3A_203, %dma_start3A_204] : memref<10240x64xf32, #tpu.memory_space<vmem_shared>> -> memref<10240x64xf32, #tpu.memory_space<vmem_shared>>
        tpu.enqueue_indirect_dma source(%arg9 : memref<128x64xf32, #tpu.memory_space<vmem>>) target(%dma_start3A_205 : memref<10240x64xf32, #tpu.memory_space<vmem_shared>>) offsets(%dma_start3A_202 : memref<128xi32, #tpu.memory_space<vmem>>) semaphore(%arg26 : memref<!tpu.dma_semaphore, #tpu.memory_space<semaphore_mem>>) {add = true}
        %add3A_206 = arith.constant 8 : i32
        %add3A_207 = arith.addi %add3A_150, %add3A_206 : i32
        %lt3A_208 = arith.constant 80 : i32
        %lt3A_209 = arith.cmpi slt, %add3A_207, %lt3A_208 : i32
        %convert_element_type3A_210 = arith.extui %lt3A_209 : i1 to i32
        %cond3A_211 = arith.constant 0 : i32
        %cond3A_212 = arith.cmpi ne, %convert_element_type3A_210, %cond3A_211 : i32
        scf.if %cond3A_212 {
          %dma_wait3A_318 = arith.constant 0 : i32
          %dma_wait3A_319 = tpu.memref_slice %arg6[%add3A_193, %dma_wait3A_318] : memref<80x128xi32, #tpu.memory_space<vmem>> -> memref<1x128xi32, #tpu.memory_space<vmem>>
          %dma_wait3A_320 = tpu.memref_squeeze %dma_wait3A_319 : memref<1x128xi32, #tpu.memory_space<vmem>> -> memref<128xi32, #tpu.memory_space<vmem>>
          %dma_wait3A_321 = arith.constant 0 : i32
          %dma_wait3A_322 = arith.constant 0 : i32
          %dma_wait3A_323 = tpu.memref_slice %arg15[%dma_wait3A_321, %dma_wait3A_322] : memref<10240x64xf32, #tpu.memory_space<vmem_shared>> -> memref<10240x64xf32, #tpu.memory_space<vmem_shared>>
          tpu.wait_indirect_dma semaphore(%arg26 : memref<!tpu.dma_semaphore, #tpu.memory_space<semaphore_mem>>) src(%arg9 : memref<128x64xf32, #tpu.memory_space<vmem>>) dst(%dma_wait3A_323 : memref<10240x64xf32, #tpu.memory_space<vmem_shared>>)
          %add3A_324 = arith.constant 8 : i32
          %add3A_325 = arith.addi %add3A_193, %add3A_324 : i32
          %dma_start3A_326 = arith.constant 0 : i32
          %dma_start3A_327 = tpu.memref_slice %arg5[%add3A_325, %dma_start3A_326] : memref<80x128xi32, #tpu.memory_space<vmem>> -> memref<1x128xi32, #tpu.memory_space<vmem>>
          %dma_start3A_328 = tpu.memref_squeeze %dma_start3A_327 : memref<1x128xi32, #tpu.memory_space<vmem>> -> memref<128xi32, #tpu.memory_space<vmem>>
          %dma_start3A_329 = arith.constant 0 : i32
          %dma_start3A_330 = arith.constant 0 : i32
          %dma_start3A_331 = tpu.memref_slice %arg2[%dma_start3A_329, %dma_start3A_330] : memref<10000x64xf32, #tpu.memory_space<hbm>> -> memref<10000x64xf32, #tpu.memory_space<hbm>>
          tpu.enqueue_indirect_dma source(%dma_start3A_331 : memref<10000x64xf32, #tpu.memory_space<hbm>>) target(%arg9 : memref<128x64xf32, #tpu.memory_space<vmem>>) offsets(%dma_start3A_328 : memref<128xi32, #tpu.memory_space<vmem>>) semaphore(%arg18 : memref<!tpu.dma_semaphore, #tpu.memory_space<semaphore_mem>>)
        } else {
        }
        %add3A_213 = arith.constant 3 : i32
        %add3A_214 = arith.addi %add3A_150, %add3A_213 : i32
        %dma_wait3A_215 = arith.constant 0 : i32
        %dma_wait3A_216 = tpu.memref_slice %arg5[%add3A_214, %dma_wait3A_215] : memref<80x128xi32, #tpu.memory_space<vmem>> -> memref<1x128xi32, #tpu.memory_space<vmem>>
        %dma_wait3A_217 = tpu.memref_squeeze %dma_wait3A_216 : memref<1x128xi32, #tpu.memory_space<vmem>> -> memref<128xi32, #tpu.memory_space<vmem>>
        %dma_wait3A_218 = arith.constant 0 : i32
        %dma_wait3A_219 = arith.constant 0 : i32
        %dma_wait3A_220 = tpu.memref_slice %arg2[%dma_wait3A_218, %dma_wait3A_219] : memref<10000x64xf32, #tpu.memory_space<hbm>> -> memref<10000x64xf32, #tpu.memory_space<hbm>>
        tpu.wait_indirect_dma semaphore(%arg19 : memref<!tpu.dma_semaphore, #tpu.memory_space<semaphore_mem>>) src(%dma_wait3A_220 : memref<10000x64xf32, #tpu.memory_space<hbm>>) dst(%arg10 : memref<128x64xf32, #tpu.memory_space<vmem>>)
        %dma_start3A_221 = arith.constant 0 : i32
        %dma_start3A_222 = tpu.memref_slice %arg6[%add3A_214, %dma_start3A_221] : memref<80x128xi32, #tpu.memory_space<vmem>> -> memref<1x128xi32, #tpu.memory_space<vmem>>
        %dma_start3A_223 = tpu.memref_squeeze %dma_start3A_222 : memref<1x128xi32, #tpu.memory_space<vmem>> -> memref<128xi32, #tpu.memory_space<vmem>>
        %dma_start3A_224 = arith.constant 0 : i32
        %dma_start3A_225 = arith.constant 0 : i32
        %dma_start3A_226 = tpu.memref_slice %arg15[%dma_start3A_224, %dma_start3A_225] : memref<10240x64xf32, #tpu.memory_space<vmem_shared>> -> memref<10240x64xf32, #tpu.memory_space<vmem_shared>>
        tpu.enqueue_indirect_dma source(%arg10 : memref<128x64xf32, #tpu.memory_space<vmem>>) target(%dma_start3A_226 : memref<10240x64xf32, #tpu.memory_space<vmem_shared>>) offsets(%dma_start3A_223 : memref<128xi32, #tpu.memory_space<vmem>>) semaphore(%arg27 : memref<!tpu.dma_semaphore, #tpu.memory_space<semaphore_mem>>) {add = true}
        %add3A_227 = arith.constant 8 : i32
        %add3A_228 = arith.addi %add3A_150, %add3A_227 : i32
        %lt3A_229 = arith.constant 80 : i32
        %lt3A_230 = arith.cmpi slt, %add3A_228, %lt3A_229 : i32
        %convert_element_type3A_231 = arith.extui %lt3A_230 : i1 to i32
        %cond3A_232 = arith.constant 0 : i32
        %cond3A_233 = arith.cmpi ne, %convert_element_type3A_231, %cond3A_232 : i32
        scf.if %cond3A_233 {
          %dma_wait3A_318 = arith.constant 0 : i32
          %dma_wait3A_319 = tpu.memref_slice %arg6[%add3A_214, %dma_wait3A_318] : memref<80x128xi32, #tpu.memory_space<vmem>> -> memref<1x128xi32, #tpu.memory_space<vmem>>
          %dma_wait3A_320 = tpu.memref_squeeze %dma_wait3A_319 : memref<1x128xi32, #tpu.memory_space<vmem>> -> memref<128xi32, #tpu.memory_space<vmem>>
          %dma_wait3A_321 = arith.constant 0 : i32
          %dma_wait3A_322 = arith.constant 0 : i32
          %dma_wait3A_323 = tpu.memref_slice %arg15[%dma_wait3A_321, %dma_wait3A_322] : memref<10240x64xf32, #tpu.memory_space<vmem_shared>> -> memref<10240x64xf32, #tpu.memory_space<vmem_shared>>
          tpu.wait_indirect_dma semaphore(%arg27 : memref<!tpu.dma_semaphore, #tpu.memory_space<semaphore_mem>>) src(%arg10 : memref<128x64xf32, #tpu.memory_space<vmem>>) dst(%dma_wait3A_323 : memref<10240x64xf32, #tpu.memory_space<vmem_shared>>)
          %add3A_324 = arith.constant 8 : i32
          %add3A_325 = arith.addi %add3A_214, %add3A_324 : i32
          %dma_start3A_326 = arith.constant 0 : i32
          %dma_start3A_327 = tpu.memref_slice %arg5[%add3A_325, %dma_start3A_326] : memref<80x128xi32, #tpu.memory_space<vmem>> -> memref<1x128xi32, #tpu.memory_space<vmem>>
          %dma_start3A_328 = tpu.memref_squeeze %dma_start3A_327 : memref<1x128xi32, #tpu.memory_space<vmem>> -> memref<128xi32, #tpu.memory_space<vmem>>
          %dma_start3A_329 = arith.constant 0 : i32
          %dma_start3A_330 = arith.constant 0 : i32
          %dma_start3A_331 = tpu.memref_slice %arg2[%dma_start3A_329, %dma_start3A_330] : memref<10000x64xf32, #tpu.memory_space<hbm>> -> memref<10000x64xf32, #tpu.memory_space<hbm>>
          tpu.enqueue_indirect_dma source(%dma_start3A_331 : memref<10000x64xf32, #tpu.memory_space<hbm>>) target(%arg10 : memref<128x64xf32, #tpu.memory_space<vmem>>) offsets(%dma_start3A_328 : memref<128xi32, #tpu.memory_space<vmem>>) semaphore(%arg19 : memref<!tpu.dma_semaphore, #tpu.memory_space<semaphore_mem>>)
        } else {
        }
        %add3A_234 = arith.constant 4 : i32
        %add3A_235 = arith.addi %add3A_150, %add3A_234 : i32
        %dma_wait3A_236 = arith.constant 0 : i32
        %dma_wait3A_237 = tpu.memref_slice %arg5[%add3A_235, %dma_wait3A_236] : memref<80x128xi32, #tpu.memory_space<vmem>> -> memref<1x128xi32, #tpu.memory_space<vmem>>
        %dma_wait3A_238 = tpu.memref_squeeze %dma_wait3A_237 : memref<1x128xi32, #tpu.memory_space<vmem>> -> memref<128xi32, #tpu.memory_space<vmem>>
        %dma_wait3A_239 = arith.constant 0 : i32
        %dma_wait3A_240 = arith.constant 0 : i32
        %dma_wait3A_241 = tpu.memref_slice %arg2[%dma_wait3A_239, %dma_wait3A_240] : memref<10000x64xf32, #tpu.memory_space<hbm>> -> memref<10000x64xf32, #tpu.memory_space<hbm>>
        tpu.wait_indirect_dma semaphore(%arg20 : memref<!tpu.dma_semaphore, #tpu.memory_space<semaphore_mem>>) src(%dma_wait3A_241 : memref<10000x64xf32, #tpu.memory_space<hbm>>) dst(%arg11 : memref<128x64xf32, #tpu.memory_space<vmem>>)
        %dma_start3A_242 = arith.constant 0 : i32
        %dma_start3A_243 = tpu.memref_slice %arg6[%add3A_235, %dma_start3A_242] : memref<80x128xi32, #tpu.memory_space<vmem>> -> memref<1x128xi32, #tpu.memory_space<vmem>>
        %dma_start3A_244 = tpu.memref_squeeze %dma_start3A_243 : memref<1x128xi32, #tpu.memory_space<vmem>> -> memref<128xi32, #tpu.memory_space<vmem>>
        %dma_start3A_245 = arith.constant 0 : i32
        %dma_start3A_246 = arith.constant 0 : i32
        %dma_start3A_247 = tpu.memref_slice %arg15[%dma_start3A_245, %dma_start3A_246] : memref<10240x64xf32, #tpu.memory_space<vmem_shared>> -> memref<10240x64xf32, #tpu.memory_space<vmem_shared>>
        tpu.enqueue_indirect_dma source(%arg11 : memref<128x64xf32, #tpu.memory_space<vmem>>) target(%dma_start3A_247 : memref<10240x64xf32, #tpu.memory_space<vmem_shared>>) offsets(%dma_start3A_244 : memref<128xi32, #tpu.memory_space<vmem>>) semaphore(%arg28 : memref<!tpu.dma_semaphore, #tpu.memory_space<semaphore_mem>>) {add = true}
        %add3A_248 = arith.constant 8 : i32
        %add3A_249 = arith.addi %add3A_150, %add3A_248 : i32
        %lt3A_250 = arith.constant 80 : i32
        %lt3A_251 = arith.cmpi slt, %add3A_249, %lt3A_250 : i32
        %convert_element_type3A_252 = arith.extui %lt3A_251 : i1 to i32
        %cond3A_253 = arith.constant 0 : i32
        %cond3A_254 = arith.cmpi ne, %convert_element_type3A_252, %cond3A_253 : i32
        scf.if %cond3A_254 {
          %dma_wait3A_318 = arith.constant 0 : i32
          %dma_wait3A_319 = tpu.memref_slice %arg6[%add3A_235, %dma_wait3A_318] : memref<80x128xi32, #tpu.memory_space<vmem>> -> memref<1x128xi32, #tpu.memory_space<vmem>>
          %dma_wait3A_320 = tpu.memref_squeeze %dma_wait3A_319 : memref<1x128xi32, #tpu.memory_space<vmem>> -> memref<128xi32, #tpu.memory_space<vmem>>
          %dma_wait3A_321 = arith.constant 0 : i32
          %dma_wait3A_322 = arith.constant 0 : i32
          %dma_wait3A_323 = tpu.memref_slice %arg15[%dma_wait3A_321, %dma_wait3A_322] : memref<10240x64xf32, #tpu.memory_space<vmem_shared>> -> memref<10240x64xf32, #tpu.memory_space<vmem_shared>>
          tpu.wait_indirect_dma semaphore(%arg28 : memref<!tpu.dma_semaphore, #tpu.memory_space<semaphore_mem>>) src(%arg11 : memref<128x64xf32, #tpu.memory_space<vmem>>) dst(%dma_wait3A_323 : memref<10240x64xf32, #tpu.memory_space<vmem_shared>>)
          %add3A_324 = arith.constant 8 : i32
          %add3A_325 = arith.addi %add3A_235, %add3A_324 : i32
          %dma_start3A_326 = arith.constant 0 : i32
          %dma_start3A_327 = tpu.memref_slice %arg5[%add3A_325, %dma_start3A_326] : memref<80x128xi32, #tpu.memory_space<vmem>> -> memref<1x128xi32, #tpu.memory_space<vmem>>
          %dma_start3A_328 = tpu.memref_squeeze %dma_start3A_327 : memref<1x128xi32, #tpu.memory_space<vmem>> -> memref<128xi32, #tpu.memory_space<vmem>>
          %dma_start3A_329 = arith.constant 0 : i32
          %dma_start3A_330 = arith.constant 0 : i32
          %dma_start3A_331 = tpu.memref_slice %arg2[%dma_start3A_329, %dma_start3A_330] : memref<10000x64xf32, #tpu.memory_space<hbm>> -> memref<10000x64xf32, #tpu.memory_space<hbm>>
          tpu.enqueue_indirect_dma source(%dma_start3A_331 : memref<10000x64xf32, #tpu.memory_space<hbm>>) target(%arg11 : memref<128x64xf32, #tpu.memory_space<vmem>>) offsets(%dma_start3A_328 : memref<128xi32, #tpu.memory_space<vmem>>) semaphore(%arg20 : memref<!tpu.dma_semaphore, #tpu.memory_space<semaphore_mem>>)
        } else {
        }
        %add3A_255 = arith.constant 5 : i32
        %add3A_256 = arith.addi %add3A_150, %add3A_255 : i32
        %dma_wait3A_257 = arith.constant 0 : i32
        %dma_wait3A_258 = tpu.memref_slice %arg5[%add3A_256, %dma_wait3A_257] : memref<80x128xi32, #tpu.memory_space<vmem>> -> memref<1x128xi32, #tpu.memory_space<vmem>>
        %dma_wait3A_259 = tpu.memref_squeeze %dma_wait3A_258 : memref<1x128xi32, #tpu.memory_space<vmem>> -> memref<128xi32, #tpu.memory_space<vmem>>
        %dma_wait3A_260 = arith.constant 0 : i32
        %dma_wait3A_261 = arith.constant 0 : i32
        %dma_wait3A_262 = tpu.memref_slice %arg2[%dma_wait3A_260, %dma_wait3A_261] : memref<10000x64xf32, #tpu.memory_space<hbm>> -> memref<10000x64xf32, #tpu.memory_space<hbm>>
        tpu.wait_indirect_dma semaphore(%arg21 : memref<!tpu.dma_semaphore, #tpu.memory_space<semaphore_mem>>) src(%dma_wait3A_262 : memref<10000x64xf32, #tpu.memory_space<hbm>>) dst(%arg12 : memref<128x64xf32, #tpu.memory_space<vmem>>)
        %dma_start3A_263 = arith.constant 0 : i32
        %dma_start3A_264 = tpu.memref_slice %arg6[%add3A_256, %dma_start3A_263] : memref<80x128xi32, #tpu.memory_space<vmem>> -> memref<1x128xi32, #tpu.memory_space<vmem>>
        %dma_start3A_265 = tpu.memref_squeeze %dma_start3A_264 : memref<1x128xi32, #tpu.memory_space<vmem>> -> memref<128xi32, #tpu.memory_space<vmem>>
        %dma_start3A_266 = arith.constant 0 : i32
        %dma_start3A_267 = arith.constant 0 : i32
        %dma_start3A_268 = tpu.memref_slice %arg15[%dma_start3A_266, %dma_start3A_267] : memref<10240x64xf32, #tpu.memory_space<vmem_shared>> -> memref<10240x64xf32, #tpu.memory_space<vmem_shared>>
        tpu.enqueue_indirect_dma source(%arg12 : memref<128x64xf32, #tpu.memory_space<vmem>>) target(%dma_start3A_268 : memref<10240x64xf32, #tpu.memory_space<vmem_shared>>) offsets(%dma_start3A_265 : memref<128xi32, #tpu.memory_space<vmem>>) semaphore(%arg29 : memref<!tpu.dma_semaphore, #tpu.memory_space<semaphore_mem>>) {add = true}
        %add3A_269 = arith.constant 8 : i32
        %add3A_270 = arith.addi %add3A_150, %add3A_269 : i32
        %lt3A_271 = arith.constant 80 : i32
        %lt3A_272 = arith.cmpi slt, %add3A_270, %lt3A_271 : i32
        %convert_element_type3A_273 = arith.extui %lt3A_272 : i1 to i32
        %cond3A_274 = arith.constant 0 : i32
        %cond3A_275 = arith.cmpi ne, %convert_element_type3A_273, %cond3A_274 : i32
        scf.if %cond3A_275 {
          %dma_wait3A_318 = arith.constant 0 : i32
          %dma_wait3A_319 = tpu.memref_slice %arg6[%add3A_256, %dma_wait3A_318] : memref<80x128xi32, #tpu.memory_space<vmem>> -> memref<1x128xi32, #tpu.memory_space<vmem>>
          %dma_wait3A_320 = tpu.memref_squeeze %dma_wait3A_319 : memref<1x128xi32, #tpu.memory_space<vmem>> -> memref<128xi32, #tpu.memory_space<vmem>>
          %dma_wait3A_321 = arith.constant 0 : i32
          %dma_wait3A_322 = arith.constant 0 : i32
          %dma_wait3A_323 = tpu.memref_slice %arg15[%dma_wait3A_321, %dma_wait3A_322] : memref<10240x64xf32, #tpu.memory_space<vmem_shared>> -> memref<10240x64xf32, #tpu.memory_space<vmem_shared>>
          tpu.wait_indirect_dma semaphore(%arg29 : memref<!tpu.dma_semaphore, #tpu.memory_space<semaphore_mem>>) src(%arg12 : memref<128x64xf32, #tpu.memory_space<vmem>>) dst(%dma_wait3A_323 : memref<10240x64xf32, #tpu.memory_space<vmem_shared>>)
          %add3A_324 = arith.constant 8 : i32
          %add3A_325 = arith.addi %add3A_256, %add3A_324 : i32
          %dma_start3A_326 = arith.constant 0 : i32
          %dma_start3A_327 = tpu.memref_slice %arg5[%add3A_325, %dma_start3A_326] : memref<80x128xi32, #tpu.memory_space<vmem>> -> memref<1x128xi32, #tpu.memory_space<vmem>>
          %dma_start3A_328 = tpu.memref_squeeze %dma_start3A_327 : memref<1x128xi32, #tpu.memory_space<vmem>> -> memref<128xi32, #tpu.memory_space<vmem>>
          %dma_start3A_329 = arith.constant 0 : i32
          %dma_start3A_330 = arith.constant 0 : i32
          %dma_start3A_331 = tpu.memref_slice %arg2[%dma_start3A_329, %dma_start3A_330] : memref<10000x64xf32, #tpu.memory_space<hbm>> -> memref<10000x64xf32, #tpu.memory_space<hbm>>
          tpu.enqueue_indirect_dma source(%dma_start3A_331 : memref<10000x64xf32, #tpu.memory_space<hbm>>) target(%arg12 : memref<128x64xf32, #tpu.memory_space<vmem>>) offsets(%dma_start3A_328 : memref<128xi32, #tpu.memory_space<vmem>>) semaphore(%arg21 : memref<!tpu.dma_semaphore, #tpu.memory_space<semaphore_mem>>)
        } else {
        }
        %add3A_276 = arith.constant 6 : i32
        %add3A_277 = arith.addi %add3A_150, %add3A_276 : i32
        %dma_wait3A_278 = arith.constant 0 : i32
        %dma_wait3A_279 = tpu.memref_slice %arg5[%add3A_277, %dma_wait3A_278] : memref<80x128xi32, #tpu.memory_space<vmem>> -> memref<1x128xi32, #tpu.memory_space<vmem>>
        %dma_wait3A_280 = tpu.memref_squeeze %dma_wait3A_279 : memref<1x128xi32, #tpu.memory_space<vmem>> -> memref<128xi32, #tpu.memory_space<vmem>>
        %dma_wait3A_281 = arith.constant 0 : i32
        %dma_wait3A_282 = arith.constant 0 : i32
        %dma_wait3A_283 = tpu.memref_slice %arg2[%dma_wait3A_281, %dma_wait3A_282] : memref<10000x64xf32, #tpu.memory_space<hbm>> -> memref<10000x64xf32, #tpu.memory_space<hbm>>
        tpu.wait_indirect_dma semaphore(%arg22 : memref<!tpu.dma_semaphore, #tpu.memory_space<semaphore_mem>>) src(%dma_wait3A_283 : memref<10000x64xf32, #tpu.memory_space<hbm>>) dst(%arg13 : memref<128x64xf32, #tpu.memory_space<vmem>>)
        %dma_start3A_284 = arith.constant 0 : i32
        %dma_start3A_285 = tpu.memref_slice %arg6[%add3A_277, %dma_start3A_284] : memref<80x128xi32, #tpu.memory_space<vmem>> -> memref<1x128xi32, #tpu.memory_space<vmem>>
        %dma_start3A_286 = tpu.memref_squeeze %dma_start3A_285 : memref<1x128xi32, #tpu.memory_space<vmem>> -> memref<128xi32, #tpu.memory_space<vmem>>
        %dma_start3A_287 = arith.constant 0 : i32
        %dma_start3A_288 = arith.constant 0 : i32
        %dma_start3A_289 = tpu.memref_slice %arg15[%dma_start3A_287, %dma_start3A_288] : memref<10240x64xf32, #tpu.memory_space<vmem_shared>> -> memref<10240x64xf32, #tpu.memory_space<vmem_shared>>
        tpu.enqueue_indirect_dma source(%arg13 : memref<128x64xf32, #tpu.memory_space<vmem>>) target(%dma_start3A_289 : memref<10240x64xf32, #tpu.memory_space<vmem_shared>>) offsets(%dma_start3A_286 : memref<128xi32, #tpu.memory_space<vmem>>) semaphore(%arg30 : memref<!tpu.dma_semaphore, #tpu.memory_space<semaphore_mem>>) {add = true}
        %add3A_290 = arith.constant 8 : i32
        %add3A_291 = arith.addi %add3A_150, %add3A_290 : i32
        %lt3A_292 = arith.constant 80 : i32
        %lt3A_293 = arith.cmpi slt, %add3A_291, %lt3A_292 : i32
        %convert_element_type3A_294 = arith.extui %lt3A_293 : i1 to i32
        %cond3A_295 = arith.constant 0 : i32
        %cond3A_296 = arith.cmpi ne, %convert_element_type3A_294, %cond3A_295 : i32
        scf.if %cond3A_296 {
          %dma_wait3A_318 = arith.constant 0 : i32
          %dma_wait3A_319 = tpu.memref_slice %arg6[%add3A_277, %dma_wait3A_318] : memref<80x128xi32, #tpu.memory_space<vmem>> -> memref<1x128xi32, #tpu.memory_space<vmem>>
          %dma_wait3A_320 = tpu.memref_squeeze %dma_wait3A_319 : memref<1x128xi32, #tpu.memory_space<vmem>> -> memref<128xi32, #tpu.memory_space<vmem>>
          %dma_wait3A_321 = arith.constant 0 : i32
          %dma_wait3A_322 = arith.constant 0 : i32
          %dma_wait3A_323 = tpu.memref_slice %arg15[%dma_wait3A_321, %dma_wait3A_322] : memref<10240x64xf32, #tpu.memory_space<vmem_shared>> -> memref<10240x64xf32, #tpu.memory_space<vmem_shared>>
          tpu.wait_indirect_dma semaphore(%arg30 : memref<!tpu.dma_semaphore, #tpu.memory_space<semaphore_mem>>) src(%arg13 : memref<128x64xf32, #tpu.memory_space<vmem>>) dst(%dma_wait3A_323 : memref<10240x64xf32, #tpu.memory_space<vmem_shared>>)
          %add3A_324 = arith.constant 8 : i32
          %add3A_325 = arith.addi %add3A_277, %add3A_324 : i32
          %dma_start3A_326 = arith.constant 0 : i32
          %dma_start3A_327 = tpu.memref_slice %arg5[%add3A_325, %dma_start3A_326] : memref<80x128xi32, #tpu.memory_space<vmem>> -> memref<1x128xi32, #tpu.memory_space<vmem>>
          %dma_start3A_328 = tpu.memref_squeeze %dma_start3A_327 : memref<1x128xi32, #tpu.memory_space<vmem>> -> memref<128xi32, #tpu.memory_space<vmem>>
          %dma_start3A_329 = arith.constant 0 : i32
          %dma_start3A_330 = arith.constant 0 : i32
          %dma_start3A_331 = tpu.memref_slice %arg2[%dma_start3A_329, %dma_start3A_330] : memref<10000x64xf32, #tpu.memory_space<hbm>> -> memref<10000x64xf32, #tpu.memory_space<hbm>>
          tpu.enqueue_indirect_dma source(%dma_start3A_331 : memref<10000x64xf32, #tpu.memory_space<hbm>>) target(%arg13 : memref<128x64xf32, #tpu.memory_space<vmem>>) offsets(%dma_start3A_328 : memref<128xi32, #tpu.memory_space<vmem>>) semaphore(%arg22 : memref<!tpu.dma_semaphore, #tpu.memory_space<semaphore_mem>>)
        } else {
        }
        %add3A_297 = arith.constant 7 : i32
        %add3A_298 = arith.addi %add3A_150, %add3A_297 : i32
        %dma_wait3A_299 = arith.constant 0 : i32
        %dma_wait3A_300 = tpu.memref_slice %arg5[%add3A_298, %dma_wait3A_299] : memref<80x128xi32, #tpu.memory_space<vmem>> -> memref<1x128xi32, #tpu.memory_space<vmem>>
        %dma_wait3A_301 = tpu.memref_squeeze %dma_wait3A_300 : memref<1x128xi32, #tpu.memory_space<vmem>> -> memref<128xi32, #tpu.memory_space<vmem>>
        %dma_wait3A_302 = arith.constant 0 : i32
        %dma_wait3A_303 = arith.constant 0 : i32
        %dma_wait3A_304 = tpu.memref_slice %arg2[%dma_wait3A_302, %dma_wait3A_303] : memref<10000x64xf32, #tpu.memory_space<hbm>> -> memref<10000x64xf32, #tpu.memory_space<hbm>>
        tpu.wait_indirect_dma semaphore(%arg23 : memref<!tpu.dma_semaphore, #tpu.memory_space<semaphore_mem>>) src(%dma_wait3A_304 : memref<10000x64xf32, #tpu.memory_space<hbm>>) dst(%arg14 : memref<128x64xf32, #tpu.memory_space<vmem>>)
        %dma_start3A_305 = arith.constant 0 : i32
        %dma_start3A_306 = tpu.memref_slice %arg6[%add3A_298, %dma_start3A_305] : memref<80x128xi32, #tpu.memory_space<vmem>> -> memref<1x128xi32, #tpu.memory_space<vmem>>
        %dma_start3A_307 = tpu.memref_squeeze %dma_start3A_306 : memref<1x128xi32, #tpu.memory_space<vmem>> -> memref<128xi32, #tpu.memory_space<vmem>>
        %dma_start3A_308 = arith.constant 0 : i32
        %dma_start3A_309 = arith.constant 0 : i32
        %dma_start3A_310 = tpu.memref_slice %arg15[%dma_start3A_308, %dma_start3A_309] : memref<10240x64xf32, #tpu.memory_space<vmem_shared>> -> memref<10240x64xf32, #tpu.memory_space<vmem_shared>>
        tpu.enqueue_indirect_dma source(%arg14 : memref<128x64xf32, #tpu.memory_space<vmem>>) target(%dma_start3A_310 : memref<10240x64xf32, #tpu.memory_space<vmem_shared>>) offsets(%dma_start3A_307 : memref<128xi32, #tpu.memory_space<vmem>>) semaphore(%arg31 : memref<!tpu.dma_semaphore, #tpu.memory_space<semaphore_mem>>) {add = true}
        %add3A_311 = arith.constant 8 : i32
        %add3A_312 = arith.addi %add3A_150, %add3A_311 : i32
        %lt3A_313 = arith.constant 80 : i32
        %lt3A_314 = arith.cmpi slt, %add3A_312, %lt3A_313 : i32
        %convert_element_type3A_315 = arith.extui %lt3A_314 : i1 to i32
        %cond3A_316 = arith.constant 0 : i32
        %cond3A_317 = arith.cmpi ne, %convert_element_type3A_315, %cond3A_316 : i32
        scf.if %cond3A_317 {
          %dma_wait3A_318 = arith.constant 0 : i32
          %dma_wait3A_319 = tpu.memref_slice %arg6[%add3A_298, %dma_wait3A_318] : memref<80x128xi32, #tpu.memory_space<vmem>> -> memref<1x128xi32, #tpu.memory_space<vmem>>
          %dma_wait3A_320 = tpu.memref_squeeze %dma_wait3A_319 : memref<1x128xi32, #tpu.memory_space<vmem>> -> memref<128xi32, #tpu.memory_space<vmem>>
          %dma_wait3A_321 = arith.constant 0 : i32
          %dma_wait3A_322 = arith.constant 0 : i32
          %dma_wait3A_323 = tpu.memref_slice %arg15[%dma_wait3A_321, %dma_wait3A_322] : memref<10240x64xf32, #tpu.memory_space<vmem_shared>> -> memref<10240x64xf32, #tpu.memory_space<vmem_shared>>
          tpu.wait_indirect_dma semaphore(%arg31 : memref<!tpu.dma_semaphore, #tpu.memory_space<semaphore_mem>>) src(%arg14 : memref<128x64xf32, #tpu.memory_space<vmem>>) dst(%dma_wait3A_323 : memref<10240x64xf32, #tpu.memory_space<vmem_shared>>)
          %add3A_324 = arith.constant 8 : i32
          %add3A_325 = arith.addi %add3A_298, %add3A_324 : i32
          %dma_start3A_326 = arith.constant 0 : i32
          %dma_start3A_327 = tpu.memref_slice %arg5[%add3A_325, %dma_start3A_326] : memref<80x128xi32, #tpu.memory_space<vmem>> -> memref<1x128xi32, #tpu.memory_space<vmem>>
          %dma_start3A_328 = tpu.memref_squeeze %dma_start3A_327 : memref<1x128xi32, #tpu.memory_space<vmem>> -> memref<128xi32, #tpu.memory_space<vmem>>
          %dma_start3A_329 = arith.constant 0 : i32
          %dma_start3A_330 = arith.constant 0 : i32
          %dma_start3A_331 = tpu.memref_slice %arg2[%dma_start3A_329, %dma_start3A_330] : memref<10000x64xf32, #tpu.memory_space<hbm>> -> memref<10000x64xf32, #tpu.memory_space<hbm>>
          tpu.enqueue_indirect_dma source(%dma_start3A_331 : memref<10000x64xf32, #tpu.memory_space<hbm>>) target(%arg14 : memref<128x64xf32, #tpu.memory_space<vmem>>) offsets(%dma_start3A_328 : memref<128xi32, #tpu.memory_space<vmem>>) semaphore(%arg23 : memref<!tpu.dma_semaphore, #tpu.memory_space<semaphore_mem>>)
        } else {
        }
      }
      %scan3A_90 = arith.constant 10 : i32
      %dma_wait3A = arith.constant 72 : i32
      %dma_wait3A_91 = arith.constant 0 : i32
      %dma_wait3A_92 = tpu.memref_slice %arg6[%dma_wait3A, %dma_wait3A_91] : memref<80x128xi32, #tpu.memory_space<vmem>> -> memref<1x128xi32, #tpu.memory_space<vmem>>
      %dma_wait3A_93 = tpu.memref_squeeze %dma_wait3A_92 : memref<1x128xi32, #tpu.memory_space<vmem>> -> memref<128xi32, #tpu.memory_space<vmem>>
      %dma_wait3A_94 = arith.constant 0 : i32
      %dma_wait3A_95 = arith.constant 0 : i32
      %dma_wait3A_96 = tpu.memref_slice %arg15[%dma_wait3A_94, %dma_wait3A_95] : memref<10240x64xf32, #tpu.memory_space<vmem_shared>> -> memref<10240x64xf32, #tpu.memory_space<vmem_shared>>
      tpu.wait_indirect_dma semaphore(%arg24 : memref<!tpu.dma_semaphore, #tpu.memory_space<semaphore_mem>>) src(%arg7 : memref<128x64xf32, #tpu.memory_space<vmem>>) dst(%dma_wait3A_96 : memref<10240x64xf32, #tpu.memory_space<vmem_shared>>)
      %dma_wait3A_97 = arith.constant 73 : i32
      %dma_wait3A_98 = arith.constant 0 : i32
      %dma_wait3A_99 = tpu.memref_slice %arg6[%dma_wait3A_97, %dma_wait3A_98] : memref<80x128xi32, #tpu.memory_space<vmem>> -> memref<1x128xi32, #tpu.memory_space<vmem>>
      %dma_wait3A_100 = tpu.memref_squeeze %dma_wait3A_99 : memref<1x128xi32, #tpu.memory_space<vmem>> -> memref<128xi32, #tpu.memory_space<vmem>>
      %dma_wait3A_101 = arith.constant 0 : i32
      %dma_wait3A_102 = arith.constant 0 : i32
      %dma_wait3A_103 = tpu.memref_slice %arg15[%dma_wait3A_101, %dma_wait3A_102] : memref<10240x64xf32, #tpu.memory_space<vmem_shared>> -> memref<10240x64xf32, #tpu.memory_space<vmem_shared>>
      tpu.wait_indirect_dma semaphore(%arg25 : memref<!tpu.dma_semaphore, #tpu.memory_space<semaphore_mem>>) src(%arg8 : memref<128x64xf32, #tpu.memory_space<vmem>>) dst(%dma_wait3A_103 : memref<10240x64xf32, #tpu.memory_space<vmem_shared>>)
      %dma_wait3A_104 = arith.constant 74 : i32
      %dma_wait3A_105 = arith.constant 0 : i32
      %dma_wait3A_106 = tpu.memref_slice %arg6[%dma_wait3A_104, %dma_wait3A_105] : memref<80x128xi32, #tpu.memory_space<vmem>> -> memref<1x128xi32, #tpu.memory_space<vmem>>
      %dma_wait3A_107 = tpu.memref_squeeze %dma_wait3A_106 : memref<1x128xi32, #tpu.memory_space<vmem>> -> memref<128xi32, #tpu.memory_space<vmem>>
      %dma_wait3A_108 = arith.constant 0 : i32
      %dma_wait3A_109 = arith.constant 0 : i32
      %dma_wait3A_110 = tpu.memref_slice %arg15[%dma_wait3A_108, %dma_wait3A_109] : memref<10240x64xf32, #tpu.memory_space<vmem_shared>> -> memref<10240x64xf32, #tpu.memory_space<vmem_shared>>
      tpu.wait_indirect_dma semaphore(%arg26 : memref<!tpu.dma_semaphore, #tpu.memory_space<semaphore_mem>>) src(%arg9 : memref<128x64xf32, #tpu.memory_space<vmem>>) dst(%dma_wait3A_110 : memref<10240x64xf32, #tpu.memory_space<vmem_shared>>)
      %dma_wait3A_111 = arith.constant 75 : i32
      %dma_wait3A_112 = arith.constant 0 : i32
      %dma_wait3A_113 = tpu.memref_slice %arg6[%dma_wait3A_111, %dma_wait3A_112] : memref<80x128xi32, #tpu.memory_space<vmem>> -> memref<1x128xi32, #tpu.memory_space<vmem>>
      %dma_wait3A_114 = tpu.memref_squeeze %dma_wait3A_113 : memref<1x128xi32, #tpu.memory_space<vmem>> -> memref<128xi32, #tpu.memory_space<vmem>>
      %dma_wait3A_115 = arith.constant 0 : i32
      %dma_wait3A_116 = arith.constant 0 : i32
      %dma_wait3A_117 = tpu.memref_slice %arg15[%dma_wait3A_115, %dma_wait3A_116] : memref<10240x64xf32, #tpu.memory_space<vmem_shared>> -> memref<10240x64xf32, #tpu.memory_space<vmem_shared>>
      tpu.wait_indirect_dma semaphore(%arg27 : memref<!tpu.dma_semaphore, #tpu.memory_space<semaphore_mem>>) src(%arg10 : memref<128x64xf32, #tpu.memory_space<vmem>>) dst(%dma_wait3A_117 : memref<10240x64xf32, #tpu.memory_space<vmem_shared>>)
      %dma_wait3A_118 = arith.constant 76 : i32
      %dma_wait3A_119 = arith.constant 0 : i32
      %dma_wait3A_120 = tpu.memref_slice %arg6[%dma_wait3A_118, %dma_wait3A_119] : memref<80x128xi32, #tpu.memory_space<vmem>> -> memref<1x128xi32, #tpu.memory_space<vmem>>
      %dma_wait3A_121 = tpu.memref_squeeze %dma_wait3A_120 : memref<1x128xi32, #tpu.memory_space<vmem>> -> memref<128xi32, #tpu.memory_space<vmem>>
      %dma_wait3A_122 = arith.constant 0 : i32
      %dma_wait3A_123 = arith.constant 0 : i32
      %dma_wait3A_124 = tpu.memref_slice %arg15[%dma_wait3A_122, %dma_wait3A_123] : memref<10240x64xf32, #tpu.memory_space<vmem_shared>> -> memref<10240x64xf32, #tpu.memory_space<vmem_shared>>
      tpu.wait_indirect_dma semaphore(%arg28 : memref<!tpu.dma_semaphore, #tpu.memory_space<semaphore_mem>>) src(%arg11 : memref<128x64xf32, #tpu.memory_space<vmem>>) dst(%dma_wait3A_124 : memref<10240x64xf32, #tpu.memory_space<vmem_shared>>)
      %dma_wait3A_125 = arith.constant 77 : i32
      %dma_wait3A_126 = arith.constant 0 : i32
      %dma_wait3A_127 = tpu.memref_slice %arg6[%dma_wait3A_125, %dma_wait3A_126] : memref<80x128xi32, #tpu.memory_space<vmem>> -> memref<1x128xi32, #tpu.memory_space<vmem>>
      %dma_wait3A_128 = tpu.memref_squeeze %dma_wait3A_127 : memref<1x128xi32, #tpu.memory_space<vmem>> -> memref<128xi32, #tpu.memory_space<vmem>>
      %dma_wait3A_129 = arith.constant 0 : i32
      %dma_wait3A_130 = arith.constant 0 : i32
      %dma_wait3A_131 = tpu.memref_slice %arg15[%dma_wait3A_129, %dma_wait3A_130] : memref<10240x64xf32, #tpu.memory_space<vmem_shared>> -> memref<10240x64xf32, #tpu.memory_space<vmem_shared>>
      tpu.wait_indirect_dma semaphore(%arg29 : memref<!tpu.dma_semaphore, #tpu.memory_space<semaphore_mem>>) src(%arg12 : memref<128x64xf32, #tpu.memory_space<vmem>>) dst(%dma_wait3A_131 : memref<10240x64xf32, #tpu.memory_space<vmem_shared>>)
      %dma_wait3A_132 = arith.constant 78 : i32
      %dma_wait3A_133 = arith.constant 0 : i32
      %dma_wait3A_134 = tpu.memref_slice %arg6[%dma_wait3A_132, %dma_wait3A_133] : memref<80x128xi32, #tpu.memory_space<vmem>> -> memref<1x128xi32, #tpu.memory_space<vmem>>
      %dma_wait3A_135 = tpu.memref_squeeze %dma_wait3A_134 : memref<1x128xi32, #tpu.memory_space<vmem>> -> memref<128xi32, #tpu.memory_space<vmem>>
      %dma_wait3A_136 = arith.constant 0 : i32
      %dma_wait3A_137 = arith.constant 0 : i32
      %dma_wait3A_138 = tpu.memref_slice %arg15[%dma_wait3A_136, %dma_wait3A_137] : memref<10240x64xf32, #tpu.memory_space<vmem_shared>> -> memref<10240x64xf32, #tpu.memory_space<vmem_shared>>
      tpu.wait_indirect_dma semaphore(%arg30 : memref<!tpu.dma_semaphore, #tpu.memory_space<semaphore_mem>>) src(%arg13 : memref<128x64xf32, #tpu.memory_space<vmem>>) dst(%dma_wait3A_138 : memref<10240x64xf32, #tpu.memory_space<vmem_shared>>)
      %dma_wait3A_139 = arith.constant 79 : i32
      %dma_wait3A_140 = arith.constant 0 : i32
      %dma_wait3A_141 = tpu.memref_slice %arg6[%dma_wait3A_139, %dma_wait3A_140] : memref<80x128xi32, #tpu.memory_space<vmem>> -> memref<1x128xi32, #tpu.memory_space<vmem>>
      %dma_wait3A_142 = tpu.memref_squeeze %dma_wait3A_141 : memref<1x128xi32, #tpu.memory_space<vmem>> -> memref<128xi32, #tpu.memory_space<vmem>>
      %dma_wait3A_143 = arith.constant 0 : i32
      %dma_wait3A_144 = arith.constant 0 : i32
      %dma_wait3A_145 = tpu.memref_slice %arg15[%dma_wait3A_143, %dma_wait3A_144] : memref<10240x64xf32, #tpu.memory_space<vmem_shared>> -> memref<10240x64xf32, #tpu.memory_space<vmem_shared>>
      tpu.wait_indirect_dma semaphore(%arg31 : memref<!tpu.dma_semaphore, #tpu.memory_space<semaphore_mem>>) src(%arg14 : memref<128x64xf32, #tpu.memory_space<vmem>>) dst(%dma_wait3A_145 : memref<10240x64xf32, #tpu.memory_space<vmem_shared>>)
    } else {
    }
    %eq3A_17 = arith.constant 1 : i32
    %eq3A_18 = arith.cmpi eq, %arg0, %eq3A_17 : i32
    %convert_element_type3A_19 = arith.extui %eq3A_18 : i1 to i32
    %cond3A_20 = arith.constant 0 : i32
    %cond3A_21 = arith.cmpi ne, %convert_element_type3A_19, %cond3A_20 : i32
    scf.if %cond3A_21 {
      %mul3A_27 = arith.constant 80 : i32
      %mul3A_28 = arith.muli %arg1, %mul3A_27 : i32
      %add3A_29 = arith.constant 1280 : i32
      %add3A_30 = arith.addi %add3A_29, %mul3A_28 : i32
      "tpu.region"() ({
        %run_scoped3A = tpu.sem_alloc : memref<!tpu.dma_semaphore, #tpu.memory_space<semaphore_mem>>
        %dma_start3A_148 = arith.constant 0 : i32
        %dma_start3A_149 = arith.constant 0 : i32
        %dma_start3A_150 = tpu.memref_slice %arg5[%dma_start3A_148, %dma_start3A_149] : memref<80x128xi32, #tpu.memory_space<vmem>> -> memref<80x128xi32, #tpu.memory_space<vmem>>
        %dma_start3A_151 = arith.constant 0 : i32
        %dma_start3A_152 = tpu.memref_slice %arg3[%add3A_30, %dma_start3A_151] : memref<5060x128xi32, #tpu.memory_space<hbm>> -> memref<80x128xi32, #tpu.memory_space<hbm>>
        %dma_start3A_153 = arith.constant 0 : i32
        %dma_start3A_154 = arith.constant 0 : i32
        %dma_start3A_155 = tpu.memref_slice %arg5[%dma_start3A_153, %dma_start3A_154] : memref<80x128xi32, #tpu.memory_space<vmem>> -> memref<80x128xi32, #tpu.memory_space<vmem>>
        %dma_start3A_156 = arith.constant 0 : i32
        %dma_start3A_157 = tpu.memref_slice %arg3[%add3A_30, %dma_start3A_156] : memref<5060x128xi32, #tpu.memory_space<hbm>> -> memref<80x128xi32, #tpu.memory_space<hbm>>
        tpu.enqueue_dma source(%dma_start3A_157 : memref<80x128xi32, #tpu.memory_space<hbm>>) target(%dma_start3A_155 : memref<80x128xi32, #tpu.memory_space<vmem>>) target_semaphore(%run_scoped3A : memref<!tpu.dma_semaphore, #tpu.memory_space<semaphore_mem>>)
        %dma_wait3A_158 = arith.constant 0 : i32
        %dma_wait3A_159 = arith.constant 0 : i32
        %dma_wait3A_160 = tpu.memref_slice %arg5[%dma_wait3A_158, %dma_wait3A_159] : memref<80x128xi32, #tpu.memory_space<vmem>> -> memref<80x128xi32, #tpu.memory_space<vmem>>
        %dma_wait3A_161 = arith.constant 0 : i32
        %dma_wait3A_162 = tpu.memref_slice %arg3[%add3A_30, %dma_wait3A_161] : memref<5060x128xi32, #tpu.memory_space<hbm>> -> memref<80x128xi32, #tpu.memory_space<hbm>>
        %dma_wait3A_163 = arith.constant 0 : i32
        %dma_wait3A_164 = arith.constant 0 : i32
        %dma_wait3A_165 = tpu.memref_slice %arg5[%dma_wait3A_163, %dma_wait3A_164] : memref<80x128xi32, #tpu.memory_space<vmem>> -> memref<80x128xi32, #tpu.memory_space<vmem>>
        %dma_wait3A_166 = arith.constant 0 : i32
        %dma_wait3A_167 = tpu.memref_slice %arg3[%add3A_30, %dma_wait3A_166] : memref<5060x128xi32, #tpu.memory_space<hbm>> -> memref<80x128xi32, #tpu.memory_space<hbm>>
        tpu.wait_dma2 semaphore(%run_scoped3A : memref<!tpu.dma_semaphore, #tpu.memory_space<semaphore_mem>>) src(%dma_wait3A_167 : memref<80x128xi32, #tpu.memory_space<hbm>>) dst(%dma_wait3A_165 : memref<80x128xi32, #tpu.memory_space<vmem>>)
        tpu.yield
      }) : () -> ()
      %add3A_31 = arith.constant 2500 : i32
      %add3A_32 = arith.addi %add3A_31, %add3A_30 : i32
      "tpu.region"() ({
        %run_scoped3A = tpu.sem_alloc : memref<!tpu.dma_semaphore, #tpu.memory_space<semaphore_mem>>
        %dma_start3A_148 = arith.constant 0 : i32
        %dma_start3A_149 = arith.constant 0 : i32
        %dma_start3A_150 = tpu.memref_slice %arg6[%dma_start3A_148, %dma_start3A_149] : memref<80x128xi32, #tpu.memory_space<vmem>> -> memref<80x128xi32, #tpu.memory_space<vmem>>
        %dma_start3A_151 = arith.constant 0 : i32
        %dma_start3A_152 = tpu.memref_slice %arg3[%add3A_32, %dma_start3A_151] : memref<5060x128xi32, #tpu.memory_space<hbm>> -> memref<80x128xi32, #tpu.memory_space<hbm>>
        %dma_start3A_153 = arith.constant 0 : i32
        %dma_start3A_154 = arith.constant 0 : i32
        %dma_start3A_155 = tpu.memref_slice %arg6[%dma_start3A_153, %dma_start3A_154] : memref<80x128xi32, #tpu.memory_space<vmem>> -> memref<80x128xi32, #tpu.memory_space<vmem>>
        %dma_start3A_156 = arith.constant 0 : i32
        %dma_start3A_157 = tpu.memref_slice %arg3[%add3A_32, %dma_start3A_156] : memref<5060x128xi32, #tpu.memory_space<hbm>> -> memref<80x128xi32, #tpu.memory_space<hbm>>
        tpu.enqueue_dma source(%dma_start3A_157 : memref<80x128xi32, #tpu.memory_space<hbm>>) target(%dma_start3A_155 : memref<80x128xi32, #tpu.memory_space<vmem>>) target_semaphore(%run_scoped3A : memref<!tpu.dma_semaphore, #tpu.memory_space<semaphore_mem>>)
        %dma_wait3A_158 = arith.constant 0 : i32
        %dma_wait3A_159 = arith.constant 0 : i32
        %dma_wait3A_160 = tpu.memref_slice %arg6[%dma_wait3A_158, %dma_wait3A_159] : memref<80x128xi32, #tpu.memory_space<vmem>> -> memref<80x128xi32, #tpu.memory_space<vmem>>
        %dma_wait3A_161 = arith.constant 0 : i32
        %dma_wait3A_162 = tpu.memref_slice %arg3[%add3A_32, %dma_wait3A_161] : memref<5060x128xi32, #tpu.memory_space<hbm>> -> memref<80x128xi32, #tpu.memory_space<hbm>>
        %dma_wait3A_163 = arith.constant 0 : i32
        %dma_wait3A_164 = arith.constant 0 : i32
        %dma_wait3A_165 = tpu.memref_slice %arg6[%dma_wait3A_163, %dma_wait3A_164] : memref<80x128xi32, #tpu.memory_space<vmem>> -> memref<80x128xi32, #tpu.memory_space<vmem>>
        %dma_wait3A_166 = arith.constant 0 : i32
        %dma_wait3A_167 = tpu.memref_slice %arg3[%add3A_32, %dma_wait3A_166] : memref<5060x128xi32, #tpu.memory_space<hbm>> -> memref<80x128xi32, #tpu.memory_space<hbm>>
        tpu.wait_dma2 semaphore(%run_scoped3A : memref<!tpu.dma_semaphore, #tpu.memory_space<semaphore_mem>>) src(%dma_wait3A_167 : memref<80x128xi32, #tpu.memory_space<hbm>>) dst(%dma_wait3A_165 : memref<80x128xi32, #tpu.memory_space<vmem>>)
        tpu.yield
      }) : () -> ()
      %dma_start3A = arith.constant 0 : i32
      %dma_start3A_33 = arith.constant 0 : i32
      %dma_start3A_34 = tpu.memref_slice %arg5[%dma_start3A, %dma_start3A_33] : memref<80x128xi32, #tpu.memory_space<vmem>> -> memref<1x128xi32, #tpu.memory_space<vmem>>
      %dma_start3A_35 = tpu.memref_squeeze %dma_start3A_34 : memref<1x128xi32, #tpu.memory_space<vmem>> -> memref<128xi32, #tpu.memory_space<vmem>>
      %dma_start3A_36 = arith.constant 0 : i32
      %dma_start3A_37 = arith.constant 0 : i32
      %dma_start3A_38 = tpu.memref_slice %arg2[%dma_start3A_36, %dma_start3A_37] : memref<10000x64xf32, #tpu.memory_space<hbm>> -> memref<10000x64xf32, #tpu.memory_space<hbm>>
      tpu.enqueue_indirect_dma source(%dma_start3A_38 : memref<10000x64xf32, #tpu.memory_space<hbm>>) target(%arg7 : memref<128x64xf32, #tpu.memory_space<vmem>>) offsets(%dma_start3A_35 : memref<128xi32, #tpu.memory_space<vmem>>) semaphore(%arg16 : memref<!tpu.dma_semaphore, #tpu.memory_space<semaphore_mem>>)
      %dma_start3A_39 = arith.constant 1 : i32
      %dma_start3A_40 = arith.constant 0 : i32
      %dma_start3A_41 = tpu.memref_slice %arg5[%dma_start3A_39, %dma_start3A_40] : memref<80x128xi32, #tpu.memory_space<vmem>> -> memref<1x128xi32, #tpu.memory_space<vmem>>
      %dma_start3A_42 = tpu.memref_squeeze %dma_start3A_41 : memref<1x128xi32, #tpu.memory_space<vmem>> -> memref<128xi32, #tpu.memory_space<vmem>>
      %dma_start3A_43 = arith.constant 0 : i32
      %dma_start3A_44 = arith.constant 0 : i32
      %dma_start3A_45 = tpu.memref_slice %arg2[%dma_start3A_43, %dma_start3A_44] : memref<10000x64xf32, #tpu.memory_space<hbm>> -> memref<10000x64xf32, #tpu.memory_space<hbm>>
      tpu.enqueue_indirect_dma source(%dma_start3A_45 : memref<10000x64xf32, #tpu.memory_space<hbm>>) target(%arg8 : memref<128x64xf32, #tpu.memory_space<vmem>>) offsets(%dma_start3A_42 : memref<128xi32, #tpu.memory_space<vmem>>) semaphore(%arg17 : memref<!tpu.dma_semaphore, #tpu.memory_space<semaphore_mem>>)
      %dma_start3A_46 = arith.constant 2 : i32
      %dma_start3A_47 = arith.constant 0 : i32
      %dma_start3A_48 = tpu.memref_slice %arg5[%dma_start3A_46, %dma_start3A_47] : memref<80x128xi32, #tpu.memory_space<vmem>> -> memref<1x128xi32, #tpu.memory_space<vmem>>
      %dma_start3A_49 = tpu.memref_squeeze %dma_start3A_48 : memref<1x128xi32, #tpu.memory_space<vmem>> -> memref<128xi32, #tpu.memory_space<vmem>>
      %dma_start3A_50 = arith.constant 0 : i32
      %dma_start3A_51 = arith.constant 0 : i32
      %dma_start3A_52 = tpu.memref_slice %arg2[%dma_start3A_50, %dma_start3A_51] : memref<10000x64xf32, #tpu.memory_space<hbm>> -> memref<10000x64xf32, #tpu.memory_space<hbm>>
      tpu.enqueue_indirect_dma source(%dma_start3A_52 : memref<10000x64xf32, #tpu.memory_space<hbm>>) target(%arg9 : memref<128x64xf32, #tpu.memory_space<vmem>>) offsets(%dma_start3A_49 : memref<128xi32, #tpu.memory_space<vmem>>) semaphore(%arg18 : memref<!tpu.dma_semaphore, #tpu.memory_space<semaphore_mem>>)
      %dma_start3A_53 = arith.constant 3 : i32
      %dma_start3A_54 = arith.constant 0 : i32
      %dma_start3A_55 = tpu.memref_slice %arg5[%dma_start3A_53, %dma_start3A_54] : memref<80x128xi32, #tpu.memory_space<vmem>> -> memref<1x128xi32, #tpu.memory_space<vmem>>
      %dma_start3A_56 = tpu.memref_squeeze %dma_start3A_55 : memref<1x128xi32, #tpu.memory_space<vmem>> -> memref<128xi32, #tpu.memory_space<vmem>>
      %dma_start3A_57 = arith.constant 0 : i32
      %dma_start3A_58 = arith.constant 0 : i32
      %dma_start3A_59 = tpu.memref_slice %arg2[%dma_start3A_57, %dma_start3A_58] : memref<10000x64xf32, #tpu.memory_space<hbm>> -> memref<10000x64xf32, #tpu.memory_space<hbm>>
      tpu.enqueue_indirect_dma source(%dma_start3A_59 : memref<10000x64xf32, #tpu.memory_space<hbm>>) target(%arg10 : memref<128x64xf32, #tpu.memory_space<vmem>>) offsets(%dma_start3A_56 : memref<128xi32, #tpu.memory_space<vmem>>) semaphore(%arg19 : memref<!tpu.dma_semaphore, #tpu.memory_space<semaphore_mem>>)
      %dma_start3A_60 = arith.constant 4 : i32
      %dma_start3A_61 = arith.constant 0 : i32
      %dma_start3A_62 = tpu.memref_slice %arg5[%dma_start3A_60, %dma_start3A_61] : memref<80x128xi32, #tpu.memory_space<vmem>> -> memref<1x128xi32, #tpu.memory_space<vmem>>
      %dma_start3A_63 = tpu.memref_squeeze %dma_start3A_62 : memref<1x128xi32, #tpu.memory_space<vmem>> -> memref<128xi32, #tpu.memory_space<vmem>>
      %dma_start3A_64 = arith.constant 0 : i32
      %dma_start3A_65 = arith.constant 0 : i32
      %dma_start3A_66 = tpu.memref_slice %arg2[%dma_start3A_64, %dma_start3A_65] : memref<10000x64xf32, #tpu.memory_space<hbm>> -> memref<10000x64xf32, #tpu.memory_space<hbm>>
      tpu.enqueue_indirect_dma source(%dma_start3A_66 : memref<10000x64xf32, #tpu.memory_space<hbm>>) target(%arg11 : memref<128x64xf32, #tpu.memory_space<vmem>>) offsets(%dma_start3A_63 : memref<128xi32, #tpu.memory_space<vmem>>) semaphore(%arg20 : memref<!tpu.dma_semaphore, #tpu.memory_space<semaphore_mem>>)
      %dma_start3A_67 = arith.constant 5 : i32
      %dma_start3A_68 = arith.constant 0 : i32
      %dma_start3A_69 = tpu.memref_slice %arg5[%dma_start3A_67, %dma_start3A_68] : memref<80x128xi32, #tpu.memory_space<vmem>> -> memref<1x128xi32, #tpu.memory_space<vmem>>
      %dma_start3A_70 = tpu.memref_squeeze %dma_start3A_69 : memref<1x128xi32, #tpu.memory_space<vmem>> -> memref<128xi32, #tpu.memory_space<vmem>>
      %dma_start3A_71 = arith.constant 0 : i32
      %dma_start3A_72 = arith.constant 0 : i32
      %dma_start3A_73 = tpu.memref_slice %arg2[%dma_start3A_71, %dma_start3A_72] : memref<10000x64xf32, #tpu.memory_space<hbm>> -> memref<10000x64xf32, #tpu.memory_space<hbm>>
      tpu.enqueue_indirect_dma source(%dma_start3A_73 : memref<10000x64xf32, #tpu.memory_space<hbm>>) target(%arg12 : memref<128x64xf32, #tpu.memory_space<vmem>>) offsets(%dma_start3A_70 : memref<128xi32, #tpu.memory_space<vmem>>) semaphore(%arg21 : memref<!tpu.dma_semaphore, #tpu.memory_space<semaphore_mem>>)
      %dma_start3A_74 = arith.constant 6 : i32
      %dma_start3A_75 = arith.constant 0 : i32
      %dma_start3A_76 = tpu.memref_slice %arg5[%dma_start3A_74, %dma_start3A_75] : memref<80x128xi32, #tpu.memory_space<vmem>> -> memref<1x128xi32, #tpu.memory_space<vmem>>
      %dma_start3A_77 = tpu.memref_squeeze %dma_start3A_76 : memref<1x128xi32, #tpu.memory_space<vmem>> -> memref<128xi32, #tpu.memory_space<vmem>>
      %dma_start3A_78 = arith.constant 0 : i32
      %dma_start3A_79 = arith.constant 0 : i32
      %dma_start3A_80 = tpu.memref_slice %arg2[%dma_start3A_78, %dma_start3A_79] : memref<10000x64xf32, #tpu.memory_space<hbm>> -> memref<10000x64xf32, #tpu.memory_space<hbm>>
      tpu.enqueue_indirect_dma source(%dma_start3A_80 : memref<10000x64xf32, #tpu.memory_space<hbm>>) target(%arg13 : memref<128x64xf32, #tpu.memory_space<vmem>>) offsets(%dma_start3A_77 : memref<128xi32, #tpu.memory_space<vmem>>) semaphore(%arg22 : memref<!tpu.dma_semaphore, #tpu.memory_space<semaphore_mem>>)
      %dma_start3A_81 = arith.constant 7 : i32
      %dma_start3A_82 = arith.constant 0 : i32
      %dma_start3A_83 = tpu.memref_slice %arg5[%dma_start3A_81, %dma_start3A_82] : memref<80x128xi32, #tpu.memory_space<vmem>> -> memref<1x128xi32, #tpu.memory_space<vmem>>
      %dma_start3A_84 = tpu.memref_squeeze %dma_start3A_83 : memref<1x128xi32, #tpu.memory_space<vmem>> -> memref<128xi32, #tpu.memory_space<vmem>>
      %dma_start3A_85 = arith.constant 0 : i32
      %dma_start3A_86 = arith.constant 0 : i32
      %dma_start3A_87 = tpu.memref_slice %arg2[%dma_start3A_85, %dma_start3A_86] : memref<10000x64xf32, #tpu.memory_space<hbm>> -> memref<10000x64xf32, #tpu.memory_space<hbm>>
      tpu.enqueue_indirect_dma source(%dma_start3A_87 : memref<10000x64xf32, #tpu.memory_space<hbm>>) target(%arg14 : memref<128x64xf32, #tpu.memory_space<vmem>>) offsets(%dma_start3A_84 : memref<128xi32, #tpu.memory_space<vmem>>) semaphore(%arg23 : memref<!tpu.dma_semaphore, #tpu.memory_space<semaphore_mem>>)
      %scan3A_88 = arith.constant 0 : i32
      %scan3A_89 = arith.constant 10 : i32
      %scan3A_90 = arith.addi %scan3A_88, %scan3A_89 : i32
      %scan3A_91 = arith.constant 1 : i32
      scf.for %scan3A_148 = %scan3A_88 to %scan3A_90 step %scan3A_91  : i32 {
        %mul3A_149 = arith.constant 8 : i32
        %mul3A_150 = arith.muli %scan3A_148, %mul3A_149 : i32
        %add3A_151 = arith.constant 0 : i32
        %add3A_152 = arith.addi %add3A_151, %mul3A_150 : i32
        %add3A_153 = arith.constant 0 : i32
        %add3A_154 = arith.addi %add3A_152, %add3A_153 : i32
        %dma_wait3A_155 = arith.constant 0 : i32
        %dma_wait3A_156 = tpu.memref_slice %arg5[%add3A_154, %dma_wait3A_155] : memref<80x128xi32, #tpu.memory_space<vmem>> -> memref<1x128xi32, #tpu.memory_space<vmem>>
        %dma_wait3A_157 = tpu.memref_squeeze %dma_wait3A_156 : memref<1x128xi32, #tpu.memory_space<vmem>> -> memref<128xi32, #tpu.memory_space<vmem>>
        %dma_wait3A_158 = arith.constant 0 : i32
        %dma_wait3A_159 = arith.constant 0 : i32
        %dma_wait3A_160 = tpu.memref_slice %arg2[%dma_wait3A_158, %dma_wait3A_159] : memref<10000x64xf32, #tpu.memory_space<hbm>> -> memref<10000x64xf32, #tpu.memory_space<hbm>>
        tpu.wait_indirect_dma semaphore(%arg16 : memref<!tpu.dma_semaphore, #tpu.memory_space<semaphore_mem>>) src(%dma_wait3A_160 : memref<10000x64xf32, #tpu.memory_space<hbm>>) dst(%arg7 : memref<128x64xf32, #tpu.memory_space<vmem>>)
        %dma_start3A_161 = arith.constant 0 : i32
        %dma_start3A_162 = tpu.memref_slice %arg6[%add3A_154, %dma_start3A_161] : memref<80x128xi32, #tpu.memory_space<vmem>> -> memref<1x128xi32, #tpu.memory_space<vmem>>
        %dma_start3A_163 = tpu.memref_squeeze %dma_start3A_162 : memref<1x128xi32, #tpu.memory_space<vmem>> -> memref<128xi32, #tpu.memory_space<vmem>>
        %dma_start3A_164 = arith.constant 0 : i32
        %dma_start3A_165 = arith.constant 0 : i32
        %dma_start3A_166 = tpu.memref_slice %arg15[%dma_start3A_164, %dma_start3A_165] : memref<10240x64xf32, #tpu.memory_space<vmem_shared>> -> memref<10240x64xf32, #tpu.memory_space<vmem_shared>>
        tpu.enqueue_indirect_dma source(%arg7 : memref<128x64xf32, #tpu.memory_space<vmem>>) target(%dma_start3A_166 : memref<10240x64xf32, #tpu.memory_space<vmem_shared>>) offsets(%dma_start3A_163 : memref<128xi32, #tpu.memory_space<vmem>>) semaphore(%arg24 : memref<!tpu.dma_semaphore, #tpu.memory_space<semaphore_mem>>) {add = true}
        %add3A_167 = arith.constant 8 : i32
        %add3A_168 = arith.addi %add3A_152, %add3A_167 : i32
        %lt3A = arith.constant 80 : i32
        %lt3A_169 = arith.cmpi slt, %add3A_168, %lt3A : i32
        %convert_element_type3A_170 = arith.extui %lt3A_169 : i1 to i32
        %cond3A_171 = arith.constant 0 : i32
        %cond3A_172 = arith.cmpi ne, %convert_element_type3A_170, %cond3A_171 : i32
        scf.if %cond3A_172 {
          %dma_wait3A_320 = arith.constant 0 : i32
          %dma_wait3A_321 = tpu.memref_slice %arg6[%add3A_154, %dma_wait3A_320] : memref<80x128xi32, #tpu.memory_space<vmem>> -> memref<1x128xi32, #tpu.memory_space<vmem>>
          %dma_wait3A_322 = tpu.memref_squeeze %dma_wait3A_321 : memref<1x128xi32, #tpu.memory_space<vmem>> -> memref<128xi32, #tpu.memory_space<vmem>>
          %dma_wait3A_323 = arith.constant 0 : i32
          %dma_wait3A_324 = arith.constant 0 : i32
          %dma_wait3A_325 = tpu.memref_slice %arg15[%dma_wait3A_323, %dma_wait3A_324] : memref<10240x64xf32, #tpu.memory_space<vmem_shared>> -> memref<10240x64xf32, #tpu.memory_space<vmem_shared>>
          tpu.wait_indirect_dma semaphore(%arg24 : memref<!tpu.dma_semaphore, #tpu.memory_space<semaphore_mem>>) src(%arg7 : memref<128x64xf32, #tpu.memory_space<vmem>>) dst(%dma_wait3A_325 : memref<10240x64xf32, #tpu.memory_space<vmem_shared>>)
          %add3A_326 = arith.constant 8 : i32
          %add3A_327 = arith.addi %add3A_154, %add3A_326 : i32
          %dma_start3A_328 = arith.constant 0 : i32
          %dma_start3A_329 = tpu.memref_slice %arg5[%add3A_327, %dma_start3A_328] : memref<80x128xi32, #tpu.memory_space<vmem>> -> memref<1x128xi32, #tpu.memory_space<vmem>>
          %dma_start3A_330 = tpu.memref_squeeze %dma_start3A_329 : memref<1x128xi32, #tpu.memory_space<vmem>> -> memref<128xi32, #tpu.memory_space<vmem>>
          %dma_start3A_331 = arith.constant 0 : i32
          %dma_start3A_332 = arith.constant 0 : i32
          %dma_start3A_333 = tpu.memref_slice %arg2[%dma_start3A_331, %dma_start3A_332] : memref<10000x64xf32, #tpu.memory_space<hbm>> -> memref<10000x64xf32, #tpu.memory_space<hbm>>
          tpu.enqueue_indirect_dma source(%dma_start3A_333 : memref<10000x64xf32, #tpu.memory_space<hbm>>) target(%arg7 : memref<128x64xf32, #tpu.memory_space<vmem>>) offsets(%dma_start3A_330 : memref<128xi32, #tpu.memory_space<vmem>>) semaphore(%arg16 : memref<!tpu.dma_semaphore, #tpu.memory_space<semaphore_mem>>)
        } else {
        }
        %add3A_173 = arith.constant 1 : i32
        %add3A_174 = arith.addi %add3A_152, %add3A_173 : i32
        %dma_wait3A_175 = arith.constant 0 : i32
        %dma_wait3A_176 = tpu.memref_slice %arg5[%add3A_174, %dma_wait3A_175] : memref<80x128xi32, #tpu.memory_space<vmem>> -> memref<1x128xi32, #tpu.memory_space<vmem>>
        %dma_wait3A_177 = tpu.memref_squeeze %dma_wait3A_176 : memref<1x128xi32, #tpu.memory_space<vmem>> -> memref<128xi32, #tpu.memory_space<vmem>>
        %dma_wait3A_178 = arith.constant 0 : i32
        %dma_wait3A_179 = arith.constant 0 : i32
        %dma_wait3A_180 = tpu.memref_slice %arg2[%dma_wait3A_178, %dma_wait3A_179] : memref<10000x64xf32, #tpu.memory_space<hbm>> -> memref<10000x64xf32, #tpu.memory_space<hbm>>
        tpu.wait_indirect_dma semaphore(%arg17 : memref<!tpu.dma_semaphore, #tpu.memory_space<semaphore_mem>>) src(%dma_wait3A_180 : memref<10000x64xf32, #tpu.memory_space<hbm>>) dst(%arg8 : memref<128x64xf32, #tpu.memory_space<vmem>>)
        %dma_start3A_181 = arith.constant 0 : i32
        %dma_start3A_182 = tpu.memref_slice %arg6[%add3A_174, %dma_start3A_181] : memref<80x128xi32, #tpu.memory_space<vmem>> -> memref<1x128xi32, #tpu.memory_space<vmem>>
        %dma_start3A_183 = tpu.memref_squeeze %dma_start3A_182 : memref<1x128xi32, #tpu.memory_space<vmem>> -> memref<128xi32, #tpu.memory_space<vmem>>
        %dma_start3A_184 = arith.constant 0 : i32
        %dma_start3A_185 = arith.constant 0 : i32
        %dma_start3A_186 = tpu.memref_slice %arg15[%dma_start3A_184, %dma_start3A_185] : memref<10240x64xf32, #tpu.memory_space<vmem_shared>> -> memref<10240x64xf32, #tpu.memory_space<vmem_shared>>
        tpu.enqueue_indirect_dma source(%arg8 : memref<128x64xf32, #tpu.memory_space<vmem>>) target(%dma_start3A_186 : memref<10240x64xf32, #tpu.memory_space<vmem_shared>>) offsets(%dma_start3A_183 : memref<128xi32, #tpu.memory_space<vmem>>) semaphore(%arg25 : memref<!tpu.dma_semaphore, #tpu.memory_space<semaphore_mem>>) {add = true}
        %add3A_187 = arith.constant 8 : i32
        %add3A_188 = arith.addi %add3A_152, %add3A_187 : i32
        %lt3A_189 = arith.constant 80 : i32
        %lt3A_190 = arith.cmpi slt, %add3A_188, %lt3A_189 : i32
        %convert_element_type3A_191 = arith.extui %lt3A_190 : i1 to i32
        %cond3A_192 = arith.constant 0 : i32
        %cond3A_193 = arith.cmpi ne, %convert_element_type3A_191, %cond3A_192 : i32
        scf.if %cond3A_193 {
          %dma_wait3A_320 = arith.constant 0 : i32
          %dma_wait3A_321 = tpu.memref_slice %arg6[%add3A_174, %dma_wait3A_320] : memref<80x128xi32, #tpu.memory_space<vmem>> -> memref<1x128xi32, #tpu.memory_space<vmem>>
          %dma_wait3A_322 = tpu.memref_squeeze %dma_wait3A_321 : memref<1x128xi32, #tpu.memory_space<vmem>> -> memref<128xi32, #tpu.memory_space<vmem>>
          %dma_wait3A_323 = arith.constant 0 : i32
          %dma_wait3A_324 = arith.constant 0 : i32
          %dma_wait3A_325 = tpu.memref_slice %arg15[%dma_wait3A_323, %dma_wait3A_324] : memref<10240x64xf32, #tpu.memory_space<vmem_shared>> -> memref<10240x64xf32, #tpu.memory_space<vmem_shared>>
          tpu.wait_indirect_dma semaphore(%arg25 : memref<!tpu.dma_semaphore, #tpu.memory_space<semaphore_mem>>) src(%arg8 : memref<128x64xf32, #tpu.memory_space<vmem>>) dst(%dma_wait3A_325 : memref<10240x64xf32, #tpu.memory_space<vmem_shared>>)
          %add3A_326 = arith.constant 8 : i32
          %add3A_327 = arith.addi %add3A_174, %add3A_326 : i32
          %dma_start3A_328 = arith.constant 0 : i32
          %dma_start3A_329 = tpu.memref_slice %arg5[%add3A_327, %dma_start3A_328] : memref<80x128xi32, #tpu.memory_space<vmem>> -> memref<1x128xi32, #tpu.memory_space<vmem>>
          %dma_start3A_330 = tpu.memref_squeeze %dma_start3A_329 : memref<1x128xi32, #tpu.memory_space<vmem>> -> memref<128xi32, #tpu.memory_space<vmem>>
          %dma_start3A_331 = arith.constant 0 : i32
          %dma_start3A_332 = arith.constant 0 : i32
          %dma_start3A_333 = tpu.memref_slice %arg2[%dma_start3A_331, %dma_start3A_332] : memref<10000x64xf32, #tpu.memory_space<hbm>> -> memref<10000x64xf32, #tpu.memory_space<hbm>>
          tpu.enqueue_indirect_dma source(%dma_start3A_333 : memref<10000x64xf32, #tpu.memory_space<hbm>>) target(%arg8 : memref<128x64xf32, #tpu.memory_space<vmem>>) offsets(%dma_start3A_330 : memref<128xi32, #tpu.memory_space<vmem>>) semaphore(%arg17 : memref<!tpu.dma_semaphore, #tpu.memory_space<semaphore_mem>>)
        } else {
        }
        %add3A_194 = arith.constant 2 : i32
        %add3A_195 = arith.addi %add3A_152, %add3A_194 : i32
        %dma_wait3A_196 = arith.constant 0 : i32
        %dma_wait3A_197 = tpu.memref_slice %arg5[%add3A_195, %dma_wait3A_196] : memref<80x128xi32, #tpu.memory_space<vmem>> -> memref<1x128xi32, #tpu.memory_space<vmem>>
        %dma_wait3A_198 = tpu.memref_squeeze %dma_wait3A_197 : memref<1x128xi32, #tpu.memory_space<vmem>> -> memref<128xi32, #tpu.memory_space<vmem>>
        %dma_wait3A_199 = arith.constant 0 : i32
        %dma_wait3A_200 = arith.constant 0 : i32
        %dma_wait3A_201 = tpu.memref_slice %arg2[%dma_wait3A_199, %dma_wait3A_200] : memref<10000x64xf32, #tpu.memory_space<hbm>> -> memref<10000x64xf32, #tpu.memory_space<hbm>>
        tpu.wait_indirect_dma semaphore(%arg18 : memref<!tpu.dma_semaphore, #tpu.memory_space<semaphore_mem>>) src(%dma_wait3A_201 : memref<10000x64xf32, #tpu.memory_space<hbm>>) dst(%arg9 : memref<128x64xf32, #tpu.memory_space<vmem>>)
        %dma_start3A_202 = arith.constant 0 : i32
        %dma_start3A_203 = tpu.memref_slice %arg6[%add3A_195, %dma_start3A_202] : memref<80x128xi32, #tpu.memory_space<vmem>> -> memref<1x128xi32, #tpu.memory_space<vmem>>
        %dma_start3A_204 = tpu.memref_squeeze %dma_start3A_203 : memref<1x128xi32, #tpu.memory_space<vmem>> -> memref<128xi32, #tpu.memory_space<vmem>>
        %dma_start3A_205 = arith.constant 0 : i32
        %dma_start3A_206 = arith.constant 0 : i32
        %dma_start3A_207 = tpu.memref_slice %arg15[%dma_start3A_205, %dma_start3A_206] : memref<10240x64xf32, #tpu.memory_space<vmem_shared>> -> memref<10240x64xf32, #tpu.memory_space<vmem_shared>>
        tpu.enqueue_indirect_dma source(%arg9 : memref<128x64xf32, #tpu.memory_space<vmem>>) target(%dma_start3A_207 : memref<10240x64xf32, #tpu.memory_space<vmem_shared>>) offsets(%dma_start3A_204 : memref<128xi32, #tpu.memory_space<vmem>>) semaphore(%arg26 : memref<!tpu.dma_semaphore, #tpu.memory_space<semaphore_mem>>) {add = true}
        %add3A_208 = arith.constant 8 : i32
        %add3A_209 = arith.addi %add3A_152, %add3A_208 : i32
        %lt3A_210 = arith.constant 80 : i32
        %lt3A_211 = arith.cmpi slt, %add3A_209, %lt3A_210 : i32
        %convert_element_type3A_212 = arith.extui %lt3A_211 : i1 to i32
        %cond3A_213 = arith.constant 0 : i32
        %cond3A_214 = arith.cmpi ne, %convert_element_type3A_212, %cond3A_213 : i32
        scf.if %cond3A_214 {
          %dma_wait3A_320 = arith.constant 0 : i32
          %dma_wait3A_321 = tpu.memref_slice %arg6[%add3A_195, %dma_wait3A_320] : memref<80x128xi32, #tpu.memory_space<vmem>> -> memref<1x128xi32, #tpu.memory_space<vmem>>
          %dma_wait3A_322 = tpu.memref_squeeze %dma_wait3A_321 : memref<1x128xi32, #tpu.memory_space<vmem>> -> memref<128xi32, #tpu.memory_space<vmem>>
          %dma_wait3A_323 = arith.constant 0 : i32
          %dma_wait3A_324 = arith.constant 0 : i32
          %dma_wait3A_325 = tpu.memref_slice %arg15[%dma_wait3A_323, %dma_wait3A_324] : memref<10240x64xf32, #tpu.memory_space<vmem_shared>> -> memref<10240x64xf32, #tpu.memory_space<vmem_shared>>
          tpu.wait_indirect_dma semaphore(%arg26 : memref<!tpu.dma_semaphore, #tpu.memory_space<semaphore_mem>>) src(%arg9 : memref<128x64xf32, #tpu.memory_space<vmem>>) dst(%dma_wait3A_325 : memref<10240x64xf32, #tpu.memory_space<vmem_shared>>)
          %add3A_326 = arith.constant 8 : i32
          %add3A_327 = arith.addi %add3A_195, %add3A_326 : i32
          %dma_start3A_328 = arith.constant 0 : i32
          %dma_start3A_329 = tpu.memref_slice %arg5[%add3A_327, %dma_start3A_328] : memref<80x128xi32, #tpu.memory_space<vmem>> -> memref<1x128xi32, #tpu.memory_space<vmem>>
          %dma_start3A_330 = tpu.memref_squeeze %dma_start3A_329 : memref<1x128xi32, #tpu.memory_space<vmem>> -> memref<128xi32, #tpu.memory_space<vmem>>
          %dma_start3A_331 = arith.constant 0 : i32
          %dma_start3A_332 = arith.constant 0 : i32
          %dma_start3A_333 = tpu.memref_slice %arg2[%dma_start3A_331, %dma_start3A_332] : memref<10000x64xf32, #tpu.memory_space<hbm>> -> memref<10000x64xf32, #tpu.memory_space<hbm>>
          tpu.enqueue_indirect_dma source(%dma_start3A_333 : memref<10000x64xf32, #tpu.memory_space<hbm>>) target(%arg9 : memref<128x64xf32, #tpu.memory_space<vmem>>) offsets(%dma_start3A_330 : memref<128xi32, #tpu.memory_space<vmem>>) semaphore(%arg18 : memref<!tpu.dma_semaphore, #tpu.memory_space<semaphore_mem>>)
        } else {
        }
        %add3A_215 = arith.constant 3 : i32
        %add3A_216 = arith.addi %add3A_152, %add3A_215 : i32
        %dma_wait3A_217 = arith.constant 0 : i32
        %dma_wait3A_218 = tpu.memref_slice %arg5[%add3A_216, %dma_wait3A_217] : memref<80x128xi32, #tpu.memory_space<vmem>> -> memref<1x128xi32, #tpu.memory_space<vmem>>
        %dma_wait3A_219 = tpu.memref_squeeze %dma_wait3A_218 : memref<1x128xi32, #tpu.memory_space<vmem>> -> memref<128xi32, #tpu.memory_space<vmem>>
        %dma_wait3A_220 = arith.constant 0 : i32
        %dma_wait3A_221 = arith.constant 0 : i32
        %dma_wait3A_222 = tpu.memref_slice %arg2[%dma_wait3A_220, %dma_wait3A_221] : memref<10000x64xf32, #tpu.memory_space<hbm>> -> memref<10000x64xf32, #tpu.memory_space<hbm>>
        tpu.wait_indirect_dma semaphore(%arg19 : memref<!tpu.dma_semaphore, #tpu.memory_space<semaphore_mem>>) src(%dma_wait3A_222 : memref<10000x64xf32, #tpu.memory_space<hbm>>) dst(%arg10 : memref<128x64xf32, #tpu.memory_space<vmem>>)
        %dma_start3A_223 = arith.constant 0 : i32
        %dma_start3A_224 = tpu.memref_slice %arg6[%add3A_216, %dma_start3A_223] : memref<80x128xi32, #tpu.memory_space<vmem>> -> memref<1x128xi32, #tpu.memory_space<vmem>>
        %dma_start3A_225 = tpu.memref_squeeze %dma_start3A_224 : memref<1x128xi32, #tpu.memory_space<vmem>> -> memref<128xi32, #tpu.memory_space<vmem>>
        %dma_start3A_226 = arith.constant 0 : i32
        %dma_start3A_227 = arith.constant 0 : i32
        %dma_start3A_228 = tpu.memref_slice %arg15[%dma_start3A_226, %dma_start3A_227] : memref<10240x64xf32, #tpu.memory_space<vmem_shared>> -> memref<10240x64xf32, #tpu.memory_space<vmem_shared>>
        tpu.enqueue_indirect_dma source(%arg10 : memref<128x64xf32, #tpu.memory_space<vmem>>) target(%dma_start3A_228 : memref<10240x64xf32, #tpu.memory_space<vmem_shared>>) offsets(%dma_start3A_225 : memref<128xi32, #tpu.memory_space<vmem>>) semaphore(%arg27 : memref<!tpu.dma_semaphore, #tpu.memory_space<semaphore_mem>>) {add = true}
        %add3A_229 = arith.constant 8 : i32
        %add3A_230 = arith.addi %add3A_152, %add3A_229 : i32
        %lt3A_231 = arith.constant 80 : i32
        %lt3A_232 = arith.cmpi slt, %add3A_230, %lt3A_231 : i32
        %convert_element_type3A_233 = arith.extui %lt3A_232 : i1 to i32
        %cond3A_234 = arith.constant 0 : i32
        %cond3A_235 = arith.cmpi ne, %convert_element_type3A_233, %cond3A_234 : i32
        scf.if %cond3A_235 {
          %dma_wait3A_320 = arith.constant 0 : i32
          %dma_wait3A_321 = tpu.memref_slice %arg6[%add3A_216, %dma_wait3A_320] : memref<80x128xi32, #tpu.memory_space<vmem>> -> memref<1x128xi32, #tpu.memory_space<vmem>>
          %dma_wait3A_322 = tpu.memref_squeeze %dma_wait3A_321 : memref<1x128xi32, #tpu.memory_space<vmem>> -> memref<128xi32, #tpu.memory_space<vmem>>
          %dma_wait3A_323 = arith.constant 0 : i32
          %dma_wait3A_324 = arith.constant 0 : i32
          %dma_wait3A_325 = tpu.memref_slice %arg15[%dma_wait3A_323, %dma_wait3A_324] : memref<10240x64xf32, #tpu.memory_space<vmem_shared>> -> memref<10240x64xf32, #tpu.memory_space<vmem_shared>>
          tpu.wait_indirect_dma semaphore(%arg27 : memref<!tpu.dma_semaphore, #tpu.memory_space<semaphore_mem>>) src(%arg10 : memref<128x64xf32, #tpu.memory_space<vmem>>) dst(%dma_wait3A_325 : memref<10240x64xf32, #tpu.memory_space<vmem_shared>>)
          %add3A_326 = arith.constant 8 : i32
          %add3A_327 = arith.addi %add3A_216, %add3A_326 : i32
          %dma_start3A_328 = arith.constant 0 : i32
          %dma_start3A_329 = tpu.memref_slice %arg5[%add3A_327, %dma_start3A_328] : memref<80x128xi32, #tpu.memory_space<vmem>> -> memref<1x128xi32, #tpu.memory_space<vmem>>
          %dma_start3A_330 = tpu.memref_squeeze %dma_start3A_329 : memref<1x128xi32, #tpu.memory_space<vmem>> -> memref<128xi32, #tpu.memory_space<vmem>>
          %dma_start3A_331 = arith.constant 0 : i32
          %dma_start3A_332 = arith.constant 0 : i32
          %dma_start3A_333 = tpu.memref_slice %arg2[%dma_start3A_331, %dma_start3A_332] : memref<10000x64xf32, #tpu.memory_space<hbm>> -> memref<10000x64xf32, #tpu.memory_space<hbm>>
          tpu.enqueue_indirect_dma source(%dma_start3A_333 : memref<10000x64xf32, #tpu.memory_space<hbm>>) target(%arg10 : memref<128x64xf32, #tpu.memory_space<vmem>>) offsets(%dma_start3A_330 : memref<128xi32, #tpu.memory_space<vmem>>) semaphore(%arg19 : memref<!tpu.dma_semaphore, #tpu.memory_space<semaphore_mem>>)
        } else {
        }
        %add3A_236 = arith.constant 4 : i32
        %add3A_237 = arith.addi %add3A_152, %add3A_236 : i32
        %dma_wait3A_238 = arith.constant 0 : i32
        %dma_wait3A_239 = tpu.memref_slice %arg5[%add3A_237, %dma_wait3A_238] : memref<80x128xi32, #tpu.memory_space<vmem>> -> memref<1x128xi32, #tpu.memory_space<vmem>>
        %dma_wait3A_240 = tpu.memref_squeeze %dma_wait3A_239 : memref<1x128xi32, #tpu.memory_space<vmem>> -> memref<128xi32, #tpu.memory_space<vmem>>
        %dma_wait3A_241 = arith.constant 0 : i32
        %dma_wait3A_242 = arith.constant 0 : i32
        %dma_wait3A_243 = tpu.memref_slice %arg2[%dma_wait3A_241, %dma_wait3A_242] : memref<10000x64xf32, #tpu.memory_space<hbm>> -> memref<10000x64xf32, #tpu.memory_space<hbm>>
        tpu.wait_indirect_dma semaphore(%arg20 : memref<!tpu.dma_semaphore, #tpu.memory_space<semaphore_mem>>) src(%dma_wait3A_243 : memref<10000x64xf32, #tpu.memory_space<hbm>>) dst(%arg11 : memref<128x64xf32, #tpu.memory_space<vmem>>)
        %dma_start3A_244 = arith.constant 0 : i32
        %dma_start3A_245 = tpu.memref_slice %arg6[%add3A_237, %dma_start3A_244] : memref<80x128xi32, #tpu.memory_space<vmem>> -> memref<1x128xi32, #tpu.memory_space<vmem>>
        %dma_start3A_246 = tpu.memref_squeeze %dma_start3A_245 : memref<1x128xi32, #tpu.memory_space<vmem>> -> memref<128xi32, #tpu.memory_space<vmem>>
        %dma_start3A_247 = arith.constant 0 : i32
        %dma_start3A_248 = arith.constant 0 : i32
        %dma_start3A_249 = tpu.memref_slice %arg15[%dma_start3A_247, %dma_start3A_248] : memref<10240x64xf32, #tpu.memory_space<vmem_shared>> -> memref<10240x64xf32, #tpu.memory_space<vmem_shared>>
        tpu.enqueue_indirect_dma source(%arg11 : memref<128x64xf32, #tpu.memory_space<vmem>>) target(%dma_start3A_249 : memref<10240x64xf32, #tpu.memory_space<vmem_shared>>) offsets(%dma_start3A_246 : memref<128xi32, #tpu.memory_space<vmem>>) semaphore(%arg28 : memref<!tpu.dma_semaphore, #tpu.memory_space<semaphore_mem>>) {add = true}
        %add3A_250 = arith.constant 8 : i32
        %add3A_251 = arith.addi %add3A_152, %add3A_250 : i32
        %lt3A_252 = arith.constant 80 : i32
        %lt3A_253 = arith.cmpi slt, %add3A_251, %lt3A_252 : i32
        %convert_element_type3A_254 = arith.extui %lt3A_253 : i1 to i32
        %cond3A_255 = arith.constant 0 : i32
        %cond3A_256 = arith.cmpi ne, %convert_element_type3A_254, %cond3A_255 : i32
        scf.if %cond3A_256 {
          %dma_wait3A_320 = arith.constant 0 : i32
          %dma_wait3A_321 = tpu.memref_slice %arg6[%add3A_237, %dma_wait3A_320] : memref<80x128xi32, #tpu.memory_space<vmem>> -> memref<1x128xi32, #tpu.memory_space<vmem>>
          %dma_wait3A_322 = tpu.memref_squeeze %dma_wait3A_321 : memref<1x128xi32, #tpu.memory_space<vmem>> -> memref<128xi32, #tpu.memory_space<vmem>>
          %dma_wait3A_323 = arith.constant 0 : i32
          %dma_wait3A_324 = arith.constant 0 : i32
          %dma_wait3A_325 = tpu.memref_slice %arg15[%dma_wait3A_323, %dma_wait3A_324] : memref<10240x64xf32, #tpu.memory_space<vmem_shared>> -> memref<10240x64xf32, #tpu.memory_space<vmem_shared>>
          tpu.wait_indirect_dma semaphore(%arg28 : memref<!tpu.dma_semaphore, #tpu.memory_space<semaphore_mem>>) src(%arg11 : memref<128x64xf32, #tpu.memory_space<vmem>>) dst(%dma_wait3A_325 : memref<10240x64xf32, #tpu.memory_space<vmem_shared>>)
          %add3A_326 = arith.constant 8 : i32
          %add3A_327 = arith.addi %add3A_237, %add3A_326 : i32
          %dma_start3A_328 = arith.constant 0 : i32
          %dma_start3A_329 = tpu.memref_slice %arg5[%add3A_327, %dma_start3A_328] : memref<80x128xi32, #tpu.memory_space<vmem>> -> memref<1x128xi32, #tpu.memory_space<vmem>>
          %dma_start3A_330 = tpu.memref_squeeze %dma_start3A_329 : memref<1x128xi32, #tpu.memory_space<vmem>> -> memref<128xi32, #tpu.memory_space<vmem>>
          %dma_start3A_331 = arith.constant 0 : i32
          %dma_start3A_332 = arith.constant 0 : i32
          %dma_start3A_333 = tpu.memref_slice %arg2[%dma_start3A_331, %dma_start3A_332] : memref<10000x64xf32, #tpu.memory_space<hbm>> -> memref<10000x64xf32, #tpu.memory_space<hbm>>
          tpu.enqueue_indirect_dma source(%dma_start3A_333 : memref<10000x64xf32, #tpu.memory_space<hbm>>) target(%arg11 : memref<128x64xf32, #tpu.memory_space<vmem>>) offsets(%dma_start3A_330 : memref<128xi32, #tpu.memory_space<vmem>>) semaphore(%arg20 : memref<!tpu.dma_semaphore, #tpu.memory_space<semaphore_mem>>)
        } else {
        }
        %add3A_257 = arith.constant 5 : i32
        %add3A_258 = arith.addi %add3A_152, %add3A_257 : i32
        %dma_wait3A_259 = arith.constant 0 : i32
        %dma_wait3A_260 = tpu.memref_slice %arg5[%add3A_258, %dma_wait3A_259] : memref<80x128xi32, #tpu.memory_space<vmem>> -> memref<1x128xi32, #tpu.memory_space<vmem>>
        %dma_wait3A_261 = tpu.memref_squeeze %dma_wait3A_260 : memref<1x128xi32, #tpu.memory_space<vmem>> -> memref<128xi32, #tpu.memory_space<vmem>>
        %dma_wait3A_262 = arith.constant 0 : i32
        %dma_wait3A_263 = arith.constant 0 : i32
        %dma_wait3A_264 = tpu.memref_slice %arg2[%dma_wait3A_262, %dma_wait3A_263] : memref<10000x64xf32, #tpu.memory_space<hbm>> -> memref<10000x64xf32, #tpu.memory_space<hbm>>
        tpu.wait_indirect_dma semaphore(%arg21 : memref<!tpu.dma_semaphore, #tpu.memory_space<semaphore_mem>>) src(%dma_wait3A_264 : memref<10000x64xf32, #tpu.memory_space<hbm>>) dst(%arg12 : memref<128x64xf32, #tpu.memory_space<vmem>>)
        %dma_start3A_265 = arith.constant 0 : i32
        %dma_start3A_266 = tpu.memref_slice %arg6[%add3A_258, %dma_start3A_265] : memref<80x128xi32, #tpu.memory_space<vmem>> -> memref<1x128xi32, #tpu.memory_space<vmem>>
        %dma_start3A_267 = tpu.memref_squeeze %dma_start3A_266 : memref<1x128xi32, #tpu.memory_space<vmem>> -> memref<128xi32, #tpu.memory_space<vmem>>
        %dma_start3A_268 = arith.constant 0 : i32
        %dma_start3A_269 = arith.constant 0 : i32
        %dma_start3A_270 = tpu.memref_slice %arg15[%dma_start3A_268, %dma_start3A_269] : memref<10240x64xf32, #tpu.memory_space<vmem_shared>> -> memref<10240x64xf32, #tpu.memory_space<vmem_shared>>
        tpu.enqueue_indirect_dma source(%arg12 : memref<128x64xf32, #tpu.memory_space<vmem>>) target(%dma_start3A_270 : memref<10240x64xf32, #tpu.memory_space<vmem_shared>>) offsets(%dma_start3A_267 : memref<128xi32, #tpu.memory_space<vmem>>) semaphore(%arg29 : memref<!tpu.dma_semaphore, #tpu.memory_space<semaphore_mem>>) {add = true}
        %add3A_271 = arith.constant 8 : i32
        %add3A_272 = arith.addi %add3A_152, %add3A_271 : i32
        %lt3A_273 = arith.constant 80 : i32
        %lt3A_274 = arith.cmpi slt, %add3A_272, %lt3A_273 : i32
        %convert_element_type3A_275 = arith.extui %lt3A_274 : i1 to i32
        %cond3A_276 = arith.constant 0 : i32
        %cond3A_277 = arith.cmpi ne, %convert_element_type3A_275, %cond3A_276 : i32
        scf.if %cond3A_277 {
          %dma_wait3A_320 = arith.constant 0 : i32
          %dma_wait3A_321 = tpu.memref_slice %arg6[%add3A_258, %dma_wait3A_320] : memref<80x128xi32, #tpu.memory_space<vmem>> -> memref<1x128xi32, #tpu.memory_space<vmem>>
          %dma_wait3A_322 = tpu.memref_squeeze %dma_wait3A_321 : memref<1x128xi32, #tpu.memory_space<vmem>> -> memref<128xi32, #tpu.memory_space<vmem>>
          %dma_wait3A_323 = arith.constant 0 : i32
          %dma_wait3A_324 = arith.constant 0 : i32
          %dma_wait3A_325 = tpu.memref_slice %arg15[%dma_wait3A_323, %dma_wait3A_324] : memref<10240x64xf32, #tpu.memory_space<vmem_shared>> -> memref<10240x64xf32, #tpu.memory_space<vmem_shared>>
          tpu.wait_indirect_dma semaphore(%arg29 : memref<!tpu.dma_semaphore, #tpu.memory_space<semaphore_mem>>) src(%arg12 : memref<128x64xf32, #tpu.memory_space<vmem>>) dst(%dma_wait3A_325 : memref<10240x64xf32, #tpu.memory_space<vmem_shared>>)
          %add3A_326 = arith.constant 8 : i32
          %add3A_327 = arith.addi %add3A_258, %add3A_326 : i32
          %dma_start3A_328 = arith.constant 0 : i32
          %dma_start3A_329 = tpu.memref_slice %arg5[%add3A_327, %dma_start3A_328] : memref<80x128xi32, #tpu.memory_space<vmem>> -> memref<1x128xi32, #tpu.memory_space<vmem>>
          %dma_start3A_330 = tpu.memref_squeeze %dma_start3A_329 : memref<1x128xi32, #tpu.memory_space<vmem>> -> memref<128xi32, #tpu.memory_space<vmem>>
          %dma_start3A_331 = arith.constant 0 : i32
          %dma_start3A_332 = arith.constant 0 : i32
          %dma_start3A_333 = tpu.memref_slice %arg2[%dma_start3A_331, %dma_start3A_332] : memref<10000x64xf32, #tpu.memory_space<hbm>> -> memref<10000x64xf32, #tpu.memory_space<hbm>>
          tpu.enqueue_indirect_dma source(%dma_start3A_333 : memref<10000x64xf32, #tpu.memory_space<hbm>>) target(%arg12 : memref<128x64xf32, #tpu.memory_space<vmem>>) offsets(%dma_start3A_330 : memref<128xi32, #tpu.memory_space<vmem>>) semaphore(%arg21 : memref<!tpu.dma_semaphore, #tpu.memory_space<semaphore_mem>>)
        } else {
        }
        %add3A_278 = arith.constant 6 : i32
        %add3A_279 = arith.addi %add3A_152, %add3A_278 : i32
        %dma_wait3A_280 = arith.constant 0 : i32
        %dma_wait3A_281 = tpu.memref_slice %arg5[%add3A_279, %dma_wait3A_280] : memref<80x128xi32, #tpu.memory_space<vmem>> -> memref<1x128xi32, #tpu.memory_space<vmem>>
        %dma_wait3A_282 = tpu.memref_squeeze %dma_wait3A_281 : memref<1x128xi32, #tpu.memory_space<vmem>> -> memref<128xi32, #tpu.memory_space<vmem>>
        %dma_wait3A_283 = arith.constant 0 : i32
        %dma_wait3A_284 = arith.constant 0 : i32
        %dma_wait3A_285 = tpu.memref_slice %arg2[%dma_wait3A_283, %dma_wait3A_284] : memref<10000x64xf32, #tpu.memory_space<hbm>> -> memref<10000x64xf32, #tpu.memory_space<hbm>>
        tpu.wait_indirect_dma semaphore(%arg22 : memref<!tpu.dma_semaphore, #tpu.memory_space<semaphore_mem>>) src(%dma_wait3A_285 : memref<10000x64xf32, #tpu.memory_space<hbm>>) dst(%arg13 : memref<128x64xf32, #tpu.memory_space<vmem>>)
        %dma_start3A_286 = arith.constant 0 : i32
        %dma_start3A_287 = tpu.memref_slice %arg6[%add3A_279, %dma_start3A_286] : memref<80x128xi32, #tpu.memory_space<vmem>> -> memref<1x128xi32, #tpu.memory_space<vmem>>
        %dma_start3A_288 = tpu.memref_squeeze %dma_start3A_287 : memref<1x128xi32, #tpu.memory_space<vmem>> -> memref<128xi32, #tpu.memory_space<vmem>>
        %dma_start3A_289 = arith.constant 0 : i32
        %dma_start3A_290 = arith.constant 0 : i32
        %dma_start3A_291 = tpu.memref_slice %arg15[%dma_start3A_289, %dma_start3A_290] : memref<10240x64xf32, #tpu.memory_space<vmem_shared>> -> memref<10240x64xf32, #tpu.memory_space<vmem_shared>>
        tpu.enqueue_indirect_dma source(%arg13 : memref<128x64xf32, #tpu.memory_space<vmem>>) target(%dma_start3A_291 : memref<10240x64xf32, #tpu.memory_space<vmem_shared>>) offsets(%dma_start3A_288 : memref<128xi32, #tpu.memory_space<vmem>>) semaphore(%arg30 : memref<!tpu.dma_semaphore, #tpu.memory_space<semaphore_mem>>) {add = true}
        %add3A_292 = arith.constant 8 : i32
        %add3A_293 = arith.addi %add3A_152, %add3A_292 : i32
        %lt3A_294 = arith.constant 80 : i32
        %lt3A_295 = arith.cmpi slt, %add3A_293, %lt3A_294 : i32
        %convert_element_type3A_296 = arith.extui %lt3A_295 : i1 to i32
        %cond3A_297 = arith.constant 0 : i32
        %cond3A_298 = arith.cmpi ne, %convert_element_type3A_296, %cond3A_297 : i32
        scf.if %cond3A_298 {
          %dma_wait3A_320 = arith.constant 0 : i32
          %dma_wait3A_321 = tpu.memref_slice %arg6[%add3A_279, %dma_wait3A_320] : memref<80x128xi32, #tpu.memory_space<vmem>> -> memref<1x128xi32, #tpu.memory_space<vmem>>
          %dma_wait3A_322 = tpu.memref_squeeze %dma_wait3A_321 : memref<1x128xi32, #tpu.memory_space<vmem>> -> memref<128xi32, #tpu.memory_space<vmem>>
          %dma_wait3A_323 = arith.constant 0 : i32
          %dma_wait3A_324 = arith.constant 0 : i32
          %dma_wait3A_325 = tpu.memref_slice %arg15[%dma_wait3A_323, %dma_wait3A_324] : memref<10240x64xf32, #tpu.memory_space<vmem_shared>> -> memref<10240x64xf32, #tpu.memory_space<vmem_shared>>
          tpu.wait_indirect_dma semaphore(%arg30 : memref<!tpu.dma_semaphore, #tpu.memory_space<semaphore_mem>>) src(%arg13 : memref<128x64xf32, #tpu.memory_space<vmem>>) dst(%dma_wait3A_325 : memref<10240x64xf32, #tpu.memory_space<vmem_shared>>)
          %add3A_326 = arith.constant 8 : i32
          %add3A_327 = arith.addi %add3A_279, %add3A_326 : i32
          %dma_start3A_328 = arith.constant 0 : i32
          %dma_start3A_329 = tpu.memref_slice %arg5[%add3A_327, %dma_start3A_328] : memref<80x128xi32, #tpu.memory_space<vmem>> -> memref<1x128xi32, #tpu.memory_space<vmem>>
          %dma_start3A_330 = tpu.memref_squeeze %dma_start3A_329 : memref<1x128xi32, #tpu.memory_space<vmem>> -> memref<128xi32, #tpu.memory_space<vmem>>
          %dma_start3A_331 = arith.constant 0 : i32
          %dma_start3A_332 = arith.constant 0 : i32
          %dma_start3A_333 = tpu.memref_slice %arg2[%dma_start3A_331, %dma_start3A_332] : memref<10000x64xf32, #tpu.memory_space<hbm>> -> memref<10000x64xf32, #tpu.memory_space<hbm>>
          tpu.enqueue_indirect_dma source(%dma_start3A_333 : memref<10000x64xf32, #tpu.memory_space<hbm>>) target(%arg13 : memref<128x64xf32, #tpu.memory_space<vmem>>) offsets(%dma_start3A_330 : memref<128xi32, #tpu.memory_space<vmem>>) semaphore(%arg22 : memref<!tpu.dma_semaphore, #tpu.memory_space<semaphore_mem>>)
        } else {
        }
        %add3A_299 = arith.constant 7 : i32
        %add3A_300 = arith.addi %add3A_152, %add3A_299 : i32
        %dma_wait3A_301 = arith.constant 0 : i32
        %dma_wait3A_302 = tpu.memref_slice %arg5[%add3A_300, %dma_wait3A_301] : memref<80x128xi32, #tpu.memory_space<vmem>> -> memref<1x128xi32, #tpu.memory_space<vmem>>
        %dma_wait3A_303 = tpu.memref_squeeze %dma_wait3A_302 : memref<1x128xi32, #tpu.memory_space<vmem>> -> memref<128xi32, #tpu.memory_space<vmem>>
        %dma_wait3A_304 = arith.constant 0 : i32
        %dma_wait3A_305 = arith.constant 0 : i32
        %dma_wait3A_306 = tpu.memref_slice %arg2[%dma_wait3A_304, %dma_wait3A_305] : memref<10000x64xf32, #tpu.memory_space<hbm>> -> memref<10000x64xf32, #tpu.memory_space<hbm>>
        tpu.wait_indirect_dma semaphore(%arg23 : memref<!tpu.dma_semaphore, #tpu.memory_space<semaphore_mem>>) src(%dma_wait3A_306 : memref<10000x64xf32, #tpu.memory_space<hbm>>) dst(%arg14 : memref<128x64xf32, #tpu.memory_space<vmem>>)
        %dma_start3A_307 = arith.constant 0 : i32
        %dma_start3A_308 = tpu.memref_slice %arg6[%add3A_300, %dma_start3A_307] : memref<80x128xi32, #tpu.memory_space<vmem>> -> memref<1x128xi32, #tpu.memory_space<vmem>>
        %dma_start3A_309 = tpu.memref_squeeze %dma_start3A_308 : memref<1x128xi32, #tpu.memory_space<vmem>> -> memref<128xi32, #tpu.memory_space<vmem>>
        %dma_start3A_310 = arith.constant 0 : i32
        %dma_start3A_311 = arith.constant 0 : i32
        %dma_start3A_312 = tpu.memref_slice %arg15[%dma_start3A_310, %dma_start3A_311] : memref<10240x64xf32, #tpu.memory_space<vmem_shared>> -> memref<10240x64xf32, #tpu.memory_space<vmem_shared>>
        tpu.enqueue_indirect_dma source(%arg14 : memref<128x64xf32, #tpu.memory_space<vmem>>) target(%dma_start3A_312 : memref<10240x64xf32, #tpu.memory_space<vmem_shared>>) offsets(%dma_start3A_309 : memref<128xi32, #tpu.memory_space<vmem>>) semaphore(%arg31 : memref<!tpu.dma_semaphore, #tpu.memory_space<semaphore_mem>>) {add = true}
        %add3A_313 = arith.constant 8 : i32
        %add3A_314 = arith.addi %add3A_152, %add3A_313 : i32
        %lt3A_315 = arith.constant 80 : i32
        %lt3A_316 = arith.cmpi slt, %add3A_314, %lt3A_315 : i32
        %convert_element_type3A_317 = arith.extui %lt3A_316 : i1 to i32
        %cond3A_318 = arith.constant 0 : i32
        %cond3A_319 = arith.cmpi ne, %convert_element_type3A_317, %cond3A_318 : i32
        scf.if %cond3A_319 {
          %dma_wait3A_320 = arith.constant 0 : i32
          %dma_wait3A_321 = tpu.memref_slice %arg6[%add3A_300, %dma_wait3A_320] : memref<80x128xi32, #tpu.memory_space<vmem>> -> memref<1x128xi32, #tpu.memory_space<vmem>>
          %dma_wait3A_322 = tpu.memref_squeeze %dma_wait3A_321 : memref<1x128xi32, #tpu.memory_space<vmem>> -> memref<128xi32, #tpu.memory_space<vmem>>
          %dma_wait3A_323 = arith.constant 0 : i32
          %dma_wait3A_324 = arith.constant 0 : i32
          %dma_wait3A_325 = tpu.memref_slice %arg15[%dma_wait3A_323, %dma_wait3A_324] : memref<10240x64xf32, #tpu.memory_space<vmem_shared>> -> memref<10240x64xf32, #tpu.memory_space<vmem_shared>>
          tpu.wait_indirect_dma semaphore(%arg31 : memref<!tpu.dma_semaphore, #tpu.memory_space<semaphore_mem>>) src(%arg14 : memref<128x64xf32, #tpu.memory_space<vmem>>) dst(%dma_wait3A_325 : memref<10240x64xf32, #tpu.memory_space<vmem_shared>>)
          %add3A_326 = arith.constant 8 : i32
          %add3A_327 = arith.addi %add3A_300, %add3A_326 : i32
          %dma_start3A_328 = arith.constant 0 : i32
          %dma_start3A_329 = tpu.memref_slice %arg5[%add3A_327, %dma_start3A_328] : memref<80x128xi32, #tpu.memory_space<vmem>> -> memref<1x128xi32, #tpu.memory_space<vmem>>
          %dma_start3A_330 = tpu.memref_squeeze %dma_start3A_329 : memref<1x128xi32, #tpu.memory_space<vmem>> -> memref<128xi32, #tpu.memory_space<vmem>>
          %dma_start3A_331 = arith.constant 0 : i32
          %dma_start3A_332 = arith.constant 0 : i32
          %dma_start3A_333 = tpu.memref_slice %arg2[%dma_start3A_331, %dma_start3A_332] : memref<10000x64xf32, #tpu.memory_space<hbm>> -> memref<10000x64xf32, #tpu.memory_space<hbm>>
          tpu.enqueue_indirect_dma source(%dma_start3A_333 : memref<10000x64xf32, #tpu.memory_space<hbm>>) target(%arg14 : memref<128x64xf32, #tpu.memory_space<vmem>>) offsets(%dma_start3A_330 : memref<128xi32, #tpu.memory_space<vmem>>) semaphore(%arg23 : memref<!tpu.dma_semaphore, #tpu.memory_space<semaphore_mem>>)
        } else {
        }
      }
      %scan3A_92 = arith.constant 10 : i32
      %dma_wait3A = arith.constant 72 : i32
      %dma_wait3A_93 = arith.constant 0 : i32
      %dma_wait3A_94 = tpu.memref_slice %arg6[%dma_wait3A, %dma_wait3A_93] : memref<80x128xi32, #tpu.memory_space<vmem>> -> memref<1x128xi32, #tpu.memory_space<vmem>>
      %dma_wait3A_95 = tpu.memref_squeeze %dma_wait3A_94 : memref<1x128xi32, #tpu.memory_space<vmem>> -> memref<128xi32, #tpu.memory_space<vmem>>
      %dma_wait3A_96 = arith.constant 0 : i32
      %dma_wait3A_97 = arith.constant 0 : i32
      %dma_wait3A_98 = tpu.memref_slice %arg15[%dma_wait3A_96, %dma_wait3A_97] : memref<10240x64xf32, #tpu.memory_space<vmem_shared>> -> memref<10240x64xf32, #tpu.memory_space<vmem_shared>>
      tpu.wait_indirect_dma semaphore(%arg24 : memref<!tpu.dma_semaphore, #tpu.memory_space<semaphore_mem>>) src(%arg7 : memref<128x64xf32, #tpu.memory_space<vmem>>) dst(%dma_wait3A_98 : memref<10240x64xf32, #tpu.memory_space<vmem_shared>>)
      %dma_wait3A_99 = arith.constant 73 : i32
      %dma_wait3A_100 = arith.constant 0 : i32
      %dma_wait3A_101 = tpu.memref_slice %arg6[%dma_wait3A_99, %dma_wait3A_100] : memref<80x128xi32, #tpu.memory_space<vmem>> -> memref<1x128xi32, #tpu.memory_space<vmem>>
      %dma_wait3A_102 = tpu.memref_squeeze %dma_wait3A_101 : memref<1x128xi32, #tpu.memory_space<vmem>> -> memref<128xi32, #tpu.memory_space<vmem>>
      %dma_wait3A_103 = arith.constant 0 : i32
      %dma_wait3A_104 = arith.constant 0 : i32
      %dma_wait3A_105 = tpu.memref_slice %arg15[%dma_wait3A_103, %dma_wait3A_104] : memref<10240x64xf32, #tpu.memory_space<vmem_shared>> -> memref<10240x64xf32, #tpu.memory_space<vmem_shared>>
      tpu.wait_indirect_dma semaphore(%arg25 : memref<!tpu.dma_semaphore, #tpu.memory_space<semaphore_mem>>) src(%arg8 : memref<128x64xf32, #tpu.memory_space<vmem>>) dst(%dma_wait3A_105 : memref<10240x64xf32, #tpu.memory_space<vmem_shared>>)
      %dma_wait3A_106 = arith.constant 74 : i32
      %dma_wait3A_107 = arith.constant 0 : i32
      %dma_wait3A_108 = tpu.memref_slice %arg6[%dma_wait3A_106, %dma_wait3A_107] : memref<80x128xi32, #tpu.memory_space<vmem>> -> memref<1x128xi32, #tpu.memory_space<vmem>>
      %dma_wait3A_109 = tpu.memref_squeeze %dma_wait3A_108 : memref<1x128xi32, #tpu.memory_space<vmem>> -> memref<128xi32, #tpu.memory_space<vmem>>
      %dma_wait3A_110 = arith.constant 0 : i32
      %dma_wait3A_111 = arith.constant 0 : i32
      %dma_wait3A_112 = tpu.memref_slice %arg15[%dma_wait3A_110, %dma_wait3A_111] : memref<10240x64xf32, #tpu.memory_space<vmem_shared>> -> memref<10240x64xf32, #tpu.memory_space<vmem_shared>>
      tpu.wait_indirect_dma semaphore(%arg26 : memref<!tpu.dma_semaphore, #tpu.memory_space<semaphore_mem>>) src(%arg9 : memref<128x64xf32, #tpu.memory_space<vmem>>) dst(%dma_wait3A_112 : memref<10240x64xf32, #tpu.memory_space<vmem_shared>>)
      %dma_wait3A_113 = arith.constant 75 : i32
      %dma_wait3A_114 = arith.constant 0 : i32
      %dma_wait3A_115 = tpu.memref_slice %arg6[%dma_wait3A_113, %dma_wait3A_114] : memref<80x128xi32, #tpu.memory_space<vmem>> -> memref<1x128xi32, #tpu.memory_space<vmem>>
      %dma_wait3A_116 = tpu.memref_squeeze %dma_wait3A_115 : memref<1x128xi32, #tpu.memory_space<vmem>> -> memref<128xi32, #tpu.memory_space<vmem>>
      %dma_wait3A_117 = arith.constant 0 : i32
      %dma_wait3A_118 = arith.constant 0 : i32
      %dma_wait3A_119 = tpu.memref_slice %arg15[%dma_wait3A_117, %dma_wait3A_118] : memref<10240x64xf32, #tpu.memory_space<vmem_shared>> -> memref<10240x64xf32, #tpu.memory_space<vmem_shared>>
      tpu.wait_indirect_dma semaphore(%arg27 : memref<!tpu.dma_semaphore, #tpu.memory_space<semaphore_mem>>) src(%arg10 : memref<128x64xf32, #tpu.memory_space<vmem>>) dst(%dma_wait3A_119 : memref<10240x64xf32, #tpu.memory_space<vmem_shared>>)
      %dma_wait3A_120 = arith.constant 76 : i32
      %dma_wait3A_121 = arith.constant 0 : i32
      %dma_wait3A_122 = tpu.memref_slice %arg6[%dma_wait3A_120, %dma_wait3A_121] : memref<80x128xi32, #tpu.memory_space<vmem>> -> memref<1x128xi32, #tpu.memory_space<vmem>>
      %dma_wait3A_123 = tpu.memref_squeeze %dma_wait3A_122 : memref<1x128xi32, #tpu.memory_space<vmem>> -> memref<128xi32, #tpu.memory_space<vmem>>
      %dma_wait3A_124 = arith.constant 0 : i32
      %dma_wait3A_125 = arith.constant 0 : i32
      %dma_wait3A_126 = tpu.memref_slice %arg15[%dma_wait3A_124, %dma_wait3A_125] : memref<10240x64xf32, #tpu.memory_space<vmem_shared>> -> memref<10240x64xf32, #tpu.memory_space<vmem_shared>>
      tpu.wait_indirect_dma semaphore(%arg28 : memref<!tpu.dma_semaphore, #tpu.memory_space<semaphore_mem>>) src(%arg11 : memref<128x64xf32, #tpu.memory_space<vmem>>) dst(%dma_wait3A_126 : memref<10240x64xf32, #tpu.memory_space<vmem_shared>>)
      %dma_wait3A_127 = arith.constant 77 : i32
      %dma_wait3A_128 = arith.constant 0 : i32
      %dma_wait3A_129 = tpu.memref_slice %arg6[%dma_wait3A_127, %dma_wait3A_128] : memref<80x128xi32, #tpu.memory_space<vmem>> -> memref<1x128xi32, #tpu.memory_space<vmem>>
      %dma_wait3A_130 = tpu.memref_squeeze %dma_wait3A_129 : memref<1x128xi32, #tpu.memory_space<vmem>> -> memref<128xi32, #tpu.memory_space<vmem>>
      %dma_wait3A_131 = arith.constant 0 : i32
      %dma_wait3A_132 = arith.constant 0 : i32
      %dma_wait3A_133 = tpu.memref_slice %arg15[%dma_wait3A_131, %dma_wait3A_132] : memref<10240x64xf32, #tpu.memory_space<vmem_shared>> -> memref<10240x64xf32, #tpu.memory_space<vmem_shared>>
      tpu.wait_indirect_dma semaphore(%arg29 : memref<!tpu.dma_semaphore, #tpu.memory_space<semaphore_mem>>) src(%arg12 : memref<128x64xf32, #tpu.memory_space<vmem>>) dst(%dma_wait3A_133 : memref<10240x64xf32, #tpu.memory_space<vmem_shared>>)
      %dma_wait3A_134 = arith.constant 78 : i32
      %dma_wait3A_135 = arith.constant 0 : i32
      %dma_wait3A_136 = tpu.memref_slice %arg6[%dma_wait3A_134, %dma_wait3A_135] : memref<80x128xi32, #tpu.memory_space<vmem>> -> memref<1x128xi32, #tpu.memory_space<vmem>>
      %dma_wait3A_137 = tpu.memref_squeeze %dma_wait3A_136 : memref<1x128xi32, #tpu.memory_space<vmem>> -> memref<128xi32, #tpu.memory_space<vmem>>
      %dma_wait3A_138 = arith.constant 0 : i32
      %dma_wait3A_139 = arith.constant 0 : i32
      %dma_wait3A_140 = tpu.memref_slice %arg15[%dma_wait3A_138, %dma_wait3A_139] : memref<10240x64xf32, #tpu.memory_space<vmem_shared>> -> memref<10240x64xf32, #tpu.memory_space<vmem_shared>>
      tpu.wait_indirect_dma semaphore(%arg30 : memref<!tpu.dma_semaphore, #tpu.memory_space<semaphore_mem>>) src(%arg13 : memref<128x64xf32, #tpu.memory_space<vmem>>) dst(%dma_wait3A_140 : memref<10240x64xf32, #tpu.memory_space<vmem_shared>>)
      %dma_wait3A_141 = arith.constant 79 : i32
      %dma_wait3A_142 = arith.constant 0 : i32
      %dma_wait3A_143 = tpu.memref_slice %arg6[%dma_wait3A_141, %dma_wait3A_142] : memref<80x128xi32, #tpu.memory_space<vmem>> -> memref<1x128xi32, #tpu.memory_space<vmem>>
      %dma_wait3A_144 = tpu.memref_squeeze %dma_wait3A_143 : memref<1x128xi32, #tpu.memory_space<vmem>> -> memref<128xi32, #tpu.memory_space<vmem>>
      %dma_wait3A_145 = arith.constant 0 : i32
      %dma_wait3A_146 = arith.constant 0 : i32
      %dma_wait3A_147 = tpu.memref_slice %arg15[%dma_wait3A_145, %dma_wait3A_146] : memref<10240x64xf32, #tpu.memory_space<vmem_shared>> -> memref<10240x64xf32, #tpu.memory_space<vmem_shared>>
      tpu.wait_indirect_dma semaphore(%arg31 : memref<!tpu.dma_semaphore, #tpu.memory_space<semaphore_mem>>) src(%arg14 : memref<128x64xf32, #tpu.memory_space<vmem>>) dst(%dma_wait3A_147 : memref<10240x64xf32, #tpu.memory_space<vmem_shared>>)
    } else {
    }
    %barrier3A_22 = arith.constant 0 : index
    tpu.barrier barrier_id(%barrier3A_22)
    %mul3A_23 = arith.constant 632 : i32
    %mul3A_24 = arith.muli %arg1, %mul3A_23 : i32
    %mul3A_25 = arith.constant 632 : i32
    %mul3A_26 = arith.muli %arg1, %mul3A_25 : i32
    "tpu.region"() ({
      %run_scoped3A = tpu.sem_alloc : memref<!tpu.dma_semaphore, #tpu.memory_space<semaphore_mem>>
      %dma_start3A = arith.constant 0 : i32
      %dma_start3A_27 = arith.constant 0 : i32
      %dma_start3A_28 = tpu.memref_slice %arg4[%arg0, %dma_start3A, %dma_start3A_27] : memref<2x10112x64xf32, #tpu.memory_space<hbm>> -> memref<1x10112x64xf32, #tpu.memory_space<hbm>>
      %dma_start3A_29 = tpu.memref_squeeze %dma_start3A_28 : memref<1x10112x64xf32, #tpu.memory_space<hbm>> -> memref<10112x64xf32, #tpu.memory_space<hbm>>
      %dma_start3A_30 = arith.constant 0 : i32
      %dma_start3A_31 = tpu.memref_slice %dma_start3A_29[%mul3A_26, %dma_start3A_30] : memref<10112x64xf32, #tpu.memory_space<hbm>> -> memref<632x64xf32, #tpu.memory_space<hbm>>
      %dma_start3A_32 = arith.constant 0 : i32
      %dma_start3A_33 = tpu.memref_slice %arg15[%mul3A_24, %dma_start3A_32] : memref<10240x64xf32, #tpu.memory_space<vmem_shared>> -> memref<632x64xf32, #tpu.memory_space<vmem_shared>>
      tpu.enqueue_dma source(%dma_start3A_33 : memref<632x64xf32, #tpu.memory_space<vmem_shared>>) target(%dma_start3A_31 : memref<632x64xf32, #tpu.memory_space<hbm>>) target_semaphore(%run_scoped3A : memref<!tpu.dma_semaphore, #tpu.memory_space<semaphore_mem>>)
      %dma_wait3A = arith.constant 0 : i32
      %dma_wait3A_34 = arith.constant 0 : i32
      %dma_wait3A_35 = tpu.memref_slice %arg4[%arg0, %dma_wait3A, %dma_wait3A_34] : memref<2x10112x64xf32, #tpu.memory_space<hbm>> -> memref<1x10112x64xf32, #tpu.memory_space<hbm>>
      %dma_wait3A_36 = tpu.memref_squeeze %dma_wait3A_35 : memref<1x10112x64xf32, #tpu.memory_space<hbm>> -> memref<10112x64xf32, #tpu.memory_space<hbm>>
      %dma_wait3A_37 = arith.constant 0 : i32
      %dma_wait3A_38 = tpu.memref_slice %dma_wait3A_36[%mul3A_26, %dma_wait3A_37] : memref<10112x64xf32, #tpu.memory_space<hbm>> -> memref<632x64xf32, #tpu.memory_space<hbm>>
      %dma_wait3A_39 = arith.constant 0 : i32
      %dma_wait3A_40 = tpu.memref_slice %arg15[%mul3A_24, %dma_wait3A_39] : memref<10240x64xf32, #tpu.memory_space<vmem_shared>> -> memref<632x64xf32, #tpu.memory_space<vmem_shared>>
      tpu.wait_dma2 semaphore(%run_scoped3A : memref<!tpu.dma_semaphore, #tpu.memory_space<semaphore_mem>>) src(%dma_wait3A_40 : memref<632x64xf32, #tpu.memory_space<vmem_shared>>) dst(%dma_wait3A_38 : memref<632x64xf32, #tpu.memory_space<hbm>>)
      tpu.yield
    }) : () -> ()
    return
  }
}

module attributes {stable_mosaic.version = 14 : i64} {
  func.func @_matmul_body(%arg0: memref<10000x128xf32, #tpu.memory_space<vmem>>, %arg1: memref<128x64xf32, #tpu.memory_space<vmem>>, %arg2: memref<10000x64xf32, #tpu.memory_space<vmem>>) attributes {dimension_semantics = [], scalar_prefetch = 0 : i64, scratch_operands = 0 : i64, tpu.core_type = #tpu.core_type<tc>} {
    %get3A = arith.constant 0 : index
    %get3A_0 = arith.constant 0 : index
    %get3A_1 = vector.load %arg0[%get3A, %get3A_0] : memref<10000x128xf32, #tpu.memory_space<vmem>>, vector<10000x128xf32>
    %get3A_2 = arith.constant 0 : index
    %get3A_3 = arith.constant 0 : index
    %get3A_4 = vector.load %arg1[%get3A_2, %get3A_3] : memref<128x64xf32, #tpu.memory_space<vmem>>, vector<128x64xf32>
    %dot_general3A = arith.constant dense<0.000000e+00> : vector<10000x64xf32>
    %dot_general3A_5 = tpu.matmul %get3A_1, %get3A_4, %dot_general3A {dimension_numbers = #tpu.dot_dimension_numbers<[1], [0], [0], [1], [0, 0, 1, 1], [], []>, transpose_lhs_hint = false} : vector<10000x128xf32>, vector<128x64xf32>, vector<10000x64xf32> -> vector<10000x64xf32>
    %swap3A = arith.constant 0 : index
    %swap3A_6 = arith.constant 0 : index
    %swap3A_7 = vector.load %arg2[%swap3A, %swap3A_6] : memref<10000x64xf32, #tpu.memory_space<vmem>>, vector<10000x64xf32>
    tpu.vector_store %arg2[%swap3A, %swap3A_6], %dot_general3A_5 {strides = array<i32>} : memref<10000x64xf32, #tpu.memory_space<vmem>>, vector<10000x64xf32>,
    return
  }
}

module attributes {stable_mosaic.version = 14 : i64} {
  func.func @_prep_body(%arg0: memref<32x10240xf32, #tpu.memory_space<vmem>>, %arg1: memref<10000x64xf32, #tpu.memory_space<vmem>>, %arg2: memref<10000x64xf32, #tpu.memory_space<vmem>>, %arg3: memref<10000x1xf32, #tpu.memory_space<vmem>>) attributes {dimension_semantics = [], scalar_prefetch = 0 : i64, scratch_operands = 0 : i64, tpu.core_type = #tpu.core_type<tc>} {
    %get3A = arith.constant 0 : index
    %get3A_0 = arith.constant 0 : index
    %get3A_1 = vector.load %arg0[%get3A, %get3A_0] : memref<32x10240xf32, #tpu.memory_space<vmem>>, vector<32x10240xf32>
    %reduce_sum3A = arith.constant dense<0.000000e+00> : vector<10240xf32>
    %reduce_sum3A_2 = vector.multi_reduction <add>, %get3A_1, %reduce_sum3A [0] : vector<32x10240xf32> to vector<10240xf32>
    %slice3A = vector.extract_strided_slice %reduce_sum3A_2 {offsets = [0], sizes = [10000], strides = [1]} : vector<10240xf32> to vector<10000xf32>
    %add3A = arith.constant 1.000000e+00 : f32
    %add3A_3 = vector.broadcast %add3A : f32 to vector<10000xf32>
    %add3A_4 = arith.addf %slice3A, %add3A_3 : vector<10000xf32>
    %rsqrt3A = math.rsqrt %add3A_4 : vector<10000xf32>
    %reshape3A = vector.shape_cast %rsqrt3A : vector<10000xf32> to vector<10000x1xf32>
    %swap3A = arith.constant 0 : index
    %swap3A_5 = arith.constant 0 : index
    %swap3A_6 = vector.load %arg3[%swap3A, %swap3A_5] : memref<10000x1xf32, #tpu.memory_space<vmem>>, vector<10000x1xf32>
    tpu.vector_store %arg3[%swap3A, %swap3A_5], %reshape3A {strides = array<i32>} : memref<10000x1xf32, #tpu.memory_space<vmem>>, vector<10000x1xf32>,
    %get3A_7 = arith.constant 0 : index
    %get3A_8 = arith.constant 0 : index
    %get3A_9 = vector.load %arg1[%get3A_7, %get3A_8] : memref<10000x64xf32, #tpu.memory_space<vmem>>, vector<10000x64xf32>
    %mul3A = vector.broadcast %reshape3A : vector<10000x1xf32> to vector<10000x64xf32>
    %mul3A_10 = arith.mulf %get3A_9, %mul3A : vector<10000x64xf32>
    %swap3A_11 = arith.constant 0 : index
    %swap3A_12 = arith.constant 0 : index
    %swap3A_13 = vector.load %arg2[%swap3A_11, %swap3A_12] : memref<10000x64xf32, #tpu.memory_space<vmem>>, vector<10000x64xf32>
    tpu.vector_store %arg2[%swap3A_11, %swap3A_12], %mul3A_10 {strides = array<i32>} : memref<10000x64xf32, #tpu.memory_space<vmem>>, vector<10000x64xf32>,
    return
  }
}

module attributes {stable_mosaic.version = 14 : i64} {
  func.func @_mid_body(%arg0: memref<2x10112x64xf32, #tpu.memory_space<vmem>>, %arg1: memref<10000x64xf32, #tpu.memory_space<vmem>>, %arg2: memref<10000x1xf32, #tpu.memory_space<vmem>>, %arg3: memref<10000x64xf32, #tpu.memory_space<vmem>>) attributes {dimension_semantics = [], scalar_prefetch = 0 : i64, scratch_operands = 0 : i64, tpu.core_type = #tpu.core_type<tc>} {
    %get3A = arith.constant 0 : index
    %get3A_0 = arith.constant 0 : index
    %get3A_1 = arith.constant 0 : index
    %get3A_2 = vector.load %arg0[%get3A, %get3A_0, %get3A_1] : memref<2x10112x64xf32, #tpu.memory_space<vmem>>, vector<1x10000x64xf32>
    %get3A_3 = vector.shape_cast %get3A_2 : vector<1x10000x64xf32> to vector<10000x64xf32>
    %get3A_4 = arith.constant 1 : index
    %get3A_5 = arith.constant 0 : index
    %get3A_6 = arith.constant 0 : index
    %get3A_7 = vector.load %arg0[%get3A_4, %get3A_5, %get3A_6] : memref<2x10112x64xf32, #tpu.memory_space<vmem>>, vector<1x10000x64xf32>
    %get3A_8 = vector.shape_cast %get3A_7 : vector<1x10000x64xf32> to vector<10000x64xf32>
    %add3A = arith.addf %get3A_3, %get3A_8 : vector<10000x64xf32>
    %get3A_9 = arith.constant 0 : index
    %get3A_10 = arith.constant 0 : index
    %get3A_11 = vector.load %arg1[%get3A_9, %get3A_10] : memref<10000x64xf32, #tpu.memory_space<vmem>>, vector<10000x64xf32>
    %add3A_12 = arith.addf %add3A, %get3A_11 : vector<10000x64xf32>
    %get3A_13 = arith.constant 0 : index
    %get3A_14 = arith.constant 0 : index
    %get3A_15 = vector.load %arg2[%get3A_13, %get3A_14] : memref<10000x1xf32, #tpu.memory_space<vmem>>, vector<10000x1xf32>
    %mul3A = arith.mulf %get3A_15, %get3A_15 : vector<10000x1xf32>
    %mul3A_16 = vector.broadcast %mul3A : vector<10000x1xf32> to vector<10000x64xf32>
    %mul3A_17 = arith.mulf %add3A_12, %mul3A_16 : vector<10000x64xf32>
    %swap3A = arith.constant 0 : index
    %swap3A_18 = arith.constant 0 : index
    %swap3A_19 = vector.load %arg3[%swap3A, %swap3A_18] : memref<10000x64xf32, #tpu.memory_space<vmem>>, vector<10000x64xf32>
    tpu.vector_store %arg3[%swap3A, %swap3A_18], %mul3A_17 {strides = array<i32>} : memref<10000x64xf32, #tpu.memory_space<vmem>>, vector<10000x64xf32>,
    return
  }
}

module attributes {stable_mosaic.version = 14 : i64} {
  func.func @_final_body(%arg0: memref<2x10112x64xf32, #tpu.memory_space<vmem>>, %arg1: memref<10000x64xf32, #tpu.memory_space<vmem>>, %arg2: memref<10000x1xf32, #tpu.memory_space<vmem>>, %arg3: memref<64xf32, #tpu.memory_space<vmem>>, %arg4: memref<10000x64xf32, #tpu.memory_space<vmem>>) attributes {dimension_semantics = [], scalar_prefetch = 0 : i64, scratch_operands = 0 : i64, tpu.core_type = #tpu.core_type<tc>} {
    %get3A = arith.constant 0 : index
    %get3A_0 = arith.constant 0 : index
    %get3A_1 = arith.constant 0 : index
    %get3A_2 = vector.load %arg0[%get3A, %get3A_0, %get3A_1] : memref<2x10112x64xf32, #tpu.memory_space<vmem>>, vector<1x10000x64xf32>
    %get3A_3 = vector.shape_cast %get3A_2 : vector<1x10000x64xf32> to vector<10000x64xf32>
    %get3A_4 = arith.constant 1 : index
    %get3A_5 = arith.constant 0 : index
    %get3A_6 = arith.constant 0 : index
    %get3A_7 = vector.load %arg0[%get3A_4, %get3A_5, %get3A_6] : memref<2x10112x64xf32, #tpu.memory_space<vmem>>, vector<1x10000x64xf32>
    %get3A_8 = vector.shape_cast %get3A_7 : vector<1x10000x64xf32> to vector<10000x64xf32>
    %add3A = arith.addf %get3A_3, %get3A_8 : vector<10000x64xf32>
    %get3A_9 = arith.constant 0 : index
    %get3A_10 = arith.constant 0 : index
    %get3A_11 = vector.load %arg1[%get3A_9, %get3A_10] : memref<10000x64xf32, #tpu.memory_space<vmem>>, vector<10000x64xf32>
    %add3A_12 = arith.addf %add3A, %get3A_11 : vector<10000x64xf32>
    %get3A_13 = arith.constant 0 : index
    %get3A_14 = arith.constant 0 : index
    %get3A_15 = vector.load %arg2[%get3A_13, %get3A_14] : memref<10000x1xf32, #tpu.memory_space<vmem>>, vector<10000x1xf32>
    %mul3A = vector.broadcast %get3A_15 : vector<10000x1xf32> to vector<10000x64xf32>
    %mul3A_16 = arith.mulf %add3A_12, %mul3A : vector<10000x64xf32>
    %get3A_17 = arith.constant 0 : index
    %get3A_18 = vector.load %arg3[%get3A_17] : memref<64xf32, #tpu.memory_space<vmem>>, vector<64xf32>
    %broadcast_in_dim3A = vector.shape_cast %get3A_18 : vector<64xf32> to vector<1x64xf32>
    %add3A_19 = vector.broadcast %broadcast_in_dim3A : vector<1x64xf32> to vector<10000x64xf32>
    %add3A_20 = arith.addf %mul3A_16, %add3A_19 : vector<10000x64xf32>
    %reduce_max3A = arith.constant dense<0xFF800000> : vector<10000xf32>
    %reduce_max3A_21 = vector.multi_reduction <maximumf>, %add3A_20, %reduce_max3A [1] : vector<10000x64xf32> to vector<10000xf32>
    %broadcast_in_dim3A_22 = vector.shape_cast %reduce_max3A_21 : vector<10000xf32> to vector<10000x1xf32>
    %sub3A = vector.broadcast %broadcast_in_dim3A_22 : vector<10000x1xf32> to vector<10000x64xf32>
    %sub3A_23 = arith.subf %add3A_20, %sub3A : vector<10000x64xf32>
    %exp3A = math.exp %sub3A_23 : vector<10000x64xf32>
    %reduce_sum3A = arith.constant dense<0.000000e+00> : vector<10000xf32>
    %reduce_sum3A_24 = vector.multi_reduction <add>, %exp3A, %reduce_sum3A [1] : vector<10000x64xf32> to vector<10000xf32>
    %broadcast_in_dim3A_25 = vector.shape_cast %reduce_sum3A_24 : vector<10000xf32> to vector<10000x1xf32>
    %log3A = math.log %broadcast_in_dim3A_25 : vector<10000x1xf32>
    %sub3A_26 = vector.broadcast %log3A : vector<10000x1xf32> to vector<10000x64xf32>
    %sub3A_27 = arith.subf %sub3A_23, %sub3A_26 : vector<10000x64xf32>
    %swap3A = arith.constant 0 : index
    %swap3A_28 = arith.constant 0 : index
    %swap3A_29 = vector.load %arg4[%swap3A, %swap3A_28] : memref<10000x64xf32, #tpu.memory_space<vmem>>, vector<10000x64xf32>
    tpu.vector_store %arg4[%swap3A, %swap3A_28], %sub3A_27 {strides = array<i32>} : memref<10000x64xf32, #tpu.memory_space<vmem>>, vector<10000x64xf32>,
    return
  }
}

</mosaic_0001>

<sc_bundles>
// kernel: kernel.12.cloned.1.call-start
scs
__scs_entry_jumppad:
0x0: {  	(pc) =	sbr.rel $0x88, $3  }
0x1: {  	(tag) =	ssettag $0x0;
	lr =	simm.s32 $0x1  }
0x2: {  	[smem:$0x3F9D] =	sst lr;
	_ =	strace $0xD0000000  }
0x3: {  	_ = 	snop  }
0x4: {  	_ = 	snop  }
0x5: {  	_ = 	snop  }
0x6: {  	_ = 	snop  }
0x7: {  	_ = 	snop  }
__scs_overlays_trampoline_lowered:
0x8: {  	[smem:$0x3FAC] =	sst s0  }
0x9: {  	[smem:$0x3FAD] =	sst s1  }
0xa: {  	[smem:$0x3FAE] =	sst s2  }
0xb: {  	[smem:$0x3FAF] =	sst s3  }
0xc: {  	[smem:$0x3FB0] =	sst s4  }
0xd: {  	[smem:$0x3FB1] =	sst s5  }
0xe: {  	[smem:$0x3FB2] =	sst s6  }
0xf: {  	[smem:$0x3FB3] =	sst s7  }
0x10: {  	[smem:$0x3FB4] =	sst s8  }
0x11: {  	[smem:$0x3FB5] =	sst s9;
	s0 =	simm.s32 @!p0 $0x0  }
0x12: {  	s1 =	sld [smem:$0x3F9B];
	s0 =	simm.s32 @p0 $0x1  }
0x13: {  	[smem:$0x3FB6] =	sst s0;
	s0 =	simm.s32 @!p1 $0x0  }
0x14: {  	s2 =	sld [smem:$0x3F9A];
	s0 =	simm.s32 @p1 $0x1  }
0x15: {  	[smem:$0x3FB7] =	sst s0;
	s0 =	simm.s32 @!p2 $0x0  }
0x16: {  	s3 =	sld [smem:$0x3FDB];
	s0 =	simm.s32 @p2 $0x1  }
0x17: {  	s4 =	simm.s32 $0x1BF5;
	[smem:$0x3FB9] =	sst s0  }
0x18: {  	s0 =	sld [smem:$0x3F9C];
	_ =	swait.ge [sflag:s4], $0x0  }
0x19: {  	s7 =	sld [smem:$0x3F9D]  }
0x1a: {  	s8 =	sadd.s32 $0xFFFFE003, lr  }
0x1b: {  	s9 =	sadd.s32 $0xFFFFFEF7, lr;
	s5 =	simm.s32 $0xFFFFFFFF;
	p2 =	slt.u32 s8, $0xFFFFF086  }
0x1c: {  	p1 =	slt.u32 s9, $0xF7A;
	s5 =	simm.s32 @!p2 $0x0  }
0x1d: {  	s5 =	simm.s32 @p1 $0x1;
	p0 =	seq.s32 s7, s2  }
0x1e: {  	s7 =	smul.u32 @!p0 $0xF7A, s2;
	p2 =	seq.s32 @!p0 s5, $0x0  }
0x1f: {  	s9 =	smul.u32 $0xF7A, s1;
	s8 =	simm.s32 @!p0 $0x1BF5;
	p2 =	por !p2, p0  }
0x20: {  	[sflag:s8] =	ssyncset.s32 @!p0 $0xFFFFF086;
	s6 =	sadd.s32 @!p0 s3, s7;
	s7 =	simm.s32 @!p0 $0x108  }
0x21: {  	s3 =	sadd.s32 s3, s9;
	s6 =	sadd.s32 @!p0 $0x88, s6;
	s7 =	simm.s32 @p2 $0x1082  }
0x22: {  	[simem:s7], [sflag:s8] =	dma.local @!p0 [hbm:s6], $0xF7A  }
0x23: {  	s9 =	sor.u32 $0xD0000000, s2;
	s6 =	simm.s32 $0x108;
	_ =	swait.ge @!p0 [sflag:s8], $0x0  }
0x24: {  	s3 =	sadd.s32 $0x88, s3;
	s6 =	simm.s32 @!p1 $0x1082;
	[sflag:s4] =	ssyncset.s32 $0xFFFFF086  }
0x25: {  	[simem:s6], [sflag:s4] =	dma.local [hbm:s3], $0xF7A  }
0x26: {  	[smem:$0x3F9D] =	sst s1;
	(tag) =	ssettag s2;
	_ =	strace s9  }
0x27: {  	s1 =	sld [smem:$0x3FAD]  }
0x28: {  	s2 =	sld [smem:$0x3FAE]  }
0x29: {  	s4 =	sld [smem:$0x3FB0]  }
0x2a: {  	p0 =	seq.s32 s5, $0x0;
	s5 =	sld [smem:$0x3FB1]  }
0x2b: {  	s6 =	sld [smem:$0x3FB2]  }
0x2c: {  	s7 =	sld [smem:$0x3FB3]  }
0x2d: {  	s3 =	simm.s32 $0x108;
	s8 =	sld [smem:$0x3FB4]  }
0x2e: {  	s3 =	simm.s32 @!p0 $0x1082;
	s9 =	sld [smem:$0x3FB5]  }
0x2f: {  	lr =	sadd.s32 s0, s3;
	s0 =	sld [smem:$0x3FAC]  }
0x30: {  	s3 =	sld [smem:$0x3FAF]  }
0x31: {  	[smem:$0x3FB8] =	sst s10  }
0x32: {  	s10 =	sld [smem:$0x3FB6];
	_ =	sdelay $0x3  }
0x33: {  	p0 =	seq.s32 s10, $0x1;
	s10 =	sld [smem:$0x3FB8];
	_ =	sdelay $0x3  }
0x34: {  	[smem:$0x3FB8] =	sst s10  }
0x35: {  	s10 =	sld [smem:$0x3FB7];
	_ =	sdelay $0x3  }
0x36: {  	p1 =	seq.s32 s10, $0x1;
	s10 =	sld [smem:$0x3FB8];
	_ =	sdelay $0x3  }
0x37: {  	[smem:$0x3FB8] =	sst s10  }
0x38: {  	s10 =	sld [smem:$0x3FB9]  }
0x39: {  	_ = 	snop;
	(pc) =	sbr.ind lr, $3  }
0x3a: {  	_ = 	snop  }
0x3b: {  	_ = 	snop  }
0x3c: {  	p2 =	seq.s32 s10, $0x1;
	s10 =	sld [smem:$0x3FB8]  }
0x3d: {  	_ =	shalt  }
0x3e: {  	_ =	shalt  }
0x3f: {  	_ =	shalt  }
0x40: {  	_ =	shalt  }
0x41: {  	_ =	shalt  }
0x42: {  	_ =	shalt  }
0x43: {  	_ =	shalt  }
0x44: {  	_ =	shalt  }
0x45: {  	_ =	shalt  }
0x46: {  	_ =	shalt  }
0x47: {  	_ =	shalt  }
0x48: {  	_ =	shalt  }
0x49: {  	_ =	shalt  }
0x4a: {  	_ =	shalt  }
0x4b: {  	_ =	shalt  }
0x4c: {  	_ =	shalt  }
0x4d: {  	_ =	shalt  }
0x4e: {  	_ =	shalt  }
0x4f: {  	_ =	shalt  }
0x50: {  	_ =	shalt  }
0x51: {  	_ =	shalt  }
0x52: {  	_ =	shalt  }
0x53: {  	_ =	shalt  }
0x54: {  	_ =	shalt  }
0x55: {  	_ =	shalt  }
0x56: {  	_ =	shalt  }
0x57: {  	_ =	shalt  }
0x58: {  	_ =	shalt  }
0x59: {  	_ =	shalt  }
0x5a: {  	_ =	shalt  }
0x5b: {  	_ =	shalt  }
0x5c: {  	_ =	shalt  }
0x5d: {  	_ =	shalt  }
0x5e: {  	_ =	shalt  }
0x5f: {  	_ =	shalt  }
0x60: {  	_ =	shalt  }
0x61: {  	_ =	shalt  }
0x62: {  	_ =	shalt  }
0x63: {  	_ =	shalt  }
0x64: {  	_ =	shalt  }
0x65: {  	_ =	shalt  }
0x66: {  	_ =	shalt  }
0x67: {  	_ =	shalt  }
0x68: {  	_ =	shalt  }
0x69: {  	_ =	shalt  }
0x6a: {  	_ =	shalt  }
0x6b: {  	_ =	shalt  }
0x6c: {  	_ =	shalt  }
0x6d: {  	_ =	shalt  }
0x6e: {  	_ =	shalt  }
0x6f: {  	_ =	shalt  }
0x70: {  	_ =	shalt  }
0x71: {  	_ =	shalt  }
0x72: {  	_ =	shalt  }
0x73: {  	_ =	shalt  }
0x74: {  	_ =	shalt  }
0x75: {  	_ =	shalt  }
0x76: {  	_ =	shalt  }
0x77: {  	_ =	shalt  }
0x78: {  	_ =	shalt  }
0x79: {  	_ =	shalt  }
0x7a: {  	_ =	shalt  }
0x7b: {  	_ =	shalt  }
0x7c: {  	_ =	shalt  }
0x7d: {  	_ =	shalt  }
0x7e: {  	_ =	shalt  }
0x7f: {  	_ =	shalt  }
0x80: {  	_ =	shalt  }
0x81: {  	_ =	shalt  }
0x82: {  	_ =	shalt  }
0x83: {  	_ =	shalt  }
0x84: {  	_ =	shalt  }
0x85: {  	_ =	shalt  }
0x86: {  	_ =	shalt  }
0x87: {  	_ =	shalt  }
.Lfunc_end0:
.L_simem_size_0:
called_computation.1_lowered:
.L_overlay_start_0:
0x88: {  	s2 =	sld [smem:$0x3FD9]  }
0x89: {  	s3 =	sld [smem:$0x3FFE];
	_ =	sdelay $0x1  }
0x8a: {  	s1 =	srdreg.scid  }
0x8b: {  	s0 =	sand.u32 $0x1, s1  }
0x8c: {  	s17 =	sshll.u32 s0, $0xA;
	s2 =	sadd.s32 s3, s2  }
0x8d: {  	s2 =	sadd.s32 s2, s17  }
0x8e: {  	[smem:$0x3FC4] =	sst s2  }
0x8f: {  	_ = 	snop  }
0x90: {  	s2 =	sld [smem:$0x3FD0];
	(tm) =	ssettm $0x1  }
0x91: {  	s18 =	sld [smem:$0x3FFB];
	_ =	sdelay $0x3  }
0x92: {  	_ =	strace s18  }
0x93: {  	s3 =	sld [smem:$0x3FFC];
	_ =	sdelay $0x3  }
0x94: {  	_ =	strace s3  }
0x95: {  	s3 =	sld [smem:$0x3FFD];
	_ =	sdelay $0x3  }
0x96: {  	_ =	strace s3  }
0x97: {  	_ =	strace $0x8FFFFFFF  }
0x98: {  	s19 =	sld [smem:$0x3FDB];
	_ =	sdelay $0x1  }
0x99: {  	s4 =	simm.s32 $_scs_section_size  }
0x9a: {  	s5 =	simm.s32 $_size__tile_overlayer_lowered;
	s6 =	simm.s32 $_tile_overlayer_lowered  }
0x9b: {  	s22 =	simm.s32 $0x1BFF;
	s21 =	sshll.u32 s6, $0x1;
	s3 =	sadd.s32 s4, s19  }
0x9c: {  	s7 =	simm.s32 $0x0;
	s20 =	sshll.u32 s5, $0x1;
	s5 =	sadd.s32 s21, s3  }
0x9d: {  	[timem:s7], [sflag:s22] =	dma.local [hbm:s5], s20  }
0x9e: {  	_ =	swait.ge [sflag:s22], s20  }
0x9f: {  	s4 =	ssub.s32 $0x0, s20;
	[sflag:s22] =	ssyncset.done $0x0  }
0xa0: {  	[sflag:s22] =	ssyncadd.s32 s4;
	_ =	sdelay $0x1  }
0xa1: {  	s23 =	simm.s32 $0x1B8B  }
0xa2: {  	_ =	swait.ge [sflag:s23], $0x1  }
0xa3: {  	[sflag:s23] =	ssyncset.done $0x0  }
0xa4: {  	s25 =	simm.s32 $0x1B8E;
	s24 =	sld [smem:$0x3FFE];
	[sflag:s23] =	ssyncadd.s32 $0xFFFFFFFF  }
0xa5: {  	s26 =	simm.s32 $execute0_lowered;
	[smem:$0x3FD2] =	sst s25  }
0xa6: {  	s5 =	sshll.u32 s26, $0x1;
	_ =	strace $0x80000049;
	[dreg:$0x1] =	wrdreg $0xFFFFFFFF  }
0xa7: {  	s28 =	simm.s32 $_size_execute0_lowered;
	s3 =	sadd.s32 s3, s5;
	[dreg:$0x0] =	wrdreg $0x0  }
0xa8: {  	s5 =	sshll.u32 s28, $0x1;
	[dreg:$0x2] =	wrdreg s3  }
0xa9: {  	[dreg:$0x3] =	wrdreg s5  }
0xaa: {  	[dreg:$0x4] =	wrdreg $0xC0  }
0xab: {  	_ =	task [dreg:s7], $0x5FFFF  }
0xac: {  	[dreg:$0x1] =	wrdreg $0xFFFFFFFF  }
0xad: {  	[dreg:$0x0] =	wrdreg $0x60  }
0xae: {  	[dreg:$0x2] =	wrdreg s2  }
0xaf: {  	[dreg:$0x3] =	wrdreg s24  }
0xb0: {  	[dreg:$0x4] =	wrdreg $0x150000  }
0xb1: {  	[dreg:$0x5] =	wrdreg $0x9  }
0xb2: {  	_ =	task.clear_ibuf [dreg:s7], $0x6FFFF;
	_ =	strace $0x90000049  }
0xb3: {  	s29 =	simm.s32 $0x9;
	_ =	strace $0x8000004B  }
0xb4: {  	_ =	swait.ge [sflag:s29], $0x1  }
0xb5: {  	[sflag:s29] =	ssyncadd.s32 $0xFFFFFFFF  }
0xb6: {  	_ =	strace $0x9000004B  }
0xb7: {  	_ =	sfence  }
0xb8: {  	s30 =	sld [smem:$0x0];
	_ =	sdelay $0x2  }
0xb9: {  	s31 =	sshll.u32 s1, $0xD;
	s1 =	sshrl.u32 s1, $0x2  }
0xba: {  	s3 =	sand.u32 $0x4000, s31;
	s1 =	sadd.s32 s1, s30  }
0xbb: {  	s0 =	sor.u32 s3, s0;
	s1 =	sshll.u32 s1, $0x11  }
0xbc: {  	s0 =	sor.u32 s1, s0  }
0xbd: {  	s0 =	sadd.s32 $0x8F2B, s0  }
0xbe: {  	[sflag:s0] =	ssyncadd.remote.s32 $0x1  }
0xbf: {  	_ =	sfence.sel $0xFFFF  }
0xc0: {  	[dreg:$0x0] =	wrdreg $0xFFFFFFFF;
	(pc) =	sbr.abs _section_cstart, $3  }
0xc1: {  	[dreg:$0x1] =	wrdreg $0xFFFFFFFF  }
0xc2: {  	_ =	task.clear_ibuf [dreg:s7], $0x2FFFF;
	_ =	strace $0x9FFFFFFF  }
0xc3: {  	(tm) =	ssettm $0x7FFFFFFF  }
tec
execute0_lowered:
.L_overlay_start_1:
0x0: {  	(tag) =	ssettag $0x1  }
0x1: {  	s1 =	rddreg [dreg:$0x0]  }
0x2: {  	s0 =	rddreg [dreg:$0x1]  }
0x3: {  	s2 =	rddreg [dreg:$0x2];
	s3 =	srdreg.scid  }
0x4: {  	s4 =	simm.s32 $0x0;
	s11 =	stileid.u32;
	s15 =	simm.s32 $0x5000  }
0x5: {  	s16 =	simm.s32 $0x11;
	s31 =	simm.s32 $0x11000;
	s6 =	smul.u32 $0x27800, s11  }
0x6: {  	s28 =	simm.s32 $0xB;
	s29 =	simm.s32 $0xC;
	s8 =	smul.u32 $0x9E00, s11  }
0x7: {  	s30 =	simm.s32 $0xD;
	s3 =	sand.u32 $0x1, s3;
	s10 =	smul.u32 $0x2800, s11  }
0x8: {  	[smem:$0x7FF] =	sst s4;
	s7 =	sadd.s32 $0x1A00, s0;
	s11 =	smul.u32 $0x500, s11  }
0x9: {  	s5 =	smul.u32 $0x13C00, s3;
	_ =	strace $0x8000004A;
	s17 =	ssub.s32 $0x2, s3  }
0xa: {  	p0 =	seq.s32 s3, $0x1;
	s6 =	sshrl.u32 s6, $0x2;
	s9 =	sshrl.u32 s17, $0x1  }
0xb: {  	s10 =	sshrl.u32 s10, $0x3;
	s21 =	sadd.s32 s7, s11;
	s25 =	sshrl.u32 s8, $0x3  }
0xc: {  	s11 =	simm.s32 $0xF;
	s0 =	sadd.s32 s5, s0;
	s6 =	sadd.s32 s6, s2  }
0xd: {  	s9 =	ssub.s32 s17, s9;
	[dreg:$0x8] =	wrdreg s21;
	s12 =	sadd.s32 $0x2000, s6  }
0xe: {  	s5 =	sadd.s32 s8, s2;
	s18 =	sadd.s32 $0x4000, s6;
	[dreg:$0x4] =	wrdreg s12  }
0xf: {  	s20 =	sadd.s32 s7, s10;
	s19 =	sadd.s32 $0x6000, s6;
	[dreg:$0x5] =	wrdreg s18  }
0x10: {  	s21 =	simm.s32 $0x9000;
	s6 =	sadd.s32 $0x8000, s6;
	[dreg:$0x6] =	wrdreg s19  }
0x11: {  	s17 =	simm.s32 $0x13000;
	s22 =	sadd.s32 $0x9C40, s20;
	[dreg:$0x7] =	wrdreg s6  }
0x12: {  	s10 =	simm.s32 $0x5;
	s23 =	sadd.s32 $0x5000, s20;
	[dreg:$0x9] =	wrdreg s22  }
0x13: {  	s24 =	sadd.s32 $0xEC40, s20;
	s0 =	sadd.s32 $0x15800, s0;
	[dreg:$0xa] =	wrdreg s23  }
.Ltmp0:
0x14: {  	s26 =	smax.u32 s9, $0x1;
	[dreg:$0xb] =	wrdreg s24;
	(pc) =	sbr.rel .LBB2_1-.Ltmp0, $4  }
0x15: {  	s20 =	simm.s32 $0x3;
	[dreg:$0xc] =	wrdreg s26;
	s18 =	simm.s32 $0x80  }
0x16: {  	s0 =	sadd.s32 s25, s0;
	s26 =	simm.s32 $0xD000;
	s19 =	simm.s32 $0x1  }
0x17: {  	s22 =	simm.s32 $0x7;
	s23 =	simm.s32 $0x8;
	s12 =	simm.s32 $0x10  }
0x18: {  	v0 =	vimm.f32 $0.0e+00;
	s25 =	simm.s32 $0xA;
	[dreg:$0xd] =	wrdreg s0;
	s0 =	simm.s32 $0xE  }
.LBB2_10:
0x19: {  	_ =	swait.ge [sflag:s23], $0x2000  }
0x1a: {  	s3 =	sshra.s32 s3, $0x2;
	[sflag:s23] =	ssyncset.done $0x0  }
0x1b: {  	s13 =	simm.s32 $0x9;
	s3 =	sadd.s32 $0x2B80, s3;
	[sflag:s23] =	ssyncadd.s32 $0xFFFFE000  }
0x1c: {  	[spmem:s2] =	stream.indirect.scatter.add.f32 [tilespmem:s17], [sflag:$0x10], $0x40, s3, s18, $0xb8;
	[tilespmem:$0x1F000] =	vst v63  }
0x1d: {  	_ =	swait.ge [sflag:s13], $0x2000  }
0x1e: {  	[sflag:s13] =	ssyncset.done $0x0  }
0x1f: {  	[sflag:s13] =	ssyncadd.s32 $0xFFFFE000  }
0x20: {  	_ =	swait.ge [sflag:s25], $0x2000  }
0x21: {  	[sflag:s25] =	ssyncset.done $0x0  }
0x22: {  	[sflag:s25] =	ssyncadd.s32 $0xFFFFE000  }
0x23: {  	_ =	swait.ge [sflag:s28], $0x2000  }
0x24: {  	[sflag:s28] =	ssyncset.done $0x0  }
0x25: {  	[sflag:s28] =	ssyncadd.s32 $0xFFFFE000  }
0x26: {  	_ =	swait.ge [sflag:s29], $0x2000  }
0x27: {  	[sflag:s29] =	ssyncset.done $0x0  }
0x28: {  	[sflag:s29] =	ssyncadd.s32 $0xFFFFE000  }
0x29: {  	_ =	swait.ge [sflag:s30], $0x2000  }
0x2a: {  	[sflag:s30] =	ssyncset.done $0x0  }
0x2b: {  	[sflag:s30] =	ssyncadd.s32 $0xFFFFE000  }
0x2c: {  	_ =	swait.ge [sflag:s0], $0x2000  }
0x2d: {  	[sflag:s0] =	ssyncset.done $0x0  }
0x2e: {  	[sflag:s0] =	ssyncadd.s32 $0xFFFFE000  }
0x2f: {  	_ =	swait.ge [sflag:s11], $0x2000  }
0x30: {  	[sflag:s11] =	ssyncset.done $0x0  }
0x31: {  	[sflag:s11] =	ssyncadd.s32 $0xFFFFE000  }
0x32: {  	_ =	swait.ge [sflag:s12], $0x2000  }
0x33: {  	[sflag:s12] =	ssyncset.done $0x0  }
0x34: {  	s14 =	stileid.u32;
	[sflag:s12] =	ssyncadd.s32 $0xFFFFE000  }
0x35: {  	s3 =	sshll.u32 s14, $0x6;
	[bflag:$0x0] =	sbarrier.arrive $0xFFFF  }
0x36: {  	s6 =	sshrl.u32 s5, $0x3;
	s3 =	sor.u32 $0x1C11, s3;
	s7 =	rddreg [dreg:$0xd]  }
0x37: {  	[hbm:s7], [sflag:s3] =	dma.local [spmem:s6], $0x13C0  }
0x38: {  	_ =	swait.ge [sflag:s16], $0x13C0  }
0x39: {  	s4 =	sadd.s32 $0x1, s4;
	s24 =	rddreg [dreg:$0xc]  }
0x3a: {  	p1 =	sne.s32 s4, s24  }
.Ltmp1:
0x3b: {  	_ = 	snop;
	(pc) =	sbr.rel @!p1 .LBB2_11-.Ltmp1, $3  }
0x3c: {  	_ =	sdelay $0x1  }
0x3d: {  	[sflag:s16] =	ssyncset.done $0x0  }
0x3e: {  	[sflag:s16] =	ssyncadd.s32 $0xFFFFEC40  }
.LBB2_1:
0x3f: {  	s6 =	simm.s32 $0x100;
	s3 =	simm.s32 $0x0  }
.LBB2_2:
0x40: {  	p1 =	sne.s32 s6, $0x7F00;
	[tilespmem:s3+$0x5030] =	vst v0;
	s7 =	smov.u32 s6;
	s6 =	sadd.s32 $0x100, s6  }
.Ltmp2:
0x41: {  	[tilespmem:s3+$0x5020] =	vst v0;
	(pc) =	sbr.rel @p1 .LBB2_2-.Ltmp2, $3  }
0x42: {  	[tilespmem:s3+$0x5000] =	vst v0  }
0x43: {  	[tilespmem:s3+$0x5010] =	vst v0;
	_ =	sdelay $0x1  }
0x44: {  	s3 =	sshra.s32 s7, $0x2  }
0x45: {  	[tilespmem:s3+$0x5030] =	vst v0  }
0x46: {  	[tilespmem:s3+$0x5020] =	vst v0  }
0x47: {  	[tilespmem:s3+$0x5000] =	vst v0  }
0x48: {  	[tilespmem:s3+$0x5010] =	vst v0  }
0x49: {  	[spmem:s5] =	stream.linear.scatter [tilespmem:s15], [sflag:$0x11], $0x2000, $0x38;
	[tilespmem:$0x1F000] =	vst v63  }
0x4a: {  	_ =	swait.ge [sflag:s16], $0x2000  }
0x4b: {  	[sflag:s16] =	ssyncset.done $0x0  }
0x4c: {  	s9 =	rddreg [dreg:$0x4];
	[sflag:s16] =	ssyncadd.s32 $0xFFFFE000  }
0x4d: {  	[spmem:s9] =	stream.linear.scatter [tilespmem:s15], [sflag:$0x11], $0x2000, $0x38;
	[tilespmem:$0x1F000] =	vst v63  }
0x4e: {  	_ =	swait.ge [sflag:s16], $0x2000  }
0x4f: {  	[sflag:s16] =	ssyncset.done $0x0  }
0x50: {  	s13 =	rddreg [dreg:$0x5];
	[sflag:s16] =	ssyncadd.s32 $0xFFFFE000  }
0x51: {  	[spmem:s13] =	stream.linear.scatter [tilespmem:s15], [sflag:$0x11], $0x2000, $0x38;
	[tilespmem:$0x1F000] =	vst v63  }
0x52: {  	_ =	swait.ge [sflag:s16], $0x2000  }
0x53: {  	[sflag:s16] =	ssyncset.done $0x0  }
0x54: {  	s14 =	rddreg [dreg:$0x6];
	[sflag:s16] =	ssyncadd.s32 $0xFFFFE000  }
0x55: {  	[spmem:s14] =	stream.linear.scatter [tilespmem:s15], [sflag:$0x11], $0x2000, $0x38;
	[tilespmem:$0x1F000] =	vst v63  }
0x56: {  	_ =	swait.ge [sflag:s16], $0x2000  }
0x57: {  	[sflag:s16] =	ssyncset.done $0x0  }
0x58: {  	s24 =	rddreg [dreg:$0x7];
	[sflag:s16] =	ssyncadd.s32 $0xFFFFE000  }
0x59: {  	[spmem:s24] =	stream.linear.scatter [tilespmem:s15], [sflag:$0x11], $0x1E00, $0x38;
	[tilespmem:$0x1F000] =	vst v63  }
.Ltmp3:
0x5a: {  	_ =	swait.ge [sflag:s16], $0x1E00;
	(pc) =	sbr.rel @!p0 .LBB2_4-.Ltmp3, $4  }
0x5b: {  	[sflag:s16] =	ssyncset.done $0x0  }
0x5c: {  	[sflag:s16] =	ssyncadd.s32 $0xFFFFE200  }
0x5d: {  	[bflag:$0x0] =	sbarrier.arrive $0xFFFF  }
0x5e: {  	s3 =	simm.s32 $0x0  }
0x5f: {  	s6 =	rddreg [dreg:$0xa]  }
0x60: {  	[tilespmem:s3], [sflag:$0x11] =	stream.linear.gather [hbm4b:s6+s3], $0x2800, $0x38;
	[tilespmem:$0x1F000] =	vst v63  }
0x61: {  	_ =	swait.ge [sflag:s16], $0x2800  }
0x62: {  	[sflag:s16] =	ssyncset.done $0x0  }
0x63: {  	s7 =	simm.s32 $0x2800;
	s8 =	rddreg [dreg:$0xb];
	[sflag:s16] =	ssyncadd.s32 $0xFFFFD800  }
0x64: {  	[tilespmem:s7], [sflag:$0x11] =	stream.linear.gather [hbm4b:s8+s3], $0x2800, $0x38;
	[tilespmem:$0x1F000] =	vst v63  }
0x65: {  	_ =	swait.ge [sflag:s16], $0x2800  }
0x66: {  	[sflag:s16] =	ssyncset.done $0x0  }
0x67: {  	[sflag:s16] =	ssyncadd.s32 $0xFFFFD800  }
0x68: {  	[tilespmem:s15], [sflag:$0x1] =	stream.indirect.gather [hbm4b:s1+s18], $0x40, s3, s18, $0xb8;
	[tilespmem:$0x1F000] =	vst v63  }
0x69: {  	s9 =	simm.s32 $0x7000  }
0x6a: {  	[tilespmem:s9], [sflag:$0x2] =	stream.indirect.gather [hbm4b:s1+s18], $0x40, s18, s18, $0xb8;
	[tilespmem:$0x1F000] =	vst v63  }
0x6b: {  	s13 =	simm.s32 $0x100  }
0x6c: {  	[tilespmem:s21], [sflag:$0x3] =	stream.indirect.gather [hbm4b:s1+s18], $0x40, s13, s18, $0xb8;
	[tilespmem:$0x1F000] =	vst v63  }
0x6d: {  	s14 =	simm.s32 $0x180;
	s24 =	simm.s32 $0xB000  }
0x6e: {  	[tilespmem:s24], [sflag:$0x4] =	stream.indirect.gather [hbm4b:s1+s18], $0x40, s14, s18, $0xb8;
	[tilespmem:$0x1F000] =	vst v63  }
0x6f: {  	s8 =	simm.s32 $0x200  }
0x70: {  	[tilespmem:s26], [sflag:$0x5] =	stream.indirect.gather [hbm4b:s1+s18], $0x40, s8, s18, $0xb8;
	[tilespmem:$0x1F000] =	vst v63  }
0x71: {  	s9 =	simm.s32 $0x280;
	s13 =	simm.s32 $0xF000  }
0x72: {  	[tilespmem:s13], [sflag:$0x6] =	stream.indirect.gather [hbm4b:s1+s18], $0x40, s9, s18, $0xb8;
	[tilespmem:$0x1F000] =	vst v63  }
0x73: {  	s14 =	simm.s32 $0x300  }
0x74: {  	[tilespmem:s31], [sflag:$0x7] =	stream.indirect.gather [hbm4b:s1+s18], $0x40, s14, s18, $0xb8;
	[tilespmem:$0x1F000] =	vst v63  }
0x75: {  	s24 =	simm.s32 $0x380  }
0x76: {  	[tilespmem:s17], [sflag:$0x8] =	stream.indirect.gather [hbm4b:s1+s18], $0x40, s24, s18, $0xb8;
	[tilespmem:$0x1F000] =	vst v63  }
.LBB2_8:
0x77: {  	_ =	swait.ge [sflag:s19], $0x2000  }
0x78: {  	s6 =	sshra.s32 s3, $0x2;
	[sflag:s19] =	ssyncset.done $0x0  }
0x79: {  	p1 =	seq.s32 s3, $0x9000;
	s7 =	sadd.s32 $0x2800, s6;
	[sflag:s19] =	ssyncadd.s32 $0xFFFFE000  }
0x7a: {  	[spmem:s2] =	stream.indirect.scatter.add.f32 [tilespmem:s15], [sflag:$0x9], $0x40, s7, s18, $0xb8;
	[tilespmem:$0x1F000] =	vst v63  }
0x7b: {  	s7 =	simm.s32 @p1 $0x2  }
0x7c: {  	_ =	swait.ge @p1 [sflag:s7], $0x2000  }
0x7d: {  	s9 =	sshra.s32 @p1 s3, $0x2;
	s14 =	simm.s32 @p1 $0x80;
	[sflag:s7] =	ssyncset.done @p1 $0x0  }
0x7e: {  	s8 =	simm.s32 @p1 $0x7000;
	[sflag:s7] =	ssyncadd.s32 @p1 $0xFFFFE000;
	s7 =	sadd.s32 @p1 $0x2880, s9  }
0x7f: {  	[spmem:s2] =	stream.indirect.scatter.add.f32 @p1 [tilespmem:s8], [sflag:$0xA], $0x40, s7, s14, $0xb8;
	[tilespmem:$0x1F000] =	vst v63  }
0x80: {  	s7 =	simm.s32 @!p1 $0x9  }
0x81: {  	_ =	swait.ge @!p1 [sflag:s7], $0x2000  }
0x82: {  	[sflag:s7] =	ssyncset.done @!p1 $0x0  }
0x83: {  	[sflag:s7] =	ssyncadd.s32 @!p1 $0xFFFFE000;
	s7 =	sshra.s32 @!p1 s3, $0x2  }
0x84: {  	s24 =	simm.s32 @!p1 $0x5000;
	s8 =	simm.s32 @!p1 $0x80;
	s13 =	sadd.s32 @!p1 $0x400, s7  }
0x85: {  	[tilespmem:s24], [sflag:$0x1] =	stream.indirect.gather @!p1 [hbm4b:s1+s8], $0x40, s13, s8, $0xb8;
	[tilespmem:$0x1F000] =	vst v63  }
0x86: {  	s13 =	simm.s32 @!p1 $0x2  }
0x87: {  	_ =	swait.ge @!p1 [sflag:s13], $0x2000  }
0x88: {  	[sflag:s13] =	ssyncset.done @!p1 $0x0  }
0x89: {  	s24 =	simm.s32 @!p1 $0x7000;
	[sflag:s13] =	ssyncadd.s32 @!p1 $0xFFFFE000;
	s13 =	sadd.s32 @!p1 $0x2880, s7  }
0x8a: {  	[spmem:s2] =	stream.indirect.scatter.add.f32 @!p1 [tilespmem:s24], [sflag:$0xA], $0x40, s13, s8, $0xb8;
	[tilespmem:$0x1F000] =	vst v63  }
0x8b: {  	s13 =	simm.s32 @!p1 $0xA  }
0x8c: {  	_ =	swait.ge @!p1 [sflag:s13], $0x2000  }
0x8d: {  	[sflag:s13] =	ssyncset.done @!p1 $0x0  }
0x8e: {  	[sflag:s13] =	ssyncadd.s32 @!p1 $0xFFFFE000;
	s13 =	sadd.s32 @!p1 $0x480, s7  }
0x8f: {  	[tilespmem:s24], [sflag:$0x2] =	stream.indirect.gather @!p1 [hbm4b:s1+s8], $0x40, s13, s8, $0xb8;
	[tilespmem:$0x1F000] =	vst v63  }
0x90: {  	_ =	swait.ge [sflag:s20], $0x2000  }
0x91: {  	[sflag:s20] =	ssyncset.done $0x0  }
0x92: {  	s24 =	sadd.s32 $0x2900, s6;
	s13 =	simm.s32 @p1 $0x4;
	[sflag:s20] =	ssyncadd.s32 $0xFFFFE000  }
0x93: {  	[spmem:s2] =	stream.indirect.scatter.add.f32 [tilespmem:s21], [sflag:$0xB], $0x40, s24, s18, $0xb8;
	[tilespmem:$0x1F000] =	vst v63  }
0x94: {  	_ =	swait.ge @p1 [sflag:s13], $0x2000  }
0x95: {  	[sflag:s13] =	ssyncset.done @p1 $0x0  }
0x96: {  	s24 =	simm.s32 @p1 $0xB000;
	[sflag:s13] =	ssyncadd.s32 @p1 $0xFFFFE000;
	s13 =	sadd.s32 @p1 $0x2980, s9  }
0x97: {  	[spmem:s2] =	stream.indirect.scatter.add.f32 @p1 [tilespmem:s24], [sflag:$0xC], $0x40, s13, s14, $0xb8;
	[tilespmem:$0x1F000] =	vst v63  }
0x98: {  	s13 =	simm.s32 @!p1 $0xB  }
0x99: {  	_ =	swait.ge @!p1 [sflag:s13], $0x2000  }
0x9a: {  	[sflag:s13] =	ssyncset.done @!p1 $0x0  }
0x9b: {  	s24 =	simm.s32 @!p1 $0x9000;
	[sflag:s13] =	ssyncadd.s32 @!p1 $0xFFFFE000;
	s13 =	sadd.s32 @!p1 $0x500, s7  }
0x9c: {  	[tilespmem:s24], [sflag:$0x3] =	stream.indirect.gather @!p1 [hbm4b:s1+s8], $0x40, s13, s8, $0xb8;
	[tilespmem:$0x1F000] =	vst v63  }
0x9d: {  	s13 =	simm.s32 @!p1 $0x4  }
0x9e: {  	_ =	swait.ge @!p1 [sflag:s13], $0x2000  }
0x9f: {  	[sflag:s13] =	ssyncset.done @!p1 $0x0  }
0xa0: {  	s24 =	simm.s32 @!p1 $0xB000;
	[sflag:s13] =	ssyncadd.s32 @!p1 $0xFFFFE000;
	s13 =	sadd.s32 @!p1 $0x2980, s7  }
0xa1: {  	[spmem:s2] =	stream.indirect.scatter.add.f32 @!p1 [tilespmem:s24], [sflag:$0xC], $0x40, s13, s8, $0xb8;
	[tilespmem:$0x1F000] =	vst v63  }
0xa2: {  	s13 =	simm.s32 @!p1 $0xC  }
0xa3: {  	_ =	swait.ge @!p1 [sflag:s13], $0x2000  }
0xa4: {  	[sflag:s13] =	ssyncset.done @!p1 $0x0  }
0xa5: {  	[sflag:s13] =	ssyncadd.s32 @!p1 $0xFFFFE000;
	s13 =	sadd.s32 @!p1 $0x580, s7  }
0xa6: {  	[tilespmem:s24], [sflag:$0x4] =	stream.indirect.gather @!p1 [hbm4b:s1+s8], $0x40, s13, s8, $0xb8;
	[tilespmem:$0x1F000] =	vst v63  }
0xa7: {  	_ =	swait.ge [sflag:s10], $0x2000  }
0xa8: {  	[sflag:s10] =	ssyncset.done $0x0  }
0xa9: {  	s24 =	sadd.s32 $0x2A00, s6;
	s13 =	simm.s32 @p1 $0x6;
	[sflag:s10] =	ssyncadd.s32 $0xFFFFE000  }
0xaa: {  	[spmem:s2] =	stream.indirect.scatter.add.f32 [tilespmem:s26], [sflag:$0xD], $0x40, s24, s18, $0xb8;
	[tilespmem:$0x1F000] =	vst v63  }
0xab: {  	_ =	swait.ge @p1 [sflag:s13], $0x2000  }
0xac: {  	[sflag:s13] =	ssyncset.done @p1 $0x0  }
0xad: {  	s9 =	sadd.s32 @p1 $0x2A80, s9;
	[sflag:s13] =	ssyncadd.s32 @p1 $0xFFFFE000;
	s13 =	simm.s32 @p1 $0xF000  }
0xae: {  	[spmem:s2] =	stream.indirect.scatter.add.f32 @p1 [tilespmem:s13], [sflag:$0xE], $0x40, s9, s14, $0xb8;
	[tilespmem:$0x1F000] =	vst v63  }
0xaf: {  	s9 =	simm.s32 @!p1 $0xD  }
0xb0: {  	_ =	swait.ge @!p1 [sflag:s9], $0x2000  }
0xb1: {  	[sflag:s9] =	ssyncset.done @!p1 $0x0  }
0xb2: {  	s13 =	simm.s32 @!p1 $0xD000;
	[sflag:s9] =	ssyncadd.s32 @!p1 $0xFFFFE000;
	s9 =	sadd.s32 @!p1 $0x600, s7  }
0xb3: {  	[tilespmem:s13], [sflag:$0x5] =	stream.indirect.gather @!p1 [hbm4b:s1+s8], $0x40, s9, s8, $0xb8;
	[tilespmem:$0x1F000] =	vst v63  }
0xb4: {  	s9 =	simm.s32 @!p1 $0x6  }
0xb5: {  	_ =	swait.ge @!p1 [sflag:s9], $0x2000  }
0xb6: {  	[sflag:s9] =	ssyncset.done @!p1 $0x0  }
0xb7: {  	s13 =	simm.s32 @!p1 $0xF000;
	[sflag:s9] =	ssyncadd.s32 @!p1 $0xFFFFE000;
	s9 =	sadd.s32 @!p1 $0x2A80, s7  }
0xb8: {  	[spmem:s2] =	stream.indirect.scatter.add.f32 @!p1 [tilespmem:s13], [sflag:$0xE], $0x40, s9, s8, $0xb8;
	[tilespmem:$0x1F000] =	vst v63  }
0xb9: {  	s9 =	simm.s32 @!p1 $0xE  }
0xba: {  	_ =	swait.ge @!p1 [sflag:s9], $0x2000  }
0xbb: {  	[sflag:s9] =	ssyncset.done @!p1 $0x0  }
0xbc: {  	s7 =	sadd.s32 @!p1 $0x680, s7;
	[sflag:s9] =	ssyncadd.s32 @!p1 $0xFFFFE000  }
0xbd: {  	[tilespmem:s13], [sflag:$0x6] =	stream.indirect.gather @!p1 [hbm4b:s1+s8], $0x40, s7, s8, $0xb8;
	[tilespmem:$0x1F000] =	vst v63  }
.Ltmp4:
0xbe: {  	_ = 	snop;
	(pc) =	sbr.rel @p1 .LBB2_10-.Ltmp4, $4  }
0xbf: {  	_ =	swait.ge [sflag:s22], $0x2000  }
0xc0: {  	[sflag:s22] =	ssyncset.done $0x0  }
0xc1: {  	s24 =	sadd.s32 $0x2B00, s6;
	[sflag:s22] =	ssyncadd.s32 $0xFFFFE000  }
0xc2: {  	[spmem:s2] =	stream.indirect.scatter.add.f32 [tilespmem:s31], [sflag:$0xF], $0x40, s24, s18, $0xb8;
	[tilespmem:$0x1F000] =	vst v63  }
0xc3: {  	_ =	swait.ge [sflag:s11], $0x2000  }
0xc4: {  	[sflag:s11] =	ssyncset.done $0x0  }
0xc5: {  	s7 =	sadd.s32 $0x700, s6;
	[sflag:s11] =	ssyncadd.s32 $0xFFFFE000  }
0xc6: {  	[tilespmem:s31], [sflag:$0x7] =	stream.indirect.gather [hbm4b:s1+s18], $0x40, s7, s18, $0xb8;
	[tilespmem:$0x1F000] =	vst v63  }
0xc7: {  	_ =	swait.ge [sflag:s23], $0x2000  }
0xc8: {  	[sflag:s23] =	ssyncset.done $0x0  }
0xc9: {  	s14 =	sadd.s32 $0x2B80, s6;
	[sflag:s23] =	ssyncadd.s32 $0xFFFFE000  }
0xca: {  	[spmem:s2] =	stream.indirect.scatter.add.f32 [tilespmem:s17], [sflag:$0x10], $0x40, s14, s18, $0xb8;
	[tilespmem:$0x1F000] =	vst v63  }
.Ltmp5:
0xcb: {  	_ = 	snop;
	(pc) =	sbr.rel .LBB2_8-.Ltmp5, $4  }
0xcc: {  	_ =	swait.ge [sflag:s12], $0x2000  }
0xcd: {  	[sflag:s12] =	ssyncset.done $0x0  }
0xce: {  	s24 =	sadd.s32 $0x780, s6;
	s3 =	sadd.s32 $0x1000, s3;
	[sflag:s12] =	ssyncadd.s32 $0xFFFFE000  }
0xcf: {  	[tilespmem:s17], [sflag:$0x8] =	stream.indirect.gather [hbm4b:s1+s18], $0x40, s24, s18, $0xb8;
	[tilespmem:$0x1F000] =	vst v63  }
.LBB2_4:
0xd0: {  	s6 =	rddreg [dreg:$0x8]  }
0xd1: {  	[tilespmem:s3], [sflag:$0x11] =	stream.linear.gather [hbm4b:s6+s3], $0x2800, $0x38;
	[tilespmem:$0x1F000] =	vst v63  }
0xd2: {  	_ =	swait.ge [sflag:s16], $0x2800  }
0xd3: {  	[sflag:s16] =	ssyncset.done $0x0  }
0xd4: {  	s7 =	simm.s32 $0x2800;
	s8 =	rddreg [dreg:$0x9];
	[sflag:s16] =	ssyncadd.s32 $0xFFFFD800  }
0xd5: {  	[tilespmem:s7], [sflag:$0x11] =	stream.linear.gather [hbm4b:s8+s3], $0x2800, $0x38;
	[tilespmem:$0x1F000] =	vst v63  }
0xd6: {  	_ =	swait.ge [sflag:s16], $0x2800  }
0xd7: {  	[sflag:s16] =	ssyncset.done $0x0  }
0xd8: {  	[sflag:s16] =	ssyncadd.s32 $0xFFFFD800  }
0xd9: {  	[tilespmem:s15], [sflag:$0x1] =	stream.indirect.gather [hbm4b:s1+s18], $0x40, s3, s18, $0xb8;
	[tilespmem:$0x1F000] =	vst v63  }
0xda: {  	s9 =	simm.s32 $0x7000  }
0xdb: {  	[tilespmem:s9], [sflag:$0x2] =	stream.indirect.gather [hbm4b:s1+s18], $0x40, s18, s18, $0xb8;
	[tilespmem:$0x1F000] =	vst v63  }
0xdc: {  	s13 =	simm.s32 $0x100  }
0xdd: {  	[tilespmem:s21], [sflag:$0x3] =	stream.indirect.gather [hbm4b:s1+s18], $0x40, s13, s18, $0xb8;
	[tilespmem:$0x1F000] =	vst v63  }
0xde: {  	s14 =	simm.s32 $0x180;
	s24 =	simm.s32 $0xB000  }
0xdf: {  	[tilespmem:s24], [sflag:$0x4] =	stream.indirect.gather [hbm4b:s1+s18], $0x40, s14, s18, $0xb8;
	[tilespmem:$0x1F000] =	vst v63  }
0xe0: {  	s8 =	simm.s32 $0x200  }
0xe1: {  	[tilespmem:s26], [sflag:$0x5] =	stream.indirect.gather [hbm4b:s1+s18], $0x40, s8, s18, $0xb8;
	[tilespmem:$0x1F000] =	vst v63  }
0xe2: {  	s9 =	simm.s32 $0x280;
	s13 =	simm.s32 $0xF000  }
0xe3: {  	[tilespmem:s13], [sflag:$0x6] =	stream.indirect.gather [hbm4b:s1+s18], $0x40, s9, s18, $0xb8;
	[tilespmem:$0x1F000] =	vst v63  }
0xe4: {  	s14 =	simm.s32 $0x300  }
0xe5: {  	[tilespmem:s31], [sflag:$0x7] =	stream.indirect.gather [hbm4b:s1+s18], $0x40, s14, s18, $0xb8;
	[tilespmem:$0x1F000] =	vst v63  }
0xe6: {  	s24 =	simm.s32 $0x380  }
0xe7: {  	[tilespmem:s17], [sflag:$0x8] =	stream.indirect.gather [hbm4b:s1+s18], $0x40, s24, s18, $0xb8;
	[tilespmem:$0x1F000] =	vst v63  }
.LBB2_5:
0xe8: {  	_ =	swait.ge [sflag:s19], $0x2000  }
0xe9: {  	s6 =	sshra.s32 s3, $0x2;
	[sflag:s19] =	ssyncset.done $0x0  }
0xea: {  	p1 =	seq.s32 s3, $0x9000;
	s7 =	sadd.s32 $0x2800, s6;
	[sflag:s19] =	ssyncadd.s32 $0xFFFFE000  }
0xeb: {  	[spmem:s2] =	stream.indirect.scatter.add.f32 [tilespmem:s15], [sflag:$0x9], $0x40, s7, s18, $0xb8;
	[tilespmem:$0x1F000] =	vst v63  }
0xec: {  	s7 =	simm.s32 @p1 $0x2  }
0xed: {  	_ =	swait.ge @p1 [sflag:s7], $0x2000  }
0xee: {  	s9 =	sshra.s32 @p1 s3, $0x2;
	s14 =	simm.s32 @p1 $0x80;
	[sflag:s7] =	ssyncset.done @p1 $0x0  }
0xef: {  	s8 =	simm.s32 @p1 $0x7000;
	[sflag:s7] =	ssyncadd.s32 @p1 $0xFFFFE000;
	s7 =	sadd.s32 @p1 $0x2880, s9  }
0xf0: {  	[spmem:s2] =	stream.indirect.scatter.add.f32 @p1 [tilespmem:s8], [sflag:$0xA], $0x40, s7, s14, $0xb8;
	[tilespmem:$0x1F000] =	vst v63  }
0xf1: {  	s7 =	simm.s32 @!p1 $0x9  }
0xf2: {  	_ =	swait.ge @!p1 [sflag:s7], $0x2000  }
0xf3: {  	[sflag:s7] =	ssyncset.done @!p1 $0x0  }
0xf4: {  	[sflag:s7] =	ssyncadd.s32 @!p1 $0xFFFFE000;
	s7 =	sshra.s32 @!p1 s3, $0x2  }
0xf5: {  	s13 =	simm.s32 @!p1 $0x5000;
	s8 =	simm.s32 @!p1 $0x80;
	s24 =	sadd.s32 @!p1 $0x400, s7  }
0xf6: {  	[tilespmem:s13], [sflag:$0x1] =	stream.indirect.gather @!p1 [hbm4b:s1+s8], $0x40, s24, s8, $0xb8;
	[tilespmem:$0x1F000] =	vst v63  }
0xf7: {  	s13 =	simm.s32 @!p1 $0x2  }
0xf8: {  	_ =	swait.ge @!p1 [sflag:s13], $0x2000  }
0xf9: {  	[sflag:s13] =	ssyncset.done @!p1 $0x0  }
0xfa: {  	s24 =	simm.s32 @!p1 $0x7000;
	[sflag:s13] =	ssyncadd.s32 @!p1 $0xFFFFE000;
	s13 =	sadd.s32 @!p1 $0x2880, s7  }
0xfb: {  	[spmem:s2] =	stream.indirect.scatter.add.f32 @!p1 [tilespmem:s24], [sflag:$0xA], $0x40, s13, s8, $0xb8;
	[tilespmem:$0x1F000] =	vst v63  }
0xfc: {  	s13 =	simm.s32 @!p1 $0xA  }
0xfd: {  	_ =	swait.ge @!p1 [sflag:s13], $0x2000  }
0xfe: {  	[sflag:s13] =	ssyncset.done @!p1 $0x0  }
0xff: {  	[sflag:s13] =	ssyncadd.s32 @!p1 $0xFFFFE000;
	s13 =	sadd.s32 @!p1 $0x480, s7  }
0x100: {  	[tilespmem:s24], [sflag:$0x2] =	stream.indirect.gather @!p1 [hbm4b:s1+s8], $0x40, s13, s8, $0xb8;
	[tilespmem:$0x1F000] =	vst v63  }
0x101: {  	_ =	swait.ge [sflag:s20], $0x2000  }
0x102: {  	[sflag:s20] =	ssyncset.done $0x0  }
0x103: {  	s24 =	sadd.s32 $0x2900, s6;
	s13 =	simm.s32 @p1 $0x4;
	[sflag:s20] =	ssyncadd.s32 $0xFFFFE000  }
0x104: {  	[spmem:s2] =	stream.indirect.scatter.add.f32 [tilespmem:s21], [sflag:$0xB], $0x40, s24, s18, $0xb8;
	[tilespmem:$0x1F000] =	vst v63  }
0x105: {  	_ =	swait.ge @p1 [sflag:s13], $0x2000  }
0x106: {  	[sflag:s13] =	ssyncset.done @p1 $0x0  }
0x107: {  	s24 =	simm.s32 @p1 $0xB000;
	[sflag:s13] =	ssyncadd.s32 @p1 $0xFFFFE000;
	s13 =	sadd.s32 @p1 $0x2980, s9  }
0x108: {  	[spmem:s2] =	stream.indirect.scatter.add.f32 @p1 [tilespmem:s24], [sflag:$0xC], $0x40, s13, s14, $0xb8;
	[tilespmem:$0x1F000] =	vst v63  }
0x109: {  	s13 =	simm.s32 @!p1 $0xB  }
0x10a: {  	_ =	swait.ge @!p1 [sflag:s13], $0x2000  }
0x10b: {  	[sflag:s13] =	ssyncset.done @!p1 $0x0  }
0x10c: {  	s24 =	simm.s32 @!p1 $0x9000;
	[sflag:s13] =	ssyncadd.s32 @!p1 $0xFFFFE000;
	s13 =	sadd.s32 @!p1 $0x500, s7  }
0x10d: {  	[tilespmem:s24], [sflag:$0x3] =	stream.indirect.gather @!p1 [hbm4b:s1+s8], $0x40, s13, s8, $0xb8;
	[tilespmem:$0x1F000] =	vst v63  }
0x10e: {  	s13 =	simm.s32 @!p1 $0x4  }
0x10f: {  	_ =	swait.ge @!p1 [sflag:s13], $0x2000  }
0x110: {  	[sflag:s13] =	ssyncset.done @!p1 $0x0  }
0x111: {  	s24 =	simm.s32 @!p1 $0xB000;
	[sflag:s13] =	ssyncadd.s32 @!p1 $0xFFFFE000;
	s13 =	sadd.s32 @!p1 $0x2980, s7  }
0x112: {  	[spmem:s2] =	stream.indirect.scatter.add.f32 @!p1 [tilespmem:s24], [sflag:$0xC], $0x40, s13, s8, $0xb8;
	[tilespmem:$0x1F000] =	vst v63  }
0x113: {  	s13 =	simm.s32 @!p1 $0xC  }
0x114: {  	_ =	swait.ge @!p1 [sflag:s13], $0x2000  }
0x115: {  	[sflag:s13] =	ssyncset.done @!p1 $0x0  }
0x116: {  	[sflag:s13] =	ssyncadd.s32 @!p1 $0xFFFFE000;
	s13 =	sadd.s32 @!p1 $0x580, s7  }
0x117: {  	[tilespmem:s24], [sflag:$0x4] =	stream.indirect.gather @!p1 [hbm4b:s1+s8], $0x40, s13, s8, $0xb8;
	[tilespmem:$0x1F000] =	vst v63  }
0x118: {  	_ =	swait.ge [sflag:s10], $0x2000  }
0x119: {  	[sflag:s10] =	ssyncset.done $0x0  }
0x11a: {  	s24 =	sadd.s32 $0x2A00, s6;
	s13 =	simm.s32 @p1 $0x6;
	[sflag:s10] =	ssyncadd.s32 $0xFFFFE000  }
0x11b: {  	[spmem:s2] =	stream.indirect.scatter.add.f32 [tilespmem:s26], [sflag:$0xD], $0x40, s24, s18, $0xb8;
	[tilespmem:$0x1F000] =	vst v63  }
0x11c: {  	_ =	swait.ge @p1 [sflag:s13], $0x2000  }
0x11d: {  	[sflag:s13] =	ssyncset.done @p1 $0x0  }
0x11e: {  	s9 =	sadd.s32 @p1 $0x2A80, s9;
	[sflag:s13] =	ssyncadd.s32 @p1 $0xFFFFE000;
	s13 =	simm.s32 @p1 $0xF000  }
0x11f: {  	[spmem:s2] =	stream.indirect.scatter.add.f32 @p1 [tilespmem:s13], [sflag:$0xE], $0x40, s9, s14, $0xb8;
	[tilespmem:$0x1F000] =	vst v63  }
0x120: {  	s9 =	simm.s32 @!p1 $0xD  }
0x121: {  	_ =	swait.ge @!p1 [sflag:s9], $0x2000  }
0x122: {  	[sflag:s9] =	ssyncset.done @!p1 $0x0  }
0x123: {  	s13 =	simm.s32 @!p1 $0xD000;
	[sflag:s9] =	ssyncadd.s32 @!p1 $0xFFFFE000;
	s9 =	sadd.s32 @!p1 $0x600, s7  }
0x124: {  	[tilespmem:s13], [sflag:$0x5] =	stream.indirect.gather @!p1 [hbm4b:s1+s8], $0x40, s9, s8, $0xb8;
	[tilespmem:$0x1F000] =	vst v63  }
0x125: {  	s9 =	simm.s32 @!p1 $0x6  }
0x126: {  	_ =	swait.ge @!p1 [sflag:s9], $0x2000  }
0x127: {  	[sflag:s9] =	ssyncset.done @!p1 $0x0  }
0x128: {  	s13 =	simm.s32 @!p1 $0xF000;
	[sflag:s9] =	ssyncadd.s32 @!p1 $0xFFFFE000;
	s9 =	sadd.s32 @!p1 $0x2A80, s7  }
0x129: {  	[spmem:s2] =	stream.indirect.scatter.add.f32 @!p1 [tilespmem:s13], [sflag:$0xE], $0x40, s9, s8, $0xb8;
	[tilespmem:$0x1F000] =	vst v63  }
0x12a: {  	s9 =	simm.s32 @!p1 $0xE  }
0x12b: {  	_ =	swait.ge @!p1 [sflag:s9], $0x2000  }
0x12c: {  	[sflag:s9] =	ssyncset.done @!p1 $0x0  }
0x12d: {  	s7 =	sadd.s32 @!p1 $0x680, s7;
	[sflag:s9] =	ssyncadd.s32 @!p1 $0xFFFFE000  }
0x12e: {  	[tilespmem:s13], [sflag:$0x6] =	stream.indirect.gather @!p1 [hbm4b:s1+s8], $0x40, s7, s8, $0xb8;
	[tilespmem:$0x1F000] =	vst v63  }
.Ltmp6:
0x12f: {  	_ = 	snop;
	(pc) =	sbr.rel @p1 .LBB2_10-.Ltmp6, $4  }
0x130: {  	_ =	swait.ge [sflag:s22], $0x2000  }
0x131: {  	[sflag:s22] =	ssyncset.done $0x0  }
0x132: {  	s24 =	sadd.s32 $0x2B00, s6;
	[sflag:s22] =	ssyncadd.s32 $0xFFFFE000  }
0x133: {  	[spmem:s2] =	stream.indirect.scatter.add.f32 [tilespmem:s31], [sflag:$0xF], $0x40, s24, s18, $0xb8;
	[tilespmem:$0x1F000] =	vst v63  }
0x134: {  	_ =	swait.ge [sflag:s11], $0x2000  }
0x135: {  	[sflag:s11] =	ssyncset.done $0x0  }
0x136: {  	s7 =	sadd.s32 $0x700, s6;
	[sflag:s11] =	ssyncadd.s32 $0xFFFFE000  }
0x137: {  	[tilespmem:s31], [sflag:$0x7] =	stream.indirect.gather [hbm4b:s1+s18], $0x40, s7, s18, $0xb8;
	[tilespmem:$0x1F000] =	vst v63  }
0x138: {  	_ =	swait.ge [sflag:s23], $0x2000  }
0x139: {  	[sflag:s23] =	ssyncset.done $0x0  }
0x13a: {  	s14 =	sadd.s32 $0x2B80, s6;
	[sflag:s23] =	ssyncadd.s32 $0xFFFFE000  }
0x13b: {  	[spmem:s2] =	stream.indirect.scatter.add.f32 [tilespmem:s17], [sflag:$0x10], $0x40, s14, s18, $0xb8;
	[tilespmem:$0x1F000] =	vst v63  }
.Ltmp7:
0x13c: {  	_ = 	snop;
	(pc) =	sbr.rel .LBB2_5-.Ltmp7, $4  }
0x13d: {  	_ =	swait.ge [sflag:s12], $0x2000  }
0x13e: {  	[sflag:s12] =	ssyncset.done $0x0  }
0x13f: {  	s24 =	sadd.s32 $0x780, s6;
	s3 =	sadd.s32 $0x1000, s3;
	[sflag:s12] =	ssyncadd.s32 $0xFFFFE000  }
0x140: {  	[tilespmem:s17], [sflag:$0x8] =	stream.indirect.gather [hbm4b:s1+s18], $0x40, s24, s18, $0xb8;
	[tilespmem:$0x1F000] =	vst v63  }
.LBB2_11:
0x141: {  	_ =	sfence.sel $0x180000  }
0x142: {  	[bflag:$0x0] =	sbarrier.arrive $0xFFFF  }
0x143: {  	_ =	strace $0x9000004A  }
0x144: {  	s0 =	stileid.u32;
	[bflag:$0x2] =	sbarrier.arrive $0xFFFF  }
0x145: {  	p0 =	sne.s32 s0, $0x0;
	s0 =	rddreg [dreg:$0x3]  }
0x146: {  	s0 =	sadd.s32 @!p0 $0x100000, s0  }
0x147: {  	[sflag:s0] =	ssyncadd.tile.s32 @!p0 $0x1;
	_ =	shalt  }
.Lfunc_end2:
_tile_overlayer_lowered:
.L_overlay_start_2:
0x148: {  	(tag) =	ssettag $0x2  }
0x149: {  	s0 =	rddreg [dreg:$0x0];
	s2 =	stileid.u32  }
0x14a: {  	s1 =	rddreg [dreg:$0x1];
	p0 =	sne.s32 s2, $0x0  }
0x14b: {  	s3 =	rddreg [dreg:$0x2];
	[bflag:$0x3] =	sbarrier.arrive $0xFFFF;
	s2 =	simm.s32 @!p0 $0x1C11  }
0x14c: {  	[timem:s3], [sflag:s2] =	dma.local @!p0 [hbm:s0], s1  }
0x14d: {  	s0 =	simm.s32 @!p0 $0x11  }
0x14e: {  	_ =	swait.ge @!p0 [sflag:s0], s1  }
0x14f: {  	s1 =	ssub.s32 @!p0 $0x0, s1;
	[sflag:s0] =	ssyncset.done @!p0 $0x0  }
0x150: {  	[sflag:s0] =	ssyncadd.s32 @!p0 s1  }
0x151: {  	[bflag:$0x3] =	sbarrier.arrive $0xFFFF  }
0x152: {  	_ =	shalt  }

// kernel: kernel.15.cloned.1.call-start
scs
__scs_entry_jumppad:
0x0: {  	(pc) =	sbr.rel $0x88, $3  }
0x1: {  	(tag) =	ssettag $0x0;
	lr =	simm.s32 $0x1  }
0x2: {  	[smem:$0x3F9D] =	sst lr;
	_ =	strace $0xD0000000  }
0x3: {  	_ = 	snop  }
0x4: {  	_ = 	snop  }
0x5: {  	_ = 	snop  }
0x6: {  	_ = 	snop  }
0x7: {  	_ = 	snop  }
__scs_overlays_trampoline_lowered:
0x8: {  	[smem:$0x3FAC] =	sst s0  }
0x9: {  	[smem:$0x3FAD] =	sst s1  }
0xa: {  	[smem:$0x3FAE] =	sst s2  }
0xb: {  	[smem:$0x3FAF] =	sst s3  }
0xc: {  	[smem:$0x3FB0] =	sst s4  }
0xd: {  	[smem:$0x3FB1] =	sst s5  }
0xe: {  	[smem:$0x3FB2] =	sst s6  }
0xf: {  	[smem:$0x3FB3] =	sst s7  }
0x10: {  	[smem:$0x3FB4] =	sst s8  }
0x11: {  	[smem:$0x3FB5] =	sst s9;
	s0 =	simm.s32 @!p0 $0x0  }
0x12: {  	s1 =	sld [smem:$0x3F9B];
	s0 =	simm.s32 @p0 $0x1  }
0x13: {  	[smem:$0x3FB6] =	sst s0;
	s0 =	simm.s32 @!p1 $0x0  }
0x14: {  	s2 =	sld [smem:$0x3F9A];
	s0 =	simm.s32 @p1 $0x1  }
0x15: {  	[smem:$0x3FB7] =	sst s0;
	s0 =	simm.s32 @!p2 $0x0  }
0x16: {  	s3 =	sld [smem:$0x3FDB];
	s0 =	simm.s32 @p2 $0x1  }
0x17: {  	s4 =	simm.s32 $0x1BF5;
	[smem:$0x3FB9] =	sst s0  }
0x18: {  	s0 =	sld [smem:$0x3F9C];
	_ =	swait.ge [sflag:s4], $0x0  }
0x19: {  	s7 =	sld [smem:$0x3F9D]  }
0x1a: {  	s8 =	sadd.s32 $0xFFFFE003, lr  }
0x1b: {  	s9 =	sadd.s32 $0xFFFFFEF7, lr;
	s5 =	simm.s32 $0xFFFFFFFF;
	p2 =	slt.u32 s8, $0xFFFFF086  }
0x1c: {  	p1 =	slt.u32 s9, $0xF7A;
	s5 =	simm.s32 @!p2 $0x0  }
0x1d: {  	s5 =	simm.s32 @p1 $0x1;
	p0 =	seq.s32 s7, s2  }
0x1e: {  	s7 =	smul.u32 @!p0 $0xF7A, s2;
	p2 =	seq.s32 @!p0 s5, $0x0  }
0x1f: {  	s9 =	smul.u32 $0xF7A, s1;
	s8 =	simm.s32 @!p0 $0x1BF5;
	p2 =	por !p2, p0  }
0x20: {  	[sflag:s8] =	ssyncset.s32 @!p0 $0xFFFFF086;
	s6 =	sadd.s32 @!p0 s3, s7;
	s7 =	simm.s32 @!p0 $0x108  }
0x21: {  	s3 =	sadd.s32 s3, s9;
	s6 =	sadd.s32 @!p0 $0x88, s6;
	s7 =	simm.s32 @p2 $0x1082  }
0x22: {  	[simem:s7], [sflag:s8] =	dma.local @!p0 [hbm:s6], $0xF7A  }
0x23: {  	s9 =	sor.u32 $0xD0000000, s2;
	s6 =	simm.s32 $0x108;
	_ =	swait.ge @!p0 [sflag:s8], $0x0  }
0x24: {  	s3 =	sadd.s32 $0x88, s3;
	s6 =	simm.s32 @!p1 $0x1082;
	[sflag:s4] =	ssyncset.s32 $0xFFFFF086  }
0x25: {  	[simem:s6], [sflag:s4] =	dma.local [hbm:s3], $0xF7A  }
0x26: {  	[smem:$0x3F9D] =	sst s1;
	(tag) =	ssettag s2;
	_ =	strace s9  }
0x27: {  	s1 =	sld [smem:$0x3FAD]  }
0x28: {  	s2 =	sld [smem:$0x3FAE]  }
0x29: {  	s4 =	sld [smem:$0x3FB0]  }
0x2a: {  	p0 =	seq.s32 s5, $0x0;
	s5 =	sld [smem:$0x3FB1]  }
0x2b: {  	s6 =	sld [smem:$0x3FB2]  }
0x2c: {  	s7 =	sld [smem:$0x3FB3]  }
0x2d: {  	s3 =	simm.s32 $0x108;
	s8 =	sld [smem:$0x3FB4]  }
0x2e: {  	s3 =	simm.s32 @!p0 $0x1082;
	s9 =	sld [smem:$0x3FB5]  }
0x2f: {  	lr =	sadd.s32 s0, s3;
	s0 =	sld [smem:$0x3FAC]  }
0x30: {  	s3 =	sld [smem:$0x3FAF]  }
0x31: {  	[smem:$0x3FB8] =	sst s10  }
0x32: {  	s10 =	sld [smem:$0x3FB6];
	_ =	sdelay $0x3  }
0x33: {  	p0 =	seq.s32 s10, $0x1;
	s10 =	sld [smem:$0x3FB8];
	_ =	sdelay $0x3  }
0x34: {  	[smem:$0x3FB8] =	sst s10  }
0x35: {  	s10 =	sld [smem:$0x3FB7];
	_ =	sdelay $0x3  }
0x36: {  	p1 =	seq.s32 s10, $0x1;
	s10 =	sld [smem:$0x3FB8];
	_ =	sdelay $0x3  }
0x37: {  	[smem:$0x3FB8] =	sst s10  }
0x38: {  	s10 =	sld [smem:$0x3FB9]  }
0x39: {  	_ = 	snop;
	(pc) =	sbr.ind lr, $3  }
0x3a: {  	_ = 	snop  }
0x3b: {  	_ = 	snop  }
0x3c: {  	p2 =	seq.s32 s10, $0x1;
	s10 =	sld [smem:$0x3FB8]  }
0x3d: {  	_ =	shalt  }
0x3e: {  	_ =	shalt  }
0x3f: {  	_ =	shalt  }
0x40: {  	_ =	shalt  }
0x41: {  	_ =	shalt  }
0x42: {  	_ =	shalt  }
0x43: {  	_ =	shalt  }
0x44: {  	_ =	shalt  }
0x45: {  	_ =	shalt  }
0x46: {  	_ =	shalt  }
0x47: {  	_ =	shalt  }
0x48: {  	_ =	shalt  }
0x49: {  	_ =	shalt  }
0x4a: {  	_ =	shalt  }
0x4b: {  	_ =	shalt  }
0x4c: {  	_ =	shalt  }
0x4d: {  	_ =	shalt  }
0x4e: {  	_ =	shalt  }
0x4f: {  	_ =	shalt  }
0x50: {  	_ =	shalt  }
0x51: {  	_ =	shalt  }
0x52: {  	_ =	shalt  }
0x53: {  	_ =	shalt  }
0x54: {  	_ =	shalt  }
0x55: {  	_ =	shalt  }
0x56: {  	_ =	shalt  }
0x57: {  	_ =	shalt  }
0x58: {  	_ =	shalt  }
0x59: {  	_ =	shalt  }
0x5a: {  	_ =	shalt  }
0x5b: {  	_ =	shalt  }
0x5c: {  	_ =	shalt  }
0x5d: {  	_ =	shalt  }
0x5e: {  	_ =	shalt  }
0x5f: {  	_ =	shalt  }
0x60: {  	_ =	shalt  }
0x61: {  	_ =	shalt  }
0x62: {  	_ =	shalt  }
0x63: {  	_ =	shalt  }
0x64: {  	_ =	shalt  }
0x65: {  	_ =	shalt  }
0x66: {  	_ =	shalt  }
0x67: {  	_ =	shalt  }
0x68: {  	_ =	shalt  }
0x69: {  	_ =	shalt  }
0x6a: {  	_ =	shalt  }
0x6b: {  	_ =	shalt  }
0x6c: {  	_ =	shalt  }
0x6d: {  	_ =	shalt  }
0x6e: {  	_ =	shalt  }
0x6f: {  	_ =	shalt  }
0x70: {  	_ =	shalt  }
0x71: {  	_ =	shalt  }
0x72: {  	_ =	shalt  }
0x73: {  	_ =	shalt  }
0x74: {  	_ =	shalt  }
0x75: {  	_ =	shalt  }
0x76: {  	_ =	shalt  }
0x77: {  	_ =	shalt  }
0x78: {  	_ =	shalt  }
0x79: {  	_ =	shalt  }
0x7a: {  	_ =	shalt  }
0x7b: {  	_ =	shalt  }
0x7c: {  	_ =	shalt  }
0x7d: {  	_ =	shalt  }
0x7e: {  	_ =	shalt  }
0x7f: {  	_ =	shalt  }
0x80: {  	_ =	shalt  }
0x81: {  	_ =	shalt  }
0x82: {  	_ =	shalt  }
0x83: {  	_ =	shalt  }
0x84: {  	_ =	shalt  }
0x85: {  	_ =	shalt  }
0x86: {  	_ =	shalt  }
0x87: {  	_ =	shalt  }
.Lfunc_end0:
.L_simem_size_0:
called_computation.2_lowered:
.L_overlay_start_0:
0x88: {  	s2 =	sld [smem:$0x3FD9]  }
0x89: {  	s3 =	sld [smem:$0x3FFE];
	_ =	sdelay $0x1  }
0x8a: {  	s1 =	srdreg.scid  }
0x8b: {  	s0 =	sand.u32 $0x1, s1  }
0x8c: {  	s17 =	sshll.u32 s0, $0xA;
	s2 =	sadd.s32 s3, s2  }
0x8d: {  	s2 =	sadd.s32 s2, s17  }
0x8e: {  	[smem:$0x3FC4] =	sst s2  }
0x8f: {  	_ = 	snop  }
0x90: {  	s2 =	sld [smem:$0x3FD0];
	(tm) =	ssettm $0x1  }
0x91: {  	s18 =	sld [smem:$0x3FFB];
	_ =	sdelay $0x3  }
0x92: {  	_ =	strace s18  }
0x93: {  	s3 =	sld [smem:$0x3FFC];
	_ =	sdelay $0x3  }
0x94: {  	_ =	strace s3  }
0x95: {  	s3 =	sld [smem:$0x3FFD];
	_ =	sdelay $0x3  }
0x96: {  	_ =	strace s3  }
0x97: {  	_ =	strace $0x8FFFFFFF  }
0x98: {  	s19 =	sld [smem:$0x3FDB];
	_ =	sdelay $0x1  }
0x99: {  	s4 =	simm.s32 $_scs_section_size  }
0x9a: {  	s5 =	simm.s32 $_size__tile_overlayer_lowered;
	s6 =	simm.s32 $_tile_overlayer_lowered  }
0x9b: {  	s22 =	simm.s32 $0x1BFF;
	s21 =	sshll.u32 s6, $0x1;
	s3 =	sadd.s32 s4, s19  }
0x9c: {  	s7 =	simm.s32 $0x0;
	s20 =	sshll.u32 s5, $0x1;
	s5 =	sadd.s32 s21, s3  }
0x9d: {  	[timem:s7], [sflag:s22] =	dma.local [hbm:s5], s20  }
0x9e: {  	_ =	swait.ge [sflag:s22], s20  }
0x9f: {  	s4 =	ssub.s32 $0x0, s20;
	[sflag:s22] =	ssyncset.done $0x0  }
0xa0: {  	[sflag:s22] =	ssyncadd.s32 s4;
	_ =	sdelay $0x1  }
0xa1: {  	s23 =	simm.s32 $0x1B8B  }
0xa2: {  	_ =	swait.ge [sflag:s23], $0x1  }
0xa3: {  	[sflag:s23] =	ssyncset.done $0x0  }
0xa4: {  	s25 =	simm.s32 $0x1B8E;
	s24 =	sld [smem:$0x3FFE];
	[sflag:s23] =	ssyncadd.s32 $0xFFFFFFFF  }
0xa5: {  	s26 =	simm.s32 $execute0_lowered;
	[smem:$0x3FD2] =	sst s25  }
0xa6: {  	s5 =	sshll.u32 s26, $0x1;
	_ =	strace $0x8000004C;
	[dreg:$0x1] =	wrdreg $0xFFFFFFFF  }
0xa7: {  	s28 =	simm.s32 $_size_execute0_lowered;
	s3 =	sadd.s32 s3, s5;
	[dreg:$0x0] =	wrdreg $0x0  }
0xa8: {  	s5 =	sshll.u32 s28, $0x1;
	[dreg:$0x2] =	wrdreg s3  }
0xa9: {  	[dreg:$0x3] =	wrdreg s5  }
0xaa: {  	[dreg:$0x4] =	wrdreg $0xC0  }
0xab: {  	_ =	task [dreg:s7], $0x5FFFF  }
0xac: {  	[dreg:$0x1] =	wrdreg $0xFFFFFFFF  }
0xad: {  	[dreg:$0x0] =	wrdreg $0x60  }
0xae: {  	[dreg:$0x2] =	wrdreg s2  }
0xaf: {  	[dreg:$0x3] =	wrdreg s24  }
0xb0: {  	[dreg:$0x4] =	wrdreg $0x150000  }
0xb1: {  	[dreg:$0x5] =	wrdreg $0x9  }
0xb2: {  	_ =	task.clear_ibuf [dreg:s7], $0x6FFFF;
	_ =	strace $0x9000004C  }
0xb3: {  	s29 =	simm.s32 $0x9;
	_ =	strace $0x8000004E  }
0xb4: {  	_ =	swait.ge [sflag:s29], $0x1  }
0xb5: {  	[sflag:s29] =	ssyncadd.s32 $0xFFFFFFFF  }
0xb6: {  	_ =	strace $0x9000004E  }
0xb7: {  	_ =	sfence  }
0xb8: {  	s30 =	sld [smem:$0x0];
	_ =	sdelay $0x2  }
0xb9: {  	s31 =	sshll.u32 s1, $0xD;
	s1 =	sshrl.u32 s1, $0x2  }
0xba: {  	s3 =	sand.u32 $0x4000, s31;
	s1 =	sadd.s32 s1, s30  }
0xbb: {  	s0 =	sor.u32 s3, s0;
	s1 =	sshll.u32 s1, $0x11  }
0xbc: {  	s0 =	sor.u32 s1, s0  }
0xbd: {  	s0 =	sadd.s32 $0x8F2B, s0  }
0xbe: {  	[sflag:s0] =	ssyncadd.remote.s32 $0x1  }
0xbf: {  	_ =	sfence.sel $0xFFFF  }
0xc0: {  	[dreg:$0x0] =	wrdreg $0xFFFFFFFF;
	(pc) =	sbr.abs _section_cstart, $3  }
0xc1: {  	[dreg:$0x1] =	wrdreg $0xFFFFFFFF  }
0xc2: {  	_ =	task.clear_ibuf [dreg:s7], $0x2FFFF;
	_ =	strace $0x9FFFFFFF  }
0xc3: {  	(tm) =	ssettm $0x7FFFFFFF  }
tec
execute0_lowered:
.L_overlay_start_1:
0x0: {  	(tag) =	ssettag $0x1  }
0x1: {  	s1 =	rddreg [dreg:$0x0]  }
0x2: {  	s0 =	rddreg [dreg:$0x1]  }
0x3: {  	s2 =	rddreg [dreg:$0x2];
	s3 =	srdreg.scid  }
0x4: {  	s4 =	simm.s32 $0x0;
	s11 =	stileid.u32;
	s15 =	simm.s32 $0x5000  }
0x5: {  	s16 =	simm.s32 $0x11;
	s31 =	simm.s32 $0x11000;
	s6 =	smul.u32 $0x27800, s11  }
0x6: {  	s28 =	simm.s32 $0xB;
	s29 =	simm.s32 $0xC;
	s8 =	smul.u32 $0x9E00, s11  }
0x7: {  	s30 =	simm.s32 $0xD;
	s3 =	sand.u32 $0x1, s3;
	s10 =	smul.u32 $0x2800, s11  }
0x8: {  	[smem:$0x7FF] =	sst s4;
	s7 =	sadd.s32 $0x1A00, s0;
	s11 =	smul.u32 $0x500, s11  }
0x9: {  	s5 =	smul.u32 $0x13C00, s3;
	_ =	strace $0x8000004D;
	s17 =	ssub.s32 $0x2, s3  }
0xa: {  	p0 =	seq.s32 s3, $0x1;
	s6 =	sshrl.u32 s6, $0x2;
	s9 =	sshrl.u32 s17, $0x1  }
0xb: {  	s10 =	sshrl.u32 s10, $0x3;
	s21 =	sadd.s32 s7, s11;
	s25 =	sshrl.u32 s8, $0x3  }
0xc: {  	s11 =	simm.s32 $0xF;
	s0 =	sadd.s32 s5, s0;
	s6 =	sadd.s32 s6, s2  }
0xd: {  	s9 =	ssub.s32 s17, s9;
	[dreg:$0x8] =	wrdreg s21;
	s12 =	sadd.s32 $0x2000, s6  }
0xe: {  	s5 =	sadd.s32 s8, s2;
	s18 =	sadd.s32 $0x4000, s6;
	[dreg:$0x4] =	wrdreg s12  }
0xf: {  	s20 =	sadd.s32 s7, s10;
	s19 =	sadd.s32 $0x6000, s6;
	[dreg:$0x5] =	wrdreg s18  }
0x10: {  	s21 =	simm.s32 $0x9000;
	s6 =	sadd.s32 $0x8000, s6;
	[dreg:$0x6] =	wrdreg s19  }
0x11: {  	s17 =	simm.s32 $0x13000;
	s22 =	sadd.s32 $0x9C40, s20;
	[dreg:$0x7] =	wrdreg s6  }
0x12: {  	s10 =	simm.s32 $0x5;
	s23 =	sadd.s32 $0x5000, s20;
	[dreg:$0x9] =	wrdreg s22  }
0x13: {  	s24 =	sadd.s32 $0xEC40, s20;
	s0 =	sadd.s32 $0x15800, s0;
	[dreg:$0xa] =	wrdreg s23  }
.Ltmp0:
0x14: {  	s26 =	smax.u32 s9, $0x1;
	[dreg:$0xb] =	wrdreg s24;
	(pc) =	sbr.rel .LBB2_1-.Ltmp0, $4  }
0x15: {  	s20 =	simm.s32 $0x3;
	[dreg:$0xc] =	wrdreg s26;
	s18 =	simm.s32 $0x80  }
0x16: {  	s0 =	sadd.s32 s25, s0;
	s26 =	simm.s32 $0xD000;
	s19 =	simm.s32 $0x1  }
0x17: {  	s22 =	simm.s32 $0x7;
	s23 =	simm.s32 $0x8;
	s12 =	simm.s32 $0x10  }
0x18: {  	v0 =	vimm.f32 $0.0e+00;
	s25 =	simm.s32 $0xA;
	[dreg:$0xd] =	wrdreg s0;
	s0 =	simm.s32 $0xE  }
.LBB2_10:
0x19: {  	_ =	swait.ge [sflag:s23], $0x2000  }
0x1a: {  	s3 =	sshra.s32 s3, $0x2;
	[sflag:s23] =	ssyncset.done $0x0  }
0x1b: {  	s13 =	simm.s32 $0x9;
	s3 =	sadd.s32 $0x2B80, s3;
	[sflag:s23] =	ssyncadd.s32 $0xFFFFE000  }
0x1c: {  	[spmem:s2] =	stream.indirect.scatter.add.f32 [tilespmem:s17], [sflag:$0x10], $0x40, s3, s18, $0xb8;
	[tilespmem:$0x1F000] =	vst v63  }
0x1d: {  	_ =	swait.ge [sflag:s13], $0x2000  }
0x1e: {  	[sflag:s13] =	ssyncset.done $0x0  }
0x1f: {  	[sflag:s13] =	ssyncadd.s32 $0xFFFFE000  }
0x20: {  	_ =	swait.ge [sflag:s25], $0x2000  }
0x21: {  	[sflag:s25] =	ssyncset.done $0x0  }
0x22: {  	[sflag:s25] =	ssyncadd.s32 $0xFFFFE000  }
0x23: {  	_ =	swait.ge [sflag:s28], $0x2000  }
0x24: {  	[sflag:s28] =	ssyncset.done $0x0  }
0x25: {  	[sflag:s28] =	ssyncadd.s32 $0xFFFFE000  }
0x26: {  	_ =	swait.ge [sflag:s29], $0x2000  }
0x27: {  	[sflag:s29] =	ssyncset.done $0x0  }
0x28: {  	[sflag:s29] =	ssyncadd.s32 $0xFFFFE000  }
0x29: {  	_ =	swait.ge [sflag:s30], $0x2000  }
0x2a: {  	[sflag:s30] =	ssyncset.done $0x0  }
0x2b: {  	[sflag:s30] =	ssyncadd.s32 $0xFFFFE000  }
0x2c: {  	_ =	swait.ge [sflag:s0], $0x2000  }
0x2d: {  	[sflag:s0] =	ssyncset.done $0x0  }
0x2e: {  	[sflag:s0] =	ssyncadd.s32 $0xFFFFE000  }
0x2f: {  	_ =	swait.ge [sflag:s11], $0x2000  }
0x30: {  	[sflag:s11] =	ssyncset.done $0x0  }
0x31: {  	[sflag:s11] =	ssyncadd.s32 $0xFFFFE000  }
0x32: {  	_ =	swait.ge [sflag:s12], $0x2000  }
0x33: {  	[sflag:s12] =	ssyncset.done $0x0  }
0x34: {  	s14 =	stileid.u32;
	[sflag:s12] =	ssyncadd.s32 $0xFFFFE000  }
0x35: {  	s3 =	sshll.u32 s14, $0x6;
	[bflag:$0x0] =	sbarrier.arrive $0xFFFF  }
0x36: {  	s6 =	sshrl.u32 s5, $0x3;
	s3 =	sor.u32 $0x1C11, s3;
	s7 =	rddreg [dreg:$0xd]  }
0x37: {  	[hbm:s7], [sflag:s3] =	dma.local [spmem:s6], $0x13C0  }
0x38: {  	_ =	swait.ge [sflag:s16], $0x13C0  }
0x39: {  	s4 =	sadd.s32 $0x1, s4;
	s24 =	rddreg [dreg:$0xc]  }
0x3a: {  	p1 =	sne.s32 s4, s24  }
.Ltmp1:
0x3b: {  	_ = 	snop;
	(pc) =	sbr.rel @!p1 .LBB2_11-.Ltmp1, $3  }
0x3c: {  	_ =	sdelay $0x1  }
0x3d: {  	[sflag:s16] =	ssyncset.done $0x0  }
0x3e: {  	[sflag:s16] =	ssyncadd.s32 $0xFFFFEC40  }
.LBB2_1:
0x3f: {  	s6 =	simm.s32 $0x100;
	s3 =	simm.s32 $0x0  }
.LBB2_2:
0x40: {  	p1 =	sne.s32 s6, $0x7F00;
	[tilespmem:s3+$0x5030] =	vst v0;
	s7 =	smov.u32 s6;
	s6 =	sadd.s32 $0x100, s6  }
.Ltmp2:
0x41: {  	[tilespmem:s3+$0x5020] =	vst v0;
	(pc) =	sbr.rel @p1 .LBB2_2-.Ltmp2, $3  }
0x42: {  	[tilespmem:s3+$0x5000] =	vst v0  }
0x43: {  	[tilespmem:s3+$0x5010] =	vst v0;
	_ =	sdelay $0x1  }
0x44: {  	s3 =	sshra.s32 s7, $0x2  }
0x45: {  	[tilespmem:s3+$0x5030] =	vst v0  }
0x46: {  	[tilespmem:s3+$0x5020] =	vst v0  }
0x47: {  	[tilespmem:s3+$0x5000] =	vst v0  }
0x48: {  	[tilespmem:s3+$0x5010] =	vst v0  }
0x49: {  	[spmem:s5] =	stream.linear.scatter [tilespmem:s15], [sflag:$0x11], $0x2000, $0x38;
	[tilespmem:$0x1F000] =	vst v63  }
0x4a: {  	_ =	swait.ge [sflag:s16], $0x2000  }
0x4b: {  	[sflag:s16] =	ssyncset.done $0x0  }
0x4c: {  	s9 =	rddreg [dreg:$0x4];
	[sflag:s16] =	ssyncadd.s32 $0xFFFFE000  }
0x4d: {  	[spmem:s9] =	stream.linear.scatter [tilespmem:s15], [sflag:$0x11], $0x2000, $0x38;
	[tilespmem:$0x1F000] =	vst v63  }
0x4e: {  	_ =	swait.ge [sflag:s16], $0x2000  }
0x4f: {  	[sflag:s16] =	ssyncset.done $0x0  }
0x50: {  	s13 =	rddreg [dreg:$0x5];
	[sflag:s16] =	ssyncadd.s32 $0xFFFFE000  }
0x51: {  	[spmem:s13] =	stream.linear.scatter [tilespmem:s15], [sflag:$0x11], $0x2000, $0x38;
	[tilespmem:$0x1F000] =	vst v63  }
0x52: {  	_ =	swait.ge [sflag:s16], $0x2000  }
0x53: {  	[sflag:s16] =	ssyncset.done $0x0  }
0x54: {  	s14 =	rddreg [dreg:$0x6];
	[sflag:s16] =	ssyncadd.s32 $0xFFFFE000  }
0x55: {  	[spmem:s14] =	stream.linear.scatter [tilespmem:s15], [sflag:$0x11], $0x2000, $0x38;
	[tilespmem:$0x1F000] =	vst v63  }
0x56: {  	_ =	swait.ge [sflag:s16], $0x2000  }
0x57: {  	[sflag:s16] =	ssyncset.done $0x0  }
0x58: {  	s24 =	rddreg [dreg:$0x7];
	[sflag:s16] =	ssyncadd.s32 $0xFFFFE000  }
0x59: {  	[spmem:s24] =	stream.linear.scatter [tilespmem:s15], [sflag:$0x11], $0x1E00, $0x38;
	[tilespmem:$0x1F000] =	vst v63  }
.Ltmp3:
0x5a: {  	_ =	swait.ge [sflag:s16], $0x1E00;
	(pc) =	sbr.rel @!p0 .LBB2_4-.Ltmp3, $4  }
0x5b: {  	[sflag:s16] =	ssyncset.done $0x0  }
0x5c: {  	[sflag:s16] =	ssyncadd.s32 $0xFFFFE200  }
0x5d: {  	[bflag:$0x0] =	sbarrier.arrive $0xFFFF  }
0x5e: {  	s3 =	simm.s32 $0x0  }
0x5f: {  	s6 =	rddreg [dreg:$0xa]  }
0x60: {  	[tilespmem:s3], [sflag:$0x11] =	stream.linear.gather [hbm4b:s6+s3], $0x2800, $0x38;
	[tilespmem:$0x1F000] =	vst v63  }
0x61: {  	_ =	swait.ge [sflag:s16], $0x2800  }
0x62: {  	[sflag:s16] =	ssyncset.done $0x0  }
0x63: {  	s7 =	simm.s32 $0x2800;
	s8 =	rddreg [dreg:$0xb];
	[sflag:s16] =	ssyncadd.s32 $0xFFFFD800  }
0x64: {  	[tilespmem:s7], [sflag:$0x11] =	stream.linear.gather [hbm4b:s8+s3], $0x2800, $0x38;
	[tilespmem:$0x1F000] =	vst v63  }
0x65: {  	_ =	swait.ge [sflag:s16], $0x2800  }
0x66: {  	[sflag:s16] =	ssyncset.done $0x0  }
0x67: {  	[sflag:s16] =	ssyncadd.s32 $0xFFFFD800  }
0x68: {  	[tilespmem:s15], [sflag:$0x1] =	stream.indirect.gather [hbm4b:s1+s18], $0x40, s3, s18, $0xb8;
	[tilespmem:$0x1F000] =	vst v63  }
0x69: {  	s9 =	simm.s32 $0x7000  }
0x6a: {  	[tilespmem:s9], [sflag:$0x2] =	stream.indirect.gather [hbm4b:s1+s18], $0x40, s18, s18, $0xb8;
	[tilespmem:$0x1F000] =	vst v63  }
0x6b: {  	s13 =	simm.s32 $0x100  }
0x6c: {  	[tilespmem:s21], [sflag:$0x3] =	stream.indirect.gather [hbm4b:s1+s18], $0x40, s13, s18, $0xb8;
	[tilespmem:$0x1F000] =	vst v63  }
0x6d: {  	s14 =	simm.s32 $0x180;
	s24 =	simm.s32 $0xB000  }
0x6e: {  	[tilespmem:s24], [sflag:$0x4] =	stream.indirect.gather [hbm4b:s1+s18], $0x40, s14, s18, $0xb8;
	[tilespmem:$0x1F000] =	vst v63  }
0x6f: {  	s8 =	simm.s32 $0x200  }
0x70: {  	[tilespmem:s26], [sflag:$0x5] =	stream.indirect.gather [hbm4b:s1+s18], $0x40, s8, s18, $0xb8;
	[tilespmem:$0x1F000] =	vst v63  }
0x71: {  	s9 =	simm.s32 $0x280;
	s13 =	simm.s32 $0xF000  }
0x72: {  	[tilespmem:s13], [sflag:$0x6] =	stream.indirect.gather [hbm4b:s1+s18], $0x40, s9, s18, $0xb8;
	[tilespmem:$0x1F000] =	vst v63  }
0x73: {  	s14 =	simm.s32 $0x300  }
0x74: {  	[tilespmem:s31], [sflag:$0x7] =	stream.indirect.gather [hbm4b:s1+s18], $0x40, s14, s18, $0xb8;
	[tilespmem:$0x1F000] =	vst v63  }
0x75: {  	s24 =	simm.s32 $0x380  }
0x76: {  	[tilespmem:s17], [sflag:$0x8] =	stream.indirect.gather [hbm4b:s1+s18], $0x40, s24, s18, $0xb8;
	[tilespmem:$0x1F000] =	vst v63  }
.LBB2_8:
0x77: {  	_ =	swait.ge [sflag:s19], $0x2000  }
0x78: {  	s6 =	sshra.s32 s3, $0x2;
	[sflag:s19] =	ssyncset.done $0x0  }
0x79: {  	p1 =	seq.s32 s3, $0x9000;
	s7 =	sadd.s32 $0x2800, s6;
	[sflag:s19] =	ssyncadd.s32 $0xFFFFE000  }
0x7a: {  	[spmem:s2] =	stream.indirect.scatter.add.f32 [tilespmem:s15], [sflag:$0x9], $0x40, s7, s18, $0xb8;
	[tilespmem:$0x1F000] =	vst v63  }
0x7b: {  	s7 =	simm.s32 @p1 $0x2  }
0x7c: {  	_ =	swait.ge @p1 [sflag:s7], $0x2000  }
0x7d: {  	s9 =	sshra.s32 @p1 s3, $0x2;
	s14 =	simm.s32 @p1 $0x80;
	[sflag:s7] =	ssyncset.done @p1 $0x0  }
0x7e: {  	s8 =	simm.s32 @p1 $0x7000;
	[sflag:s7] =	ssyncadd.s32 @p1 $0xFFFFE000;
	s7 =	sadd.s32 @p1 $0x2880, s9  }
0x7f: {  	[spmem:s2] =	stream.indirect.scatter.add.f32 @p1 [tilespmem:s8], [sflag:$0xA], $0x40, s7, s14, $0xb8;
	[tilespmem:$0x1F000] =	vst v63  }
0x80: {  	s7 =	simm.s32 @!p1 $0x9  }
0x81: {  	_ =	swait.ge @!p1 [sflag:s7], $0x2000  }
0x82: {  	[sflag:s7] =	ssyncset.done @!p1 $0x0  }
0x83: {  	[sflag:s7] =	ssyncadd.s32 @!p1 $0xFFFFE000;
	s7 =	sshra.s32 @!p1 s3, $0x2  }
0x84: {  	s24 =	simm.s32 @!p1 $0x5000;
	s8 =	simm.s32 @!p1 $0x80;
	s13 =	sadd.s32 @!p1 $0x400, s7  }
0x85: {  	[tilespmem:s24], [sflag:$0x1] =	stream.indirect.gather @!p1 [hbm4b:s1+s8], $0x40, s13, s8, $0xb8;
	[tilespmem:$0x1F000] =	vst v63  }
0x86: {  	s13 =	simm.s32 @!p1 $0x2  }
0x87: {  	_ =	swait.ge @!p1 [sflag:s13], $0x2000  }
0x88: {  	[sflag:s13] =	ssyncset.done @!p1 $0x0  }
0x89: {  	s24 =	simm.s32 @!p1 $0x7000;
	[sflag:s13] =	ssyncadd.s32 @!p1 $0xFFFFE000;
	s13 =	sadd.s32 @!p1 $0x2880, s7  }
0x8a: {  	[spmem:s2] =	stream.indirect.scatter.add.f32 @!p1 [tilespmem:s24], [sflag:$0xA], $0x40, s13, s8, $0xb8;
	[tilespmem:$0x1F000] =	vst v63  }
0x8b: {  	s13 =	simm.s32 @!p1 $0xA  }
0x8c: {  	_ =	swait.ge @!p1 [sflag:s13], $0x2000  }
0x8d: {  	[sflag:s13] =	ssyncset.done @!p1 $0x0  }
0x8e: {  	[sflag:s13] =	ssyncadd.s32 @!p1 $0xFFFFE000;
	s13 =	sadd.s32 @!p1 $0x480, s7  }
0x8f: {  	[tilespmem:s24], [sflag:$0x2] =	stream.indirect.gather @!p1 [hbm4b:s1+s8], $0x40, s13, s8, $0xb8;
	[tilespmem:$0x1F000] =	vst v63  }
0x90: {  	_ =	swait.ge [sflag:s20], $0x2000  }
0x91: {  	[sflag:s20] =	ssyncset.done $0x0  }
0x92: {  	s24 =	sadd.s32 $0x2900, s6;
	s13 =	simm.s32 @p1 $0x4;
	[sflag:s20] =	ssyncadd.s32 $0xFFFFE000  }
0x93: {  	[spmem:s2] =	stream.indirect.scatter.add.f32 [tilespmem:s21], [sflag:$0xB], $0x40, s24, s18, $0xb8;
	[tilespmem:$0x1F000] =	vst v63  }
0x94: {  	_ =	swait.ge @p1 [sflag:s13], $0x2000  }
0x95: {  	[sflag:s13] =	ssyncset.done @p1 $0x0  }
0x96: {  	s24 =	simm.s32 @p1 $0xB000;
	[sflag:s13] =	ssyncadd.s32 @p1 $0xFFFFE000;
	s13 =	sadd.s32 @p1 $0x2980, s9  }
0x97: {  	[spmem:s2] =	stream.indirect.scatter.add.f32 @p1 [tilespmem:s24], [sflag:$0xC], $0x40, s13, s14, $0xb8;
	[tilespmem:$0x1F000] =	vst v63  }
0x98: {  	s13 =	simm.s32 @!p1 $0xB  }
0x99: {  	_ =	swait.ge @!p1 [sflag:s13], $0x2000  }
0x9a: {  	[sflag:s13] =	ssyncset.done @!p1 $0x0  }
0x9b: {  	s24 =	simm.s32 @!p1 $0x9000;
	[sflag:s13] =	ssyncadd.s32 @!p1 $0xFFFFE000;
	s13 =	sadd.s32 @!p1 $0x500, s7  }
0x9c: {  	[tilespmem:s24], [sflag:$0x3] =	stream.indirect.gather @!p1 [hbm4b:s1+s8], $0x40, s13, s8, $0xb8;
	[tilespmem:$0x1F000] =	vst v63  }
0x9d: {  	s13 =	simm.s32 @!p1 $0x4  }
0x9e: {  	_ =	swait.ge @!p1 [sflag:s13], $0x2000  }
0x9f: {  	[sflag:s13] =	ssyncset.done @!p1 $0x0  }
0xa0: {  	s24 =	simm.s32 @!p1 $0xB000;
	[sflag:s13] =	ssyncadd.s32 @!p1 $0xFFFFE000;
	s13 =	sadd.s32 @!p1 $0x2980, s7  }
0xa1: {  	[spmem:s2] =	stream.indirect.scatter.add.f32 @!p1 [tilespmem:s24], [sflag:$0xC], $0x40, s13, s8, $0xb8;
	[tilespmem:$0x1F000] =	vst v63  }
0xa2: {  	s13 =	simm.s32 @!p1 $0xC  }
0xa3: {  	_ =	swait.ge @!p1 [sflag:s13], $0x2000  }
0xa4: {  	[sflag:s13] =	ssyncset.done @!p1 $0x0  }
0xa5: {  	[sflag:s13] =	ssyncadd.s32 @!p1 $0xFFFFE000;
	s13 =	sadd.s32 @!p1 $0x580, s7  }
0xa6: {  	[tilespmem:s24], [sflag:$0x4] =	stream.indirect.gather @!p1 [hbm4b:s1+s8], $0x40, s13, s8, $0xb8;
	[tilespmem:$0x1F000] =	vst v63  }
0xa7: {  	_ =	swait.ge [sflag:s10], $0x2000  }
0xa8: {  	[sflag:s10] =	ssyncset.done $0x0  }
0xa9: {  	s24 =	sadd.s32 $0x2A00, s6;
	s13 =	simm.s32 @p1 $0x6;
	[sflag:s10] =	ssyncadd.s32 $0xFFFFE000  }
0xaa: {  	[spmem:s2] =	stream.indirect.scatter.add.f32 [tilespmem:s26], [sflag:$0xD], $0x40, s24, s18, $0xb8;
	[tilespmem:$0x1F000] =	vst v63  }
0xab: {  	_ =	swait.ge @p1 [sflag:s13], $0x2000  }
0xac: {  	[sflag:s13] =	ssyncset.done @p1 $0x0  }
0xad: {  	s9 =	sadd.s32 @p1 $0x2A80, s9;
	[sflag:s13] =	ssyncadd.s32 @p1 $0xFFFFE000;
	s13 =	simm.s32 @p1 $0xF000  }
0xae: {  	[spmem:s2] =	stream.indirect.scatter.add.f32 @p1 [tilespmem:s13], [sflag:$0xE], $0x40, s9, s14, $0xb8;
	[tilespmem:$0x1F000] =	vst v63  }
0xaf: {  	s9 =	simm.s32 @!p1 $0xD  }
0xb0: {  	_ =	swait.ge @!p1 [sflag:s9], $0x2000  }
0xb1: {  	[sflag:s9] =	ssyncset.done @!p1 $0x0  }
0xb2: {  	s13 =	simm.s32 @!p1 $0xD000;
	[sflag:s9] =	ssyncadd.s32 @!p1 $0xFFFFE000;
	s9 =	sadd.s32 @!p1 $0x600, s7  }
0xb3: {  	[tilespmem:s13], [sflag:$0x5] =	stream.indirect.gather @!p1 [hbm4b:s1+s8], $0x40, s9, s8, $0xb8;
	[tilespmem:$0x1F000] =	vst v63  }
0xb4: {  	s9 =	simm.s32 @!p1 $0x6  }
0xb5: {  	_ =	swait.ge @!p1 [sflag:s9], $0x2000  }
0xb6: {  	[sflag:s9] =	ssyncset.done @!p1 $0x0  }
0xb7: {  	s13 =	simm.s32 @!p1 $0xF000;
	[sflag:s9] =	ssyncadd.s32 @!p1 $0xFFFFE000;
	s9 =	sadd.s32 @!p1 $0x2A80, s7  }
0xb8: {  	[spmem:s2] =	stream.indirect.scatter.add.f32 @!p1 [tilespmem:s13], [sflag:$0xE], $0x40, s9, s8, $0xb8;
	[tilespmem:$0x1F000] =	vst v63  }
0xb9: {  	s9 =	simm.s32 @!p1 $0xE  }
0xba: {  	_ =	swait.ge @!p1 [sflag:s9], $0x2000  }
0xbb: {  	[sflag:s9] =	ssyncset.done @!p1 $0x0  }
0xbc: {  	s7 =	sadd.s32 @!p1 $0x680, s7;
	[sflag:s9] =	ssyncadd.s32 @!p1 $0xFFFFE000  }
0xbd: {  	[tilespmem:s13], [sflag:$0x6] =	stream.indirect.gather @!p1 [hbm4b:s1+s8], $0x40, s7, s8, $0xb8;
	[tilespmem:$0x1F000] =	vst v63  }
.Ltmp4:
0xbe: {  	_ = 	snop;
	(pc) =	sbr.rel @p1 .LBB2_10-.Ltmp4, $4  }
0xbf: {  	_ =	swait.ge [sflag:s22], $0x2000  }
0xc0: {  	[sflag:s22] =	ssyncset.done $0x0  }
0xc1: {  	s24 =	sadd.s32 $0x2B00, s6;
	[sflag:s22] =	ssyncadd.s32 $0xFFFFE000  }
0xc2: {  	[spmem:s2] =	stream.indirect.scatter.add.f32 [tilespmem:s31], [sflag:$0xF], $0x40, s24, s18, $0xb8;
	[tilespmem:$0x1F000] =	vst v63  }
0xc3: {  	_ =	swait.ge [sflag:s11], $0x2000  }
0xc4: {  	[sflag:s11] =	ssyncset.done $0x0  }
0xc5: {  	s7 =	sadd.s32 $0x700, s6;
	[sflag:s11] =	ssyncadd.s32 $0xFFFFE000  }
0xc6: {  	[tilespmem:s31], [sflag:$0x7] =	stream.indirect.gather [hbm4b:s1+s18], $0x40, s7, s18, $0xb8;
	[tilespmem:$0x1F000] =	vst v63  }
0xc7: {  	_ =	swait.ge [sflag:s23], $0x2000  }
0xc8: {  	[sflag:s23] =	ssyncset.done $0x0  }
0xc9: {  	s14 =	sadd.s32 $0x2B80, s6;
	[sflag:s23] =	ssyncadd.s32 $0xFFFFE000  }
0xca: {  	[spmem:s2] =	stream.indirect.scatter.add.f32 [tilespmem:s17], [sflag:$0x10], $0x40, s14, s18, $0xb8;
	[tilespmem:$0x1F000] =	vst v63  }
.Ltmp5:
0xcb: {  	_ = 	snop;
	(pc) =	sbr.rel .LBB2_8-.Ltmp5, $4  }
0xcc: {  	_ =	swait.ge [sflag:s12], $0x2000  }
0xcd: {  	[sflag:s12] =	ssyncset.done $0x0  }
0xce: {  	s24 =	sadd.s32 $0x780, s6;
	s3 =	sadd.s32 $0x1000, s3;
	[sflag:s12] =	ssyncadd.s32 $0xFFFFE000  }
0xcf: {  	[tilespmem:s17], [sflag:$0x8] =	stream.indirect.gather [hbm4b:s1+s18], $0x40, s24, s18, $0xb8;
	[tilespmem:$0x1F000] =	vst v63  }
.LBB2_4:
0xd0: {  	s6 =	rddreg [dreg:$0x8]  }
0xd1: {  	[tilespmem:s3], [sflag:$0x11] =	stream.linear.gather [hbm4b:s6+s3], $0x2800, $0x38;
	[tilespmem:$0x1F000] =	vst v63  }
0xd2: {  	_ =	swait.ge [sflag:s16], $0x2800  }
0xd3: {  	[sflag:s16] =	ssyncset.done $0x0  }
0xd4: {  	s7 =	simm.s32 $0x2800;
	s8 =	rddreg [dreg:$0x9];
	[sflag:s16] =	ssyncadd.s32 $0xFFFFD800  }
0xd5: {  	[tilespmem:s7], [sflag:$0x11] =	stream.linear.gather [hbm4b:s8+s3], $0x2800, $0x38;
	[tilespmem:$0x1F000] =	vst v63  }
0xd6: {  	_ =	swait.ge [sflag:s16], $0x2800  }
0xd7: {  	[sflag:s16] =	ssyncset.done $0x0  }
0xd8: {  	[sflag:s16] =	ssyncadd.s32 $0xFFFFD800  }
0xd9: {  	[tilespmem:s15], [sflag:$0x1] =	stream.indirect.gather [hbm4b:s1+s18], $0x40, s3, s18, $0xb8;
	[tilespmem:$0x1F000] =	vst v63  }
0xda: {  	s9 =	simm.s32 $0x7000  }
0xdb: {  	[tilespmem:s9], [sflag:$0x2] =	stream.indirect.gather [hbm4b:s1+s18], $0x40, s18, s18, $0xb8;
	[tilespmem:$0x1F000] =	vst v63  }
0xdc: {  	s13 =	simm.s32 $0x100  }
0xdd: {  	[tilespmem:s21], [sflag:$0x3] =	stream.indirect.gather [hbm4b:s1+s18], $0x40, s13, s18, $0xb8;
	[tilespmem:$0x1F000] =	vst v63  }
0xde: {  	s14 =	simm.s32 $0x180;
	s24 =	simm.s32 $0xB000  }
0xdf: {  	[tilespmem:s24], [sflag:$0x4] =	stream.indirect.gather [hbm4b:s1+s18], $0x40, s14, s18, $0xb8;
	[tilespmem:$0x1F000] =	vst v63  }
0xe0: {  	s8 =	simm.s32 $0x200  }
0xe1: {  	[tilespmem:s26], [sflag:$0x5] =	stream.indirect.gather [hbm4b:s1+s18], $0x40, s8, s18, $0xb8;
	[tilespmem:$0x1F000] =	vst v63  }
0xe2: {  	s9 =	simm.s32 $0x280;
	s13 =	simm.s32 $0xF000  }
0xe3: {  	[tilespmem:s13], [sflag:$0x6] =	stream.indirect.gather [hbm4b:s1+s18], $0x40, s9, s18, $0xb8;
	[tilespmem:$0x1F000] =	vst v63  }
0xe4: {  	s14 =	simm.s32 $0x300  }
0xe5: {  	[tilespmem:s31], [sflag:$0x7] =	stream.indirect.gather [hbm4b:s1+s18], $0x40, s14, s18, $0xb8;
	[tilespmem:$0x1F000] =	vst v63  }
0xe6: {  	s24 =	simm.s32 $0x380  }
0xe7: {  	[tilespmem:s17], [sflag:$0x8] =	stream.indirect.gather [hbm4b:s1+s18], $0x40, s24, s18, $0xb8;
	[tilespmem:$0x1F000] =	vst v63  }
.LBB2_5:
0xe8: {  	_ =	swait.ge [sflag:s19], $0x2000  }
0xe9: {  	s6 =	sshra.s32 s3, $0x2;
	[sflag:s19] =	ssyncset.done $0x0  }
0xea: {  	p1 =	seq.s32 s3, $0x9000;
	s7 =	sadd.s32 $0x2800, s6;
	[sflag:s19] =	ssyncadd.s32 $0xFFFFE000  }
0xeb: {  	[spmem:s2] =	stream.indirect.scatter.add.f32 [tilespmem:s15], [sflag:$0x9], $0x40, s7, s18, $0xb8;
	[tilespmem:$0x1F000] =	vst v63  }
0xec: {  	s7 =	simm.s32 @p1 $0x2  }
0xed: {  	_ =	swait.ge @p1 [sflag:s7], $0x2000  }
0xee: {  	s9 =	sshra.s32 @p1 s3, $0x2;
	s14 =	simm.s32 @p1 $0x80;
	[sflag:s7] =	ssyncset.done @p1 $0x0  }
0xef: {  	s8 =	simm.s32 @p1 $0x7000;
	[sflag:s7] =	ssyncadd.s32 @p1 $0xFFFFE000;
	s7 =	sadd.s32 @p1 $0x2880, s9  }
0xf0: {  	[spmem:s2] =	stream.indirect.scatter.add.f32 @p1 [tilespmem:s8], [sflag:$0xA], $0x40, s7, s14, $0xb8;
	[tilespmem:$0x1F000] =	vst v63  }
0xf1: {  	s7 =	simm.s32 @!p1 $0x9  }
0xf2: {  	_ =	swait.ge @!p1 [sflag:s7], $0x2000  }
0xf3: {  	[sflag:s7] =	ssyncset.done @!p1 $0x0  }
0xf4: {  	[sflag:s7] =	ssyncadd.s32 @!p1 $0xFFFFE000;
	s7 =	sshra.s32 @!p1 s3, $0x2  }
0xf5: {  	s13 =	simm.s32 @!p1 $0x5000;
	s8 =	simm.s32 @!p1 $0x80;
	s24 =	sadd.s32 @!p1 $0x400, s7  }
0xf6: {  	[tilespmem:s13], [sflag:$0x1] =	stream.indirect.gather @!p1 [hbm4b:s1+s8], $0x40, s24, s8, $0xb8;
	[tilespmem:$0x1F000] =	vst v63  }
0xf7: {  	s13 =	simm.s32 @!p1 $0x2  }
0xf8: {  	_ =	swait.ge @!p1 [sflag:s13], $0x2000  }
0xf9: {  	[sflag:s13] =	ssyncset.done @!p1 $0x0  }
0xfa: {  	s24 =	simm.s32 @!p1 $0x7000;
	[sflag:s13] =	ssyncadd.s32 @!p1 $0xFFFFE000;
	s13 =	sadd.s32 @!p1 $0x2880, s7  }
0xfb: {  	[spmem:s2] =	stream.indirect.scatter.add.f32 @!p1 [tilespmem:s24], [sflag:$0xA], $0x40, s13, s8, $0xb8;
	[tilespmem:$0x1F000] =	vst v63  }
0xfc: {  	s13 =	simm.s32 @!p1 $0xA  }
0xfd: {  	_ =	swait.ge @!p1 [sflag:s13], $0x2000  }
0xfe: {  	[sflag:s13] =	ssyncset.done @!p1 $0x0  }
0xff: {  	[sflag:s13] =	ssyncadd.s32 @!p1 $0xFFFFE000;
	s13 =	sadd.s32 @!p1 $0x480, s7  }
0x100: {  	[tilespmem:s24], [sflag:$0x2] =	stream.indirect.gather @!p1 [hbm4b:s1+s8], $0x40, s13, s8, $0xb8;
	[tilespmem:$0x1F000] =	vst v63  }
0x101: {  	_ =	swait.ge [sflag:s20], $0x2000  }
0x102: {  	[sflag:s20] =	ssyncset.done $0x0  }
0x103: {  	s24 =	sadd.s32 $0x2900, s6;
	s13 =	simm.s32 @p1 $0x4;
	[sflag:s20] =	ssyncadd.s32 $0xFFFFE000  }
0x104: {  	[spmem:s2] =	stream.indirect.scatter.add.f32 [tilespmem:s21], [sflag:$0xB], $0x40, s24, s18, $0xb8;
	[tilespmem:$0x1F000] =	vst v63  }
0x105: {  	_ =	swait.ge @p1 [sflag:s13], $0x2000  }
0x106: {  	[sflag:s13] =	ssyncset.done @p1 $0x0  }
0x107: {  	s24 =	simm.s32 @p1 $0xB000;
	[sflag:s13] =	ssyncadd.s32 @p1 $0xFFFFE000;
	s13 =	sadd.s32 @p1 $0x2980, s9  }
0x108: {  	[spmem:s2] =	stream.indirect.scatter.add.f32 @p1 [tilespmem:s24], [sflag:$0xC], $0x40, s13, s14, $0xb8;
	[tilespmem:$0x1F000] =	vst v63  }
0x109: {  	s13 =	simm.s32 @!p1 $0xB  }
0x10a: {  	_ =	swait.ge @!p1 [sflag:s13], $0x2000  }
0x10b: {  	[sflag:s13] =	ssyncset.done @!p1 $0x0  }
0x10c: {  	s24 =	simm.s32 @!p1 $0x9000;
	[sflag:s13] =	ssyncadd.s32 @!p1 $0xFFFFE000;
	s13 =	sadd.s32 @!p1 $0x500, s7  }
0x10d: {  	[tilespmem:s24], [sflag:$0x3] =	stream.indirect.gather @!p1 [hbm4b:s1+s8], $0x40, s13, s8, $0xb8;
	[tilespmem:$0x1F000] =	vst v63  }
0x10e: {  	s13 =	simm.s32 @!p1 $0x4  }
0x10f: {  	_ =	swait.ge @!p1 [sflag:s13], $0x2000  }
0x110: {  	[sflag:s13] =	ssyncset.done @!p1 $0x0  }
0x111: {  	s24 =	simm.s32 @!p1 $0xB000;
	[sflag:s13] =	ssyncadd.s32 @!p1 $0xFFFFE000;
	s13 =	sadd.s32 @!p1 $0x2980, s7  }
0x112: {  	[spmem:s2] =	stream.indirect.scatter.add.f32 @!p1 [tilespmem:s24], [sflag:$0xC], $0x40, s13, s8, $0xb8;
	[tilespmem:$0x1F000] =	vst v63  }
0x113: {  	s13 =	simm.s32 @!p1 $0xC  }
0x114: {  	_ =	swait.ge @!p1 [sflag:s13], $0x2000  }
0x115: {  	[sflag:s13] =	ssyncset.done @!p1 $0x0  }
0x116: {  	[sflag:s13] =	ssyncadd.s32 @!p1 $0xFFFFE000;
	s13 =	sadd.s32 @!p1 $0x580, s7  }
0x117: {  	[tilespmem:s24], [sflag:$0x4] =	stream.indirect.gather @!p1 [hbm4b:s1+s8], $0x40, s13, s8, $0xb8;
	[tilespmem:$0x1F000] =	vst v63  }
0x118: {  	_ =	swait.ge [sflag:s10], $0x2000  }
0x119: {  	[sflag:s10] =	ssyncset.done $0x0  }
0x11a: {  	s24 =	sadd.s32 $0x2A00, s6;
	s13 =	simm.s32 @p1 $0x6;
	[sflag:s10] =	ssyncadd.s32 $0xFFFFE000  }
0x11b: {  	[spmem:s2] =	stream.indirect.scatter.add.f32 [tilespmem:s26], [sflag:$0xD], $0x40, s24, s18, $0xb8;
	[tilespmem:$0x1F000] =	vst v63  }
0x11c: {  	_ =	swait.ge @p1 [sflag:s13], $0x2000  }
0x11d: {  	[sflag:s13] =	ssyncset.done @p1 $0x0  }
0x11e: {  	s9 =	sadd.s32 @p1 $0x2A80, s9;
	[sflag:s13] =	ssyncadd.s32 @p1 $0xFFFFE000;
	s13 =	simm.s32 @p1 $0xF000  }
0x11f: {  	[spmem:s2] =	stream.indirect.scatter.add.f32 @p1 [tilespmem:s13], [sflag:$0xE], $0x40, s9, s14, $0xb8;
	[tilespmem:$0x1F000] =	vst v63  }
0x120: {  	s9 =	simm.s32 @!p1 $0xD  }
0x121: {  	_ =	swait.ge @!p1 [sflag:s9], $0x2000  }
0x122: {  	[sflag:s9] =	ssyncset.done @!p1 $0x0  }
0x123: {  	s13 =	simm.s32 @!p1 $0xD000;
	[sflag:s9] =	ssyncadd.s32 @!p1 $0xFFFFE000;
	s9 =	sadd.s32 @!p1 $0x600, s7  }
0x124: {  	[tilespmem:s13], [sflag:$0x5] =	stream.indirect.gather @!p1 [hbm4b:s1+s8], $0x40, s9, s8, $0xb8;
	[tilespmem:$0x1F000] =	vst v63  }
0x125: {  	s9 =	simm.s32 @!p1 $0x6  }
0x126: {  	_ =	swait.ge @!p1 [sflag:s9], $0x2000  }
0x127: {  	[sflag:s9] =	ssyncset.done @!p1 $0x0  }
0x128: {  	s13 =	simm.s32 @!p1 $0xF000;
	[sflag:s9] =	ssyncadd.s32 @!p1 $0xFFFFE000;
	s9 =	sadd.s32 @!p1 $0x2A80, s7  }
0x129: {  	[spmem:s2] =	stream.indirect.scatter.add.f32 @!p1 [tilespmem:s13], [sflag:$0xE], $0x40, s9, s8, $0xb8;
	[tilespmem:$0x1F000] =	vst v63  }
0x12a: {  	s9 =	simm.s32 @!p1 $0xE  }
0x12b: {  	_ =	swait.ge @!p1 [sflag:s9], $0x2000  }
0x12c: {  	[sflag:s9] =	ssyncset.done @!p1 $0x0  }
0x12d: {  	s7 =	sadd.s32 @!p1 $0x680, s7;
	[sflag:s9] =	ssyncadd.s32 @!p1 $0xFFFFE000  }
0x12e: {  	[tilespmem:s13], [sflag:$0x6] =	stream.indirect.gather @!p1 [hbm4b:s1+s8], $0x40, s7, s8, $0xb8;
	[tilespmem:$0x1F000] =	vst v63  }
.Ltmp6:
0x12f: {  	_ = 	snop;
	(pc) =	sbr.rel @p1 .LBB2_10-.Ltmp6, $4  }
0x130: {  	_ =	swait.ge [sflag:s22], $0x2000  }
0x131: {  	[sflag:s22] =	ssyncset.done $0x0  }
0x132: {  	s24 =	sadd.s32 $0x2B00, s6;
	[sflag:s22] =	ssyncadd.s32 $0xFFFFE000  }
0x133: {  	[spmem:s2] =	stream.indirect.scatter.add.f32 [tilespmem:s31], [sflag:$0xF], $0x40, s24, s18, $0xb8;
	[tilespmem:$0x1F000] =	vst v63  }
0x134: {  	_ =	swait.ge [sflag:s11], $0x2000  }
0x135: {  	[sflag:s11] =	ssyncset.done $0x0  }
0x136: {  	s7 =	sadd.s32 $0x700, s6;
	[sflag:s11] =	ssyncadd.s32 $0xFFFFE000  }
0x137: {  	[tilespmem:s31], [sflag:$0x7] =	stream.indirect.gather [hbm4b:s1+s18], $0x40, s7, s18, $0xb8;
	[tilespmem:$0x1F000] =	vst v63  }
0x138: {  	_ =	swait.ge [sflag:s23], $0x2000  }
0x139: {  	[sflag:s23] =	ssyncset.done $0x0  }
0x13a: {  	s14 =	sadd.s32 $0x2B80, s6;
	[sflag:s23] =	ssyncadd.s32 $0xFFFFE000  }
0x13b: {  	[spmem:s2] =	stream.indirect.scatter.add.f32 [tilespmem:s17], [sflag:$0x10], $0x40, s14, s18, $0xb8;
	[tilespmem:$0x1F000] =	vst v63  }
.Ltmp7:
0x13c: {  	_ = 	snop;
	(pc) =	sbr.rel .LBB2_5-.Ltmp7, $4  }
0x13d: {  	_ =	swait.ge [sflag:s12], $0x2000  }
0x13e: {  	[sflag:s12] =	ssyncset.done $0x0  }
0x13f: {  	s24 =	sadd.s32 $0x780, s6;
	s3 =	sadd.s32 $0x1000, s3;
	[sflag:s12] =	ssyncadd.s32 $0xFFFFE000  }
0x140: {  	[tilespmem:s17], [sflag:$0x8] =	stream.indirect.gather [hbm4b:s1+s18], $0x40, s24, s18, $0xb8;
	[tilespmem:$0x1F000] =	vst v63  }
.LBB2_11:
0x141: {  	_ =	sfence.sel $0x180000  }
0x142: {  	[bflag:$0x0] =	sbarrier.arrive $0xFFFF  }
0x143: {  	_ =	strace $0x9000004D  }
0x144: {  	s0 =	stileid.u32;
	[bflag:$0x2] =	sbarrier.arrive $0xFFFF  }
0x145: {  	p0 =	sne.s32 s0, $0x0;
	s0 =	rddreg [dreg:$0x3]  }
0x146: {  	s0 =	sadd.s32 @!p0 $0x100000, s0  }
0x147: {  	[sflag:s0] =	ssyncadd.tile.s32 @!p0 $0x1;
	_ =	shalt  }
.Lfunc_end2:
_tile_overlayer_lowered:
.L_overlay_start_2:
0x148: {  	(tag) =	ssettag $0x2  }
0x149: {  	s0 =	rddreg [dreg:$0x0];
	s2 =	stileid.u32  }
0x14a: {  	s1 =	rddreg [dreg:$0x1];
	p0 =	sne.s32 s2, $0x0  }
0x14b: {  	s3 =	rddreg [dreg:$0x2];
	[bflag:$0x3] =	sbarrier.arrive $0xFFFF;
	s2 =	simm.s32 @!p0 $0x1C11  }
0x14c: {  	[timem:s3], [sflag:s2] =	dma.local @!p0 [hbm:s0], s1  }
0x14d: {  	s0 =	simm.s32 @!p0 $0x11  }
0x14e: {  	_ =	swait.ge @!p0 [sflag:s0], s1  }
0x14f: {  	s1 =	ssub.s32 @!p0 $0x0, s1;
	[sflag:s0] =	ssyncset.done @!p0 $0x0  }
0x150: {  	[sflag:s0] =	ssyncadd.s32 @!p0 s1  }
0x151: {  	[bflag:$0x3] =	sbarrier.arrive $0xFFFF  }
0x152: {  	_ =	shalt  }

// kernel: kernel.9.cloned.1.call-start
scs
__scs_entry_jumppad:
0x0: {  	(pc) =	sbr.rel $0x88, $3  }
0x1: {  	(tag) =	ssettag $0x0;
	lr =	simm.s32 $0x1  }
0x2: {  	[smem:$0x3F9D] =	sst lr;
	_ =	strace $0xD0000000  }
0x3: {  	_ = 	snop  }
0x4: {  	_ = 	snop  }
0x5: {  	_ = 	snop  }
0x6: {  	_ = 	snop  }
0x7: {  	_ = 	snop  }
__scs_overlays_trampoline_lowered:
0x8: {  	[smem:$0x3FAC] =	sst s0  }
0x9: {  	[smem:$0x3FAD] =	sst s1  }
0xa: {  	[smem:$0x3FAE] =	sst s2  }
0xb: {  	[smem:$0x3FAF] =	sst s3  }
0xc: {  	[smem:$0x3FB0] =	sst s4  }
0xd: {  	[smem:$0x3FB1] =	sst s5  }
0xe: {  	[smem:$0x3FB2] =	sst s6  }
0xf: {  	[smem:$0x3FB3] =	sst s7  }
0x10: {  	[smem:$0x3FB4] =	sst s8  }
0x11: {  	[smem:$0x3FB5] =	sst s9;
	s0 =	simm.s32 @!p0 $0x0  }
0x12: {  	s1 =	sld [smem:$0x3F9B];
	s0 =	simm.s32 @p0 $0x1  }
0x13: {  	[smem:$0x3FB6] =	sst s0;
	s0 =	simm.s32 @!p1 $0x0  }
0x14: {  	s2 =	sld [smem:$0x3F9A];
	s0 =	simm.s32 @p1 $0x1  }
0x15: {  	[smem:$0x3FB7] =	sst s0;
	s0 =	simm.s32 @!p2 $0x0  }
0x16: {  	s3 =	sld [smem:$0x3FDB];
	s0 =	simm.s32 @p2 $0x1  }
0x17: {  	s4 =	simm.s32 $0x1BF5;
	[smem:$0x3FB9] =	sst s0  }
0x18: {  	s0 =	sld [smem:$0x3F9C];
	_ =	swait.ge [sflag:s4], $0x0  }
0x19: {  	s7 =	sld [smem:$0x3F9D]  }
0x1a: {  	s8 =	sadd.s32 $0xFFFFE003, lr  }
0x1b: {  	s9 =	sadd.s32 $0xFFFFFEF7, lr;
	s5 =	simm.s32 $0xFFFFFFFF;
	p2 =	slt.u32 s8, $0xFFFFF086  }
0x1c: {  	p1 =	slt.u32 s9, $0xF7A;
	s5 =	simm.s32 @!p2 $0x0  }
0x1d: {  	s5 =	simm.s32 @p1 $0x1;
	p0 =	seq.s32 s7, s2  }
0x1e: {  	s7 =	smul.u32 @!p0 $0xF7A, s2;
	p2 =	seq.s32 @!p0 s5, $0x0  }
0x1f: {  	s9 =	smul.u32 $0xF7A, s1;
	s8 =	simm.s32 @!p0 $0x1BF5;
	p2 =	por !p2, p0  }
0x20: {  	[sflag:s8] =	ssyncset.s32 @!p0 $0xFFFFF086;
	s6 =	sadd.s32 @!p0 s3, s7;
	s7 =	simm.s32 @!p0 $0x108  }
0x21: {  	s3 =	sadd.s32 s3, s9;
	s6 =	sadd.s32 @!p0 $0x88, s6;
	s7 =	simm.s32 @p2 $0x1082  }
0x22: {  	[simem:s7], [sflag:s8] =	dma.local @!p0 [hbm:s6], $0xF7A  }
0x23: {  	s9 =	sor.u32 $0xD0000000, s2;
	s6 =	simm.s32 $0x108;
	_ =	swait.ge @!p0 [sflag:s8], $0x0  }
0x24: {  	s3 =	sadd.s32 $0x88, s3;
	s6 =	simm.s32 @!p1 $0x1082;
	[sflag:s4] =	ssyncset.s32 $0xFFFFF086  }
0x25: {  	[simem:s6], [sflag:s4] =	dma.local [hbm:s3], $0xF7A  }
0x26: {  	[smem:$0x3F9D] =	sst s1;
	(tag) =	ssettag s2;
	_ =	strace s9  }
0x27: {  	s1 =	sld [smem:$0x3FAD]  }
0x28: {  	s2 =	sld [smem:$0x3FAE]  }
0x29: {  	s4 =	sld [smem:$0x3FB0]  }
0x2a: {  	p0 =	seq.s32 s5, $0x0;
	s5 =	sld [smem:$0x3FB1]  }
0x2b: {  	s6 =	sld [smem:$0x3FB2]  }
0x2c: {  	s7 =	sld [smem:$0x3FB3]  }
0x2d: {  	s3 =	simm.s32 $0x108;
	s8 =	sld [smem:$0x3FB4]  }
0x2e: {  	s3 =	simm.s32 @!p0 $0x1082;
	s9 =	sld [smem:$0x3FB5]  }
0x2f: {  	lr =	sadd.s32 s0, s3;
	s0 =	sld [smem:$0x3FAC]  }
0x30: {  	s3 =	sld [smem:$0x3FAF]  }
0x31: {  	[smem:$0x3FB8] =	sst s10  }
0x32: {  	s10 =	sld [smem:$0x3FB6];
	_ =	sdelay $0x3  }
0x33: {  	p0 =	seq.s32 s10, $0x1;
	s10 =	sld [smem:$0x3FB8];
	_ =	sdelay $0x3  }
0x34: {  	[smem:$0x3FB8] =	sst s10  }
0x35: {  	s10 =	sld [smem:$0x3FB7];
	_ =	sdelay $0x3  }
0x36: {  	p1 =	seq.s32 s10, $0x1;
	s10 =	sld [smem:$0x3FB8];
	_ =	sdelay $0x3  }
0x37: {  	[smem:$0x3FB8] =	sst s10  }
0x38: {  	s10 =	sld [smem:$0x3FB9]  }
0x39: {  	_ = 	snop;
	(pc) =	sbr.ind lr, $3  }
0x3a: {  	_ = 	snop  }
0x3b: {  	_ = 	snop  }
0x3c: {  	p2 =	seq.s32 s10, $0x1;
	s10 =	sld [smem:$0x3FB8]  }
0x3d: {  	_ =	shalt  }
0x3e: {  	_ =	shalt  }
0x3f: {  	_ =	shalt  }
0x40: {  	_ =	shalt  }
0x41: {  	_ =	shalt  }
0x42: {  	_ =	shalt  }
0x43: {  	_ =	shalt  }
0x44: {  	_ =	shalt  }
0x45: {  	_ =	shalt  }
0x46: {  	_ =	shalt  }
0x47: {  	_ =	shalt  }
0x48: {  	_ =	shalt  }
0x49: {  	_ =	shalt  }
0x4a: {  	_ =	shalt  }
0x4b: {  	_ =	shalt  }
0x4c: {  	_ =	shalt  }
0x4d: {  	_ =	shalt  }
0x4e: {  	_ =	shalt  }
0x4f: {  	_ =	shalt  }
0x50: {  	_ =	shalt  }
0x51: {  	_ =	shalt  }
0x52: {  	_ =	shalt  }
0x53: {  	_ =	shalt  }
0x54: {  	_ =	shalt  }
0x55: {  	_ =	shalt  }
0x56: {  	_ =	shalt  }
0x57: {  	_ =	shalt  }
0x58: {  	_ =	shalt  }
0x59: {  	_ =	shalt  }
0x5a: {  	_ =	shalt  }
0x5b: {  	_ =	shalt  }
0x5c: {  	_ =	shalt  }
0x5d: {  	_ =	shalt  }
0x5e: {  	_ =	shalt  }
0x5f: {  	_ =	shalt  }
0x60: {  	_ =	shalt  }
0x61: {  	_ =	shalt  }
0x62: {  	_ =	shalt  }
0x63: {  	_ =	shalt  }
0x64: {  	_ =	shalt  }
0x65: {  	_ =	shalt  }
0x66: {  	_ =	shalt  }
0x67: {  	_ =	shalt  }
0x68: {  	_ =	shalt  }
0x69: {  	_ =	shalt  }
0x6a: {  	_ =	shalt  }
0x6b: {  	_ =	shalt  }
0x6c: {  	_ =	shalt  }
0x6d: {  	_ =	shalt  }
0x6e: {  	_ =	shalt  }
0x6f: {  	_ =	shalt  }
0x70: {  	_ =	shalt  }
0x71: {  	_ =	shalt  }
0x72: {  	_ =	shalt  }
0x73: {  	_ =	shalt  }
0x74: {  	_ =	shalt  }
0x75: {  	_ =	shalt  }
0x76: {  	_ =	shalt  }
0x77: {  	_ =	shalt  }
0x78: {  	_ =	shalt  }
0x79: {  	_ =	shalt  }
0x7a: {  	_ =	shalt  }
0x7b: {  	_ =	shalt  }
0x7c: {  	_ =	shalt  }
0x7d: {  	_ =	shalt  }
0x7e: {  	_ =	shalt  }
0x7f: {  	_ =	shalt  }
0x80: {  	_ =	shalt  }
0x81: {  	_ =	shalt  }
0x82: {  	_ =	shalt  }
0x83: {  	_ =	shalt  }
0x84: {  	_ =	shalt  }
0x85: {  	_ =	shalt  }
0x86: {  	_ =	shalt  }
0x87: {  	_ =	shalt  }
.Lfunc_end0:
.L_simem_size_0:
called_computation_lowered:
.L_overlay_start_0:
0x88: {  	s2 =	sld [smem:$0x3FD9]  }
0x89: {  	s3 =	sld [smem:$0x3FFE];
	_ =	sdelay $0x1  }
0x8a: {  	s1 =	srdreg.scid  }
0x8b: {  	s0 =	sand.u32 $0x1, s1  }
0x8c: {  	s17 =	sshll.u32 s0, $0xA;
	s2 =	sadd.s32 s3, s2  }
0x8d: {  	s2 =	sadd.s32 s2, s17  }
0x8e: {  	[smem:$0x3FC4] =	sst s2  }
0x8f: {  	_ = 	snop  }
0x90: {  	s2 =	sld [smem:$0x3FD0];
	(tm) =	ssettm $0x1  }
0x91: {  	s18 =	sld [smem:$0x3FFB];
	_ =	sdelay $0x3  }
0x92: {  	_ =	strace s18  }
0x93: {  	s3 =	sld [smem:$0x3FFC];
	_ =	sdelay $0x3  }
0x94: {  	_ =	strace s3  }
0x95: {  	s3 =	sld [smem:$0x3FFD];
	_ =	sdelay $0x3  }
0x96: {  	_ =	strace s3  }
0x97: {  	_ =	strace $0x8FFFFFFF  }
0x98: {  	s19 =	sld [smem:$0x3FDB];
	_ =	sdelay $0x1  }
0x99: {  	s4 =	simm.s32 $_scs_section_size  }
0x9a: {  	s5 =	simm.s32 $_size__tile_overlayer_lowered;
	s6 =	simm.s32 $_tile_overlayer_lowered  }
0x9b: {  	s22 =	simm.s32 $0x1BFF;
	s21 =	sshll.u32 s6, $0x1;
	s3 =	sadd.s32 s4, s19  }
0x9c: {  	s7 =	simm.s32 $0x0;
	s20 =	sshll.u32 s5, $0x1;
	s5 =	sadd.s32 s21, s3  }
0x9d: {  	[timem:s7], [sflag:s22] =	dma.local [hbm:s5], s20  }
0x9e: {  	_ =	swait.ge [sflag:s22], s20  }
0x9f: {  	s4 =	ssub.s32 $0x0, s20;
	[sflag:s22] =	ssyncset.done $0x0  }
0xa0: {  	[sflag:s22] =	ssyncadd.s32 s4;
	_ =	sdelay $0x1  }
0xa1: {  	s23 =	simm.s32 $0x1B8B  }
0xa2: {  	_ =	swait.ge [sflag:s23], $0x1  }
0xa3: {  	[sflag:s23] =	ssyncset.done $0x0  }
0xa4: {  	s25 =	simm.s32 $0x1B8E;
	s24 =	sld [smem:$0x3FFE];
	[sflag:s23] =	ssyncadd.s32 $0xFFFFFFFF  }
0xa5: {  	s26 =	simm.s32 $execute0_lowered;
	[smem:$0x3FD2] =	sst s25  }
0xa6: {  	s5 =	sshll.u32 s26, $0x1;
	_ =	strace $0x80000046;
	[dreg:$0x1] =	wrdreg $0xFFFFFFFF  }
0xa7: {  	s28 =	simm.s32 $_size_execute0_lowered;
	s3 =	sadd.s32 s3, s5;
	[dreg:$0x0] =	wrdreg $0x0  }
0xa8: {  	s5 =	sshll.u32 s28, $0x1;
	[dreg:$0x2] =	wrdreg s3  }
0xa9: {  	[dreg:$0x3] =	wrdreg s5  }
0xaa: {  	[dreg:$0x4] =	wrdreg $0xC0  }
0xab: {  	_ =	task [dreg:s7], $0x5FFFF  }
0xac: {  	[dreg:$0x1] =	wrdreg $0xFFFFFFFF  }
0xad: {  	[dreg:$0x0] =	wrdreg $0x60  }
0xae: {  	[dreg:$0x2] =	wrdreg s24  }
0xaf: {  	[dreg:$0x3] =	wrdreg s2  }
0xb0: {  	[dreg:$0x4] =	wrdreg $0x9  }
0xb1: {  	_ =	task.clear_ibuf [dreg:s7], $0x5FFFF;
	_ =	strace $0x90000046  }
0xb2: {  	s29 =	simm.s32 $0x9;
	_ =	strace $0x80000048  }
0xb3: {  	_ =	swait.ge [sflag:s29], $0x1  }
0xb4: {  	[sflag:s29] =	ssyncadd.s32 $0xFFFFFFFF  }
0xb5: {  	_ =	strace $0x90000048  }
0xb6: {  	_ =	sfence  }
0xb7: {  	s30 =	sld [smem:$0x0];
	_ =	sdelay $0x2  }
0xb8: {  	s31 =	sshll.u32 s1, $0xD;
	s1 =	sshrl.u32 s1, $0x2  }
0xb9: {  	s3 =	sand.u32 $0x4000, s31;
	s1 =	sadd.s32 s1, s30  }
0xba: {  	s0 =	sor.u32 s3, s0;
	s1 =	sshll.u32 s1, $0x11  }
0xbb: {  	s0 =	sor.u32 s1, s0  }
0xbc: {  	s0 =	sadd.s32 $0x8F2B, s0  }
0xbd: {  	[sflag:s0] =	ssyncadd.remote.s32 $0x1  }
0xbe: {  	_ =	sfence.sel $0xFFFF  }
0xbf: {  	[dreg:$0x0] =	wrdreg $0xFFFFFFFF;
	(pc) =	sbr.abs _section_cstart, $3  }
0xc0: {  	[dreg:$0x1] =	wrdreg $0xFFFFFFFF  }
0xc1: {  	_ =	task.clear_ibuf [dreg:s7], $0x2FFFF;
	_ =	strace $0x9FFFFFFF  }
0xc2: {  	(tm) =	ssettm $0x7FFFFFFF  }
0xc3: {  	_ =	shalt  }
tec
execute0_lowered:
.L_overlay_start_1:
0x0: {  	(tag) =	ssettag $0x1  }
0x1: {  	s0 =	srdreg.scid  }
0x2: {  	s3 =	sand.u32 $0x1, s0  }
0x3: {  	s4 =	rddreg [dreg:$0x0];
	s0 =	stileid.u32;
	s1 =	sshll.u32 s3, $0x4  }
0x4: {  	s5 =	rddreg [dreg:$0x1];
	s2 =	simm.s32 $0x0;
	s6 =	sor.u32 s0, s1  }
0x5: {  	[smem:$0x7FF] =	sst s2;
	s7 =	smul.u32 $0x2800, s6  }
0x6: {  	s3 =	ssub.s32 $0x2, s3;
	s1 =	rddreg [dreg:$0x2]  }
0x7: {  	s8 =	sshrl.u32 s3, $0x1;
	s6 =	smul.u32 $0x500, s6;
	s7 =	sshrl.u32 s7, $0x3  }
0x8: {  	_ =	strace $0x80000047;
	s8 =	ssub.s32 s3, s8;
	s31 =	sadd.s32 s4, s7  }
0x9: {  	s4 =	sadd.s32 s5, s6;
	s5 =	smax.u32 s8, $0x1;
	s6 =	simm.s32 $0x1  }
0xa: {  	v0 =	vimm.f32 $0.0e+00;
	v1 =	vimm.f32 $1.000000000e+00;
	s7 =	simm.s32 $0x2800;
	s8 =	simm.s32 $0x0;
	s3 =	sadd.s32 $0xB640, s31  }
.LBB2_1:
0xb: {  	s9 =	simm.s32 $0x40;
	s10 =	simm.s32 $0x0  }
.LBB2_2:
0xc: {  	p0 =	sne.s32 s9, $0x9FC0;
	[tilespmem:s10+$0x2800] =	vst v0;
	s10 =	smov.u32 s9;
	s9 =	sadd.s32 $0x40, s9  }
.Ltmp0:
0xd: {  	(pc) =	sbr.rel @p0 .LBB2_2-.Ltmp0, $2  }
0xe: {  	_ =	sdelay $0x2  }
0xf: {  	s10 =	sshra.s32 s10, $0x2  }
0x10: {  	[tilespmem:s10+$0x2800] =	vst v0;
	s9 =	simm.s32 $0x0  }
0x11: {  	[tilespmem:s9], [sflag:$0x1] =	stream.linear.gather [hbm4b:s3+s9], $0x2800, $0x38;
	[tilespmem:$0x5000] =	vst v63  }
0x12: {  	_ =	swait.ge [sflag:s6], $0x2800  }
0x13: {  	[sflag:s6] =	ssyncset.done $0x0  }
0x14: {  	[sflag:s6] =	ssyncadd.s32 $0xFFFFD800  }
.LBB2_4:
0x15: {  	s10 =	sshra.s32 s9, $0x2  }
0x16: {  	v2 =	vld [tilespmem:s10+$0x0];
	_ =	sdelay $0x7  }
0x17: {  	[tilespmem:v2+s7+$0x0] =	vst.idx.add.f32.msk $0xffff, v1  }
0x18: {  	v2 =	vld [tilespmem:s10+$0x10];
	_ =	sdelay $0x7  }
0x19: {  	[tilespmem:v2+s7+$0x0] =	vst.idx.add.f32.msk $0xffff, v1  }
0x1a: {  	v2 =	vld [tilespmem:s10+$0x20];
	_ =	sdelay $0x7  }
0x1b: {  	[tilespmem:v2+s7+$0x0] =	vst.idx.add.f32.msk $0xffff, v1  }
0x1c: {  	v2 =	vld [tilespmem:s10+$0x30];
	_ =	sdelay $0x7  }
0x1d: {  	[tilespmem:v2+s7+$0x0] =	vst.idx.add.f32.msk $0xffff, v1  }
0x1e: {  	v2 =	vld [tilespmem:s10+$0x40];
	_ =	sdelay $0x7  }
0x1f: {  	[tilespmem:v2+s7+$0x0] =	vst.idx.add.f32.msk $0xffff, v1  }
0x20: {  	v2 =	vld [tilespmem:s10+$0x50];
	_ =	sdelay $0x7  }
0x21: {  	[tilespmem:v2+s7+$0x0] =	vst.idx.add.f32.msk $0xffff, v1  }
0x22: {  	v2 =	vld [tilespmem:s10+$0x60];
	_ =	sdelay $0x7  }
0x23: {  	[tilespmem:v2+s7+$0x0] =	vst.idx.add.f32.msk $0xffff, v1  }
0x24: {  	v2 =	vld [tilespmem:s10+$0x70];
	_ =	sdelay $0x2  }
0x25: {  	p0 =	sne.s32 s9, $0x9E00  }
.Ltmp1:
0x26: {  	_ = 	snop;
	(pc) =	sbr.rel @p0 .LBB2_4-.Ltmp1, $2  }
0x27: {  	_ =	sdelay $0x2  }
0x28: {  	s9 =	sadd.s32 $0x200, s9;
	[tilespmem:v2+s7+$0x0] =	vst.idx.add.f32.msk $0xffff, v1  }
0x29: {  	s8 =	sadd.s32 $0x1, s8  }
0x2a: {  	p0 =	sne.s32 s8, s5  }
.Ltmp2:
0x2b: {  	_ = 	snop;
	(pc) =	sbr.rel @p0 .LBB2_1-.Ltmp2, $4  }
0x2c: {  	[hbm4b:s4+s2] =	stream.linear.scatter [tilespmem:s7], [sflag:$0x1], $0x2800, $0x38;
	[tilespmem:$0x5000] =	vst v63  }
0x2d: {  	_ =	swait.ge [sflag:s6], $0x2800  }
0x2e: {  	[sflag:s6] =	ssyncset.done $0x0  }
0x2f: {  	[sflag:s6] =	ssyncadd.s32 $0xFFFFD800  }
0x30: {  	_ =	sfence.sel $0x180000  }
0x31: {  	[bflag:$0x0] =	sbarrier.arrive $0xFFFF  }
0x32: {  	p0 =	sne.s32 s0, $0x0;
	_ =	strace $0x90000047  }
0x33: {  	s0 =	sadd.s32 @!p0 $0x100000, s1;
	[bflag:$0x2] =	sbarrier.arrive $0xFFFF  }
0x34: {  	[sflag:s0] =	ssyncadd.tile.s32 @!p0 $0x1;
	_ =	shalt  }
.Lfunc_end2:
_tile_overlayer_lowered:
.L_overlay_start_2:
0x35: {  	(tag) =	ssettag $0x2  }
0x36: {  	s0 =	rddreg [dreg:$0x0];
	s2 =	stileid.u32  }
0x37: {  	s1 =	rddreg [dreg:$0x1];
	p0 =	sne.s32 s2, $0x0  }
0x38: {  	s3 =	rddreg [dreg:$0x2];
	[bflag:$0x3] =	sbarrier.arrive $0xFFFF;
	s2 =	simm.s32 @!p0 $0x1C01  }
0x39: {  	[timem:s3], [sflag:s2] =	dma.local @!p0 [hbm:s0], s1  }
0x3a: {  	s0 =	simm.s32 @!p0 $0x1  }
0x3b: {  	_ =	swait.ge @!p0 [sflag:s0], s1  }
0x3c: {  	s1 =	ssub.s32 @!p0 $0x0, s1;
	[sflag:s0] =	ssyncset.done @!p0 $0x0  }
0x3d: {  	[sflag:s0] =	ssyncadd.s32 @!p0 s1  }
0x3e: {  	[bflag:$0x3] =	sbarrier.arrive $0xFFFF  }
0x3f: {  	_ =	shalt  }

</sc_bundles>
